<compile_context>
chip_gen: v7x
topology: tpu7x:2x2x1
jax: 0.10.2.dev20260603
libtpu: 0.0.44.dev20260713+nightly
codegen_flags: <defaults>
</compile_context>

<pallas_src>
import functools

import jax
import jax.numpy as jnp
from jax import lax
from jax.experimental import pallas as pl
from jax.experimental.pallas import tpu as pltpu
from jax.experimental.pallas import tpu_sc as plsc

_F32 = jnp.float32
_I32 = jnp.int32



def _tc_a(x, W1, a1, a2):
    n, f_in = x.shape
    hid = W1.shape[1]
    blk = 5000
    grid = n // blk

    def body(x_ref, w_ref, s_ref, d_ref, h_ref, as_ref, ad_ref):
        h = lax.dot_general(x_ref[...], w_ref[...], (((1,), (0,)), ((), ())),
                            preferred_element_type=_F32)
        h_ref[...] = h
        as_ref[...] = jnp.sum(h * s_ref[...][None, :], axis=1)[:, None]
        ad_ref[...] = jnp.sum(h * d_ref[...][None, :], axis=1)[:, None]

    return pl.pallas_call(
        body,
        grid=(grid,),
        in_specs=[pl.BlockSpec((blk, f_in), lambda i: (i, 0)),
                  pl.BlockSpec((f_in, hid), lambda i: (0, 0)),
                  pl.BlockSpec((hid,), lambda i: (0,)),
                  pl.BlockSpec((hid,), lambda i: (0,))],
        out_specs=[pl.BlockSpec((blk, hid), lambda i: (i, 0)),
                   pl.BlockSpec((blk, 1), lambda i: (i, 0)),
                   pl.BlockSpec((blk, 1), lambda i: (i, 0))],
        out_shape=[jax.ShapeDtypeStruct((n, hid), _F32),
                   jax.ShapeDtypeStruct((n, 1), _F32),
                   jax.ShapeDtypeStruct((n, 1), _F32)],
    )(x, W1, a1, a2)


def _tc_b(num, dena, denb, b1, W2):
    n = dena.shape[0]
    hid = b1.shape[0]
    blk = 5000
    grid = n // blk

    def body(num_ref, da_ref, db_ref, b_ref, w_ref, h2_ref):
        hcat = jnp.concatenate([num_ref[0], num_ref[1]], axis=1)
        d = da_ref[...] + db_ref[...] + 1e-16
        hr = jnp.maximum(hcat / d + b_ref[...][None, :], 0.0)
        h2_ref[...] = jnp.sum(hr * w_ref[...][:, 0][None, :], axis=1)[:, None]

    dspec = pl.BlockSpec((blk, 1), lambda i: (i, 0))
    return pl.pallas_call(
        body,
        grid=(grid,),
        in_specs=[pl.BlockSpec((2, blk, 16), lambda i: (0, i, 0)),
                  dspec, dspec,
                  pl.BlockSpec((hid,), lambda i: (0,)),
                  pl.BlockSpec((hid, 1), lambda i: (0, 0))],
        out_specs=[pl.BlockSpec((blk, 1), lambda i: (i, 0))],
        out_shape=[jax.ShapeDtypeStruct((n, 1), _F32)],
    )(num, dena.reshape(n, 1), denb.reshape(n, 1), b1, W2)[0].reshape(n)


def _tc_c(na, nb, da, db, b2):
    n = na.shape[0]
    blk = 5000
    grid = n // blk

    def body(na_ref, nb_ref, da_ref, db_ref, b_ref, o_ref):
        v = (na_ref[...] + nb_ref[...]) / (da_ref[...] + db_ref[...] + 1e-16)
        o_ref[...] = v + b_ref[...][None, :]

    spec = pl.BlockSpec((blk, 1), lambda i: (i, 0))
    return pl.pallas_call(
        body,
        grid=(grid,),
        in_specs=[spec, spec, spec, spec,
                  pl.BlockSpec((1,), lambda i: (0,))],
        out_specs=[spec],
        out_shape=[jax.ShapeDtypeStruct((n, 1), _F32)],
    )(na, nb, da, db, b2)[0]



_LANES = 16


def _sc1a(src2d, dst2d, as1, ad1, n, n_pad, tw, e_pad):
    rows_tot = src2d.shape[0]
    rpt = rows_tot // 32
    ch = 8
    n_outer = rpt // ch
    assert n_outer * ch == rpt and rpt % 8 == 0
    mesh = plsc.VectorSubcoreMesh(core_axis_name="c", subcore_axis_name="s")

    @functools.partial(
        pl.kernel, mesh=mesh,
        compiler_params=pltpu.CompilerParams(use_tc_tiling_on_sc=False),
        out_type=[jax.ShapeDtypeStruct((e_pad,), _F32),
                  jax.ShapeDtypeStruct((2 * n,), _F32)],
        scratch_types=[
            pltpu.VMEM_SHARED((n_pad,), _F32),
            pltpu.VMEM_SHARED((n_pad,), _F32),
            pltpu.VMEM_SHARED((n_pad,), _F32),
            pltpu.VMEM((ch, 128), _I32),
            pltpu.VMEM((ch, 128), _I32),
            pltpu.VMEM((ch * 128,), _F32),
            pltpu.VMEM((ch * 128,), _F32),
            pltpu.VMEM((ch * 128,), _F32),
            pltpu.VMEM((tw,), _F32),
            pltpu.VMEM((tw,), _F32),
            pltpu.SemaphoreType.DMA,
        ])
    def k(src_hbm, dst_hbm, as_hbm, ad_hbm, w_out, den_out,
          den, as_sp, ad_sp, isrc, idst, asg, adg, wbuf, z1, stg, sem):
        c = lax.axis_index("c")
        s = lax.axis_index("s")
        wid = s * 2 + c
        zv = jnp.zeros((_LANES,), _F32)

        def z1_body(i, _):
            z1[pl.ds(i * _LANES, _LANES)] = zv
            return 0
        lax.fori_loop(0, tw // _LANES, z1_body, 0)

        pltpu.sync_copy(z1, den.at[pl.ds(s * tw, tw)])

        off = jnp.minimum(s * tw, n - tw)
        pltpu.sync_copy(as_hbm.at[pl.ds(off, tw)], stg)
        pltpu.sync_copy(stg, as_sp.at[pl.ds(off, tw)])
        pltpu.sync_copy(ad_hbm.at[pl.ds(off, tw)], stg)
        pltpu.sync_copy(stg, ad_sp.at[pl.ds(off, tw)])

        @pl.when(s == 0)
        def _():
            pad = n_pad - n
            pltpu.sync_copy(z1.at[pl.ds(0, pad)], as_sp.at[pl.ds(n, pad)])
            pltpu.sync_copy(z1.at[pl.ds(0, pad)], ad_sp.at[pl.ds(n, pad)])

        plsc.subcore_barrier()

        def outer(o, _):
            r0 = wid * rpt + o * ch
            pltpu.sync_copy(src_hbm.at[pl.ds(r0, ch)], isrc)
            pltpu.sync_copy(dst_hbm.at[pl.ds(r0, ch)], idst)

            cps = [pltpu.async_copy(as_sp.at[isrc.at[j]],
                                    asg.at[pl.ds(j * 128, 128)], sem)
                   for j in range(ch)]
            for cp in cps:
                cp.wait()
            cps = [pltpu.async_copy(ad_sp.at[idst.at[j]],
                                    adg.at[pl.ds(j * 128, 128)], sem)
                   for j in range(ch)]
            for cp in cps:
                cp.wait()

            def cw(m, _):
                e = asg[pl.ds(m * _LANES, _LANES)] + adg[pl.ds(m * _LANES, _LANES)]
                e = jnp.where(e < 0.0, e * 0.2, e)
                wbuf[pl.ds(m * _LANES, _LANES)] = jnp.exp(e)
                return 0
            lax.fori_loop(0, ch * 8, cw, 0)

            pltpu.sync_copy(wbuf, w_out.at[pl.ds(r0 * 128, ch * 128)])
            for j in range(ch):
                pltpu.sync_copy(wbuf.at[pl.ds(j * 128, 128)],
                                den.at[idst.at[j]], add=True)
            return 0
        lax.fori_loop(0, n_outer, outer, 0)
        plsc.subcore_barrier()

        off2 = jnp.minimum(s * tw, n - tw)
        pltpu.sync_copy(den.at[pl.ds(off2, tw)], stg)
        pltpu.sync_copy(stg, den_out.at[pl.ds(c * n + off2, tw)])

    return k(src2d, dst2d, as1, ad1)


def _sc1b(src2d, dst2d, wlin, hrows, n, n_pad, tw):
    rows_tot = src2d.shape[0]
    rpt = rows_tot // 16
    ch = 8
    n_outer = rpt // ch
    assert n_outer * ch == rpt and rpt % 8 == 0
    zr = tw // 17
    mesh = plsc.VectorSubcoreMesh(core_axis_name="c", subcore_axis_name="s")

    @functools.partial(
        pl.kernel, mesh=mesh,
        compiler_params=pltpu.CompilerParams(use_tc_tiling_on_sc=False),
        out_type=[jax.ShapeDtypeStruct((2 * n, 16), _F32)],
        scratch_types=[
            pltpu.VMEM_SHARED((n_pad, 16), _F32),
            pltpu.VMEM((ch, 128), _I32),
            pltpu.VMEM((ch, 128), _I32),
            pltpu.VMEM((ch, 128), _I32),
            pltpu.VMEM((ch * 128,), _F32),
            pltpu.VMEM((ch * 128, 16), _F32),
            pltpu.VMEM((zr, 16), _F32),
            pltpu.SemaphoreType.DMA,
        ])
    def k(src_hbm, dst_hbm, w_hbm, hrows_hbm, num_out,
          acc, isrc, idst, irow, wbuf, rows, z2, sem):
        c = lax.axis_index("c")
        s = lax.axis_index("s")
        zv = jnp.zeros((_LANES,), _F32)

        def z2_body(i, _):
            z2[i, :] = zv
            return 0
        lax.fori_loop(0, zr, z2_body, 0)

        base = s * tw
        for b in range(17):
            pltpu.sync_copy(z2, acc.at[pl.ds(base + b * zr, zr)])
        plsc.subcore_barrier()

        def outer(o, _):
            r0 = s * rpt + o * ch
            pltpu.sync_copy(src_hbm.at[pl.ds(r0, ch)], isrc)
            pltpu.sync_copy(dst_hbm.at[pl.ds(r0, ch)], idst)
            pltpu.sync_copy(w_hbm.at[pl.ds(r0 * 128, ch * 128)], wbuf)

            for j in range(ch):
                def ci(m, _, j=j):
                    irow[j, pl.ds(m * _LANES, _LANES)] = (
                        isrc[j, pl.ds(m * _LANES, _LANES)] * 2 + c)
                    return 0
                lax.fori_loop(0, 8, ci, 0)

            cps = [pltpu.async_copy(hrows_hbm.at[irow.at[j]],
                                    rows.at[pl.ds(j * 128, 128)], sem)
                   for j in range(ch)]
            for cp in cps:
                cp.wait()

            def sc_body(m, _):
                rb = m * _LANES
                w16 = wbuf[pl.ds(rb, _LANES)]
                for i in range(_LANES):
                    wi = lax.slice(w16, (i,), (i + 1,))
                    wv = lax.broadcast_in_dim(wi, (_LANES,), (0,))
                    rows[rb + i, :] = rows[rb + i, :] * wv
                return 0
            lax.fori_loop(0, ch * 8, sc_body, 0)

            for j in range(ch):
                pltpu.sync_copy(rows.at[pl.ds(j * 128, 128)],
                                acc.at[idst.at[j]], add=True)
            return 0
        lax.fori_loop(0, n_outer, outer, 0)
        plsc.subcore_barrier()

        off2 = jnp.minimum(s * tw, n - tw)
        for b in range(17):
            pltpu.sync_copy(acc.at[pl.ds(off2 + b * zr, zr)], z2)
            pltpu.sync_copy(z2,
                            num_out.at[pl.ds(c * n + off2 + b * zr, zr)])

    return k(src2d, dst2d, wlin, hrows)


def _sc2(src2d, dst2d, h2, asc, adc, n, n_pad, tw):
    rows_tot = src2d.shape[0]
    rpt = rows_tot // 32
    ch = 8
    n_outer = rpt // ch
    assert n_outer * ch == rpt and rpt % 8 == 0
    mesh = plsc.VectorSubcoreMesh(core_axis_name="c", subcore_axis_name="s")

    @functools.partial(
        pl.kernel, mesh=mesh,
        compiler_params=pltpu.CompilerParams(use_tc_tiling_on_sc=False),
        out_type=[jax.ShapeDtypeStruct((2 * n,), _F32),
                  jax.ShapeDtypeStruct((2 * n,), _F32)],
        scratch_types=[
            pltpu.VMEM_SHARED((n_pad,), _F32),
            pltpu.VMEM_SHARED((n_pad,), _F32),
            pltpu.VMEM_SHARED((n_pad,), _F32),
            pltpu.VMEM((ch, 128), _I32),
            pltpu.VMEM((ch, 128), _I32),
            pltpu.VMEM((ch * 128,), _F32),
            pltpu.VMEM((ch * 128,), _F32),
            pltpu.VMEM((ch * 128,), _F32),
            pltpu.VMEM((ch * 128,), _F32),
            pltpu.VMEM((_LANES,), _F32),
            pltpu.VMEM((_LANES,), _F32),
            pltpu.VMEM((tw,), _F32),
            pltpu.VMEM((tw,), _F32),
            pltpu.SemaphoreType.DMA,
        ])
    def k(src_hbm, dst_hbm, h2_hbm, asc_hbm, adc_hbm, num_out, den_out,
          h2_sp, num_sp, den_sp, isrc, idst, gsrc, gdst, wbuf, wgbuf,
          ascv, adcv, z1, stg, sem):
        c = lax.axis_index("c")
        s = lax.axis_index("s")
        wid = s * 2 + c
        zv = jnp.zeros((_LANES,), _F32)

        def z1_body(i, _):
            z1[pl.ds(i * _LANES, _LANES)] = zv
            return 0
        lax.fori_loop(0, tw // _LANES, z1_body, 0)

        base = s * tw
        pltpu.sync_copy(z1, num_sp.at[pl.ds(base, tw)])
        pltpu.sync_copy(z1, den_sp.at[pl.ds(base, tw)])

        off = jnp.minimum(s * tw, n - tw)
        pltpu.sync_copy(h2_hbm.at[pl.ds(off, tw)], stg)
        pltpu.sync_copy(stg, h2_sp.at[pl.ds(off, tw)])

        @pl.when(s == 0)
        def _():
            pad = n_pad - n
            pltpu.sync_copy(z1.at[pl.ds(0, pad)], h2_sp.at[pl.ds(n, pad)])

        pltpu.sync_copy(asc_hbm, ascv)
        pltpu.sync_copy(adc_hbm, adcv)
        plsc.subcore_barrier()

        av = ascv[...]
        dv = adcv[...]

        def outer(o, _):
            r0 = wid * rpt + o * ch
            pltpu.sync_copy(src_hbm.at[pl.ds(r0, ch)], isrc)
            pltpu.sync_copy(dst_hbm.at[pl.ds(r0, ch)], idst)

            cps = [pltpu.async_copy(h2_sp.at[isrc.at[j]],
                                    gsrc.at[pl.ds(j * 128, 128)], sem)
                   for j in range(ch)]
            for cp in cps:
                cp.wait()
            cps = [pltpu.async_copy(h2_sp.at[idst.at[j]],
                                    gdst.at[pl.ds(j * 128, 128)], sem)
                   for j in range(ch)]
            for cp in cps:
                cp.wait()

            def cw(m, _):
                g = gsrc[pl.ds(m * _LANES, _LANES)]
                e = g * av + gdst[pl.ds(m * _LANES, _LANES)] * dv
                e = jnp.where(e < 0.0, e * 0.2, e)
                w = jnp.exp(e)
                wbuf[pl.ds(m * _LANES, _LANES)] = w
                wgbuf[pl.ds(m * _LANES, _LANES)] = w * g
                return 0
            lax.fori_loop(0, ch * 8, cw, 0)

            for j in range(ch):
                pltpu.sync_copy(wbuf.at[pl.ds(j * 128, 128)],
                                den_sp.at[idst.at[j]], add=True)
                pltpu.sync_copy(wgbuf.at[pl.ds(j * 128, 128)],
                                num_sp.at[idst.at[j]], add=True)
            return 0
        lax.fori_loop(0, n_outer, outer, 0)
        plsc.subcore_barrier()

        off2 = jnp.minimum(s * tw, n - tw)
        pltpu.sync_copy(num_sp.at[pl.ds(off2, tw)], stg)
        pltpu.sync_copy(stg, num_out.at[pl.ds(c * n + off2, tw)])
        pltpu.sync_copy(den_sp.at[pl.ds(off2, tw)], stg)
        pltpu.sync_copy(stg, den_out.at[pl.ds(c * n + off2, tw)])

    return k(src2d, dst2d, h2, asc, adc)



def kernel(x, edge_index, W1, a_src1, a_dst1, b1, W2, a_src2, a_dst2, b2):
    n = x.shape[0]
    e = edge_index.shape[1]

    rows = -(-e // 128)
    rows_pad = -(-rows // 128) * 128
    e_pad = rows_pad * 128
    npad_e = e_pad - e

    n_pad = -(-n // (16 * 8)) * (16 * 8)
    tw = n_pad // 16
    pad_n = n_pad - n

    src = edge_index[0]
    dst = edge_index[1]
    if npad_e:
        fill = jnp.arange(npad_e, dtype=_I32)
        src = jnp.concatenate([src, fill % 64])
        dst = jnp.concatenate([dst, n + (fill % min(pad_n, 96))])
    src2d = src.reshape(rows_pad, 128)
    dst2d = dst.reshape(rows_pad, 128)

    h1, as1, ad1 = _tc_a(x, W1, a_src1, a_dst1)
    hrows = h1.reshape(2 * n, 16)

    wlin, den1 = _sc1a(src2d, dst2d, as1.reshape(n), ad1.reshape(n),
                       n, n_pad, tw, e_pad)
    num1 = _sc1b(src2d, dst2d, wlin, hrows, n, n_pad, tw)[0]
    h2 = _tc_b(num1.reshape(2, n, 16), den1[:n], den1[n:], b1, W2)

    asc = jnp.broadcast_to(a_src2, (_LANES,))
    adc = jnp.broadcast_to(a_dst2, (_LANES,))
    num2, den2 = _sc2(src2d, dst2d, h2, asc, adc, n, n_pad, tw)

    return _tc_c(num2[:n].reshape(n, 1), num2[n:].reshape(n, 1),
                 den2[:n].reshape(n, 1), den2[n:].reshape(n, 1), b2)

# --- scband reference (transcript-rebuilt; emitter-appended) ---
"""Pipeline reference for scband-gatnet-3298534884305 (READ-ONLY COPY).

The authoritative reference and input builder live on the scoring server;
editing this copy changes nothing except your own understanding.
"""

import jax, jax.numpy as jnp
import numpy as np

N = 100000
E = 1600000
IN = 5
HID = 32

def gat_layer(x, edge_index, W, a_src, a_dst, b):
    # PyG GATConv (heads=1): h = x @ W; e_ij = LeakyReLU(a_src.h_j + a_dst.h_i);
    # alpha = softmax over incoming edges of node i; out_i = sum_j alpha_ij * h_j + b
    h = x @ W
    src = edge_index[0]
    dst = edge_index[1]
    alpha_src = h @ a_src  # [N]
    alpha_dst = h @ a_dst  # [N]
    e = alpha_src[src] + alpha_dst[dst]
    e = jax.nn.leaky_relu(e, negative_slope=0.2)
    e_max = jax.ops.segment_max(e, dst, num_segments=N)
    e_exp = jnp.exp(e - e_max[dst])
    denom = jax.ops.segment_sum(e_exp, dst, num_segments=N)
    alpha = e_exp / (denom[dst] + 1e-16)
    out = jax.ops.segment_sum(h[src] * alpha[:, None], dst, num_segments=N)
    return out + b

def setup_inputs(seed: int = 0):
    key = jax.random.key(seed)
    ks = jax.random.split(key, 10)
    x = jax.random.normal(ks[0], (N, IN), dtype=jnp.float32)
    edge_index = jax.random.randint(ks[1], (2, E), 0, N, dtype=jnp.int32)
    W1 = jax.random.normal(ks[2], (IN, HID), dtype=jnp.float32) * (1.0 / np.sqrt(IN))
    a_src1 = jax.random.normal(ks[3], (HID,), dtype=jnp.float32) * 0.1
    a_dst1 = jax.random.normal(ks[4], (HID,), dtype=jnp.float32) * 0.1
    b1 = jnp.zeros((HID,), dtype=jnp.float32)
    W2 = jax.random.normal(ks[5], (HID, 1), dtype=jnp.float32) * (1.0 / np.sqrt(HID))
    a_src2 = jax.random.normal(ks[6], (1,), dtype=jnp.float32) * 0.1
    a_dst2 = jax.random.normal(ks[7], (1,), dtype=jnp.float32) * 0.1
    b2 = jnp.zeros((1,), dtype=jnp.float32)
    return {"x": x, "edge_index": edge_index, "W1": W1, "a_src1": a_src1, "a_dst1": a_dst1, "b1": b1, "W2": W2, "a_src2": a_src2, "a_dst2": a_dst2, "b2": b2}

def reference(x, edge_index, W1, a_src1, a_dst1, b1, W2, a_src2, a_dst2, b2):
    h = gat_layer(x, edge_index, W1, a_src1, a_dst1, b1)
    h = jax.nn.relu(h)
    out = gat_layer(h, edge_index, W2, a_src2, a_dst2, b2)
    return out

if __name__ == "__main__":
    import jax
    _d = setup_inputs()
    print(jax.jit(kernel)(*tuple(_d.values())))

</pallas_src>

<mosaic_0001>
#map = affine_map<(d0, d1) -> (0, 0)>
#map1 = affine_map<(d0, d1) -> (0)>
module attributes {stable_mosaic.version = 14 : i64} {
  func.func @k(%arg0: i32, %arg1: i32, %arg2: memref<12544x128xi32, #tpu.memory_space<hbm>>, %arg3: memref<12544x128xi32, #tpu.memory_space<hbm>>, %arg4: memref<100000xf32, #tpu.memory_space<hbm>>, %arg5: memref<100000xf32, #tpu.memory_space<hbm>>, %arg6: memref<1605632xf32, #tpu.memory_space<hbm>>, %arg7: memref<200000xf32, #tpu.memory_space<hbm>>, %arg8: memref<100096xf32, #tpu.memory_space<vmem_shared>>, %arg9: memref<100096xf32, #tpu.memory_space<vmem_shared>>, %arg10: memref<100096xf32, #tpu.memory_space<vmem_shared>>, %arg11: memref<8x128xi32, #tpu.memory_space<vmem>>, %arg12: memref<8x128xi32, #tpu.memory_space<vmem>>, %arg13: memref<1024xf32, #tpu.memory_space<vmem>>, %arg14: memref<1024xf32, #tpu.memory_space<vmem>>, %arg15: memref<1024xf32, #tpu.memory_space<vmem>>, %arg16: memref<6256xf32, #tpu.memory_space<vmem>>, %arg17: memref<6256xf32, #tpu.memory_space<vmem>>, %arg18: memref<!tpu.dma_semaphore, #tpu.memory_space<semaphore_mem>>) attributes {dimension_semantics = [#tpu.dimension_semantics<core_parallel>, #tpu.dimension_semantics<subcore_parallel>], iteration_bounds = array<i64: 2, 16>, scalar_prefetch = 0 : i64, scratch_operands = 11 : i64, tpu.core_type = #tpu.core_type<sc_vector_subcore>, window_params = [{transform_indices = #map}, {transform_indices = #map}, {transform_indices = #map1}, {transform_indices = #map1}, {transform_indices = #map1}, {transform_indices = #map1}]} {
    %mul3A = arith.constant 2 : i32
    %mul3A_0 = arith.muli %arg1, %mul3A : i32
    %add3A = arith.addi %mul3A_0, %arg0 : i32
    %broadcast_in_dim3A = arith.constant 0.000000e+00 : f32
    %broadcast_in_dim3A_1 = vector.broadcast %broadcast_in_dim3A : f32 to vector<16xf32>
    %scan3A = arith.constant 0 : i32
    %scan3A_2 = arith.constant 0 : i32
    %scan3A_3 = arith.constant 391 : i32
    %scan3A_4 = arith.addi %scan3A_2, %scan3A_3 : i32
    %scan3A_5 = arith.constant 1 : i32
    %scan3A_6 = scf.for %scan3A_30 = %scan3A_2 to %scan3A_4 step %scan3A_5 iter_args(%scan3A_31 = %scan3A) -> (i32)  : i32 {
      %mul3A_32 = arith.constant 16 : i32
      %mul3A_33 = arith.muli %scan3A_30, %mul3A_32 : i32
      %swap3A = arith.index_cast %mul3A_33 : i32 to index
      %swap3A_34 = tpu.vector_load %arg16[%swap3A] {strides = array<i32>} : memref<6256xf32, #tpu.memory_space<vmem>>, vector<16xf32>,
      %swap3A_35 = vector.shape_cast %swap3A_34 : vector<16xf32> to vector<16xf32>
      %swap3A_36 = vector.shape_cast %broadcast_in_dim3A_1 : vector<16xf32> to vector<16xf32>
      tpu.vector_store %arg16[%swap3A], %swap3A_36 {strides = array<i32>} : memref<6256xf32, #tpu.memory_space<vmem>>, vector<16xf32>,
      %scan3A_37 = arith.constant 0 : i32
      scf.yield %scan3A_37 : i32
    }
    %scan3A_7 = arith.constant 391 : i32
    %mul3A_8 = arith.constant 6256 : i32
    %mul3A_9 = arith.muli %arg1, %mul3A_8 : i32
    "tpu.region"() ({
      %run_scoped3A = tpu.sem_alloc : memref<!tpu.dma_semaphore, #tpu.memory_space<semaphore_mem>>
      %dma_start3A = tpu.memref_slice %arg8[%mul3A_9] : memref<100096xf32, #tpu.memory_space<vmem_shared>> -> memref<6256xf32, #tpu.memory_space<vmem_shared>>
      %dma_start3A_30 = tpu.memref_slice %arg8[%mul3A_9] : memref<100096xf32, #tpu.memory_space<vmem_shared>> -> memref<6256xf32, #tpu.memory_space<vmem_shared>>
      tpu.enqueue_dma source(%arg16 : memref<6256xf32, #tpu.memory_space<vmem>>) target(%dma_start3A_30 : memref<6256xf32, #tpu.memory_space<vmem_shared>>) target_semaphore(%run_scoped3A : memref<!tpu.dma_semaphore, #tpu.memory_space<semaphore_mem>>)
      %dma_wait3A = tpu.memref_slice %arg8[%mul3A_9] : memref<100096xf32, #tpu.memory_space<vmem_shared>> -> memref<6256xf32, #tpu.memory_space<vmem_shared>>
      %dma_wait3A_31 = tpu.memref_slice %arg8[%mul3A_9] : memref<100096xf32, #tpu.memory_space<vmem_shared>> -> memref<6256xf32, #tpu.memory_space<vmem_shared>>
      tpu.wait_dma2 semaphore(%run_scoped3A : memref<!tpu.dma_semaphore, #tpu.memory_space<semaphore_mem>>) src(%arg16 : memref<6256xf32, #tpu.memory_space<vmem>>) dst(%dma_wait3A_31 : memref<6256xf32, #tpu.memory_space<vmem_shared>>)
      tpu.yield
    }) : () -> ()
    %mul3A_10 = arith.constant 6256 : i32
    %mul3A_11 = arith.muli %arg1, %mul3A_10 : i32
    %min3A = arith.constant 93744 : i32
    %min3A_12 = arith.minsi %mul3A_11, %min3A : i32
    "tpu.region"() ({
      %run_scoped3A = tpu.sem_alloc : memref<!tpu.dma_semaphore, #tpu.memory_space<semaphore_mem>>
      %dma_start3A = tpu.memref_slice %arg4[%min3A_12] : memref<100000xf32, #tpu.memory_space<hbm>> -> memref<6256xf32, #tpu.memory_space<hbm>>
      %dma_start3A_30 = tpu.memref_slice %arg4[%min3A_12] : memref<100000xf32, #tpu.memory_space<hbm>> -> memref<6256xf32, #tpu.memory_space<hbm>>
      tpu.enqueue_dma source(%dma_start3A_30 : memref<6256xf32, #tpu.memory_space<hbm>>) target(%arg17 : memref<6256xf32, #tpu.memory_space<vmem>>) target_semaphore(%run_scoped3A : memref<!tpu.dma_semaphore, #tpu.memory_space<semaphore_mem>>)
      %dma_wait3A = tpu.memref_slice %arg4[%min3A_12] : memref<100000xf32, #tpu.memory_space<hbm>> -> memref<6256xf32, #tpu.memory_space<hbm>>
      %dma_wait3A_31 = tpu.memref_slice %arg4[%min3A_12] : memref<100000xf32, #tpu.memory_space<hbm>> -> memref<6256xf32, #tpu.memory_space<hbm>>
      tpu.wait_dma2 semaphore(%run_scoped3A : memref<!tpu.dma_semaphore, #tpu.memory_space<semaphore_mem>>) src(%dma_wait3A_31 : memref<6256xf32, #tpu.memory_space<hbm>>) dst(%arg17 : memref<6256xf32, #tpu.memory_space<vmem>>)
      tpu.yield
    }) : () -> ()
    "tpu.region"() ({
      %run_scoped3A = tpu.sem_alloc : memref<!tpu.dma_semaphore, #tpu.memory_space<semaphore_mem>>
      %dma_start3A = tpu.memref_slice %arg9[%min3A_12] : memref<100096xf32, #tpu.memory_space<vmem_shared>> -> memref<6256xf32, #tpu.memory_space<vmem_shared>>
      %dma_start3A_30 = tpu.memref_slice %arg9[%min3A_12] : memref<100096xf32, #tpu.memory_space<vmem_shared>> -> memref<6256xf32, #tpu.memory_space<vmem_shared>>
      tpu.enqueue_dma source(%arg17 : memref<6256xf32, #tpu.memory_space<vmem>>) target(%dma_start3A_30 : memref<6256xf32, #tpu.memory_space<vmem_shared>>) target_semaphore(%run_scoped3A : memref<!tpu.dma_semaphore, #tpu.memory_space<semaphore_mem>>)
      %dma_wait3A = tpu.memref_slice %arg9[%min3A_12] : memref<100096xf32, #tpu.memory_space<vmem_shared>> -> memref<6256xf32, #tpu.memory_space<vmem_shared>>
      %dma_wait3A_31 = tpu.memref_slice %arg9[%min3A_12] : memref<100096xf32, #tpu.memory_space<vmem_shared>> -> memref<6256xf32, #tpu.memory_space<vmem_shared>>
      tpu.wait_dma2 semaphore(%run_scoped3A : memref<!tpu.dma_semaphore, #tpu.memory_space<semaphore_mem>>) src(%arg17 : memref<6256xf32, #tpu.memory_space<vmem>>) dst(%dma_wait3A_31 : memref<6256xf32, #tpu.memory_space<vmem_shared>>)
      tpu.yield
    }) : () -> ()
    "tpu.region"() ({
      %run_scoped3A = tpu.sem_alloc : memref<!tpu.dma_semaphore, #tpu.memory_space<semaphore_mem>>
      %dma_start3A = tpu.memref_slice %arg5[%min3A_12] : memref<100000xf32, #tpu.memory_space<hbm>> -> memref<6256xf32, #tpu.memory_space<hbm>>
      %dma_start3A_30 = tpu.memref_slice %arg5[%min3A_12] : memref<100000xf32, #tpu.memory_space<hbm>> -> memref<6256xf32, #tpu.memory_space<hbm>>
      tpu.enqueue_dma source(%dma_start3A_30 : memref<6256xf32, #tpu.memory_space<hbm>>) target(%arg17 : memref<6256xf32, #tpu.memory_space<vmem>>) target_semaphore(%run_scoped3A : memref<!tpu.dma_semaphore, #tpu.memory_space<semaphore_mem>>)
      %dma_wait3A = tpu.memref_slice %arg5[%min3A_12] : memref<100000xf32, #tpu.memory_space<hbm>> -> memref<6256xf32, #tpu.memory_space<hbm>>
      %dma_wait3A_31 = tpu.memref_slice %arg5[%min3A_12] : memref<100000xf32, #tpu.memory_space<hbm>> -> memref<6256xf32, #tpu.memory_space<hbm>>
      tpu.wait_dma2 semaphore(%run_scoped3A : memref<!tpu.dma_semaphore, #tpu.memory_space<semaphore_mem>>) src(%dma_wait3A_31 : memref<6256xf32, #tpu.memory_space<hbm>>) dst(%arg17 : memref<6256xf32, #tpu.memory_space<vmem>>)
      tpu.yield
    }) : () -> ()
    "tpu.region"() ({
      %run_scoped3A = tpu.sem_alloc : memref<!tpu.dma_semaphore, #tpu.memory_space<semaphore_mem>>
      %dma_start3A = tpu.memref_slice %arg10[%min3A_12] : memref<100096xf32, #tpu.memory_space<vmem_shared>> -> memref<6256xf32, #tpu.memory_space<vmem_shared>>
      %dma_start3A_30 = tpu.memref_slice %arg10[%min3A_12] : memref<100096xf32, #tpu.memory_space<vmem_shared>> -> memref<6256xf32, #tpu.memory_space<vmem_shared>>
      tpu.enqueue_dma source(%arg17 : memref<6256xf32, #tpu.memory_space<vmem>>) target(%dma_start3A_30 : memref<6256xf32, #tpu.memory_space<vmem_shared>>) target_semaphore(%run_scoped3A : memref<!tpu.dma_semaphore, #tpu.memory_space<semaphore_mem>>)
      %dma_wait3A = tpu.memref_slice %arg10[%min3A_12] : memref<100096xf32, #tpu.memory_space<vmem_shared>> -> memref<6256xf32, #tpu.memory_space<vmem_shared>>
      %dma_wait3A_31 = tpu.memref_slice %arg10[%min3A_12] : memref<100096xf32, #tpu.memory_space<vmem_shared>> -> memref<6256xf32, #tpu.memory_space<vmem_shared>>
      tpu.wait_dma2 semaphore(%run_scoped3A : memref<!tpu.dma_semaphore, #tpu.memory_space<semaphore_mem>>) src(%arg17 : memref<6256xf32, #tpu.memory_space<vmem>>) dst(%dma_wait3A_31 : memref<6256xf32, #tpu.memory_space<vmem_shared>>)
      tpu.yield
    }) : () -> ()
    %eq3A = arith.constant 0 : i32
    %eq3A_13 = arith.cmpi eq, %arg1, %eq3A : i32
    %convert_element_type3A = arith.extui %eq3A_13 : i1 to i32
    %cond3A = arith.constant 0 : i32
    %cond3A_14 = arith.cmpi ne, %convert_element_type3A, %cond3A : i32
    scf.if %cond3A_14 {
      "tpu.region"() ({
        %run_scoped3A = tpu.sem_alloc : memref<!tpu.dma_semaphore, #tpu.memory_space<semaphore_mem>>
        %dma_start3A = arith.constant 0 : i32
        %dma_start3A_30 = tpu.memref_slice %arg16[%dma_start3A] : memref<6256xf32, #tpu.memory_space<vmem>> -> memref<96xf32, #tpu.memory_space<vmem>>
        %dma_start3A_31 = arith.constant 100000 : i32
        %dma_start3A_32 = tpu.memref_slice %arg9[%dma_start3A_31] : memref<100096xf32, #tpu.memory_space<vmem_shared>> -> memref<96xf32, #tpu.memory_space<vmem_shared>>
        %dma_start3A_33 = arith.constant 100000 : i32
        %dma_start3A_34 = tpu.memref_slice %arg9[%dma_start3A_33] : memref<100096xf32, #tpu.memory_space<vmem_shared>> -> memref<96xf32, #tpu.memory_space<vmem_shared>>
        %dma_start3A_35 = arith.constant 0 : i32
        %dma_start3A_36 = tpu.memref_slice %arg16[%dma_start3A_35] : memref<6256xf32, #tpu.memory_space<vmem>> -> memref<96xf32, #tpu.memory_space<vmem>>
        tpu.enqueue_dma source(%dma_start3A_36 : memref<96xf32, #tpu.memory_space<vmem>>) target(%dma_start3A_34 : memref<96xf32, #tpu.memory_space<vmem_shared>>) target_semaphore(%run_scoped3A : memref<!tpu.dma_semaphore, #tpu.memory_space<semaphore_mem>>)
        %dma_wait3A = arith.constant 0 : i32
        %dma_wait3A_37 = tpu.memref_slice %arg16[%dma_wait3A] : memref<6256xf32, #tpu.memory_space<vmem>> -> memref<96xf32, #tpu.memory_space<vmem>>
        %dma_wait3A_38 = arith.constant 100000 : i32
        %dma_wait3A_39 = tpu.memref_slice %arg9[%dma_wait3A_38] : memref<100096xf32, #tpu.memory_space<vmem_shared>> -> memref<96xf32, #tpu.memory_space<vmem_shared>>
        %dma_wait3A_40 = arith.constant 100000 : i32
        %dma_wait3A_41 = tpu.memref_slice %arg9[%dma_wait3A_40] : memref<100096xf32, #tpu.memory_space<vmem_shared>> -> memref<96xf32, #tpu.memory_space<vmem_shared>>
        %dma_wait3A_42 = arith.constant 0 : i32
        %dma_wait3A_43 = tpu.memref_slice %arg16[%dma_wait3A_42] : memref<6256xf32, #tpu.memory_space<vmem>> -> memref<96xf32, #tpu.memory_space<vmem>>
        tpu.wait_dma2 semaphore(%run_scoped3A : memref<!tpu.dma_semaphore, #tpu.memory_space<semaphore_mem>>) src(%dma_wait3A_43 : memref<96xf32, #tpu.memory_space<vmem>>) dst(%dma_wait3A_41 : memref<96xf32, #tpu.memory_space<vmem_shared>>)
        tpu.yield
      }) : () -> ()
      "tpu.region"() ({
        %run_scoped3A = tpu.sem_alloc : memref<!tpu.dma_semaphore, #tpu.memory_space<semaphore_mem>>
        %dma_start3A = arith.constant 0 : i32
        %dma_start3A_30 = tpu.memref_slice %arg16[%dma_start3A] : memref<6256xf32, #tpu.memory_space<vmem>> -> memref<96xf32, #tpu.memory_space<vmem>>
        %dma_start3A_31 = arith.constant 100000 : i32
        %dma_start3A_32 = tpu.memref_slice %arg10[%dma_start3A_31] : memref<100096xf32, #tpu.memory_space<vmem_shared>> -> memref<96xf32, #tpu.memory_space<vmem_shared>>
        %dma_start3A_33 = arith.constant 100000 : i32
        %dma_start3A_34 = tpu.memref_slice %arg10[%dma_start3A_33] : memref<100096xf32, #tpu.memory_space<vmem_shared>> -> memref<96xf32, #tpu.memory_space<vmem_shared>>
        %dma_start3A_35 = arith.constant 0 : i32
        %dma_start3A_36 = tpu.memref_slice %arg16[%dma_start3A_35] : memref<6256xf32, #tpu.memory_space<vmem>> -> memref<96xf32, #tpu.memory_space<vmem>>
        tpu.enqueue_dma source(%dma_start3A_36 : memref<96xf32, #tpu.memory_space<vmem>>) target(%dma_start3A_34 : memref<96xf32, #tpu.memory_space<vmem_shared>>) target_semaphore(%run_scoped3A : memref<!tpu.dma_semaphore, #tpu.memory_space<semaphore_mem>>)
        %dma_wait3A = arith.constant 0 : i32
        %dma_wait3A_37 = tpu.memref_slice %arg16[%dma_wait3A] : memref<6256xf32, #tpu.memory_space<vmem>> -> memref<96xf32, #tpu.memory_space<vmem>>
        %dma_wait3A_38 = arith.constant 100000 : i32
        %dma_wait3A_39 = tpu.memref_slice %arg10[%dma_wait3A_38] : memref<100096xf32, #tpu.memory_space<vmem_shared>> -> memref<96xf32, #tpu.memory_space<vmem_shared>>
        %dma_wait3A_40 = arith.constant 100000 : i32
        %dma_wait3A_41 = tpu.memref_slice %arg10[%dma_wait3A_40] : memref<100096xf32, #tpu.memory_space<vmem_shared>> -> memref<96xf32, #tpu.memory_space<vmem_shared>>
        %dma_wait3A_42 = arith.constant 0 : i32
        %dma_wait3A_43 = tpu.memref_slice %arg16[%dma_wait3A_42] : memref<6256xf32, #tpu.memory_space<vmem>> -> memref<96xf32, #tpu.memory_space<vmem>>
        tpu.wait_dma2 semaphore(%run_scoped3A : memref<!tpu.dma_semaphore, #tpu.memory_space<semaphore_mem>>) src(%dma_wait3A_43 : memref<96xf32, #tpu.memory_space<vmem>>) dst(%dma_wait3A_41 : memref<96xf32, #tpu.memory_space<vmem_shared>>)
        tpu.yield
      }) : () -> ()
    } else {
    }
    %barrier3A = arith.constant 0 : index
    tpu.barrier barrier_id(%barrier3A)
    %scan3A_15 = arith.constant 0 : i32
    %scan3A_16 = arith.constant 0 : i32
    %scan3A_17 = arith.constant 49 : i32
    %scan3A_18 = arith.addi %scan3A_16, %scan3A_17 : i32
    %scan3A_19 = arith.constant 1 : i32
    %scan3A_20 = scf.for %scan3A_30 = %scan3A_16 to %scan3A_18 step %scan3A_19 iter_args(%scan3A_31 = %scan3A_15) -> (i32)  : i32 {
      %mul3A_32 = arith.constant 392 : i32
      %mul3A_33 = arith.muli %add3A, %mul3A_32 : i32
      %mul3A_34 = arith.constant 8 : i32
      %mul3A_35 = arith.muli %scan3A_30, %mul3A_34 : i32
      %add3A_36 = arith.addi %mul3A_33, %mul3A_35 : i32
      "tpu.region"() ({
        %run_scoped3A_308 = tpu.sem_alloc : memref<!tpu.dma_semaphore, #tpu.memory_space<semaphore_mem>>
        %dma_start3A_309 = arith.constant 0 : i32
        %dma_start3A_310 = tpu.memref_slice %arg2[%add3A_36, %dma_start3A_309] : memref<12544x128xi32, #tpu.memory_space<hbm>> -> memref<8x128xi32, #tpu.memory_space<hbm>>
        %dma_start3A_311 = arith.constant 0 : i32
        %dma_start3A_312 = tpu.memref_slice %arg2[%add3A_36, %dma_start3A_311] : memref<12544x128xi32, #tpu.memory_space<hbm>> -> memref<8x128xi32, #tpu.memory_space<hbm>>
        tpu.enqueue_dma source(%dma_start3A_312 : memref<8x128xi32, #tpu.memory_space<hbm>>) target(%arg11 : memref<8x128xi32, #tpu.memory_space<vmem>>) target_semaphore(%run_scoped3A_308 : memref<!tpu.dma_semaphore, #tpu.memory_space<semaphore_mem>>)
        %dma_wait3A_313 = arith.constant 0 : i32
        %dma_wait3A_314 = tpu.memref_slice %arg2[%add3A_36, %dma_wait3A_313] : memref<12544x128xi32, #tpu.memory_space<hbm>> -> memref<8x128xi32, #tpu.memory_space<hbm>>
        %dma_wait3A_315 = arith.constant 0 : i32
        %dma_wait3A_316 = tpu.memref_slice %arg2[%add3A_36, %dma_wait3A_315] : memref<12544x128xi32, #tpu.memory_space<hbm>> -> memref<8x128xi32, #tpu.memory_space<hbm>>
        tpu.wait_dma2 semaphore(%run_scoped3A_308 : memref<!tpu.dma_semaphore, #tpu.memory_space<semaphore_mem>>) src(%dma_wait3A_316 : memref<8x128xi32, #tpu.memory_space<hbm>>) dst(%arg11 : memref<8x128xi32, #tpu.memory_space<vmem>>)
        tpu.yield
      }) : () -> ()
      "tpu.region"() ({
        %run_scoped3A_308 = tpu.sem_alloc : memref<!tpu.dma_semaphore, #tpu.memory_space<semaphore_mem>>
        %dma_start3A_309 = arith.constant 0 : i32
        %dma_start3A_310 = tpu.memref_slice %arg3[%add3A_36, %dma_start3A_309] : memref<12544x128xi32, #tpu.memory_space<hbm>> -> memref<8x128xi32, #tpu.memory_space<hbm>>
        %dma_start3A_311 = arith.constant 0 : i32
        %dma_start3A_312 = tpu.memref_slice %arg3[%add3A_36, %dma_start3A_311] : memref<12544x128xi32, #tpu.memory_space<hbm>> -> memref<8x128xi32, #tpu.memory_space<hbm>>
        tpu.enqueue_dma source(%dma_start3A_312 : memref<8x128xi32, #tpu.memory_space<hbm>>) target(%arg12 : memref<8x128xi32, #tpu.memory_space<vmem>>) target_semaphore(%run_scoped3A_308 : memref<!tpu.dma_semaphore, #tpu.memory_space<semaphore_mem>>)
        %dma_wait3A_313 = arith.constant 0 : i32
        %dma_wait3A_314 = tpu.memref_slice %arg3[%add3A_36, %dma_wait3A_313] : memref<12544x128xi32, #tpu.memory_space<hbm>> -> memref<8x128xi32, #tpu.memory_space<hbm>>
        %dma_wait3A_315 = arith.constant 0 : i32
        %dma_wait3A_316 = tpu.memref_slice %arg3[%add3A_36, %dma_wait3A_315] : memref<12544x128xi32, #tpu.memory_space<hbm>> -> memref<8x128xi32, #tpu.memory_space<hbm>>
        tpu.wait_dma2 semaphore(%run_scoped3A_308 : memref<!tpu.dma_semaphore, #tpu.memory_space<semaphore_mem>>) src(%dma_wait3A_316 : memref<8x128xi32, #tpu.memory_space<hbm>>) dst(%arg12 : memref<8x128xi32, #tpu.memory_space<vmem>>)
        tpu.yield
      }) : () -> ()
      %dma_start3A = arith.constant 0 : i32
      %dma_start3A_37 = arith.constant 0 : i32
      %dma_start3A_38 = tpu.memref_slice %arg13[%dma_start3A_37] : memref<1024xf32, #tpu.memory_space<vmem>> -> memref<128xf32, #tpu.memory_space<vmem>>
      %dma_start3A_39 = arith.constant 0 : i32
      %dma_start3A_40 = tpu.memref_slice %arg11[%dma_start3A, %dma_start3A_39] : memref<8x128xi32, #tpu.memory_space<vmem>> -> memref<1x128xi32, #tpu.memory_space<vmem>>
      %dma_start3A_41 = tpu.memref_squeeze %dma_start3A_40 : memref<1x128xi32, #tpu.memory_space<vmem>> -> memref<128xi32, #tpu.memory_space<vmem>>
      %dma_start3A_42 = arith.constant 0 : i32
      %dma_start3A_43 = tpu.memref_slice %arg9[%dma_start3A_42] : memref<100096xf32, #tpu.memory_space<vmem_shared>> -> memref<100096xf32, #tpu.memory_space<vmem_shared>>
      tpu.enqueue_indirect_dma source(%dma_start3A_43 : memref<100096xf32, #tpu.memory_space<vmem_shared>>) target(%dma_start3A_38 : memref<128xf32, #tpu.memory_space<vmem>>) offsets(%dma_start3A_41 : memref<128xi32, #tpu.memory_space<vmem>>) semaphore(%arg18 : memref<!tpu.dma_semaphore, #tpu.memory_space<semaphore_mem>>)
      %dma_start3A_44 = arith.constant 1 : i32
      %dma_start3A_45 = arith.constant 128 : i32
      %dma_start3A_46 = tpu.memref_slice %arg13[%dma_start3A_45] : memref<1024xf32, #tpu.memory_space<vmem>> -> memref<128xf32, #tpu.memory_space<vmem>>
      %dma_start3A_47 = arith.constant 0 : i32
      %dma_start3A_48 = tpu.memref_slice %arg11[%dma_start3A_44, %dma_start3A_47] : memref<8x128xi32, #tpu.memory_space<vmem>> -> memref<1x128xi32, #tpu.memory_space<vmem>>
      %dma_start3A_49 = tpu.memref_squeeze %dma_start3A_48 : memref<1x128xi32, #tpu.memory_space<vmem>> -> memref<128xi32, #tpu.memory_space<vmem>>
      %dma_start3A_50 = arith.constant 0 : i32
      %dma_start3A_51 = tpu.memref_slice %arg9[%dma_start3A_50] : memref<100096xf32, #tpu.memory_space<vmem_shared>> -> memref<100096xf32, #tpu.memory_space<vmem_shared>>
      tpu.enqueue_indirect_dma source(%dma_start3A_51 : memref<100096xf32, #tpu.memory_space<vmem_shared>>) target(%dma_start3A_46 : memref<128xf32, #tpu.memory_space<vmem>>) offsets(%dma_start3A_49 : memref<128xi32, #tpu.memory_space<vmem>>) semaphore(%arg18 : memref<!tpu.dma_semaphore, #tpu.memory_space<semaphore_mem>>)
      %dma_start3A_52 = arith.constant 2 : i32
      %dma_start3A_53 = arith.constant 256 : i32
      %dma_start3A_54 = tpu.memref_slice %arg13[%dma_start3A_53] : memref<1024xf32, #tpu.memory_space<vmem>> -> memref<128xf32, #tpu.memory_space<vmem>>
      %dma_start3A_55 = arith.constant 0 : i32
      %dma_start3A_56 = tpu.memref_slice %arg11[%dma_start3A_52, %dma_start3A_55] : memref<8x128xi32, #tpu.memory_space<vmem>> -> memref<1x128xi32, #tpu.memory_space<vmem>>
      %dma_start3A_57 = tpu.memref_squeeze %dma_start3A_56 : memref<1x128xi32, #tpu.memory_space<vmem>> -> memref<128xi32, #tpu.memory_space<vmem>>
      %dma_start3A_58 = arith.constant 0 : i32
      %dma_start3A_59 = tpu.memref_slice %arg9[%dma_start3A_58] : memref<100096xf32, #tpu.memory_space<vmem_shared>> -> memref<100096xf32, #tpu.memory_space<vmem_shared>>
      tpu.enqueue_indirect_dma source(%dma_start3A_59 : memref<100096xf32, #tpu.memory_space<vmem_shared>>) target(%dma_start3A_54 : memref<128xf32, #tpu.memory_space<vmem>>) offsets(%dma_start3A_57 : memref<128xi32, #tpu.memory_space<vmem>>) semaphore(%arg18 : memref<!tpu.dma_semaphore, #tpu.memory_space<semaphore_mem>>)
      %dma_start3A_60 = arith.constant 3 : i32
      %dma_start3A_61 = arith.constant 384 : i32
      %dma_start3A_62 = tpu.memref_slice %arg13[%dma_start3A_61] : memref<1024xf32, #tpu.memory_space<vmem>> -> memref<128xf32, #tpu.memory_space<vmem>>
      %dma_start3A_63 = arith.constant 0 : i32
      %dma_start3A_64 = tpu.memref_slice %arg11[%dma_start3A_60, %dma_start3A_63] : memref<8x128xi32, #tpu.memory_space<vmem>> -> memref<1x128xi32, #tpu.memory_space<vmem>>
      %dma_start3A_65 = tpu.memref_squeeze %dma_start3A_64 : memref<1x128xi32, #tpu.memory_space<vmem>> -> memref<128xi32, #tpu.memory_space<vmem>>
      %dma_start3A_66 = arith.constant 0 : i32
      %dma_start3A_67 = tpu.memref_slice %arg9[%dma_start3A_66] : memref<100096xf32, #tpu.memory_space<vmem_shared>> -> memref<100096xf32, #tpu.memory_space<vmem_shared>>
      tpu.enqueue_indirect_dma source(%dma_start3A_67 : memref<100096xf32, #tpu.memory_space<vmem_shared>>) target(%dma_start3A_62 : memref<128xf32, #tpu.memory_space<vmem>>) offsets(%dma_start3A_65 : memref<128xi32, #tpu.memory_space<vmem>>) semaphore(%arg18 : memref<!tpu.dma_semaphore, #tpu.memory_space<semaphore_mem>>)
      %dma_start3A_68 = arith.constant 4 : i32
      %dma_start3A_69 = arith.constant 512 : i32
      %dma_start3A_70 = tpu.memref_slice %arg13[%dma_start3A_69] : memref<1024xf32, #tpu.memory_space<vmem>> -> memref<128xf32, #tpu.memory_space<vmem>>
      %dma_start3A_71 = arith.constant 0 : i32
      %dma_start3A_72 = tpu.memref_slice %arg11[%dma_start3A_68, %dma_start3A_71] : memref<8x128xi32, #tpu.memory_space<vmem>> -> memref<1x128xi32, #tpu.memory_space<vmem>>
      %dma_start3A_73 = tpu.memref_squeeze %dma_start3A_72 : memref<1x128xi32, #tpu.memory_space<vmem>> -> memref<128xi32, #tpu.memory_space<vmem>>
      %dma_start3A_74 = arith.constant 0 : i32
      %dma_start3A_75 = tpu.memref_slice %arg9[%dma_start3A_74] : memref<100096xf32, #tpu.memory_space<vmem_shared>> -> memref<100096xf32, #tpu.memory_space<vmem_shared>>
      tpu.enqueue_indirect_dma source(%dma_start3A_75 : memref<100096xf32, #tpu.memory_space<vmem_shared>>) target(%dma_start3A_70 : memref<128xf32, #tpu.memory_space<vmem>>) offsets(%dma_start3A_73 : memref<128xi32, #tpu.memory_space<vmem>>) semaphore(%arg18 : memref<!tpu.dma_semaphore, #tpu.memory_space<semaphore_mem>>)
      %dma_start3A_76 = arith.constant 5 : i32
      %dma_start3A_77 = arith.constant 640 : i32
      %dma_start3A_78 = tpu.memref_slice %arg13[%dma_start3A_77] : memref<1024xf32, #tpu.memory_space<vmem>> -> memref<128xf32, #tpu.memory_space<vmem>>
      %dma_start3A_79 = arith.constant 0 : i32
      %dma_start3A_80 = tpu.memref_slice %arg11[%dma_start3A_76, %dma_start3A_79] : memref<8x128xi32, #tpu.memory_space<vmem>> -> memref<1x128xi32, #tpu.memory_space<vmem>>
      %dma_start3A_81 = tpu.memref_squeeze %dma_start3A_80 : memref<1x128xi32, #tpu.memory_space<vmem>> -> memref<128xi32, #tpu.memory_space<vmem>>
      %dma_start3A_82 = arith.constant 0 : i32
      %dma_start3A_83 = tpu.memref_slice %arg9[%dma_start3A_82] : memref<100096xf32, #tpu.memory_space<vmem_shared>> -> memref<100096xf32, #tpu.memory_space<vmem_shared>>
      tpu.enqueue_indirect_dma source(%dma_start3A_83 : memref<100096xf32, #tpu.memory_space<vmem_shared>>) target(%dma_start3A_78 : memref<128xf32, #tpu.memory_space<vmem>>) offsets(%dma_start3A_81 : memref<128xi32, #tpu.memory_space<vmem>>) semaphore(%arg18 : memref<!tpu.dma_semaphore, #tpu.memory_space<semaphore_mem>>)
      %dma_start3A_84 = arith.constant 6 : i32
      %dma_start3A_85 = arith.constant 768 : i32
      %dma_start3A_86 = tpu.memref_slice %arg13[%dma_start3A_85] : memref<1024xf32, #tpu.memory_space<vmem>> -> memref<128xf32, #tpu.memory_space<vmem>>
      %dma_start3A_87 = arith.constant 0 : i32
      %dma_start3A_88 = tpu.memref_slice %arg11[%dma_start3A_84, %dma_start3A_87] : memref<8x128xi32, #tpu.memory_space<vmem>> -> memref<1x128xi32, #tpu.memory_space<vmem>>
      %dma_start3A_89 = tpu.memref_squeeze %dma_start3A_88 : memref<1x128xi32, #tpu.memory_space<vmem>> -> memref<128xi32, #tpu.memory_space<vmem>>
      %dma_start3A_90 = arith.constant 0 : i32
      %dma_start3A_91 = tpu.memref_slice %arg9[%dma_start3A_90] : memref<100096xf32, #tpu.memory_space<vmem_shared>> -> memref<100096xf32, #tpu.memory_space<vmem_shared>>
      tpu.enqueue_indirect_dma source(%dma_start3A_91 : memref<100096xf32, #tpu.memory_space<vmem_shared>>) target(%dma_start3A_86 : memref<128xf32, #tpu.memory_space<vmem>>) offsets(%dma_start3A_89 : memref<128xi32, #tpu.memory_space<vmem>>) semaphore(%arg18 : memref<!tpu.dma_semaphore, #tpu.memory_space<semaphore_mem>>)
      %dma_start3A_92 = arith.constant 7 : i32
      %dma_start3A_93 = arith.constant 896 : i32
      %dma_start3A_94 = tpu.memref_slice %arg13[%dma_start3A_93] : memref<1024xf32, #tpu.memory_space<vmem>> -> memref<128xf32, #tpu.memory_space<vmem>>
      %dma_start3A_95 = arith.constant 0 : i32
      %dma_start3A_96 = tpu.memref_slice %arg11[%dma_start3A_92, %dma_start3A_95] : memref<8x128xi32, #tpu.memory_space<vmem>> -> memref<1x128xi32, #tpu.memory_space<vmem>>
      %dma_start3A_97 = tpu.memref_squeeze %dma_start3A_96 : memref<1x128xi32, #tpu.memory_space<vmem>> -> memref<128xi32, #tpu.memory_space<vmem>>
      %dma_start3A_98 = arith.constant 0 : i32
      %dma_start3A_99 = tpu.memref_slice %arg9[%dma_start3A_98] : memref<100096xf32, #tpu.memory_space<vmem_shared>> -> memref<100096xf32, #tpu.memory_space<vmem_shared>>
      tpu.enqueue_indirect_dma source(%dma_start3A_99 : memref<100096xf32, #tpu.memory_space<vmem_shared>>) target(%dma_start3A_94 : memref<128xf32, #tpu.memory_space<vmem>>) offsets(%dma_start3A_97 : memref<128xi32, #tpu.memory_space<vmem>>) semaphore(%arg18 : memref<!tpu.dma_semaphore, #tpu.memory_space<semaphore_mem>>)
      %dma_wait3A = arith.constant 0 : i32
      %dma_wait3A_100 = arith.constant 0 : i32
      %dma_wait3A_101 = tpu.memref_slice %arg13[%dma_wait3A_100] : memref<1024xf32, #tpu.memory_space<vmem>> -> memref<128xf32, #tpu.memory_space<vmem>>
      %dma_wait3A_102 = arith.constant 0 : i32
      %dma_wait3A_103 = tpu.memref_slice %arg11[%dma_wait3A, %dma_wait3A_102] : memref<8x128xi32, #tpu.memory_space<vmem>> -> memref<1x128xi32, #tpu.memory_space<vmem>>
      %dma_wait3A_104 = tpu.memref_squeeze %dma_wait3A_103 : memref<1x128xi32, #tpu.memory_space<vmem>> -> memref<128xi32, #tpu.memory_space<vmem>>
      %dma_wait3A_105 = arith.constant 0 : i32
      %dma_wait3A_106 = tpu.memref_slice %arg9[%dma_wait3A_105] : memref<100096xf32, #tpu.memory_space<vmem_shared>> -> memref<100096xf32, #tpu.memory_space<vmem_shared>>
      tpu.wait_indirect_dma semaphore(%arg18 : memref<!tpu.dma_semaphore, #tpu.memory_space<semaphore_mem>>) src(%dma_wait3A_106 : memref<100096xf32, #tpu.memory_space<vmem_shared>>) dst(%dma_wait3A_101 : memref<128xf32, #tpu.memory_space<vmem>>)
      %dma_wait3A_107 = arith.constant 1 : i32
      %dma_wait3A_108 = arith.constant 128 : i32
      %dma_wait3A_109 = tpu.memref_slice %arg13[%dma_wait3A_108] : memref<1024xf32, #tpu.memory_space<vmem>> -> memref<128xf32, #tpu.memory_space<vmem>>
      %dma_wait3A_110 = arith.constant 0 : i32
      %dma_wait3A_111 = tpu.memref_slice %arg11[%dma_wait3A_107, %dma_wait3A_110] : memref<8x128xi32, #tpu.memory_space<vmem>> -> memref<1x128xi32, #tpu.memory_space<vmem>>
      %dma_wait3A_112 = tpu.memref_squeeze %dma_wait3A_111 : memref<1x128xi32, #tpu.memory_space<vmem>> -> memref<128xi32, #tpu.memory_space<vmem>>
      %dma_wait3A_113 = arith.constant 0 : i32
      %dma_wait3A_114 = tpu.memref_slice %arg9[%dma_wait3A_113] : memref<100096xf32, #tpu.memory_space<vmem_shared>> -> memref<100096xf32, #tpu.memory_space<vmem_shared>>
      tpu.wait_indirect_dma semaphore(%arg18 : memref<!tpu.dma_semaphore, #tpu.memory_space<semaphore_mem>>) src(%dma_wait3A_114 : memref<100096xf32, #tpu.memory_space<vmem_shared>>) dst(%dma_wait3A_109 : memref<128xf32, #tpu.memory_space<vmem>>)
      %dma_wait3A_115 = arith.constant 2 : i32
      %dma_wait3A_116 = arith.constant 256 : i32
      %dma_wait3A_117 = tpu.memref_slice %arg13[%dma_wait3A_116] : memref<1024xf32, #tpu.memory_space<vmem>> -> memref<128xf32, #tpu.memory_space<vmem>>
      %dma_wait3A_118 = arith.constant 0 : i32
      %dma_wait3A_119 = tpu.memref_slice %arg11[%dma_wait3A_115, %dma_wait3A_118] : memref<8x128xi32, #tpu.memory_space<vmem>> -> memref<1x128xi32, #tpu.memory_space<vmem>>
      %dma_wait3A_120 = tpu.memref_squeeze %dma_wait3A_119 : memref<1x128xi32, #tpu.memory_space<vmem>> -> memref<128xi32, #tpu.memory_space<vmem>>
      %dma_wait3A_121 = arith.constant 0 : i32
      %dma_wait3A_122 = tpu.memref_slice %arg9[%dma_wait3A_121] : memref<100096xf32, #tpu.memory_space<vmem_shared>> -> memref<100096xf32, #tpu.memory_space<vmem_shared>>
      tpu.wait_indirect_dma semaphore(%arg18 : memref<!tpu.dma_semaphore, #tpu.memory_space<semaphore_mem>>) src(%dma_wait3A_122 : memref<100096xf32, #tpu.memory_space<vmem_shared>>) dst(%dma_wait3A_117 : memref<128xf32, #tpu.memory_space<vmem>>)
      %dma_wait3A_123 = arith.constant 3 : i32
      %dma_wait3A_124 = arith.constant 384 : i32
      %dma_wait3A_125 = tpu.memref_slice %arg13[%dma_wait3A_124] : memref<1024xf32, #tpu.memory_space<vmem>> -> memref<128xf32, #tpu.memory_space<vmem>>
      %dma_wait3A_126 = arith.constant 0 : i32
      %dma_wait3A_127 = tpu.memref_slice %arg11[%dma_wait3A_123, %dma_wait3A_126] : memref<8x128xi32, #tpu.memory_space<vmem>> -> memref<1x128xi32, #tpu.memory_space<vmem>>
      %dma_wait3A_128 = tpu.memref_squeeze %dma_wait3A_127 : memref<1x128xi32, #tpu.memory_space<vmem>> -> memref<128xi32, #tpu.memory_space<vmem>>
      %dma_wait3A_129 = arith.constant 0 : i32
      %dma_wait3A_130 = tpu.memref_slice %arg9[%dma_wait3A_129] : memref<100096xf32, #tpu.memory_space<vmem_shared>> -> memref<100096xf32, #tpu.memory_space<vmem_shared>>
      tpu.wait_indirect_dma semaphore(%arg18 : memref<!tpu.dma_semaphore, #tpu.memory_space<semaphore_mem>>) src(%dma_wait3A_130 : memref<100096xf32, #tpu.memory_space<vmem_shared>>) dst(%dma_wait3A_125 : memref<128xf32, #tpu.memory_space<vmem>>)
      %dma_wait3A_131 = arith.constant 4 : i32
      %dma_wait3A_132 = arith.constant 512 : i32
      %dma_wait3A_133 = tpu.memref_slice %arg13[%dma_wait3A_132] : memref<1024xf32, #tpu.memory_space<vmem>> -> memref<128xf32, #tpu.memory_space<vmem>>
      %dma_wait3A_134 = arith.constant 0 : i32
      %dma_wait3A_135 = tpu.memref_slice %arg11[%dma_wait3A_131, %dma_wait3A_134] : memref<8x128xi32, #tpu.memory_space<vmem>> -> memref<1x128xi32, #tpu.memory_space<vmem>>
      %dma_wait3A_136 = tpu.memref_squeeze %dma_wait3A_135 : memref<1x128xi32, #tpu.memory_space<vmem>> -> memref<128xi32, #tpu.memory_space<vmem>>
      %dma_wait3A_137 = arith.constant 0 : i32
      %dma_wait3A_138 = tpu.memref_slice %arg9[%dma_wait3A_137] : memref<100096xf32, #tpu.memory_space<vmem_shared>> -> memref<100096xf32, #tpu.memory_space<vmem_shared>>
      tpu.wait_indirect_dma semaphore(%arg18 : memref<!tpu.dma_semaphore, #tpu.memory_space<semaphore_mem>>) src(%dma_wait3A_138 : memref<100096xf32, #tpu.memory_space<vmem_shared>>) dst(%dma_wait3A_133 : memref<128xf32, #tpu.memory_space<vmem>>)
      %dma_wait3A_139 = arith.constant 5 : i32
      %dma_wait3A_140 = arith.constant 640 : i32
      %dma_wait3A_141 = tpu.memref_slice %arg13[%dma_wait3A_140] : memref<1024xf32, #tpu.memory_space<vmem>> -> memref<128xf32, #tpu.memory_space<vmem>>
      %dma_wait3A_142 = arith.constant 0 : i32
      %dma_wait3A_143 = tpu.memref_slice %arg11[%dma_wait3A_139, %dma_wait3A_142] : memref<8x128xi32, #tpu.memory_space<vmem>> -> memref<1x128xi32, #tpu.memory_space<vmem>>
      %dma_wait3A_144 = tpu.memref_squeeze %dma_wait3A_143 : memref<1x128xi32, #tpu.memory_space<vmem>> -> memref<128xi32, #tpu.memory_space<vmem>>
      %dma_wait3A_145 = arith.constant 0 : i32
      %dma_wait3A_146 = tpu.memref_slice %arg9[%dma_wait3A_145] : memref<100096xf32, #tpu.memory_space<vmem_shared>> -> memref<100096xf32, #tpu.memory_space<vmem_shared>>
      tpu.wait_indirect_dma semaphore(%arg18 : memref<!tpu.dma_semaphore, #tpu.memory_space<semaphore_mem>>) src(%dma_wait3A_146 : memref<100096xf32, #tpu.memory_space<vmem_shared>>) dst(%dma_wait3A_141 : memref<128xf32, #tpu.memory_space<vmem>>)
      %dma_wait3A_147 = arith.constant 6 : i32
      %dma_wait3A_148 = arith.constant 768 : i32
      %dma_wait3A_149 = tpu.memref_slice %arg13[%dma_wait3A_148] : memref<1024xf32, #tpu.memory_space<vmem>> -> memref<128xf32, #tpu.memory_space<vmem>>
      %dma_wait3A_150 = arith.constant 0 : i32
      %dma_wait3A_151 = tpu.memref_slice %arg11[%dma_wait3A_147, %dma_wait3A_150] : memref<8x128xi32, #tpu.memory_space<vmem>> -> memref<1x128xi32, #tpu.memory_space<vmem>>
      %dma_wait3A_152 = tpu.memref_squeeze %dma_wait3A_151 : memref<1x128xi32, #tpu.memory_space<vmem>> -> memref<128xi32, #tpu.memory_space<vmem>>
      %dma_wait3A_153 = arith.constant 0 : i32
      %dma_wait3A_154 = tpu.memref_slice %arg9[%dma_wait3A_153] : memref<100096xf32, #tpu.memory_space<vmem_shared>> -> memref<100096xf32, #tpu.memory_space<vmem_shared>>
      tpu.wait_indirect_dma semaphore(%arg18 : memref<!tpu.dma_semaphore, #tpu.memory_space<semaphore_mem>>) src(%dma_wait3A_154 : memref<100096xf32, #tpu.memory_space<vmem_shared>>) dst(%dma_wait3A_149 : memref<128xf32, #tpu.memory_space<vmem>>)
      %dma_wait3A_155 = arith.constant 7 : i32
      %dma_wait3A_156 = arith.constant 896 : i32
      %dma_wait3A_157 = tpu.memref_slice %arg13[%dma_wait3A_156] : memref<1024xf32, #tpu.memory_space<vmem>> -> memref<128xf32, #tpu.memory_space<vmem>>
      %dma_wait3A_158 = arith.constant 0 : i32
      %dma_wait3A_159 = tpu.memref_slice %arg11[%dma_wait3A_155, %dma_wait3A_158] : memref<8x128xi32, #tpu.memory_space<vmem>> -> memref<1x128xi32, #tpu.memory_space<vmem>>
      %dma_wait3A_160 = tpu.memref_squeeze %dma_wait3A_159 : memref<1x128xi32, #tpu.memory_space<vmem>> -> memref<128xi32, #tpu.memory_space<vmem>>
      %dma_wait3A_161 = arith.constant 0 : i32
      %dma_wait3A_162 = tpu.memref_slice %arg9[%dma_wait3A_161] : memref<100096xf32, #tpu.memory_space<vmem_shared>> -> memref<100096xf32, #tpu.memory_space<vmem_shared>>
      tpu.wait_indirect_dma semaphore(%arg18 : memref<!tpu.dma_semaphore, #tpu.memory_space<semaphore_mem>>) src(%dma_wait3A_162 : memref<100096xf32, #tpu.memory_space<vmem_shared>>) dst(%dma_wait3A_157 : memref<128xf32, #tpu.memory_space<vmem>>)
      %dma_start3A_163 = arith.constant 0 : i32
      %dma_start3A_164 = arith.constant 0 : i32
      %dma_start3A_165 = tpu.memref_slice %arg14[%dma_start3A_164] : memref<1024xf32, #tpu.memory_space<vmem>> -> memref<128xf32, #tpu.memory_space<vmem>>
      %dma_start3A_166 = arith.constant 0 : i32
      %dma_start3A_167 = tpu.memref_slice %arg12[%dma_start3A_163, %dma_start3A_166] : memref<8x128xi32, #tpu.memory_space<vmem>> -> memref<1x128xi32, #tpu.memory_space<vmem>>
      %dma_start3A_168 = tpu.memref_squeeze %dma_start3A_167 : memref<1x128xi32, #tpu.memory_space<vmem>> -> memref<128xi32, #tpu.memory_space<vmem>>
      %dma_start3A_169 = arith.constant 0 : i32
      %dma_start3A_170 = tpu.memref_slice %arg10[%dma_start3A_169] : memref<100096xf32, #tpu.memory_space<vmem_shared>> -> memref<100096xf32, #tpu.memory_space<vmem_shared>>
      tpu.enqueue_indirect_dma source(%dma_start3A_170 : memref<100096xf32, #tpu.memory_space<vmem_shared>>) target(%dma_start3A_165 : memref<128xf32, #tpu.memory_space<vmem>>) offsets(%dma_start3A_168 : memref<128xi32, #tpu.memory_space<vmem>>) semaphore(%arg18 : memref<!tpu.dma_semaphore, #tpu.memory_space<semaphore_mem>>)
      %dma_start3A_171 = arith.constant 1 : i32
      %dma_start3A_172 = arith.constant 128 : i32
      %dma_start3A_173 = tpu.memref_slice %arg14[%dma_start3A_172] : memref<1024xf32, #tpu.memory_space<vmem>> -> memref<128xf32, #tpu.memory_space<vmem>>
      %dma_start3A_174 = arith.constant 0 : i32
      %dma_start3A_175 = tpu.memref_slice %arg12[%dma_start3A_171, %dma_start3A_174] : memref<8x128xi32, #tpu.memory_space<vmem>> -> memref<1x128xi32, #tpu.memory_space<vmem>>
      %dma_start3A_176 = tpu.memref_squeeze %dma_start3A_175 : memref<1x128xi32, #tpu.memory_space<vmem>> -> memref<128xi32, #tpu.memory_space<vmem>>
      %dma_start3A_177 = arith.constant 0 : i32
      %dma_start3A_178 = tpu.memref_slice %arg10[%dma_start3A_177] : memref<100096xf32, #tpu.memory_space<vmem_shared>> -> memref<100096xf32, #tpu.memory_space<vmem_shared>>
      tpu.enqueue_indirect_dma source(%dma_start3A_178 : memref<100096xf32, #tpu.memory_space<vmem_shared>>) target(%dma_start3A_173 : memref<128xf32, #tpu.memory_space<vmem>>) offsets(%dma_start3A_176 : memref<128xi32, #tpu.memory_space<vmem>>) semaphore(%arg18 : memref<!tpu.dma_semaphore, #tpu.memory_space<semaphore_mem>>)
      %dma_start3A_179 = arith.constant 2 : i32
      %dma_start3A_180 = arith.constant 256 : i32
      %dma_start3A_181 = tpu.memref_slice %arg14[%dma_start3A_180] : memref<1024xf32, #tpu.memory_space<vmem>> -> memref<128xf32, #tpu.memory_space<vmem>>
      %dma_start3A_182 = arith.constant 0 : i32
      %dma_start3A_183 = tpu.memref_slice %arg12[%dma_start3A_179, %dma_start3A_182] : memref<8x128xi32, #tpu.memory_space<vmem>> -> memref<1x128xi32, #tpu.memory_space<vmem>>
      %dma_start3A_184 = tpu.memref_squeeze %dma_start3A_183 : memref<1x128xi32, #tpu.memory_space<vmem>> -> memref<128xi32, #tpu.memory_space<vmem>>
      %dma_start3A_185 = arith.constant 0 : i32
      %dma_start3A_186 = tpu.memref_slice %arg10[%dma_start3A_185] : memref<100096xf32, #tpu.memory_space<vmem_shared>> -> memref<100096xf32, #tpu.memory_space<vmem_shared>>
      tpu.enqueue_indirect_dma source(%dma_start3A_186 : memref<100096xf32, #tpu.memory_space<vmem_shared>>) target(%dma_start3A_181 : memref<128xf32, #tpu.memory_space<vmem>>) offsets(%dma_start3A_184 : memref<128xi32, #tpu.memory_space<vmem>>) semaphore(%arg18 : memref<!tpu.dma_semaphore, #tpu.memory_space<semaphore_mem>>)
      %dma_start3A_187 = arith.constant 3 : i32
      %dma_start3A_188 = arith.constant 384 : i32
      %dma_start3A_189 = tpu.memref_slice %arg14[%dma_start3A_188] : memref<1024xf32, #tpu.memory_space<vmem>> -> memref<128xf32, #tpu.memory_space<vmem>>
      %dma_start3A_190 = arith.constant 0 : i32
      %dma_start3A_191 = tpu.memref_slice %arg12[%dma_start3A_187, %dma_start3A_190] : memref<8x128xi32, #tpu.memory_space<vmem>> -> memref<1x128xi32, #tpu.memory_space<vmem>>
      %dma_start3A_192 = tpu.memref_squeeze %dma_start3A_191 : memref<1x128xi32, #tpu.memory_space<vmem>> -> memref<128xi32, #tpu.memory_space<vmem>>
      %dma_start3A_193 = arith.constant 0 : i32
      %dma_start3A_194 = tpu.memref_slice %arg10[%dma_start3A_193] : memref<100096xf32, #tpu.memory_space<vmem_shared>> -> memref<100096xf32, #tpu.memory_space<vmem_shared>>
      tpu.enqueue_indirect_dma source(%dma_start3A_194 : memref<100096xf32, #tpu.memory_space<vmem_shared>>) target(%dma_start3A_189 : memref<128xf32, #tpu.memory_space<vmem>>) offsets(%dma_start3A_192 : memref<128xi32, #tpu.memory_space<vmem>>) semaphore(%arg18 : memref<!tpu.dma_semaphore, #tpu.memory_space<semaphore_mem>>)
      %dma_start3A_195 = arith.constant 4 : i32
      %dma_start3A_196 = arith.constant 512 : i32
      %dma_start3A_197 = tpu.memref_slice %arg14[%dma_start3A_196] : memref<1024xf32, #tpu.memory_space<vmem>> -> memref<128xf32, #tpu.memory_space<vmem>>
      %dma_start3A_198 = arith.constant 0 : i32
      %dma_start3A_199 = tpu.memref_slice %arg12[%dma_start3A_195, %dma_start3A_198] : memref<8x128xi32, #tpu.memory_space<vmem>> -> memref<1x128xi32, #tpu.memory_space<vmem>>
      %dma_start3A_200 = tpu.memref_squeeze %dma_start3A_199 : memref<1x128xi32, #tpu.memory_space<vmem>> -> memref<128xi32, #tpu.memory_space<vmem>>
      %dma_start3A_201 = arith.constant 0 : i32
      %dma_start3A_202 = tpu.memref_slice %arg10[%dma_start3A_201] : memref<100096xf32, #tpu.memory_space<vmem_shared>> -> memref<100096xf32, #tpu.memory_space<vmem_shared>>
      tpu.enqueue_indirect_dma source(%dma_start3A_202 : memref<100096xf32, #tpu.memory_space<vmem_shared>>) target(%dma_start3A_197 : memref<128xf32, #tpu.memory_space<vmem>>) offsets(%dma_start3A_200 : memref<128xi32, #tpu.memory_space<vmem>>) semaphore(%arg18 : memref<!tpu.dma_semaphore, #tpu.memory_space<semaphore_mem>>)
      %dma_start3A_203 = arith.constant 5 : i32
      %dma_start3A_204 = arith.constant 640 : i32
      %dma_start3A_205 = tpu.memref_slice %arg14[%dma_start3A_204] : memref<1024xf32, #tpu.memory_space<vmem>> -> memref<128xf32, #tpu.memory_space<vmem>>
      %dma_start3A_206 = arith.constant 0 : i32
      %dma_start3A_207 = tpu.memref_slice %arg12[%dma_start3A_203, %dma_start3A_206] : memref<8x128xi32, #tpu.memory_space<vmem>> -> memref<1x128xi32, #tpu.memory_space<vmem>>
      %dma_start3A_208 = tpu.memref_squeeze %dma_start3A_207 : memref<1x128xi32, #tpu.memory_space<vmem>> -> memref<128xi32, #tpu.memory_space<vmem>>
      %dma_start3A_209 = arith.constant 0 : i32
      %dma_start3A_210 = tpu.memref_slice %arg10[%dma_start3A_209] : memref<100096xf32, #tpu.memory_space<vmem_shared>> -> memref<100096xf32, #tpu.memory_space<vmem_shared>>
      tpu.enqueue_indirect_dma source(%dma_start3A_210 : memref<100096xf32, #tpu.memory_space<vmem_shared>>) target(%dma_start3A_205 : memref<128xf32, #tpu.memory_space<vmem>>) offsets(%dma_start3A_208 : memref<128xi32, #tpu.memory_space<vmem>>) semaphore(%arg18 : memref<!tpu.dma_semaphore, #tpu.memory_space<semaphore_mem>>)
      %dma_start3A_211 = arith.constant 6 : i32
      %dma_start3A_212 = arith.constant 768 : i32
      %dma_start3A_213 = tpu.memref_slice %arg14[%dma_start3A_212] : memref<1024xf32, #tpu.memory_space<vmem>> -> memref<128xf32, #tpu.memory_space<vmem>>
      %dma_start3A_214 = arith.constant 0 : i32
      %dma_start3A_215 = tpu.memref_slice %arg12[%dma_start3A_211, %dma_start3A_214] : memref<8x128xi32, #tpu.memory_space<vmem>> -> memref<1x128xi32, #tpu.memory_space<vmem>>
      %dma_start3A_216 = tpu.memref_squeeze %dma_start3A_215 : memref<1x128xi32, #tpu.memory_space<vmem>> -> memref<128xi32, #tpu.memory_space<vmem>>
      %dma_start3A_217 = arith.constant 0 : i32
      %dma_start3A_218 = tpu.memref_slice %arg10[%dma_start3A_217] : memref<100096xf32, #tpu.memory_space<vmem_shared>> -> memref<100096xf32, #tpu.memory_space<vmem_shared>>
      tpu.enqueue_indirect_dma source(%dma_start3A_218 : memref<100096xf32, #tpu.memory_space<vmem_shared>>) target(%dma_start3A_213 : memref<128xf32, #tpu.memory_space<vmem>>) offsets(%dma_start3A_216 : memref<128xi32, #tpu.memory_space<vmem>>) semaphore(%arg18 : memref<!tpu.dma_semaphore, #tpu.memory_space<semaphore_mem>>)
      %dma_start3A_219 = arith.constant 7 : i32
      %dma_start3A_220 = arith.constant 896 : i32
      %dma_start3A_221 = tpu.memref_slice %arg14[%dma_start3A_220] : memref<1024xf32, #tpu.memory_space<vmem>> -> memref<128xf32, #tpu.memory_space<vmem>>
      %dma_start3A_222 = arith.constant 0 : i32
      %dma_start3A_223 = tpu.memref_slice %arg12[%dma_start3A_219, %dma_start3A_222] : memref<8x128xi32, #tpu.memory_space<vmem>> -> memref<1x128xi32, #tpu.memory_space<vmem>>
      %dma_start3A_224 = tpu.memref_squeeze %dma_start3A_223 : memref<1x128xi32, #tpu.memory_space<vmem>> -> memref<128xi32, #tpu.memory_space<vmem>>
      %dma_start3A_225 = arith.constant 0 : i32
      %dma_start3A_226 = tpu.memref_slice %arg10[%dma_start3A_225] : memref<100096xf32, #tpu.memory_space<vmem_shared>> -> memref<100096xf32, #tpu.memory_space<vmem_shared>>
      tpu.enqueue_indirect_dma source(%dma_start3A_226 : memref<100096xf32, #tpu.memory_space<vmem_shared>>) target(%dma_start3A_221 : memref<128xf32, #tpu.memory_space<vmem>>) offsets(%dma_start3A_224 : memref<128xi32, #tpu.memory_space<vmem>>) semaphore(%arg18 : memref<!tpu.dma_semaphore, #tpu.memory_space<semaphore_mem>>)
      %dma_wait3A_227 = arith.constant 0 : i32
      %dma_wait3A_228 = arith.constant 0 : i32
      %dma_wait3A_229 = tpu.memref_slice %arg14[%dma_wait3A_228] : memref<1024xf32, #tpu.memory_space<vmem>> -> memref<128xf32, #tpu.memory_space<vmem>>
      %dma_wait3A_230 = arith.constant 0 : i32
      %dma_wait3A_231 = tpu.memref_slice %arg12[%dma_wait3A_227, %dma_wait3A_230] : memref<8x128xi32, #tpu.memory_space<vmem>> -> memref<1x128xi32, #tpu.memory_space<vmem>>
      %dma_wait3A_232 = tpu.memref_squeeze %dma_wait3A_231 : memref<1x128xi32, #tpu.memory_space<vmem>> -> memref<128xi32, #tpu.memory_space<vmem>>
      %dma_wait3A_233 = arith.constant 0 : i32
      %dma_wait3A_234 = tpu.memref_slice %arg10[%dma_wait3A_233] : memref<100096xf32, #tpu.memory_space<vmem_shared>> -> memref<100096xf32, #tpu.memory_space<vmem_shared>>
      tpu.wait_indirect_dma semaphore(%arg18 : memref<!tpu.dma_semaphore, #tpu.memory_space<semaphore_mem>>) src(%dma_wait3A_234 : memref<100096xf32, #tpu.memory_space<vmem_shared>>) dst(%dma_wait3A_229 : memref<128xf32, #tpu.memory_space<vmem>>)
      %dma_wait3A_235 = arith.constant 1 : i32
      %dma_wait3A_236 = arith.constant 128 : i32
      %dma_wait3A_237 = tpu.memref_slice %arg14[%dma_wait3A_236] : memref<1024xf32, #tpu.memory_space<vmem>> -> memref<128xf32, #tpu.memory_space<vmem>>
      %dma_wait3A_238 = arith.constant 0 : i32
      %dma_wait3A_239 = tpu.memref_slice %arg12[%dma_wait3A_235, %dma_wait3A_238] : memref<8x128xi32, #tpu.memory_space<vmem>> -> memref<1x128xi32, #tpu.memory_space<vmem>>
      %dma_wait3A_240 = tpu.memref_squeeze %dma_wait3A_239 : memref<1x128xi32, #tpu.memory_space<vmem>> -> memref<128xi32, #tpu.memory_space<vmem>>
      %dma_wait3A_241 = arith.constant 0 : i32
      %dma_wait3A_242 = tpu.memref_slice %arg10[%dma_wait3A_241] : memref<100096xf32, #tpu.memory_space<vmem_shared>> -> memref<100096xf32, #tpu.memory_space<vmem_shared>>
      tpu.wait_indirect_dma semaphore(%arg18 : memref<!tpu.dma_semaphore, #tpu.memory_space<semaphore_mem>>) src(%dma_wait3A_242 : memref<100096xf32, #tpu.memory_space<vmem_shared>>) dst(%dma_wait3A_237 : memref<128xf32, #tpu.memory_space<vmem>>)
      %dma_wait3A_243 = arith.constant 2 : i32
      %dma_wait3A_244 = arith.constant 256 : i32
      %dma_wait3A_245 = tpu.memref_slice %arg14[%dma_wait3A_244] : memref<1024xf32, #tpu.memory_space<vmem>> -> memref<128xf32, #tpu.memory_space<vmem>>
      %dma_wait3A_246 = arith.constant 0 : i32
      %dma_wait3A_247 = tpu.memref_slice %arg12[%dma_wait3A_243, %dma_wait3A_246] : memref<8x128xi32, #tpu.memory_space<vmem>> -> memref<1x128xi32, #tpu.memory_space<vmem>>
      %dma_wait3A_248 = tpu.memref_squeeze %dma_wait3A_247 : memref<1x128xi32, #tpu.memory_space<vmem>> -> memref<128xi32, #tpu.memory_space<vmem>>
      %dma_wait3A_249 = arith.constant 0 : i32
      %dma_wait3A_250 = tpu.memref_slice %arg10[%dma_wait3A_249] : memref<100096xf32, #tpu.memory_space<vmem_shared>> -> memref<100096xf32, #tpu.memory_space<vmem_shared>>
      tpu.wait_indirect_dma semaphore(%arg18 : memref<!tpu.dma_semaphore, #tpu.memory_space<semaphore_mem>>) src(%dma_wait3A_250 : memref<100096xf32, #tpu.memory_space<vmem_shared>>) dst(%dma_wait3A_245 : memref<128xf32, #tpu.memory_space<vmem>>)
      %dma_wait3A_251 = arith.constant 3 : i32
      %dma_wait3A_252 = arith.constant 384 : i32
      %dma_wait3A_253 = tpu.memref_slice %arg14[%dma_wait3A_252] : memref<1024xf32, #tpu.memory_space<vmem>> -> memref<128xf32, #tpu.memory_space<vmem>>
      %dma_wait3A_254 = arith.constant 0 : i32
      %dma_wait3A_255 = tpu.memref_slice %arg12[%dma_wait3A_251, %dma_wait3A_254] : memref<8x128xi32, #tpu.memory_space<vmem>> -> memref<1x128xi32, #tpu.memory_space<vmem>>
      %dma_wait3A_256 = tpu.memref_squeeze %dma_wait3A_255 : memref<1x128xi32, #tpu.memory_space<vmem>> -> memref<128xi32, #tpu.memory_space<vmem>>
      %dma_wait3A_257 = arith.constant 0 : i32
      %dma_wait3A_258 = tpu.memref_slice %arg10[%dma_wait3A_257] : memref<100096xf32, #tpu.memory_space<vmem_shared>> -> memref<100096xf32, #tpu.memory_space<vmem_shared>>
      tpu.wait_indirect_dma semaphore(%arg18 : memref<!tpu.dma_semaphore, #tpu.memory_space<semaphore_mem>>) src(%dma_wait3A_258 : memref<100096xf32, #tpu.memory_space<vmem_shared>>) dst(%dma_wait3A_253 : memref<128xf32, #tpu.memory_space<vmem>>)
      %dma_wait3A_259 = arith.constant 4 : i32
      %dma_wait3A_260 = arith.constant 512 : i32
      %dma_wait3A_261 = tpu.memref_slice %arg14[%dma_wait3A_260] : memref<1024xf32, #tpu.memory_space<vmem>> -> memref<128xf32, #tpu.memory_space<vmem>>
      %dma_wait3A_262 = arith.constant 0 : i32
      %dma_wait3A_263 = tpu.memref_slice %arg12[%dma_wait3A_259, %dma_wait3A_262] : memref<8x128xi32, #tpu.memory_space<vmem>> -> memref<1x128xi32, #tpu.memory_space<vmem>>
      %dma_wait3A_264 = tpu.memref_squeeze %dma_wait3A_263 : memref<1x128xi32, #tpu.memory_space<vmem>> -> memref<128xi32, #tpu.memory_space<vmem>>
      %dma_wait3A_265 = arith.constant 0 : i32
      %dma_wait3A_266 = tpu.memref_slice %arg10[%dma_wait3A_265] : memref<100096xf32, #tpu.memory_space<vmem_shared>> -> memref<100096xf32, #tpu.memory_space<vmem_shared>>
      tpu.wait_indirect_dma semaphore(%arg18 : memref<!tpu.dma_semaphore, #tpu.memory_space<semaphore_mem>>) src(%dma_wait3A_266 : memref<100096xf32, #tpu.memory_space<vmem_shared>>) dst(%dma_wait3A_261 : memref<128xf32, #tpu.memory_space<vmem>>)
      %dma_wait3A_267 = arith.constant 5 : i32
      %dma_wait3A_268 = arith.constant 640 : i32
      %dma_wait3A_269 = tpu.memref_slice %arg14[%dma_wait3A_268] : memref<1024xf32, #tpu.memory_space<vmem>> -> memref<128xf32, #tpu.memory_space<vmem>>
      %dma_wait3A_270 = arith.constant 0 : i32
      %dma_wait3A_271 = tpu.memref_slice %arg12[%dma_wait3A_267, %dma_wait3A_270] : memref<8x128xi32, #tpu.memory_space<vmem>> -> memref<1x128xi32, #tpu.memory_space<vmem>>
      %dma_wait3A_272 = tpu.memref_squeeze %dma_wait3A_271 : memref<1x128xi32, #tpu.memory_space<vmem>> -> memref<128xi32, #tpu.memory_space<vmem>>
      %dma_wait3A_273 = arith.constant 0 : i32
      %dma_wait3A_274 = tpu.memref_slice %arg10[%dma_wait3A_273] : memref<100096xf32, #tpu.memory_space<vmem_shared>> -> memref<100096xf32, #tpu.memory_space<vmem_shared>>
      tpu.wait_indirect_dma semaphore(%arg18 : memref<!tpu.dma_semaphore, #tpu.memory_space<semaphore_mem>>) src(%dma_wait3A_274 : memref<100096xf32, #tpu.memory_space<vmem_shared>>) dst(%dma_wait3A_269 : memref<128xf32, #tpu.memory_space<vmem>>)
      %dma_wait3A_275 = arith.constant 6 : i32
      %dma_wait3A_276 = arith.constant 768 : i32
      %dma_wait3A_277 = tpu.memref_slice %arg14[%dma_wait3A_276] : memref<1024xf32, #tpu.memory_space<vmem>> -> memref<128xf32, #tpu.memory_space<vmem>>
      %dma_wait3A_278 = arith.constant 0 : i32
      %dma_wait3A_279 = tpu.memref_slice %arg12[%dma_wait3A_275, %dma_wait3A_278] : memref<8x128xi32, #tpu.memory_space<vmem>> -> memref<1x128xi32, #tpu.memory_space<vmem>>
      %dma_wait3A_280 = tpu.memref_squeeze %dma_wait3A_279 : memref<1x128xi32, #tpu.memory_space<vmem>> -> memref<128xi32, #tpu.memory_space<vmem>>
      %dma_wait3A_281 = arith.constant 0 : i32
      %dma_wait3A_282 = tpu.memref_slice %arg10[%dma_wait3A_281] : memref<100096xf32, #tpu.memory_space<vmem_shared>> -> memref<100096xf32, #tpu.memory_space<vmem_shared>>
      tpu.wait_indirect_dma semaphore(%arg18 : memref<!tpu.dma_semaphore, #tpu.memory_space<semaphore_mem>>) src(%dma_wait3A_282 : memref<100096xf32, #tpu.memory_space<vmem_shared>>) dst(%dma_wait3A_277 : memref<128xf32, #tpu.memory_space<vmem>>)
      %dma_wait3A_283 = arith.constant 7 : i32
      %dma_wait3A_284 = arith.constant 896 : i32
      %dma_wait3A_285 = tpu.memref_slice %arg14[%dma_wait3A_284] : memref<1024xf32, #tpu.memory_space<vmem>> -> memref<128xf32, #tpu.memory_space<vmem>>
      %dma_wait3A_286 = arith.constant 0 : i32
      %dma_wait3A_287 = tpu.memref_slice %arg12[%dma_wait3A_283, %dma_wait3A_286] : memref<8x128xi32, #tpu.memory_space<vmem>> -> memref<1x128xi32, #tpu.memory_space<vmem>>
      %dma_wait3A_288 = tpu.memref_squeeze %dma_wait3A_287 : memref<1x128xi32, #tpu.memory_space<vmem>> -> memref<128xi32, #tpu.memory_space<vmem>>
      %dma_wait3A_289 = arith.constant 0 : i32
      %dma_wait3A_290 = tpu.memref_slice %arg10[%dma_wait3A_289] : memref<100096xf32, #tpu.memory_space<vmem_shared>> -> memref<100096xf32, #tpu.memory_space<vmem_shared>>
      tpu.wait_indirect_dma semaphore(%arg18 : memref<!tpu.dma_semaphore, #tpu.memory_space<semaphore_mem>>) src(%dma_wait3A_290 : memref<100096xf32, #tpu.memory_space<vmem_shared>>) dst(%dma_wait3A_285 : memref<128xf32, #tpu.memory_space<vmem>>)
      %scan3A_291 = arith.constant 0 : i32
      %scan3A_292 = arith.constant 0 : i32
      %scan3A_293 = arith.constant 64 : i32
      %scan3A_294 = arith.addi %scan3A_292, %scan3A_293 : i32
      %scan3A_295 = arith.constant 1 : i32
      %scan3A_296 = scf.for %scan3A_308 = %scan3A_292 to %scan3A_294 step %scan3A_295 iter_args(%scan3A_309 = %scan3A_291) -> (i32)  : i32 {
        %mul3A_310 = arith.constant 16 : i32
        %mul3A_311 = arith.muli %scan3A_308, %mul3A_310 : i32
        %get3A = arith.index_cast %mul3A_311 : i32 to index
        %get3A_312 = tpu.vector_load %arg13[%get3A] {strides = array<i32>} : memref<1024xf32, #tpu.memory_space<vmem>>, vector<16xf32>,
        %get3A_313 = vector.shape_cast %get3A_312 : vector<16xf32> to vector<16xf32>
        %mul3A_314 = arith.constant 16 : i32
        %mul3A_315 = arith.muli %scan3A_308, %mul3A_314 : i32
        %get3A_316 = arith.index_cast %mul3A_315 : i32 to index
        %get3A_317 = tpu.vector_load %arg14[%get3A_316] {strides = array<i32>} : memref<1024xf32, #tpu.memory_space<vmem>>, vector<16xf32>,
        %get3A_318 = vector.shape_cast %get3A_317 : vector<16xf32> to vector<16xf32>
        %add3A_319 = arith.addf %get3A_313, %get3A_318 : vector<16xf32>
        %lt3A = arith.constant 0.000000e+00 : f32
        %lt3A_320 = vector.broadcast %lt3A : f32 to vector<16xf32>
        %lt3A_321 = arith.cmpf olt, %add3A_319, %lt3A_320 : vector<16xf32>
        %mul3A_322 = arith.constant 2.000000e-01 : f32
        %mul3A_323 = vector.broadcast %mul3A_322 : f32 to vector<16xf32>
        %mul3A_324 = arith.mulf %add3A_319, %mul3A_323 : vector<16xf32>
        %select_n3A = arith.select %lt3A_321, %mul3A_324, %add3A_319 : vector<16xi1>, vector<16xf32>
        %exp3A = math.exp %select_n3A : vector<16xf32>
        %mul3A_325 = arith.constant 16 : i32
        %mul3A_326 = arith.muli %scan3A_308, %mul3A_325 : i32
        %swap3A = arith.index_cast %mul3A_326 : i32 to index
        %swap3A_327 = tpu.vector_load %arg15[%swap3A] {strides = array<i32>} : memref<1024xf32, #tpu.memory_space<vmem>>, vector<16xf32>,
        %swap3A_328 = vector.shape_cast %swap3A_327 : vector<16xf32> to vector<16xf32>
        %swap3A_329 = vector.shape_cast %exp3A : vector<16xf32> to vector<16xf32>
        tpu.vector_store %arg15[%swap3A], %swap3A_329 {strides = array<i32>} : memref<1024xf32, #tpu.memory_space<vmem>>, vector<16xf32>,
        %scan3A_330 = arith.constant 0 : i32
        scf.yield %scan3A_330 : i32
      }
      %scan3A_297 = arith.constant 64 : i32
      %mul3A_298 = arith.constant 128 : i32
      %mul3A_299 = arith.muli %add3A_36, %mul3A_298 : i32
      "tpu.region"() ({
        %run_scoped3A_308 = tpu.sem_alloc : memref<!tpu.dma_semaphore, #tpu.memory_space<semaphore_mem>>
        %dma_start3A_309 = tpu.memref_slice %arg6[%mul3A_299] : memref<1605632xf32, #tpu.memory_space<hbm>> -> memref<1024xf32, #tpu.memory_space<hbm>>
        %dma_start3A_310 = tpu.memref_slice %arg6[%mul3A_299] : memref<1605632xf32, #tpu.memory_space<hbm>> -> memref<1024xf32, #tpu.memory_space<hbm>>
        tpu.enqueue_dma source(%arg15 : memref<1024xf32, #tpu.memory_space<vmem>>) target(%dma_start3A_310 : memref<1024xf32, #tpu.memory_space<hbm>>) target_semaphore(%run_scoped3A_308 : memref<!tpu.dma_semaphore, #tpu.memory_space<semaphore_mem>>)
        %dma_wait3A_311 = tpu.memref_slice %arg6[%mul3A_299] : memref<1605632xf32, #tpu.memory_space<hbm>> -> memref<1024xf32, #tpu.memory_space<hbm>>
        %dma_wait3A_312 = tpu.memref_slice %arg6[%mul3A_299] : memref<1605632xf32, #tpu.memory_space<hbm>> -> memref<1024xf32, #tpu.memory_space<hbm>>
        tpu.wait_dma2 semaphore(%run_scoped3A_308 : memref<!tpu.dma_semaphore, #tpu.memory_space<semaphore_mem>>) src(%arg15 : memref<1024xf32, #tpu.memory_space<vmem>>) dst(%dma_wait3A_312 : memref<1024xf32, #tpu.memory_space<hbm>>)
        tpu.yield
      }) : () -> ()
      %run_scoped3A = arith.constant 0 : i32
      "tpu.region"() ({
        %run_scoped3A_308 = tpu.sem_alloc : memref<!tpu.dma_semaphore, #tpu.memory_space<semaphore_mem>>
        %dma_start3A_309 = arith.constant 0 : i32
        %dma_start3A_310 = tpu.memref_slice %arg15[%dma_start3A_309] : memref<1024xf32, #tpu.memory_space<vmem>> -> memref<128xf32, #tpu.memory_space<vmem>>
        %dma_start3A_311 = arith.constant 0 : i32
        %dma_start3A_312 = tpu.memref_slice %arg12[%run_scoped3A, %dma_start3A_311] : memref<8x128xi32, #tpu.memory_space<vmem>> -> memref<1x128xi32, #tpu.memory_space<vmem>>
        %dma_start3A_313 = tpu.memref_squeeze %dma_start3A_312 : memref<1x128xi32, #tpu.memory_space<vmem>> -> memref<128xi32, #tpu.memory_space<vmem>>
        %dma_start3A_314 = arith.constant 0 : i32
        %dma_start3A_315 = tpu.memref_slice %arg8[%dma_start3A_314] : memref<100096xf32, #tpu.memory_space<vmem_shared>> -> memref<100096xf32, #tpu.memory_space<vmem_shared>>
        tpu.enqueue_indirect_dma source(%dma_start3A_310 : memref<128xf32, #tpu.memory_space<vmem>>) target(%dma_start3A_315 : memref<100096xf32, #tpu.memory_space<vmem_shared>>) offsets(%dma_start3A_313 : memref<128xi32, #tpu.memory_space<vmem>>) semaphore(%run_scoped3A_308 : memref<!tpu.dma_semaphore, #tpu.memory_space<semaphore_mem>>) {add = true}
        %dma_wait3A_316 = arith.constant 0 : i32
        %dma_wait3A_317 = tpu.memref_slice %arg15[%dma_wait3A_316] : memref<1024xf32, #tpu.memory_space<vmem>> -> memref<128xf32, #tpu.memory_space<vmem>>
        %dma_wait3A_318 = arith.constant 0 : i32
        %dma_wait3A_319 = tpu.memref_slice %arg12[%run_scoped3A, %dma_wait3A_318] : memref<8x128xi32, #tpu.memory_space<vmem>> -> memref<1x128xi32, #tpu.memory_space<vmem>>
        %dma_wait3A_320 = tpu.memref_squeeze %dma_wait3A_319 : memref<1x128xi32, #tpu.memory_space<vmem>> -> memref<128xi32, #tpu.memory_space<vmem>>
        %dma_wait3A_321 = arith.constant 0 : i32
        %dma_wait3A_322 = tpu.memref_slice %arg8[%dma_wait3A_321] : memref<100096xf32, #tpu.memory_space<vmem_shared>> -> memref<100096xf32, #tpu.memory_space<vmem_shared>>
        tpu.wait_indirect_dma semaphore(%run_scoped3A_308 : memref<!tpu.dma_semaphore, #tpu.memory_space<semaphore_mem>>) src(%dma_wait3A_317 : memref<128xf32, #tpu.memory_space<vmem>>) dst(%dma_wait3A_322 : memref<100096xf32, #tpu.memory_space<vmem_shared>>)
        tpu.yield
      }) : () -> ()
      %run_scoped3A_300 = arith.constant 1 : i32
      "tpu.region"() ({
        %run_scoped3A_308 = tpu.sem_alloc : memref<!tpu.dma_semaphore, #tpu.memory_space<semaphore_mem>>
        %dma_start3A_309 = arith.constant 128 : i32
        %dma_start3A_310 = tpu.memref_slice %arg15[%dma_start3A_309] : memref<1024xf32, #tpu.memory_space<vmem>> -> memref<128xf32, #tpu.memory_space<vmem>>
        %dma_start3A_311 = arith.constant 0 : i32
        %dma_start3A_312 = tpu.memref_slice %arg12[%run_scoped3A_300, %dma_start3A_311] : memref<8x128xi32, #tpu.memory_space<vmem>> -> memref<1x128xi32, #tpu.memory_space<vmem>>
        %dma_start3A_313 = tpu.memref_squeeze %dma_start3A_312 : memref<1x128xi32, #tpu.memory_space<vmem>> -> memref<128xi32, #tpu.memory_space<vmem>>
        %dma_start3A_314 = arith.constant 0 : i32
        %dma_start3A_315 = tpu.memref_slice %arg8[%dma_start3A_314] : memref<100096xf32, #tpu.memory_space<vmem_shared>> -> memref<100096xf32, #tpu.memory_space<vmem_shared>>
        tpu.enqueue_indirect_dma source(%dma_start3A_310 : memref<128xf32, #tpu.memory_space<vmem>>) target(%dma_start3A_315 : memref<100096xf32, #tpu.memory_space<vmem_shared>>) offsets(%dma_start3A_313 : memref<128xi32, #tpu.memory_space<vmem>>) semaphore(%run_scoped3A_308 : memref<!tpu.dma_semaphore, #tpu.memory_space<semaphore_mem>>) {add = true}
        %dma_wait3A_316 = arith.constant 128 : i32
        %dma_wait3A_317 = tpu.memref_slice %arg15[%dma_wait3A_316] : memref<1024xf32, #tpu.memory_space<vmem>> -> memref<128xf32, #tpu.memory_space<vmem>>
        %dma_wait3A_318 = arith.constant 0 : i32
        %dma_wait3A_319 = tpu.memref_slice %arg12[%run_scoped3A_300, %dma_wait3A_318] : memref<8x128xi32, #tpu.memory_space<vmem>> -> memref<1x128xi32, #tpu.memory_space<vmem>>
        %dma_wait3A_320 = tpu.memref_squeeze %dma_wait3A_319 : memref<1x128xi32, #tpu.memory_space<vmem>> -> memref<128xi32, #tpu.memory_space<vmem>>
        %dma_wait3A_321 = arith.constant 0 : i32
        %dma_wait3A_322 = tpu.memref_slice %arg8[%dma_wait3A_321] : memref<100096xf32, #tpu.memory_space<vmem_shared>> -> memref<100096xf32, #tpu.memory_space<vmem_shared>>
        tpu.wait_indirect_dma semaphore(%run_scoped3A_308 : memref<!tpu.dma_semaphore, #tpu.memory_space<semaphore_mem>>) src(%dma_wait3A_317 : memref<128xf32, #tpu.memory_space<vmem>>) dst(%dma_wait3A_322 : memref<100096xf32, #tpu.memory_space<vmem_shared>>)
        tpu.yield
      }) : () -> ()
      %run_scoped3A_301 = arith.constant 2 : i32
      "tpu.region"() ({
        %run_scoped3A_308 = tpu.sem_alloc : memref<!tpu.dma_semaphore, #tpu.memory_space<semaphore_mem>>
        %dma_start3A_309 = arith.constant 256 : i32
        %dma_start3A_310 = tpu.memref_slice %arg15[%dma_start3A_309] : memref<1024xf32, #tpu.memory_space<vmem>> -> memref<128xf32, #tpu.memory_space<vmem>>
        %dma_start3A_311 = arith.constant 0 : i32
        %dma_start3A_312 = tpu.memref_slice %arg12[%run_scoped3A_301, %dma_start3A_311] : memref<8x128xi32, #tpu.memory_space<vmem>> -> memref<1x128xi32, #tpu.memory_space<vmem>>
        %dma_start3A_313 = tpu.memref_squeeze %dma_start3A_312 : memref<1x128xi32, #tpu.memory_space<vmem>> -> memref<128xi32, #tpu.memory_space<vmem>>
        %dma_start3A_314 = arith.constant 0 : i32
        %dma_start3A_315 = tpu.memref_slice %arg8[%dma_start3A_314] : memref<100096xf32, #tpu.memory_space<vmem_shared>> -> memref<100096xf32, #tpu.memory_space<vmem_shared>>
        tpu.enqueue_indirect_dma source(%dma_start3A_310 : memref<128xf32, #tpu.memory_space<vmem>>) target(%dma_start3A_315 : memref<100096xf32, #tpu.memory_space<vmem_shared>>) offsets(%dma_start3A_313 : memref<128xi32, #tpu.memory_space<vmem>>) semaphore(%run_scoped3A_308 : memref<!tpu.dma_semaphore, #tpu.memory_space<semaphore_mem>>) {add = true}
        %dma_wait3A_316 = arith.constant 256 : i32
        %dma_wait3A_317 = tpu.memref_slice %arg15[%dma_wait3A_316] : memref<1024xf32, #tpu.memory_space<vmem>> -> memref<128xf32, #tpu.memory_space<vmem>>
        %dma_wait3A_318 = arith.constant 0 : i32
        %dma_wait3A_319 = tpu.memref_slice %arg12[%run_scoped3A_301, %dma_wait3A_318] : memref<8x128xi32, #tpu.memory_space<vmem>> -> memref<1x128xi32, #tpu.memory_space<vmem>>
        %dma_wait3A_320 = tpu.memref_squeeze %dma_wait3A_319 : memref<1x128xi32, #tpu.memory_space<vmem>> -> memref<128xi32, #tpu.memory_space<vmem>>
        %dma_wait3A_321 = arith.constant 0 : i32
        %dma_wait3A_322 = tpu.memref_slice %arg8[%dma_wait3A_321] : memref<100096xf32, #tpu.memory_space<vmem_shared>> -> memref<100096xf32, #tpu.memory_space<vmem_shared>>
        tpu.wait_indirect_dma semaphore(%run_scoped3A_308 : memref<!tpu.dma_semaphore, #tpu.memory_space<semaphore_mem>>) src(%dma_wait3A_317 : memref<128xf32, #tpu.memory_space<vmem>>) dst(%dma_wait3A_322 : memref<100096xf32, #tpu.memory_space<vmem_shared>>)
        tpu.yield
      }) : () -> ()
      %run_scoped3A_302 = arith.constant 3 : i32
      "tpu.region"() ({
        %run_scoped3A_308 = tpu.sem_alloc : memref<!tpu.dma_semaphore, #tpu.memory_space<semaphore_mem>>
        %dma_start3A_309 = arith.constant 384 : i32
        %dma_start3A_310 = tpu.memref_slice %arg15[%dma_start3A_309] : memref<1024xf32, #tpu.memory_space<vmem>> -> memref<128xf32, #tpu.memory_space<vmem>>
        %dma_start3A_311 = arith.constant 0 : i32
        %dma_start3A_312 = tpu.memref_slice %arg12[%run_scoped3A_302, %dma_start3A_311] : memref<8x128xi32, #tpu.memory_space<vmem>> -> memref<1x128xi32, #tpu.memory_space<vmem>>
        %dma_start3A_313 = tpu.memref_squeeze %dma_start3A_312 : memref<1x128xi32, #tpu.memory_space<vmem>> -> memref<128xi32, #tpu.memory_space<vmem>>
        %dma_start3A_314 = arith.constant 0 : i32
        %dma_start3A_315 = tpu.memref_slice %arg8[%dma_start3A_314] : memref<100096xf32, #tpu.memory_space<vmem_shared>> -> memref<100096xf32, #tpu.memory_space<vmem_shared>>
        tpu.enqueue_indirect_dma source(%dma_start3A_310 : memref<128xf32, #tpu.memory_space<vmem>>) target(%dma_start3A_315 : memref<100096xf32, #tpu.memory_space<vmem_shared>>) offsets(%dma_start3A_313 : memref<128xi32, #tpu.memory_space<vmem>>) semaphore(%run_scoped3A_308 : memref<!tpu.dma_semaphore, #tpu.memory_space<semaphore_mem>>) {add = true}
        %dma_wait3A_316 = arith.constant 384 : i32
        %dma_wait3A_317 = tpu.memref_slice %arg15[%dma_wait3A_316] : memref<1024xf32, #tpu.memory_space<vmem>> -> memref<128xf32, #tpu.memory_space<vmem>>
        %dma_wait3A_318 = arith.constant 0 : i32
        %dma_wait3A_319 = tpu.memref_slice %arg12[%run_scoped3A_302, %dma_wait3A_318] : memref<8x128xi32, #tpu.memory_space<vmem>> -> memref<1x128xi32, #tpu.memory_space<vmem>>
        %dma_wait3A_320 = tpu.memref_squeeze %dma_wait3A_319 : memref<1x128xi32, #tpu.memory_space<vmem>> -> memref<128xi32, #tpu.memory_space<vmem>>
        %dma_wait3A_321 = arith.constant 0 : i32
        %dma_wait3A_322 = tpu.memref_slice %arg8[%dma_wait3A_321] : memref<100096xf32, #tpu.memory_space<vmem_shared>> -> memref<100096xf32, #tpu.memory_space<vmem_shared>>
        tpu.wait_indirect_dma semaphore(%run_scoped3A_308 : memref<!tpu.dma_semaphore, #tpu.memory_space<semaphore_mem>>) src(%dma_wait3A_317 : memref<128xf32, #tpu.memory_space<vmem>>) dst(%dma_wait3A_322 : memref<100096xf32, #tpu.memory_space<vmem_shared>>)
        tpu.yield
      }) : () -> ()
      %run_scoped3A_303 = arith.constant 4 : i32
      "tpu.region"() ({
        %run_scoped3A_308 = tpu.sem_alloc : memref<!tpu.dma_semaphore, #tpu.memory_space<semaphore_mem>>
        %dma_start3A_309 = arith.constant 512 : i32
        %dma_start3A_310 = tpu.memref_slice %arg15[%dma_start3A_309] : memref<1024xf32, #tpu.memory_space<vmem>> -> memref<128xf32, #tpu.memory_space<vmem>>
        %dma_start3A_311 = arith.constant 0 : i32
        %dma_start3A_312 = tpu.memref_slice %arg12[%run_scoped3A_303, %dma_start3A_311] : memref<8x128xi32, #tpu.memory_space<vmem>> -> memref<1x128xi32, #tpu.memory_space<vmem>>
        %dma_start3A_313 = tpu.memref_squeeze %dma_start3A_312 : memref<1x128xi32, #tpu.memory_space<vmem>> -> memref<128xi32, #tpu.memory_space<vmem>>
        %dma_start3A_314 = arith.constant 0 : i32
        %dma_start3A_315 = tpu.memref_slice %arg8[%dma_start3A_314] : memref<100096xf32, #tpu.memory_space<vmem_shared>> -> memref<100096xf32, #tpu.memory_space<vmem_shared>>
        tpu.enqueue_indirect_dma source(%dma_start3A_310 : memref<128xf32, #tpu.memory_space<vmem>>) target(%dma_start3A_315 : memref<100096xf32, #tpu.memory_space<vmem_shared>>) offsets(%dma_start3A_313 : memref<128xi32, #tpu.memory_space<vmem>>) semaphore(%run_scoped3A_308 : memref<!tpu.dma_semaphore, #tpu.memory_space<semaphore_mem>>) {add = true}
        %dma_wait3A_316 = arith.constant 512 : i32
        %dma_wait3A_317 = tpu.memref_slice %arg15[%dma_wait3A_316] : memref<1024xf32, #tpu.memory_space<vmem>> -> memref<128xf32, #tpu.memory_space<vmem>>
        %dma_wait3A_318 = arith.constant 0 : i32
        %dma_wait3A_319 = tpu.memref_slice %arg12[%run_scoped3A_303, %dma_wait3A_318] : memref<8x128xi32, #tpu.memory_space<vmem>> -> memref<1x128xi32, #tpu.memory_space<vmem>>
        %dma_wait3A_320 = tpu.memref_squeeze %dma_wait3A_319 : memref<1x128xi32, #tpu.memory_space<vmem>> -> memref<128xi32, #tpu.memory_space<vmem>>
        %dma_wait3A_321 = arith.constant 0 : i32
        %dma_wait3A_322 = tpu.memref_slice %arg8[%dma_wait3A_321] : memref<100096xf32, #tpu.memory_space<vmem_shared>> -> memref<100096xf32, #tpu.memory_space<vmem_shared>>
        tpu.wait_indirect_dma semaphore(%run_scoped3A_308 : memref<!tpu.dma_semaphore, #tpu.memory_space<semaphore_mem>>) src(%dma_wait3A_317 : memref<128xf32, #tpu.memory_space<vmem>>) dst(%dma_wait3A_322 : memref<100096xf32, #tpu.memory_space<vmem_shared>>)
        tpu.yield
      }) : () -> ()
      %run_scoped3A_304 = arith.constant 5 : i32
      "tpu.region"() ({
        %run_scoped3A_308 = tpu.sem_alloc : memref<!tpu.dma_semaphore, #tpu.memory_space<semaphore_mem>>
        %dma_start3A_309 = arith.constant 640 : i32
        %dma_start3A_310 = tpu.memref_slice %arg15[%dma_start3A_309] : memref<1024xf32, #tpu.memory_space<vmem>> -> memref<128xf32, #tpu.memory_space<vmem>>
        %dma_start3A_311 = arith.constant 0 : i32
        %dma_start3A_312 = tpu.memref_slice %arg12[%run_scoped3A_304, %dma_start3A_311] : memref<8x128xi32, #tpu.memory_space<vmem>> -> memref<1x128xi32, #tpu.memory_space<vmem>>
        %dma_start3A_313 = tpu.memref_squeeze %dma_start3A_312 : memref<1x128xi32, #tpu.memory_space<vmem>> -> memref<128xi32, #tpu.memory_space<vmem>>
        %dma_start3A_314 = arith.constant 0 : i32
        %dma_start3A_315 = tpu.memref_slice %arg8[%dma_start3A_314] : memref<100096xf32, #tpu.memory_space<vmem_shared>> -> memref<100096xf32, #tpu.memory_space<vmem_shared>>
        tpu.enqueue_indirect_dma source(%dma_start3A_310 : memref<128xf32, #tpu.memory_space<vmem>>) target(%dma_start3A_315 : memref<100096xf32, #tpu.memory_space<vmem_shared>>) offsets(%dma_start3A_313 : memref<128xi32, #tpu.memory_space<vmem>>) semaphore(%run_scoped3A_308 : memref<!tpu.dma_semaphore, #tpu.memory_space<semaphore_mem>>) {add = true}
        %dma_wait3A_316 = arith.constant 640 : i32
        %dma_wait3A_317 = tpu.memref_slice %arg15[%dma_wait3A_316] : memref<1024xf32, #tpu.memory_space<vmem>> -> memref<128xf32, #tpu.memory_space<vmem>>
        %dma_wait3A_318 = arith.constant 0 : i32
        %dma_wait3A_319 = tpu.memref_slice %arg12[%run_scoped3A_304, %dma_wait3A_318] : memref<8x128xi32, #tpu.memory_space<vmem>> -> memref<1x128xi32, #tpu.memory_space<vmem>>
        %dma_wait3A_320 = tpu.memref_squeeze %dma_wait3A_319 : memref<1x128xi32, #tpu.memory_space<vmem>> -> memref<128xi32, #tpu.memory_space<vmem>>
        %dma_wait3A_321 = arith.constant 0 : i32
        %dma_wait3A_322 = tpu.memref_slice %arg8[%dma_wait3A_321] : memref<100096xf32, #tpu.memory_space<vmem_shared>> -> memref<100096xf32, #tpu.memory_space<vmem_shared>>
        tpu.wait_indirect_dma semaphore(%run_scoped3A_308 : memref<!tpu.dma_semaphore, #tpu.memory_space<semaphore_mem>>) src(%dma_wait3A_317 : memref<128xf32, #tpu.memory_space<vmem>>) dst(%dma_wait3A_322 : memref<100096xf32, #tpu.memory_space<vmem_shared>>)
        tpu.yield
      }) : () -> ()
      %run_scoped3A_305 = arith.constant 6 : i32
      "tpu.region"() ({
        %run_scoped3A_308 = tpu.sem_alloc : memref<!tpu.dma_semaphore, #tpu.memory_space<semaphore_mem>>
        %dma_start3A_309 = arith.constant 768 : i32
        %dma_start3A_310 = tpu.memref_slice %arg15[%dma_start3A_309] : memref<1024xf32, #tpu.memory_space<vmem>> -> memref<128xf32, #tpu.memory_space<vmem>>
        %dma_start3A_311 = arith.constant 0 : i32
        %dma_start3A_312 = tpu.memref_slice %arg12[%run_scoped3A_305, %dma_start3A_311] : memref<8x128xi32, #tpu.memory_space<vmem>> -> memref<1x128xi32, #tpu.memory_space<vmem>>
        %dma_start3A_313 = tpu.memref_squeeze %dma_start3A_312 : memref<1x128xi32, #tpu.memory_space<vmem>> -> memref<128xi32, #tpu.memory_space<vmem>>
        %dma_start3A_314 = arith.constant 0 : i32
        %dma_start3A_315 = tpu.memref_slice %arg8[%dma_start3A_314] : memref<100096xf32, #tpu.memory_space<vmem_shared>> -> memref<100096xf32, #tpu.memory_space<vmem_shared>>
        tpu.enqueue_indirect_dma source(%dma_start3A_310 : memref<128xf32, #tpu.memory_space<vmem>>) target(%dma_start3A_315 : memref<100096xf32, #tpu.memory_space<vmem_shared>>) offsets(%dma_start3A_313 : memref<128xi32, #tpu.memory_space<vmem>>) semaphore(%run_scoped3A_308 : memref<!tpu.dma_semaphore, #tpu.memory_space<semaphore_mem>>) {add = true}
        %dma_wait3A_316 = arith.constant 768 : i32
        %dma_wait3A_317 = tpu.memref_slice %arg15[%dma_wait3A_316] : memref<1024xf32, #tpu.memory_space<vmem>> -> memref<128xf32, #tpu.memory_space<vmem>>
        %dma_wait3A_318 = arith.constant 0 : i32
        %dma_wait3A_319 = tpu.memref_slice %arg12[%run_scoped3A_305, %dma_wait3A_318] : memref<8x128xi32, #tpu.memory_space<vmem>> -> memref<1x128xi32, #tpu.memory_space<vmem>>
        %dma_wait3A_320 = tpu.memref_squeeze %dma_wait3A_319 : memref<1x128xi32, #tpu.memory_space<vmem>> -> memref<128xi32, #tpu.memory_space<vmem>>
        %dma_wait3A_321 = arith.constant 0 : i32
        %dma_wait3A_322 = tpu.memref_slice %arg8[%dma_wait3A_321] : memref<100096xf32, #tpu.memory_space<vmem_shared>> -> memref<100096xf32, #tpu.memory_space<vmem_shared>>
        tpu.wait_indirect_dma semaphore(%run_scoped3A_308 : memref<!tpu.dma_semaphore, #tpu.memory_space<semaphore_mem>>) src(%dma_wait3A_317 : memref<128xf32, #tpu.memory_space<vmem>>) dst(%dma_wait3A_322 : memref<100096xf32, #tpu.memory_space<vmem_shared>>)
        tpu.yield
      }) : () -> ()
      %run_scoped3A_306 = arith.constant 7 : i32
      "tpu.region"() ({
        %run_scoped3A_308 = tpu.sem_alloc : memref<!tpu.dma_semaphore, #tpu.memory_space<semaphore_mem>>
        %dma_start3A_309 = arith.constant 896 : i32
        %dma_start3A_310 = tpu.memref_slice %arg15[%dma_start3A_309] : memref<1024xf32, #tpu.memory_space<vmem>> -> memref<128xf32, #tpu.memory_space<vmem>>
        %dma_start3A_311 = arith.constant 0 : i32
        %dma_start3A_312 = tpu.memref_slice %arg12[%run_scoped3A_306, %dma_start3A_311] : memref<8x128xi32, #tpu.memory_space<vmem>> -> memref<1x128xi32, #tpu.memory_space<vmem>>
        %dma_start3A_313 = tpu.memref_squeeze %dma_start3A_312 : memref<1x128xi32, #tpu.memory_space<vmem>> -> memref<128xi32, #tpu.memory_space<vmem>>
        %dma_start3A_314 = arith.constant 0 : i32
        %dma_start3A_315 = tpu.memref_slice %arg8[%dma_start3A_314] : memref<100096xf32, #tpu.memory_space<vmem_shared>> -> memref<100096xf32, #tpu.memory_space<vmem_shared>>
        tpu.enqueue_indirect_dma source(%dma_start3A_310 : memref<128xf32, #tpu.memory_space<vmem>>) target(%dma_start3A_315 : memref<100096xf32, #tpu.memory_space<vmem_shared>>) offsets(%dma_start3A_313 : memref<128xi32, #tpu.memory_space<vmem>>) semaphore(%run_scoped3A_308 : memref<!tpu.dma_semaphore, #tpu.memory_space<semaphore_mem>>) {add = true}
        %dma_wait3A_316 = arith.constant 896 : i32
        %dma_wait3A_317 = tpu.memref_slice %arg15[%dma_wait3A_316] : memref<1024xf32, #tpu.memory_space<vmem>> -> memref<128xf32, #tpu.memory_space<vmem>>
        %dma_wait3A_318 = arith.constant 0 : i32
        %dma_wait3A_319 = tpu.memref_slice %arg12[%run_scoped3A_306, %dma_wait3A_318] : memref<8x128xi32, #tpu.memory_space<vmem>> -> memref<1x128xi32, #tpu.memory_space<vmem>>
        %dma_wait3A_320 = tpu.memref_squeeze %dma_wait3A_319 : memref<1x128xi32, #tpu.memory_space<vmem>> -> memref<128xi32, #tpu.memory_space<vmem>>
        %dma_wait3A_321 = arith.constant 0 : i32
        %dma_wait3A_322 = tpu.memref_slice %arg8[%dma_wait3A_321] : memref<100096xf32, #tpu.memory_space<vmem_shared>> -> memref<100096xf32, #tpu.memory_space<vmem_shared>>
        tpu.wait_indirect_dma semaphore(%run_scoped3A_308 : memref<!tpu.dma_semaphore, #tpu.memory_space<semaphore_mem>>) src(%dma_wait3A_317 : memref<128xf32, #tpu.memory_space<vmem>>) dst(%dma_wait3A_322 : memref<100096xf32, #tpu.memory_space<vmem_shared>>)
        tpu.yield
      }) : () -> ()
      %scan3A_307 = arith.constant 0 : i32
      scf.yield %scan3A_307 : i32
    }
    %scan3A_21 = arith.constant 49 : i32
    %barrier3A_22 = arith.constant 0 : index
    tpu.barrier barrier_id(%barrier3A_22)
    %mul3A_23 = arith.constant 6256 : i32
    %mul3A_24 = arith.muli %arg1, %mul3A_23 : i32
    %min3A_25 = arith.constant 93744 : i32
    %min3A_26 = arith.minsi %mul3A_24, %min3A_25 : i32
    "tpu.region"() ({
      %run_scoped3A = tpu.sem_alloc : memref<!tpu.dma_semaphore, #tpu.memory_space<semaphore_mem>>
      %dma_start3A = tpu.memref_slice %arg8[%min3A_26] : memref<100096xf32, #tpu.memory_space<vmem_shared>> -> memref<6256xf32, #tpu.memory_space<vmem_shared>>
      %dma_start3A_30 = tpu.memref_slice %arg8[%min3A_26] : memref<100096xf32, #tpu.memory_space<vmem_shared>> -> memref<6256xf32, #tpu.memory_space<vmem_shared>>
      tpu.enqueue_dma source(%dma_start3A_30 : memref<6256xf32, #tpu.memory_space<vmem_shared>>) target(%arg17 : memref<6256xf32, #tpu.memory_space<vmem>>) target_semaphore(%run_scoped3A : memref<!tpu.dma_semaphore, #tpu.memory_space<semaphore_mem>>)
      %dma_wait3A = tpu.memref_slice %arg8[%min3A_26] : memref<100096xf32, #tpu.memory_space<vmem_shared>> -> memref<6256xf32, #tpu.memory_space<vmem_shared>>
      %dma_wait3A_31 = tpu.memref_slice %arg8[%min3A_26] : memref<100096xf32, #tpu.memory_space<vmem_shared>> -> memref<6256xf32, #tpu.memory_space<vmem_shared>>
      tpu.wait_dma2 semaphore(%run_scoped3A : memref<!tpu.dma_semaphore, #tpu.memory_space<semaphore_mem>>) src(%dma_wait3A_31 : memref<6256xf32, #tpu.memory_space<vmem_shared>>) dst(%arg17 : memref<6256xf32, #tpu.memory_space<vmem>>)
      tpu.yield
    }) : () -> ()
    %mul3A_27 = arith.constant 100000 : i32
    %mul3A_28 = arith.muli %arg0, %mul3A_27 : i32
    %add3A_29 = arith.addi %mul3A_28, %min3A_26 : i32
    "tpu.region"() ({
      %run_scoped3A = tpu.sem_alloc : memref<!tpu.dma_semaphore, #tpu.memory_space<semaphore_mem>>
      %dma_start3A = tpu.memref_slice %arg7[%add3A_29] : memref<200000xf32, #tpu.memory_space<hbm>> -> memref<6256xf32, #tpu.memory_space<hbm>>
      %dma_start3A_30 = tpu.memref_slice %arg7[%add3A_29] : memref<200000xf32, #tpu.memory_space<hbm>> -> memref<6256xf32, #tpu.memory_space<hbm>>
      tpu.enqueue_dma source(%arg17 : memref<6256xf32, #tpu.memory_space<vmem>>) target(%dma_start3A_30 : memref<6256xf32, #tpu.memory_space<hbm>>) target_semaphore(%run_scoped3A : memref<!tpu.dma_semaphore, #tpu.memory_space<semaphore_mem>>)
      %dma_wait3A = tpu.memref_slice %arg7[%add3A_29] : memref<200000xf32, #tpu.memory_space<hbm>> -> memref<6256xf32, #tpu.memory_space<hbm>>
      %dma_wait3A_31 = tpu.memref_slice %arg7[%add3A_29] : memref<200000xf32, #tpu.memory_space<hbm>> -> memref<6256xf32, #tpu.memory_space<hbm>>
      tpu.wait_dma2 semaphore(%run_scoped3A : memref<!tpu.dma_semaphore, #tpu.memory_space<semaphore_mem>>) src(%arg17 : memref<6256xf32, #tpu.memory_space<vmem>>) dst(%dma_wait3A_31 : memref<6256xf32, #tpu.memory_space<hbm>>)
      tpu.yield
    }) : () -> ()
    return
  }
}

#map = affine_map<(d0, d1) -> (0, 0)>
#map1 = affine_map<(d0, d1) -> (0)>
module attributes {stable_mosaic.version = 14 : i64} {
  func.func @k(%arg0: i32, %arg1: i32, %arg2: memref<12544x128xi32, #tpu.memory_space<hbm>>, %arg3: memref<12544x128xi32, #tpu.memory_space<hbm>>, %arg4: memref<1605632xf32, #tpu.memory_space<hbm>>, %arg5: memref<200000x16xf32, #tpu.memory_space<hbm>>, %arg6: memref<200000x16xf32, #tpu.memory_space<hbm>>, %arg7: memref<100096x16xf32, #tpu.memory_space<vmem_shared>>, %arg8: memref<8x128xi32, #tpu.memory_space<vmem>>, %arg9: memref<8x128xi32, #tpu.memory_space<vmem>>, %arg10: memref<8x128xi32, #tpu.memory_space<vmem>>, %arg11: memref<1024xf32, #tpu.memory_space<vmem>>, %arg12: memref<1024x16xf32, #tpu.memory_space<vmem>>, %arg13: memref<368x16xf32, #tpu.memory_space<vmem>>, %arg14: memref<!tpu.dma_semaphore, #tpu.memory_space<semaphore_mem>>) attributes {dimension_semantics = [#tpu.dimension_semantics<core_parallel>, #tpu.dimension_semantics<subcore_parallel>], iteration_bounds = array<i64: 2, 16>, scalar_prefetch = 0 : i64, scratch_operands = 8 : i64, tpu.core_type = #tpu.core_type<sc_vector_subcore>, window_params = [{transform_indices = #map}, {transform_indices = #map}, {transform_indices = #map1}, {transform_indices = #map}, {transform_indices = #map}]} {
    %broadcast_in_dim3A = arith.constant 0.000000e+00 : f32
    %broadcast_in_dim3A_0 = vector.broadcast %broadcast_in_dim3A : f32 to vector<16xf32>
    %scan3A = arith.constant 0 : i32
    %scan3A_1 = arith.constant 0 : i32
    %scan3A_2 = arith.constant 368 : i32
    %scan3A_3 = arith.addi %scan3A_1, %scan3A_2 : i32
    %scan3A_4 = arith.constant 1 : i32
    %scan3A_5 = scf.for %scan3A_171 = %scan3A_1 to %scan3A_3 step %scan3A_4 iter_args(%scan3A_172 = %scan3A) -> (i32)  : i32 {
      %swap3A = arith.index_cast %scan3A_171 : i32 to index
      %swap3A_173 = arith.constant 0 : index
      %swap3A_174 = tpu.vector_load %arg13[%swap3A, %swap3A_173] {strides = array<i32>} : memref<368x16xf32, #tpu.memory_space<vmem>>, vector<1x16xf32>,
      %swap3A_175 = vector.shape_cast %swap3A_174 : vector<1x16xf32> to vector<16xf32>
      %swap3A_176 = vector.shape_cast %broadcast_in_dim3A_0 : vector<16xf32> to vector<1x16xf32>
      tpu.vector_store %arg13[%swap3A, %swap3A_173], %swap3A_176 {strides = array<i32>} : memref<368x16xf32, #tpu.memory_space<vmem>>, vector<1x16xf32>,
      %scan3A_177 = arith.constant 0 : i32
      scf.yield %scan3A_177 : i32
    }
    %scan3A_6 = arith.constant 368 : i32
    %mul3A = arith.constant 6256 : i32
    %mul3A_7 = arith.muli %arg1, %mul3A : i32
    %add3A = arith.constant 0 : i32
    %add3A_8 = arith.addi %mul3A_7, %add3A : i32
    "tpu.region"() ({
      %run_scoped3A = tpu.sem_alloc : memref<!tpu.dma_semaphore, #tpu.memory_space<semaphore_mem>>
      %dma_start3A = arith.constant 0 : i32
      %dma_start3A_171 = tpu.memref_slice %arg7[%add3A_8, %dma_start3A] : memref<100096x16xf32, #tpu.memory_space<vmem_shared>> -> memref<368x16xf32, #tpu.memory_space<vmem_shared>>
      %dma_start3A_172 = arith.constant 0 : i32
      %dma_start3A_173 = tpu.memref_slice %arg7[%add3A_8, %dma_start3A_172] : memref<100096x16xf32, #tpu.memory_space<vmem_shared>> -> memref<368x16xf32, #tpu.memory_space<vmem_shared>>
      tpu.enqueue_dma source(%arg13 : memref<368x16xf32, #tpu.memory_space<vmem>>) target(%dma_start3A_173 : memref<368x16xf32, #tpu.memory_space<vmem_shared>>) target_semaphore(%run_scoped3A : memref<!tpu.dma_semaphore, #tpu.memory_space<semaphore_mem>>)
      %dma_wait3A = arith.constant 0 : i32
      %dma_wait3A_174 = tpu.memref_slice %arg7[%add3A_8, %dma_wait3A] : memref<100096x16xf32, #tpu.memory_space<vmem_shared>> -> memref<368x16xf32, #tpu.memory_space<vmem_shared>>
      %dma_wait3A_175 = arith.constant 0 : i32
      %dma_wait3A_176 = tpu.memref_slice %arg7[%add3A_8, %dma_wait3A_175] : memref<100096x16xf32, #tpu.memory_space<vmem_shared>> -> memref<368x16xf32, #tpu.memory_space<vmem_shared>>
      tpu.wait_dma2 semaphore(%run_scoped3A : memref<!tpu.dma_semaphore, #tpu.memory_space<semaphore_mem>>) src(%arg13 : memref<368x16xf32, #tpu.memory_space<vmem>>) dst(%dma_wait3A_176 : memref<368x16xf32, #tpu.memory_space<vmem_shared>>)
      tpu.yield
    }) : () -> ()
    %add3A_9 = arith.constant 368 : i32
    %add3A_10 = arith.addi %mul3A_7, %add3A_9 : i32
    "tpu.region"() ({
      %run_scoped3A = tpu.sem_alloc : memref<!tpu.dma_semaphore, #tpu.memory_space<semaphore_mem>>
      %dma_start3A = arith.constant 0 : i32
      %dma_start3A_171 = tpu.memref_slice %arg7[%add3A_10, %dma_start3A] : memref<100096x16xf32, #tpu.memory_space<vmem_shared>> -> memref<368x16xf32, #tpu.memory_space<vmem_shared>>
      %dma_start3A_172 = arith.constant 0 : i32
      %dma_start3A_173 = tpu.memref_slice %arg7[%add3A_10, %dma_start3A_172] : memref<100096x16xf32, #tpu.memory_space<vmem_shared>> -> memref<368x16xf32, #tpu.memory_space<vmem_shared>>
      tpu.enqueue_dma source(%arg13 : memref<368x16xf32, #tpu.memory_space<vmem>>) target(%dma_start3A_173 : memref<368x16xf32, #tpu.memory_space<vmem_shared>>) target_semaphore(%run_scoped3A : memref<!tpu.dma_semaphore, #tpu.memory_space<semaphore_mem>>)
      %dma_wait3A = arith.constant 0 : i32
      %dma_wait3A_174 = tpu.memref_slice %arg7[%add3A_10, %dma_wait3A] : memref<100096x16xf32, #tpu.memory_space<vmem_shared>> -> memref<368x16xf32, #tpu.memory_space<vmem_shared>>
      %dma_wait3A_175 = arith.constant 0 : i32
      %dma_wait3A_176 = tpu.memref_slice %arg7[%add3A_10, %dma_wait3A_175] : memref<100096x16xf32, #tpu.memory_space<vmem_shared>> -> memref<368x16xf32, #tpu.memory_space<vmem_shared>>
      tpu.wait_dma2 semaphore(%run_scoped3A : memref<!tpu.dma_semaphore, #tpu.memory_space<semaphore_mem>>) src(%arg13 : memref<368x16xf32, #tpu.memory_space<vmem>>) dst(%dma_wait3A_176 : memref<368x16xf32, #tpu.memory_space<vmem_shared>>)
      tpu.yield
    }) : () -> ()
    %add3A_11 = arith.constant 736 : i32
    %add3A_12 = arith.addi %mul3A_7, %add3A_11 : i32
    "tpu.region"() ({
      %run_scoped3A = tpu.sem_alloc : memref<!tpu.dma_semaphore, #tpu.memory_space<semaphore_mem>>
      %dma_start3A = arith.constant 0 : i32
      %dma_start3A_171 = tpu.memref_slice %arg7[%add3A_12, %dma_start3A] : memref<100096x16xf32, #tpu.memory_space<vmem_shared>> -> memref<368x16xf32, #tpu.memory_space<vmem_shared>>
      %dma_start3A_172 = arith.constant 0 : i32
      %dma_start3A_173 = tpu.memref_slice %arg7[%add3A_12, %dma_start3A_172] : memref<100096x16xf32, #tpu.memory_space<vmem_shared>> -> memref<368x16xf32, #tpu.memory_space<vmem_shared>>
      tpu.enqueue_dma source(%arg13 : memref<368x16xf32, #tpu.memory_space<vmem>>) target(%dma_start3A_173 : memref<368x16xf32, #tpu.memory_space<vmem_shared>>) target_semaphore(%run_scoped3A : memref<!tpu.dma_semaphore, #tpu.memory_space<semaphore_mem>>)
      %dma_wait3A = arith.constant 0 : i32
      %dma_wait3A_174 = tpu.memref_slice %arg7[%add3A_12, %dma_wait3A] : memref<100096x16xf32, #tpu.memory_space<vmem_shared>> -> memref<368x16xf32, #tpu.memory_space<vmem_shared>>
      %dma_wait3A_175 = arith.constant 0 : i32
      %dma_wait3A_176 = tpu.memref_slice %arg7[%add3A_12, %dma_wait3A_175] : memref<100096x16xf32, #tpu.memory_space<vmem_shared>> -> memref<368x16xf32, #tpu.memory_space<vmem_shared>>
      tpu.wait_dma2 semaphore(%run_scoped3A : memref<!tpu.dma_semaphore, #tpu.memory_space<semaphore_mem>>) src(%arg13 : memref<368x16xf32, #tpu.memory_space<vmem>>) dst(%dma_wait3A_176 : memref<368x16xf32, #tpu.memory_space<vmem_shared>>)
      tpu.yield
    }) : () -> ()
    %add3A_13 = arith.constant 1104 : i32
    %add3A_14 = arith.addi %mul3A_7, %add3A_13 : i32
    "tpu.region"() ({
      %run_scoped3A = tpu.sem_alloc : memref<!tpu.dma_semaphore, #tpu.memory_space<semaphore_mem>>
      %dma_start3A = arith.constant 0 : i32
      %dma_start3A_171 = tpu.memref_slice %arg7[%add3A_14, %dma_start3A] : memref<100096x16xf32, #tpu.memory_space<vmem_shared>> -> memref<368x16xf32, #tpu.memory_space<vmem_shared>>
      %dma_start3A_172 = arith.constant 0 : i32
      %dma_start3A_173 = tpu.memref_slice %arg7[%add3A_14, %dma_start3A_172] : memref<100096x16xf32, #tpu.memory_space<vmem_shared>> -> memref<368x16xf32, #tpu.memory_space<vmem_shared>>
      tpu.enqueue_dma source(%arg13 : memref<368x16xf32, #tpu.memory_space<vmem>>) target(%dma_start3A_173 : memref<368x16xf32, #tpu.memory_space<vmem_shared>>) target_semaphore(%run_scoped3A : memref<!tpu.dma_semaphore, #tpu.memory_space<semaphore_mem>>)
      %dma_wait3A = arith.constant 0 : i32
      %dma_wait3A_174 = tpu.memref_slice %arg7[%add3A_14, %dma_wait3A] : memref<100096x16xf32, #tpu.memory_space<vmem_shared>> -> memref<368x16xf32, #tpu.memory_space<vmem_shared>>
      %dma_wait3A_175 = arith.constant 0 : i32
      %dma_wait3A_176 = tpu.memref_slice %arg7[%add3A_14, %dma_wait3A_175] : memref<100096x16xf32, #tpu.memory_space<vmem_shared>> -> memref<368x16xf32, #tpu.memory_space<vmem_shared>>
      tpu.wait_dma2 semaphore(%run_scoped3A : memref<!tpu.dma_semaphore, #tpu.memory_space<semaphore_mem>>) src(%arg13 : memref<368x16xf32, #tpu.memory_space<vmem>>) dst(%dma_wait3A_176 : memref<368x16xf32, #tpu.memory_space<vmem_shared>>)
      tpu.yield
    }) : () -> ()
    %add3A_15 = arith.constant 1472 : i32
    %add3A_16 = arith.addi %mul3A_7, %add3A_15 : i32
    "tpu.region"() ({
      %run_scoped3A = tpu.sem_alloc : memref<!tpu.dma_semaphore, #tpu.memory_space<semaphore_mem>>
      %dma_start3A = arith.constant 0 : i32
      %dma_start3A_171 = tpu.memref_slice %arg7[%add3A_16, %dma_start3A] : memref<100096x16xf32, #tpu.memory_space<vmem_shared>> -> memref<368x16xf32, #tpu.memory_space<vmem_shared>>
      %dma_start3A_172 = arith.constant 0 : i32
      %dma_start3A_173 = tpu.memref_slice %arg7[%add3A_16, %dma_start3A_172] : memref<100096x16xf32, #tpu.memory_space<vmem_shared>> -> memref<368x16xf32, #tpu.memory_space<vmem_shared>>
      tpu.enqueue_dma source(%arg13 : memref<368x16xf32, #tpu.memory_space<vmem>>) target(%dma_start3A_173 : memref<368x16xf32, #tpu.memory_space<vmem_shared>>) target_semaphore(%run_scoped3A : memref<!tpu.dma_semaphore, #tpu.memory_space<semaphore_mem>>)
      %dma_wait3A = arith.constant 0 : i32
      %dma_wait3A_174 = tpu.memref_slice %arg7[%add3A_16, %dma_wait3A] : memref<100096x16xf32, #tpu.memory_space<vmem_shared>> -> memref<368x16xf32, #tpu.memory_space<vmem_shared>>
      %dma_wait3A_175 = arith.constant 0 : i32
      %dma_wait3A_176 = tpu.memref_slice %arg7[%add3A_16, %dma_wait3A_175] : memref<100096x16xf32, #tpu.memory_space<vmem_shared>> -> memref<368x16xf32, #tpu.memory_space<vmem_shared>>
      tpu.wait_dma2 semaphore(%run_scoped3A : memref<!tpu.dma_semaphore, #tpu.memory_space<semaphore_mem>>) src(%arg13 : memref<368x16xf32, #tpu.memory_space<vmem>>) dst(%dma_wait3A_176 : memref<368x16xf32, #tpu.memory_space<vmem_shared>>)
      tpu.yield
    }) : () -> ()
    %add3A_17 = arith.constant 1840 : i32
    %add3A_18 = arith.addi %mul3A_7, %add3A_17 : i32
    "tpu.region"() ({
      %run_scoped3A = tpu.sem_alloc : memref<!tpu.dma_semaphore, #tpu.memory_space<semaphore_mem>>
      %dma_start3A = arith.constant 0 : i32
      %dma_start3A_171 = tpu.memref_slice %arg7[%add3A_18, %dma_start3A] : memref<100096x16xf32, #tpu.memory_space<vmem_shared>> -> memref<368x16xf32, #tpu.memory_space<vmem_shared>>
      %dma_start3A_172 = arith.constant 0 : i32
      %dma_start3A_173 = tpu.memref_slice %arg7[%add3A_18, %dma_start3A_172] : memref<100096x16xf32, #tpu.memory_space<vmem_shared>> -> memref<368x16xf32, #tpu.memory_space<vmem_shared>>
      tpu.enqueue_dma source(%arg13 : memref<368x16xf32, #tpu.memory_space<vmem>>) target(%dma_start3A_173 : memref<368x16xf32, #tpu.memory_space<vmem_shared>>) target_semaphore(%run_scoped3A : memref<!tpu.dma_semaphore, #tpu.memory_space<semaphore_mem>>)
      %dma_wait3A = arith.constant 0 : i32
      %dma_wait3A_174 = tpu.memref_slice %arg7[%add3A_18, %dma_wait3A] : memref<100096x16xf32, #tpu.memory_space<vmem_shared>> -> memref<368x16xf32, #tpu.memory_space<vmem_shared>>
      %dma_wait3A_175 = arith.constant 0 : i32
      %dma_wait3A_176 = tpu.memref_slice %arg7[%add3A_18, %dma_wait3A_175] : memref<100096x16xf32, #tpu.memory_space<vmem_shared>> -> memref<368x16xf32, #tpu.memory_space<vmem_shared>>
      tpu.wait_dma2 semaphore(%run_scoped3A : memref<!tpu.dma_semaphore, #tpu.memory_space<semaphore_mem>>) src(%arg13 : memref<368x16xf32, #tpu.memory_space<vmem>>) dst(%dma_wait3A_176 : memref<368x16xf32, #tpu.memory_space<vmem_shared>>)
      tpu.yield
    }) : () -> ()
    %add3A_19 = arith.constant 2208 : i32
    %add3A_20 = arith.addi %mul3A_7, %add3A_19 : i32
    "tpu.region"() ({
      %run_scoped3A = tpu.sem_alloc : memref<!tpu.dma_semaphore, #tpu.memory_space<semaphore_mem>>
      %dma_start3A = arith.constant 0 : i32
      %dma_start3A_171 = tpu.memref_slice %arg7[%add3A_20, %dma_start3A] : memref<100096x16xf32, #tpu.memory_space<vmem_shared>> -> memref<368x16xf32, #tpu.memory_space<vmem_shared>>
      %dma_start3A_172 = arith.constant 0 : i32
      %dma_start3A_173 = tpu.memref_slice %arg7[%add3A_20, %dma_start3A_172] : memref<100096x16xf32, #tpu.memory_space<vmem_shared>> -> memref<368x16xf32, #tpu.memory_space<vmem_shared>>
      tpu.enqueue_dma source(%arg13 : memref<368x16xf32, #tpu.memory_space<vmem>>) target(%dma_start3A_173 : memref<368x16xf32, #tpu.memory_space<vmem_shared>>) target_semaphore(%run_scoped3A : memref<!tpu.dma_semaphore, #tpu.memory_space<semaphore_mem>>)
      %dma_wait3A = arith.constant 0 : i32
      %dma_wait3A_174 = tpu.memref_slice %arg7[%add3A_20, %dma_wait3A] : memref<100096x16xf32, #tpu.memory_space<vmem_shared>> -> memref<368x16xf32, #tpu.memory_space<vmem_shared>>
      %dma_wait3A_175 = arith.constant 0 : i32
      %dma_wait3A_176 = tpu.memref_slice %arg7[%add3A_20, %dma_wait3A_175] : memref<100096x16xf32, #tpu.memory_space<vmem_shared>> -> memref<368x16xf32, #tpu.memory_space<vmem_shared>>
      tpu.wait_dma2 semaphore(%run_scoped3A : memref<!tpu.dma_semaphore, #tpu.memory_space<semaphore_mem>>) src(%arg13 : memref<368x16xf32, #tpu.memory_space<vmem>>) dst(%dma_wait3A_176 : memref<368x16xf32, #tpu.memory_space<vmem_shared>>)
      tpu.yield
    }) : () -> ()
    %add3A_21 = arith.constant 2576 : i32
    %add3A_22 = arith.addi %mul3A_7, %add3A_21 : i32
    "tpu.region"() ({
      %run_scoped3A = tpu.sem_alloc : memref<!tpu.dma_semaphore, #tpu.memory_space<semaphore_mem>>
      %dma_start3A = arith.constant 0 : i32
      %dma_start3A_171 = tpu.memref_slice %arg7[%add3A_22, %dma_start3A] : memref<100096x16xf32, #tpu.memory_space<vmem_shared>> -> memref<368x16xf32, #tpu.memory_space<vmem_shared>>
      %dma_start3A_172 = arith.constant 0 : i32
      %dma_start3A_173 = tpu.memref_slice %arg7[%add3A_22, %dma_start3A_172] : memref<100096x16xf32, #tpu.memory_space<vmem_shared>> -> memref<368x16xf32, #tpu.memory_space<vmem_shared>>
      tpu.enqueue_dma source(%arg13 : memref<368x16xf32, #tpu.memory_space<vmem>>) target(%dma_start3A_173 : memref<368x16xf32, #tpu.memory_space<vmem_shared>>) target_semaphore(%run_scoped3A : memref<!tpu.dma_semaphore, #tpu.memory_space<semaphore_mem>>)
      %dma_wait3A = arith.constant 0 : i32
      %dma_wait3A_174 = tpu.memref_slice %arg7[%add3A_22, %dma_wait3A] : memref<100096x16xf32, #tpu.memory_space<vmem_shared>> -> memref<368x16xf32, #tpu.memory_space<vmem_shared>>
      %dma_wait3A_175 = arith.constant 0 : i32
      %dma_wait3A_176 = tpu.memref_slice %arg7[%add3A_22, %dma_wait3A_175] : memref<100096x16xf32, #tpu.memory_space<vmem_shared>> -> memref<368x16xf32, #tpu.memory_space<vmem_shared>>
      tpu.wait_dma2 semaphore(%run_scoped3A : memref<!tpu.dma_semaphore, #tpu.memory_space<semaphore_mem>>) src(%arg13 : memref<368x16xf32, #tpu.memory_space<vmem>>) dst(%dma_wait3A_176 : memref<368x16xf32, #tpu.memory_space<vmem_shared>>)
      tpu.yield
    }) : () -> ()
    %add3A_23 = arith.constant 2944 : i32
    %add3A_24 = arith.addi %mul3A_7, %add3A_23 : i32
    "tpu.region"() ({
      %run_scoped3A = tpu.sem_alloc : memref<!tpu.dma_semaphore, #tpu.memory_space<semaphore_mem>>
      %dma_start3A = arith.constant 0 : i32
      %dma_start3A_171 = tpu.memref_slice %arg7[%add3A_24, %dma_start3A] : memref<100096x16xf32, #tpu.memory_space<vmem_shared>> -> memref<368x16xf32, #tpu.memory_space<vmem_shared>>
      %dma_start3A_172 = arith.constant 0 : i32
      %dma_start3A_173 = tpu.memref_slice %arg7[%add3A_24, %dma_start3A_172] : memref<100096x16xf32, #tpu.memory_space<vmem_shared>> -> memref<368x16xf32, #tpu.memory_space<vmem_shared>>
      tpu.enqueue_dma source(%arg13 : memref<368x16xf32, #tpu.memory_space<vmem>>) target(%dma_start3A_173 : memref<368x16xf32, #tpu.memory_space<vmem_shared>>) target_semaphore(%run_scoped3A : memref<!tpu.dma_semaphore, #tpu.memory_space<semaphore_mem>>)
      %dma_wait3A = arith.constant 0 : i32
      %dma_wait3A_174 = tpu.memref_slice %arg7[%add3A_24, %dma_wait3A] : memref<100096x16xf32, #tpu.memory_space<vmem_shared>> -> memref<368x16xf32, #tpu.memory_space<vmem_shared>>
      %dma_wait3A_175 = arith.constant 0 : i32
      %dma_wait3A_176 = tpu.memref_slice %arg7[%add3A_24, %dma_wait3A_175] : memref<100096x16xf32, #tpu.memory_space<vmem_shared>> -> memref<368x16xf32, #tpu.memory_space<vmem_shared>>
      tpu.wait_dma2 semaphore(%run_scoped3A : memref<!tpu.dma_semaphore, #tpu.memory_space<semaphore_mem>>) src(%arg13 : memref<368x16xf32, #tpu.memory_space<vmem>>) dst(%dma_wait3A_176 : memref<368x16xf32, #tpu.memory_space<vmem_shared>>)
      tpu.yield
    }) : () -> ()
    %add3A_25 = arith.constant 3312 : i32
    %add3A_26 = arith.addi %mul3A_7, %add3A_25 : i32
    "tpu.region"() ({
      %run_scoped3A = tpu.sem_alloc : memref<!tpu.dma_semaphore, #tpu.memory_space<semaphore_mem>>
      %dma_start3A = arith.constant 0 : i32
      %dma_start3A_171 = tpu.memref_slice %arg7[%add3A_26, %dma_start3A] : memref<100096x16xf32, #tpu.memory_space<vmem_shared>> -> memref<368x16xf32, #tpu.memory_space<vmem_shared>>
      %dma_start3A_172 = arith.constant 0 : i32
      %dma_start3A_173 = tpu.memref_slice %arg7[%add3A_26, %dma_start3A_172] : memref<100096x16xf32, #tpu.memory_space<vmem_shared>> -> memref<368x16xf32, #tpu.memory_space<vmem_shared>>
      tpu.enqueue_dma source(%arg13 : memref<368x16xf32, #tpu.memory_space<vmem>>) target(%dma_start3A_173 : memref<368x16xf32, #tpu.memory_space<vmem_shared>>) target_semaphore(%run_scoped3A : memref<!tpu.dma_semaphore, #tpu.memory_space<semaphore_mem>>)
      %dma_wait3A = arith.constant 0 : i32
      %dma_wait3A_174 = tpu.memref_slice %arg7[%add3A_26, %dma_wait3A] : memref<100096x16xf32, #tpu.memory_space<vmem_shared>> -> memref<368x16xf32, #tpu.memory_space<vmem_shared>>
      %dma_wait3A_175 = arith.constant 0 : i32
      %dma_wait3A_176 = tpu.memref_slice %arg7[%add3A_26, %dma_wait3A_175] : memref<100096x16xf32, #tpu.memory_space<vmem_shared>> -> memref<368x16xf32, #tpu.memory_space<vmem_shared>>
      tpu.wait_dma2 semaphore(%run_scoped3A : memref<!tpu.dma_semaphore, #tpu.memory_space<semaphore_mem>>) src(%arg13 : memref<368x16xf32, #tpu.memory_space<vmem>>) dst(%dma_wait3A_176 : memref<368x16xf32, #tpu.memory_space<vmem_shared>>)
      tpu.yield
    }) : () -> ()
    %add3A_27 = arith.constant 3680 : i32
    %add3A_28 = arith.addi %mul3A_7, %add3A_27 : i32
    "tpu.region"() ({
      %run_scoped3A = tpu.sem_alloc : memref<!tpu.dma_semaphore, #tpu.memory_space<semaphore_mem>>
      %dma_start3A = arith.constant 0 : i32
      %dma_start3A_171 = tpu.memref_slice %arg7[%add3A_28, %dma_start3A] : memref<100096x16xf32, #tpu.memory_space<vmem_shared>> -> memref<368x16xf32, #tpu.memory_space<vmem_shared>>
      %dma_start3A_172 = arith.constant 0 : i32
      %dma_start3A_173 = tpu.memref_slice %arg7[%add3A_28, %dma_start3A_172] : memref<100096x16xf32, #tpu.memory_space<vmem_shared>> -> memref<368x16xf32, #tpu.memory_space<vmem_shared>>
      tpu.enqueue_dma source(%arg13 : memref<368x16xf32, #tpu.memory_space<vmem>>) target(%dma_start3A_173 : memref<368x16xf32, #tpu.memory_space<vmem_shared>>) target_semaphore(%run_scoped3A : memref<!tpu.dma_semaphore, #tpu.memory_space<semaphore_mem>>)
      %dma_wait3A = arith.constant 0 : i32
      %dma_wait3A_174 = tpu.memref_slice %arg7[%add3A_28, %dma_wait3A] : memref<100096x16xf32, #tpu.memory_space<vmem_shared>> -> memref<368x16xf32, #tpu.memory_space<vmem_shared>>
      %dma_wait3A_175 = arith.constant 0 : i32
      %dma_wait3A_176 = tpu.memref_slice %arg7[%add3A_28, %dma_wait3A_175] : memref<100096x16xf32, #tpu.memory_space<vmem_shared>> -> memref<368x16xf32, #tpu.memory_space<vmem_shared>>
      tpu.wait_dma2 semaphore(%run_scoped3A : memref<!tpu.dma_semaphore, #tpu.memory_space<semaphore_mem>>) src(%arg13 : memref<368x16xf32, #tpu.memory_space<vmem>>) dst(%dma_wait3A_176 : memref<368x16xf32, #tpu.memory_space<vmem_shared>>)
      tpu.yield
    }) : () -> ()
    %add3A_29 = arith.constant 4048 : i32
    %add3A_30 = arith.addi %mul3A_7, %add3A_29 : i32
    "tpu.region"() ({
      %run_scoped3A = tpu.sem_alloc : memref<!tpu.dma_semaphore, #tpu.memory_space<semaphore_mem>>
      %dma_start3A = arith.constant 0 : i32
      %dma_start3A_171 = tpu.memref_slice %arg7[%add3A_30, %dma_start3A] : memref<100096x16xf32, #tpu.memory_space<vmem_shared>> -> memref<368x16xf32, #tpu.memory_space<vmem_shared>>
      %dma_start3A_172 = arith.constant 0 : i32
      %dma_start3A_173 = tpu.memref_slice %arg7[%add3A_30, %dma_start3A_172] : memref<100096x16xf32, #tpu.memory_space<vmem_shared>> -> memref<368x16xf32, #tpu.memory_space<vmem_shared>>
      tpu.enqueue_dma source(%arg13 : memref<368x16xf32, #tpu.memory_space<vmem>>) target(%dma_start3A_173 : memref<368x16xf32, #tpu.memory_space<vmem_shared>>) target_semaphore(%run_scoped3A : memref<!tpu.dma_semaphore, #tpu.memory_space<semaphore_mem>>)
      %dma_wait3A = arith.constant 0 : i32
      %dma_wait3A_174 = tpu.memref_slice %arg7[%add3A_30, %dma_wait3A] : memref<100096x16xf32, #tpu.memory_space<vmem_shared>> -> memref<368x16xf32, #tpu.memory_space<vmem_shared>>
      %dma_wait3A_175 = arith.constant 0 : i32
      %dma_wait3A_176 = tpu.memref_slice %arg7[%add3A_30, %dma_wait3A_175] : memref<100096x16xf32, #tpu.memory_space<vmem_shared>> -> memref<368x16xf32, #tpu.memory_space<vmem_shared>>
      tpu.wait_dma2 semaphore(%run_scoped3A : memref<!tpu.dma_semaphore, #tpu.memory_space<semaphore_mem>>) src(%arg13 : memref<368x16xf32, #tpu.memory_space<vmem>>) dst(%dma_wait3A_176 : memref<368x16xf32, #tpu.memory_space<vmem_shared>>)
      tpu.yield
    }) : () -> ()
    %add3A_31 = arith.constant 4416 : i32
    %add3A_32 = arith.addi %mul3A_7, %add3A_31 : i32
    "tpu.region"() ({
      %run_scoped3A = tpu.sem_alloc : memref<!tpu.dma_semaphore, #tpu.memory_space<semaphore_mem>>
      %dma_start3A = arith.constant 0 : i32
      %dma_start3A_171 = tpu.memref_slice %arg7[%add3A_32, %dma_start3A] : memref<100096x16xf32, #tpu.memory_space<vmem_shared>> -> memref<368x16xf32, #tpu.memory_space<vmem_shared>>
      %dma_start3A_172 = arith.constant 0 : i32
      %dma_start3A_173 = tpu.memref_slice %arg7[%add3A_32, %dma_start3A_172] : memref<100096x16xf32, #tpu.memory_space<vmem_shared>> -> memref<368x16xf32, #tpu.memory_space<vmem_shared>>
      tpu.enqueue_dma source(%arg13 : memref<368x16xf32, #tpu.memory_space<vmem>>) target(%dma_start3A_173 : memref<368x16xf32, #tpu.memory_space<vmem_shared>>) target_semaphore(%run_scoped3A : memref<!tpu.dma_semaphore, #tpu.memory_space<semaphore_mem>>)
      %dma_wait3A = arith.constant 0 : i32
      %dma_wait3A_174 = tpu.memref_slice %arg7[%add3A_32, %dma_wait3A] : memref<100096x16xf32, #tpu.memory_space<vmem_shared>> -> memref<368x16xf32, #tpu.memory_space<vmem_shared>>
      %dma_wait3A_175 = arith.constant 0 : i32
      %dma_wait3A_176 = tpu.memref_slice %arg7[%add3A_32, %dma_wait3A_175] : memref<100096x16xf32, #tpu.memory_space<vmem_shared>> -> memref<368x16xf32, #tpu.memory_space<vmem_shared>>
      tpu.wait_dma2 semaphore(%run_scoped3A : memref<!tpu.dma_semaphore, #tpu.memory_space<semaphore_mem>>) src(%arg13 : memref<368x16xf32, #tpu.memory_space<vmem>>) dst(%dma_wait3A_176 : memref<368x16xf32, #tpu.memory_space<vmem_shared>>)
      tpu.yield
    }) : () -> ()
    %add3A_33 = arith.constant 4784 : i32
    %add3A_34 = arith.addi %mul3A_7, %add3A_33 : i32
    "tpu.region"() ({
      %run_scoped3A = tpu.sem_alloc : memref<!tpu.dma_semaphore, #tpu.memory_space<semaphore_mem>>
      %dma_start3A = arith.constant 0 : i32
      %dma_start3A_171 = tpu.memref_slice %arg7[%add3A_34, %dma_start3A] : memref<100096x16xf32, #tpu.memory_space<vmem_shared>> -> memref<368x16xf32, #tpu.memory_space<vmem_shared>>
      %dma_start3A_172 = arith.constant 0 : i32
      %dma_start3A_173 = tpu.memref_slice %arg7[%add3A_34, %dma_start3A_172] : memref<100096x16xf32, #tpu.memory_space<vmem_shared>> -> memref<368x16xf32, #tpu.memory_space<vmem_shared>>
      tpu.enqueue_dma source(%arg13 : memref<368x16xf32, #tpu.memory_space<vmem>>) target(%dma_start3A_173 : memref<368x16xf32, #tpu.memory_space<vmem_shared>>) target_semaphore(%run_scoped3A : memref<!tpu.dma_semaphore, #tpu.memory_space<semaphore_mem>>)
      %dma_wait3A = arith.constant 0 : i32
      %dma_wait3A_174 = tpu.memref_slice %arg7[%add3A_34, %dma_wait3A] : memref<100096x16xf32, #tpu.memory_space<vmem_shared>> -> memref<368x16xf32, #tpu.memory_space<vmem_shared>>
      %dma_wait3A_175 = arith.constant 0 : i32
      %dma_wait3A_176 = tpu.memref_slice %arg7[%add3A_34, %dma_wait3A_175] : memref<100096x16xf32, #tpu.memory_space<vmem_shared>> -> memref<368x16xf32, #tpu.memory_space<vmem_shared>>
      tpu.wait_dma2 semaphore(%run_scoped3A : memref<!tpu.dma_semaphore, #tpu.memory_space<semaphore_mem>>) src(%arg13 : memref<368x16xf32, #tpu.memory_space<vmem>>) dst(%dma_wait3A_176 : memref<368x16xf32, #tpu.memory_space<vmem_shared>>)
      tpu.yield
    }) : () -> ()
    %add3A_35 = arith.constant 5152 : i32
    %add3A_36 = arith.addi %mul3A_7, %add3A_35 : i32
    "tpu.region"() ({
      %run_scoped3A = tpu.sem_alloc : memref<!tpu.dma_semaphore, #tpu.memory_space<semaphore_mem>>
      %dma_start3A = arith.constant 0 : i32
      %dma_start3A_171 = tpu.memref_slice %arg7[%add3A_36, %dma_start3A] : memref<100096x16xf32, #tpu.memory_space<vmem_shared>> -> memref<368x16xf32, #tpu.memory_space<vmem_shared>>
      %dma_start3A_172 = arith.constant 0 : i32
      %dma_start3A_173 = tpu.memref_slice %arg7[%add3A_36, %dma_start3A_172] : memref<100096x16xf32, #tpu.memory_space<vmem_shared>> -> memref<368x16xf32, #tpu.memory_space<vmem_shared>>
      tpu.enqueue_dma source(%arg13 : memref<368x16xf32, #tpu.memory_space<vmem>>) target(%dma_start3A_173 : memref<368x16xf32, #tpu.memory_space<vmem_shared>>) target_semaphore(%run_scoped3A : memref<!tpu.dma_semaphore, #tpu.memory_space<semaphore_mem>>)
      %dma_wait3A = arith.constant 0 : i32
      %dma_wait3A_174 = tpu.memref_slice %arg7[%add3A_36, %dma_wait3A] : memref<100096x16xf32, #tpu.memory_space<vmem_shared>> -> memref<368x16xf32, #tpu.memory_space<vmem_shared>>
      %dma_wait3A_175 = arith.constant 0 : i32
      %dma_wait3A_176 = tpu.memref_slice %arg7[%add3A_36, %dma_wait3A_175] : memref<100096x16xf32, #tpu.memory_space<vmem_shared>> -> memref<368x16xf32, #tpu.memory_space<vmem_shared>>
      tpu.wait_dma2 semaphore(%run_scoped3A : memref<!tpu.dma_semaphore, #tpu.memory_space<semaphore_mem>>) src(%arg13 : memref<368x16xf32, #tpu.memory_space<vmem>>) dst(%dma_wait3A_176 : memref<368x16xf32, #tpu.memory_space<vmem_shared>>)
      tpu.yield
    }) : () -> ()
    %add3A_37 = arith.constant 5520 : i32
    %add3A_38 = arith.addi %mul3A_7, %add3A_37 : i32
    "tpu.region"() ({
      %run_scoped3A = tpu.sem_alloc : memref<!tpu.dma_semaphore, #tpu.memory_space<semaphore_mem>>
      %dma_start3A = arith.constant 0 : i32
      %dma_start3A_171 = tpu.memref_slice %arg7[%add3A_38, %dma_start3A] : memref<100096x16xf32, #tpu.memory_space<vmem_shared>> -> memref<368x16xf32, #tpu.memory_space<vmem_shared>>
      %dma_start3A_172 = arith.constant 0 : i32
      %dma_start3A_173 = tpu.memref_slice %arg7[%add3A_38, %dma_start3A_172] : memref<100096x16xf32, #tpu.memory_space<vmem_shared>> -> memref<368x16xf32, #tpu.memory_space<vmem_shared>>
      tpu.enqueue_dma source(%arg13 : memref<368x16xf32, #tpu.memory_space<vmem>>) target(%dma_start3A_173 : memref<368x16xf32, #tpu.memory_space<vmem_shared>>) target_semaphore(%run_scoped3A : memref<!tpu.dma_semaphore, #tpu.memory_space<semaphore_mem>>)
      %dma_wait3A = arith.constant 0 : i32
      %dma_wait3A_174 = tpu.memref_slice %arg7[%add3A_38, %dma_wait3A] : memref<100096x16xf32, #tpu.memory_space<vmem_shared>> -> memref<368x16xf32, #tpu.memory_space<vmem_shared>>
      %dma_wait3A_175 = arith.constant 0 : i32
      %dma_wait3A_176 = tpu.memref_slice %arg7[%add3A_38, %dma_wait3A_175] : memref<100096x16xf32, #tpu.memory_space<vmem_shared>> -> memref<368x16xf32, #tpu.memory_space<vmem_shared>>
      tpu.wait_dma2 semaphore(%run_scoped3A : memref<!tpu.dma_semaphore, #tpu.memory_space<semaphore_mem>>) src(%arg13 : memref<368x16xf32, #tpu.memory_space<vmem>>) dst(%dma_wait3A_176 : memref<368x16xf32, #tpu.memory_space<vmem_shared>>)
      tpu.yield
    }) : () -> ()
    %add3A_39 = arith.constant 5888 : i32
    %add3A_40 = arith.addi %mul3A_7, %add3A_39 : i32
    "tpu.region"() ({
      %run_scoped3A = tpu.sem_alloc : memref<!tpu.dma_semaphore, #tpu.memory_space<semaphore_mem>>
      %dma_start3A = arith.constant 0 : i32
      %dma_start3A_171 = tpu.memref_slice %arg7[%add3A_40, %dma_start3A] : memref<100096x16xf32, #tpu.memory_space<vmem_shared>> -> memref<368x16xf32, #tpu.memory_space<vmem_shared>>
      %dma_start3A_172 = arith.constant 0 : i32
      %dma_start3A_173 = tpu.memref_slice %arg7[%add3A_40, %dma_start3A_172] : memref<100096x16xf32, #tpu.memory_space<vmem_shared>> -> memref<368x16xf32, #tpu.memory_space<vmem_shared>>
      tpu.enqueue_dma source(%arg13 : memref<368x16xf32, #tpu.memory_space<vmem>>) target(%dma_start3A_173 : memref<368x16xf32, #tpu.memory_space<vmem_shared>>) target_semaphore(%run_scoped3A : memref<!tpu.dma_semaphore, #tpu.memory_space<semaphore_mem>>)
      %dma_wait3A = arith.constant 0 : i32
      %dma_wait3A_174 = tpu.memref_slice %arg7[%add3A_40, %dma_wait3A] : memref<100096x16xf32, #tpu.memory_space<vmem_shared>> -> memref<368x16xf32, #tpu.memory_space<vmem_shared>>
      %dma_wait3A_175 = arith.constant 0 : i32
      %dma_wait3A_176 = tpu.memref_slice %arg7[%add3A_40, %dma_wait3A_175] : memref<100096x16xf32, #tpu.memory_space<vmem_shared>> -> memref<368x16xf32, #tpu.memory_space<vmem_shared>>
      tpu.wait_dma2 semaphore(%run_scoped3A : memref<!tpu.dma_semaphore, #tpu.memory_space<semaphore_mem>>) src(%arg13 : memref<368x16xf32, #tpu.memory_space<vmem>>) dst(%dma_wait3A_176 : memref<368x16xf32, #tpu.memory_space<vmem_shared>>)
      tpu.yield
    }) : () -> ()
    %barrier3A = arith.constant 0 : index
    tpu.barrier barrier_id(%barrier3A)
    %scan3A_41 = arith.constant 0 : i32
    %scan3A_42 = arith.constant 0 : i32
    %scan3A_43 = arith.constant 98 : i32
    %scan3A_44 = arith.addi %scan3A_42, %scan3A_43 : i32
    %scan3A_45 = arith.constant 1 : i32
    %scan3A_46 = scf.for %scan3A_171 = %scan3A_42 to %scan3A_44 step %scan3A_45 iter_args(%scan3A_172 = %scan3A_41) -> (i32)  : i32 {
      %mul3A_173 = arith.constant 784 : i32
      %mul3A_174 = arith.muli %arg1, %mul3A_173 : i32
      %mul3A_175 = arith.constant 8 : i32
      %mul3A_176 = arith.muli %scan3A_171, %mul3A_175 : i32
      %add3A_177 = arith.addi %mul3A_174, %mul3A_176 : i32
      "tpu.region"() ({
        %run_scoped3A_409 = tpu.sem_alloc : memref<!tpu.dma_semaphore, #tpu.memory_space<semaphore_mem>>
        %dma_start3A_410 = arith.constant 0 : i32
        %dma_start3A_411 = tpu.memref_slice %arg2[%add3A_177, %dma_start3A_410] : memref<12544x128xi32, #tpu.memory_space<hbm>> -> memref<8x128xi32, #tpu.memory_space<hbm>>
        %dma_start3A_412 = arith.constant 0 : i32
        %dma_start3A_413 = tpu.memref_slice %arg2[%add3A_177, %dma_start3A_412] : memref<12544x128xi32, #tpu.memory_space<hbm>> -> memref<8x128xi32, #tpu.memory_space<hbm>>
        tpu.enqueue_dma source(%dma_start3A_413 : memref<8x128xi32, #tpu.memory_space<hbm>>) target(%arg8 : memref<8x128xi32, #tpu.memory_space<vmem>>) target_semaphore(%run_scoped3A_409 : memref<!tpu.dma_semaphore, #tpu.memory_space<semaphore_mem>>)
        %dma_wait3A_414 = arith.constant 0 : i32
        %dma_wait3A_415 = tpu.memref_slice %arg2[%add3A_177, %dma_wait3A_414] : memref<12544x128xi32, #tpu.memory_space<hbm>> -> memref<8x128xi32, #tpu.memory_space<hbm>>
        %dma_wait3A_416 = arith.constant 0 : i32
        %dma_wait3A_417 = tpu.memref_slice %arg2[%add3A_177, %dma_wait3A_416] : memref<12544x128xi32, #tpu.memory_space<hbm>> -> memref<8x128xi32, #tpu.memory_space<hbm>>
        tpu.wait_dma2 semaphore(%run_scoped3A_409 : memref<!tpu.dma_semaphore, #tpu.memory_space<semaphore_mem>>) src(%dma_wait3A_417 : memref<8x128xi32, #tpu.memory_space<hbm>>) dst(%arg8 : memref<8x128xi32, #tpu.memory_space<vmem>>)
        tpu.yield
      }) : () -> ()
      "tpu.region"() ({
        %run_scoped3A_409 = tpu.sem_alloc : memref<!tpu.dma_semaphore, #tpu.memory_space<semaphore_mem>>
        %dma_start3A_410 = arith.constant 0 : i32
        %dma_start3A_411 = tpu.memref_slice %arg3[%add3A_177, %dma_start3A_410] : memref<12544x128xi32, #tpu.memory_space<hbm>> -> memref<8x128xi32, #tpu.memory_space<hbm>>
        %dma_start3A_412 = arith.constant 0 : i32
        %dma_start3A_413 = tpu.memref_slice %arg3[%add3A_177, %dma_start3A_412] : memref<12544x128xi32, #tpu.memory_space<hbm>> -> memref<8x128xi32, #tpu.memory_space<hbm>>
        tpu.enqueue_dma source(%dma_start3A_413 : memref<8x128xi32, #tpu.memory_space<hbm>>) target(%arg9 : memref<8x128xi32, #tpu.memory_space<vmem>>) target_semaphore(%run_scoped3A_409 : memref<!tpu.dma_semaphore, #tpu.memory_space<semaphore_mem>>)
        %dma_wait3A_414 = arith.constant 0 : i32
        %dma_wait3A_415 = tpu.memref_slice %arg3[%add3A_177, %dma_wait3A_414] : memref<12544x128xi32, #tpu.memory_space<hbm>> -> memref<8x128xi32, #tpu.memory_space<hbm>>
        %dma_wait3A_416 = arith.constant 0 : i32
        %dma_wait3A_417 = tpu.memref_slice %arg3[%add3A_177, %dma_wait3A_416] : memref<12544x128xi32, #tpu.memory_space<hbm>> -> memref<8x128xi32, #tpu.memory_space<hbm>>
        tpu.wait_dma2 semaphore(%run_scoped3A_409 : memref<!tpu.dma_semaphore, #tpu.memory_space<semaphore_mem>>) src(%dma_wait3A_417 : memref<8x128xi32, #tpu.memory_space<hbm>>) dst(%arg9 : memref<8x128xi32, #tpu.memory_space<vmem>>)
        tpu.yield
      }) : () -> ()
      %mul3A_178 = arith.constant 128 : i32
      %mul3A_179 = arith.muli %add3A_177, %mul3A_178 : i32
      "tpu.region"() ({
        %run_scoped3A_409 = tpu.sem_alloc : memref<!tpu.dma_semaphore, #tpu.memory_space<semaphore_mem>>
        %dma_start3A_410 = tpu.memref_slice %arg4[%mul3A_179] : memref<1605632xf32, #tpu.memory_space<hbm>> -> memref<1024xf32, #tpu.memory_space<hbm>>
        %dma_start3A_411 = tpu.memref_slice %arg4[%mul3A_179] : memref<1605632xf32, #tpu.memory_space<hbm>> -> memref<1024xf32, #tpu.memory_space<hbm>>
        tpu.enqueue_dma source(%dma_start3A_411 : memref<1024xf32, #tpu.memory_space<hbm>>) target(%arg11 : memref<1024xf32, #tpu.memory_space<vmem>>) target_semaphore(%run_scoped3A_409 : memref<!tpu.dma_semaphore, #tpu.memory_space<semaphore_mem>>)
        %dma_wait3A_412 = tpu.memref_slice %arg4[%mul3A_179] : memref<1605632xf32, #tpu.memory_space<hbm>> -> memref<1024xf32, #tpu.memory_space<hbm>>
        %dma_wait3A_413 = tpu.memref_slice %arg4[%mul3A_179] : memref<1605632xf32, #tpu.memory_space<hbm>> -> memref<1024xf32, #tpu.memory_space<hbm>>
        tpu.wait_dma2 semaphore(%run_scoped3A_409 : memref<!tpu.dma_semaphore, #tpu.memory_space<semaphore_mem>>) src(%dma_wait3A_413 : memref<1024xf32, #tpu.memory_space<hbm>>) dst(%arg11 : memref<1024xf32, #tpu.memory_space<vmem>>)
        tpu.yield
      }) : () -> ()
      %scan3A_180 = arith.constant 0 : i32
      %scan3A_181 = arith.constant 0 : i32
      %scan3A_182 = arith.constant 8 : i32
      %scan3A_183 = arith.addi %scan3A_181, %scan3A_182 : i32
      %scan3A_184 = arith.constant 1 : i32
      %scan3A_185 = scf.for %scan3A_409 = %scan3A_181 to %scan3A_183 step %scan3A_184 iter_args(%scan3A_410 = %scan3A_180) -> (i32)  : i32 {
        %mul3A_411 = arith.constant 16 : i32
        %mul3A_412 = arith.muli %scan3A_409, %mul3A_411 : i32
        %get3A = arith.constant 0 : i32
        %get3A_413 = arith.index_cast %get3A : i32 to index
        %get3A_414 = arith.index_cast %mul3A_412 : i32 to index
        %get3A_415 = tpu.vector_load %arg8[%get3A_413, %get3A_414] {strides = array<i32>} : memref<8x128xi32, #tpu.memory_space<vmem>>, vector<1x16xi32>,
        %get3A_416 = vector.shape_cast %get3A_415 : vector<1x16xi32> to vector<16xi32>
        %mul3A_417 = arith.constant 2 : i32
        %mul3A_418 = vector.broadcast %mul3A_417 : i32 to vector<16xi32>
        %mul3A_419 = arith.muli %get3A_416, %mul3A_418 : vector<16xi32>
        %add3A_420 = vector.broadcast %arg0 : i32 to vector<16xi32>
        %add3A_421 = arith.addi %mul3A_419, %add3A_420 : vector<16xi32>
        %mul3A_422 = arith.constant 16 : i32
        %mul3A_423 = arith.muli %scan3A_409, %mul3A_422 : i32
        %swap3A = arith.constant 0 : i32
        %swap3A_424 = arith.index_cast %swap3A : i32 to index
        %swap3A_425 = arith.index_cast %mul3A_423 : i32 to index
        %swap3A_426 = tpu.vector_load %arg10[%swap3A_424, %swap3A_425] {strides = array<i32>} : memref<8x128xi32, #tpu.memory_space<vmem>>, vector<1x16xi32>,
        %swap3A_427 = vector.shape_cast %swap3A_426 : vector<1x16xi32> to vector<16xi32>
        %swap3A_428 = vector.shape_cast %add3A_421 : vector<16xi32> to vector<1x16xi32>
        tpu.vector_store %arg10[%swap3A_424, %swap3A_425], %swap3A_428 {strides = array<i32>} : memref<8x128xi32, #tpu.memory_space<vmem>>, vector<1x16xi32>,
        %scan3A_429 = arith.constant 0 : i32
        scf.yield %scan3A_429 : i32
      }
      %scan3A_186 = arith.constant 8 : i32
      %scan3A_187 = arith.constant 0 : i32
      %scan3A_188 = arith.constant 0 : i32
      %scan3A_189 = arith.constant 8 : i32
      %scan3A_190 = arith.addi %scan3A_188, %scan3A_189 : i32
      %scan3A_191 = arith.constant 1 : i32
      %scan3A_192 = scf.for %scan3A_409 = %scan3A_188 to %scan3A_190 step %scan3A_191 iter_args(%scan3A_410 = %scan3A_187) -> (i32)  : i32 {
        %mul3A_411 = arith.constant 16 : i32
        %mul3A_412 = arith.muli %scan3A_409, %mul3A_411 : i32
        %get3A = arith.constant 1 : i32
        %get3A_413 = arith.index_cast %get3A : i32 to index
        %get3A_414 = arith.index_cast %mul3A_412 : i32 to index
        %get3A_415 = tpu.vector_load %arg8[%get3A_413, %get3A_414] {strides = array<i32>} : memref<8x128xi32, #tpu.memory_space<vmem>>, vector<1x16xi32>,
        %get3A_416 = vector.shape_cast %get3A_415 : vector<1x16xi32> to vector<16xi32>
        %mul3A_417 = arith.constant 2 : i32
        %mul3A_418 = vector.broadcast %mul3A_417 : i32 to vector<16xi32>
        %mul3A_419 = arith.muli %get3A_416, %mul3A_418 : vector<16xi32>
        %add3A_420 = vector.broadcast %arg0 : i32 to vector<16xi32>
        %add3A_421 = arith.addi %mul3A_419, %add3A_420 : vector<16xi32>
        %mul3A_422 = arith.constant 16 : i32
        %mul3A_423 = arith.muli %scan3A_409, %mul3A_422 : i32
        %swap3A = arith.constant 1 : i32
        %swap3A_424 = arith.index_cast %swap3A : i32 to index
        %swap3A_425 = arith.index_cast %mul3A_423 : i32 to index
        %swap3A_426 = tpu.vector_load %arg10[%swap3A_424, %swap3A_425] {strides = array<i32>} : memref<8x128xi32, #tpu.memory_space<vmem>>, vector<1x16xi32>,
        %swap3A_427 = vector.shape_cast %swap3A_426 : vector<1x16xi32> to vector<16xi32>
        %swap3A_428 = vector.shape_cast %add3A_421 : vector<16xi32> to vector<1x16xi32>
        tpu.vector_store %arg10[%swap3A_424, %swap3A_425], %swap3A_428 {strides = array<i32>} : memref<8x128xi32, #tpu.memory_space<vmem>>, vector<1x16xi32>,
        %scan3A_429 = arith.constant 0 : i32
        scf.yield %scan3A_429 : i32
      }
      %scan3A_193 = arith.constant 8 : i32
      %scan3A_194 = arith.constant 0 : i32
      %scan3A_195 = arith.constant 0 : i32
      %scan3A_196 = arith.constant 8 : i32
      %scan3A_197 = arith.addi %scan3A_195, %scan3A_196 : i32
      %scan3A_198 = arith.constant 1 : i32
      %scan3A_199 = scf.for %scan3A_409 = %scan3A_195 to %scan3A_197 step %scan3A_198 iter_args(%scan3A_410 = %scan3A_194) -> (i32)  : i32 {
        %mul3A_411 = arith.constant 16 : i32
        %mul3A_412 = arith.muli %scan3A_409, %mul3A_411 : i32
        %get3A = arith.constant 2 : i32
        %get3A_413 = arith.index_cast %get3A : i32 to index
        %get3A_414 = arith.index_cast %mul3A_412 : i32 to index
        %get3A_415 = tpu.vector_load %arg8[%get3A_413, %get3A_414] {strides = array<i32>} : memref<8x128xi32, #tpu.memory_space<vmem>>, vector<1x16xi32>,
        %get3A_416 = vector.shape_cast %get3A_415 : vector<1x16xi32> to vector<16xi32>
        %mul3A_417 = arith.constant 2 : i32
        %mul3A_418 = vector.broadcast %mul3A_417 : i32 to vector<16xi32>
        %mul3A_419 = arith.muli %get3A_416, %mul3A_418 : vector<16xi32>
        %add3A_420 = vector.broadcast %arg0 : i32 to vector<16xi32>
        %add3A_421 = arith.addi %mul3A_419, %add3A_420 : vector<16xi32>
        %mul3A_422 = arith.constant 16 : i32
        %mul3A_423 = arith.muli %scan3A_409, %mul3A_422 : i32
        %swap3A = arith.constant 2 : i32
        %swap3A_424 = arith.index_cast %swap3A : i32 to index
        %swap3A_425 = arith.index_cast %mul3A_423 : i32 to index
        %swap3A_426 = tpu.vector_load %arg10[%swap3A_424, %swap3A_425] {strides = array<i32>} : memref<8x128xi32, #tpu.memory_space<vmem>>, vector<1x16xi32>,
        %swap3A_427 = vector.shape_cast %swap3A_426 : vector<1x16xi32> to vector<16xi32>
        %swap3A_428 = vector.shape_cast %add3A_421 : vector<16xi32> to vector<1x16xi32>
        tpu.vector_store %arg10[%swap3A_424, %swap3A_425], %swap3A_428 {strides = array<i32>} : memref<8x128xi32, #tpu.memory_space<vmem>>, vector<1x16xi32>,
        %scan3A_429 = arith.constant 0 : i32
        scf.yield %scan3A_429 : i32
      }
      %scan3A_200 = arith.constant 8 : i32
      %scan3A_201 = arith.constant 0 : i32
      %scan3A_202 = arith.constant 0 : i32
      %scan3A_203 = arith.constant 8 : i32
      %scan3A_204 = arith.addi %scan3A_202, %scan3A_203 : i32
      %scan3A_205 = arith.constant 1 : i32
      %scan3A_206 = scf.for %scan3A_409 = %scan3A_202 to %scan3A_204 step %scan3A_205 iter_args(%scan3A_410 = %scan3A_201) -> (i32)  : i32 {
        %mul3A_411 = arith.constant 16 : i32
        %mul3A_412 = arith.muli %scan3A_409, %mul3A_411 : i32
        %get3A = arith.constant 3 : i32
        %get3A_413 = arith.index_cast %get3A : i32 to index
        %get3A_414 = arith.index_cast %mul3A_412 : i32 to index
        %get3A_415 = tpu.vector_load %arg8[%get3A_413, %get3A_414] {strides = array<i32>} : memref<8x128xi32, #tpu.memory_space<vmem>>, vector<1x16xi32>,
        %get3A_416 = vector.shape_cast %get3A_415 : vector<1x16xi32> to vector<16xi32>
        %mul3A_417 = arith.constant 2 : i32
        %mul3A_418 = vector.broadcast %mul3A_417 : i32 to vector<16xi32>
        %mul3A_419 = arith.muli %get3A_416, %mul3A_418 : vector<16xi32>
        %add3A_420 = vector.broadcast %arg0 : i32 to vector<16xi32>
        %add3A_421 = arith.addi %mul3A_419, %add3A_420 : vector<16xi32>
        %mul3A_422 = arith.constant 16 : i32
        %mul3A_423 = arith.muli %scan3A_409, %mul3A_422 : i32
        %swap3A = arith.constant 3 : i32
        %swap3A_424 = arith.index_cast %swap3A : i32 to index
        %swap3A_425 = arith.index_cast %mul3A_423 : i32 to index
        %swap3A_426 = tpu.vector_load %arg10[%swap3A_424, %swap3A_425] {strides = array<i32>} : memref<8x128xi32, #tpu.memory_space<vmem>>, vector<1x16xi32>,
        %swap3A_427 = vector.shape_cast %swap3A_426 : vector<1x16xi32> to vector<16xi32>
        %swap3A_428 = vector.shape_cast %add3A_421 : vector<16xi32> to vector<1x16xi32>
        tpu.vector_store %arg10[%swap3A_424, %swap3A_425], %swap3A_428 {strides = array<i32>} : memref<8x128xi32, #tpu.memory_space<vmem>>, vector<1x16xi32>,
        %scan3A_429 = arith.constant 0 : i32
        scf.yield %scan3A_429 : i32
      }
      %scan3A_207 = arith.constant 8 : i32
      %scan3A_208 = arith.constant 0 : i32
      %scan3A_209 = arith.constant 0 : i32
      %scan3A_210 = arith.constant 8 : i32
      %scan3A_211 = arith.addi %scan3A_209, %scan3A_210 : i32
      %scan3A_212 = arith.constant 1 : i32
      %scan3A_213 = scf.for %scan3A_409 = %scan3A_209 to %scan3A_211 step %scan3A_212 iter_args(%scan3A_410 = %scan3A_208) -> (i32)  : i32 {
        %mul3A_411 = arith.constant 16 : i32
        %mul3A_412 = arith.muli %scan3A_409, %mul3A_411 : i32
        %get3A = arith.constant 4 : i32
        %get3A_413 = arith.index_cast %get3A : i32 to index
        %get3A_414 = arith.index_cast %mul3A_412 : i32 to index
        %get3A_415 = tpu.vector_load %arg8[%get3A_413, %get3A_414] {strides = array<i32>} : memref<8x128xi32, #tpu.memory_space<vmem>>, vector<1x16xi32>,
        %get3A_416 = vector.shape_cast %get3A_415 : vector<1x16xi32> to vector<16xi32>
        %mul3A_417 = arith.constant 2 : i32
        %mul3A_418 = vector.broadcast %mul3A_417 : i32 to vector<16xi32>
        %mul3A_419 = arith.muli %get3A_416, %mul3A_418 : vector<16xi32>
        %add3A_420 = vector.broadcast %arg0 : i32 to vector<16xi32>
        %add3A_421 = arith.addi %mul3A_419, %add3A_420 : vector<16xi32>
        %mul3A_422 = arith.constant 16 : i32
        %mul3A_423 = arith.muli %scan3A_409, %mul3A_422 : i32
        %swap3A = arith.constant 4 : i32
        %swap3A_424 = arith.index_cast %swap3A : i32 to index
        %swap3A_425 = arith.index_cast %mul3A_423 : i32 to index
        %swap3A_426 = tpu.vector_load %arg10[%swap3A_424, %swap3A_425] {strides = array<i32>} : memref<8x128xi32, #tpu.memory_space<vmem>>, vector<1x16xi32>,
        %swap3A_427 = vector.shape_cast %swap3A_426 : vector<1x16xi32> to vector<16xi32>
        %swap3A_428 = vector.shape_cast %add3A_421 : vector<16xi32> to vector<1x16xi32>
        tpu.vector_store %arg10[%swap3A_424, %swap3A_425], %swap3A_428 {strides = array<i32>} : memref<8x128xi32, #tpu.memory_space<vmem>>, vector<1x16xi32>,
        %scan3A_429 = arith.constant 0 : i32
        scf.yield %scan3A_429 : i32
      }
      %scan3A_214 = arith.constant 8 : i32
      %scan3A_215 = arith.constant 0 : i32
      %scan3A_216 = arith.constant 0 : i32
      %scan3A_217 = arith.constant 8 : i32
      %scan3A_218 = arith.addi %scan3A_216, %scan3A_217 : i32
      %scan3A_219 = arith.constant 1 : i32
      %scan3A_220 = scf.for %scan3A_409 = %scan3A_216 to %scan3A_218 step %scan3A_219 iter_args(%scan3A_410 = %scan3A_215) -> (i32)  : i32 {
        %mul3A_411 = arith.constant 16 : i32
        %mul3A_412 = arith.muli %scan3A_409, %mul3A_411 : i32
        %get3A = arith.constant 5 : i32
        %get3A_413 = arith.index_cast %get3A : i32 to index
        %get3A_414 = arith.index_cast %mul3A_412 : i32 to index
        %get3A_415 = tpu.vector_load %arg8[%get3A_413, %get3A_414] {strides = array<i32>} : memref<8x128xi32, #tpu.memory_space<vmem>>, vector<1x16xi32>,
        %get3A_416 = vector.shape_cast %get3A_415 : vector<1x16xi32> to vector<16xi32>
        %mul3A_417 = arith.constant 2 : i32
        %mul3A_418 = vector.broadcast %mul3A_417 : i32 to vector<16xi32>
        %mul3A_419 = arith.muli %get3A_416, %mul3A_418 : vector<16xi32>
        %add3A_420 = vector.broadcast %arg0 : i32 to vector<16xi32>
        %add3A_421 = arith.addi %mul3A_419, %add3A_420 : vector<16xi32>
        %mul3A_422 = arith.constant 16 : i32
        %mul3A_423 = arith.muli %scan3A_409, %mul3A_422 : i32
        %swap3A = arith.constant 5 : i32
        %swap3A_424 = arith.index_cast %swap3A : i32 to index
        %swap3A_425 = arith.index_cast %mul3A_423 : i32 to index
        %swap3A_426 = tpu.vector_load %arg10[%swap3A_424, %swap3A_425] {strides = array<i32>} : memref<8x128xi32, #tpu.memory_space<vmem>>, vector<1x16xi32>,
        %swap3A_427 = vector.shape_cast %swap3A_426 : vector<1x16xi32> to vector<16xi32>
        %swap3A_428 = vector.shape_cast %add3A_421 : vector<16xi32> to vector<1x16xi32>
        tpu.vector_store %arg10[%swap3A_424, %swap3A_425], %swap3A_428 {strides = array<i32>} : memref<8x128xi32, #tpu.memory_space<vmem>>, vector<1x16xi32>,
        %scan3A_429 = arith.constant 0 : i32
        scf.yield %scan3A_429 : i32
      }
      %scan3A_221 = arith.constant 8 : i32
      %scan3A_222 = arith.constant 0 : i32
      %scan3A_223 = arith.constant 0 : i32
      %scan3A_224 = arith.constant 8 : i32
      %scan3A_225 = arith.addi %scan3A_223, %scan3A_224 : i32
      %scan3A_226 = arith.constant 1 : i32
      %scan3A_227 = scf.for %scan3A_409 = %scan3A_223 to %scan3A_225 step %scan3A_226 iter_args(%scan3A_410 = %scan3A_222) -> (i32)  : i32 {
        %mul3A_411 = arith.constant 16 : i32
        %mul3A_412 = arith.muli %scan3A_409, %mul3A_411 : i32
        %get3A = arith.constant 6 : i32
        %get3A_413 = arith.index_cast %get3A : i32 to index
        %get3A_414 = arith.index_cast %mul3A_412 : i32 to index
        %get3A_415 = tpu.vector_load %arg8[%get3A_413, %get3A_414] {strides = array<i32>} : memref<8x128xi32, #tpu.memory_space<vmem>>, vector<1x16xi32>,
        %get3A_416 = vector.shape_cast %get3A_415 : vector<1x16xi32> to vector<16xi32>
        %mul3A_417 = arith.constant 2 : i32
        %mul3A_418 = vector.broadcast %mul3A_417 : i32 to vector<16xi32>
        %mul3A_419 = arith.muli %get3A_416, %mul3A_418 : vector<16xi32>
        %add3A_420 = vector.broadcast %arg0 : i32 to vector<16xi32>
        %add3A_421 = arith.addi %mul3A_419, %add3A_420 : vector<16xi32>
        %mul3A_422 = arith.constant 16 : i32
        %mul3A_423 = arith.muli %scan3A_409, %mul3A_422 : i32
        %swap3A = arith.constant 6 : i32
        %swap3A_424 = arith.index_cast %swap3A : i32 to index
        %swap3A_425 = arith.index_cast %mul3A_423 : i32 to index
        %swap3A_426 = tpu.vector_load %arg10[%swap3A_424, %swap3A_425] {strides = array<i32>} : memref<8x128xi32, #tpu.memory_space<vmem>>, vector<1x16xi32>,
        %swap3A_427 = vector.shape_cast %swap3A_426 : vector<1x16xi32> to vector<16xi32>
        %swap3A_428 = vector.shape_cast %add3A_421 : vector<16xi32> to vector<1x16xi32>
        tpu.vector_store %arg10[%swap3A_424, %swap3A_425], %swap3A_428 {strides = array<i32>} : memref<8x128xi32, #tpu.memory_space<vmem>>, vector<1x16xi32>,
        %scan3A_429 = arith.constant 0 : i32
        scf.yield %scan3A_429 : i32
      }
      %scan3A_228 = arith.constant 8 : i32
      %scan3A_229 = arith.constant 0 : i32
      %scan3A_230 = arith.constant 0 : i32
      %scan3A_231 = arith.constant 8 : i32
      %scan3A_232 = arith.addi %scan3A_230, %scan3A_231 : i32
      %scan3A_233 = arith.constant 1 : i32
      %scan3A_234 = scf.for %scan3A_409 = %scan3A_230 to %scan3A_232 step %scan3A_233 iter_args(%scan3A_410 = %scan3A_229) -> (i32)  : i32 {
        %mul3A_411 = arith.constant 16 : i32
        %mul3A_412 = arith.muli %scan3A_409, %mul3A_411 : i32
        %get3A = arith.constant 7 : i32
        %get3A_413 = arith.index_cast %get3A : i32 to index
        %get3A_414 = arith.index_cast %mul3A_412 : i32 to index
        %get3A_415 = tpu.vector_load %arg8[%get3A_413, %get3A_414] {strides = array<i32>} : memref<8x128xi32, #tpu.memory_space<vmem>>, vector<1x16xi32>,
        %get3A_416 = vector.shape_cast %get3A_415 : vector<1x16xi32> to vector<16xi32>
        %mul3A_417 = arith.constant 2 : i32
        %mul3A_418 = vector.broadcast %mul3A_417 : i32 to vector<16xi32>
        %mul3A_419 = arith.muli %get3A_416, %mul3A_418 : vector<16xi32>
        %add3A_420 = vector.broadcast %arg0 : i32 to vector<16xi32>
        %add3A_421 = arith.addi %mul3A_419, %add3A_420 : vector<16xi32>
        %mul3A_422 = arith.constant 16 : i32
        %mul3A_423 = arith.muli %scan3A_409, %mul3A_422 : i32
        %swap3A = arith.constant 7 : i32
        %swap3A_424 = arith.index_cast %swap3A : i32 to index
        %swap3A_425 = arith.index_cast %mul3A_423 : i32 to index
        %swap3A_426 = tpu.vector_load %arg10[%swap3A_424, %swap3A_425] {strides = array<i32>} : memref<8x128xi32, #tpu.memory_space<vmem>>, vector<1x16xi32>,
        %swap3A_427 = vector.shape_cast %swap3A_426 : vector<1x16xi32> to vector<16xi32>
        %swap3A_428 = vector.shape_cast %add3A_421 : vector<16xi32> to vector<1x16xi32>
        tpu.vector_store %arg10[%swap3A_424, %swap3A_425], %swap3A_428 {strides = array<i32>} : memref<8x128xi32, #tpu.memory_space<vmem>>, vector<1x16xi32>,
        %scan3A_429 = arith.constant 0 : i32
        scf.yield %scan3A_429 : i32
      }
      %scan3A_235 = arith.constant 8 : i32
      %dma_start3A = arith.constant 0 : i32
      %dma_start3A_236 = arith.constant 0 : i32
      %dma_start3A_237 = arith.constant 0 : i32
      %dma_start3A_238 = tpu.memref_slice %arg12[%dma_start3A_236, %dma_start3A_237] : memref<1024x16xf32, #tpu.memory_space<vmem>> -> memref<128x16xf32, #tpu.memory_space<vmem>>
      %dma_start3A_239 = arith.constant 0 : i32
      %dma_start3A_240 = tpu.memref_slice %arg10[%dma_start3A, %dma_start3A_239] : memref<8x128xi32, #tpu.memory_space<vmem>> -> memref<1x128xi32, #tpu.memory_space<vmem>>
      %dma_start3A_241 = tpu.memref_squeeze %dma_start3A_240 : memref<1x128xi32, #tpu.memory_space<vmem>> -> memref<128xi32, #tpu.memory_space<vmem>>
      %dma_start3A_242 = arith.constant 0 : i32
      %dma_start3A_243 = arith.constant 0 : i32
      %dma_start3A_244 = tpu.memref_slice %arg5[%dma_start3A_242, %dma_start3A_243] : memref<200000x16xf32, #tpu.memory_space<hbm>> -> memref<200000x16xf32, #tpu.memory_space<hbm>>
      tpu.enqueue_indirect_dma source(%dma_start3A_244 : memref<200000x16xf32, #tpu.memory_space<hbm>>) target(%dma_start3A_238 : memref<128x16xf32, #tpu.memory_space<vmem>>) offsets(%dma_start3A_241 : memref<128xi32, #tpu.memory_space<vmem>>) semaphore(%arg14 : memref<!tpu.dma_semaphore, #tpu.memory_space<semaphore_mem>>)
      %dma_start3A_245 = arith.constant 1 : i32
      %dma_start3A_246 = arith.constant 128 : i32
      %dma_start3A_247 = arith.constant 0 : i32
      %dma_start3A_248 = tpu.memref_slice %arg12[%dma_start3A_246, %dma_start3A_247] : memref<1024x16xf32, #tpu.memory_space<vmem>> -> memref<128x16xf32, #tpu.memory_space<vmem>>
      %dma_start3A_249 = arith.constant 0 : i32
      %dma_start3A_250 = tpu.memref_slice %arg10[%dma_start3A_245, %dma_start3A_249] : memref<8x128xi32, #tpu.memory_space<vmem>> -> memref<1x128xi32, #tpu.memory_space<vmem>>
      %dma_start3A_251 = tpu.memref_squeeze %dma_start3A_250 : memref<1x128xi32, #tpu.memory_space<vmem>> -> memref<128xi32, #tpu.memory_space<vmem>>
      %dma_start3A_252 = arith.constant 0 : i32
      %dma_start3A_253 = arith.constant 0 : i32
      %dma_start3A_254 = tpu.memref_slice %arg5[%dma_start3A_252, %dma_start3A_253] : memref<200000x16xf32, #tpu.memory_space<hbm>> -> memref<200000x16xf32, #tpu.memory_space<hbm>>
      tpu.enqueue_indirect_dma source(%dma_start3A_254 : memref<200000x16xf32, #tpu.memory_space<hbm>>) target(%dma_start3A_248 : memref<128x16xf32, #tpu.memory_space<vmem>>) offsets(%dma_start3A_251 : memref<128xi32, #tpu.memory_space<vmem>>) semaphore(%arg14 : memref<!tpu.dma_semaphore, #tpu.memory_space<semaphore_mem>>)
      %dma_start3A_255 = arith.constant 2 : i32
      %dma_start3A_256 = arith.constant 256 : i32
      %dma_start3A_257 = arith.constant 0 : i32
      %dma_start3A_258 = tpu.memref_slice %arg12[%dma_start3A_256, %dma_start3A_257] : memref<1024x16xf32, #tpu.memory_space<vmem>> -> memref<128x16xf32, #tpu.memory_space<vmem>>
      %dma_start3A_259 = arith.constant 0 : i32
      %dma_start3A_260 = tpu.memref_slice %arg10[%dma_start3A_255, %dma_start3A_259] : memref<8x128xi32, #tpu.memory_space<vmem>> -> memref<1x128xi32, #tpu.memory_space<vmem>>
      %dma_start3A_261 = tpu.memref_squeeze %dma_start3A_260 : memref<1x128xi32, #tpu.memory_space<vmem>> -> memref<128xi32, #tpu.memory_space<vmem>>
      %dma_start3A_262 = arith.constant 0 : i32
      %dma_start3A_263 = arith.constant 0 : i32
      %dma_start3A_264 = tpu.memref_slice %arg5[%dma_start3A_262, %dma_start3A_263] : memref<200000x16xf32, #tpu.memory_space<hbm>> -> memref<200000x16xf32, #tpu.memory_space<hbm>>
      tpu.enqueue_indirect_dma source(%dma_start3A_264 : memref<200000x16xf32, #tpu.memory_space<hbm>>) target(%dma_start3A_258 : memref<128x16xf32, #tpu.memory_space<vmem>>) offsets(%dma_start3A_261 : memref<128xi32, #tpu.memory_space<vmem>>) semaphore(%arg14 : memref<!tpu.dma_semaphore, #tpu.memory_space<semaphore_mem>>)
      %dma_start3A_265 = arith.constant 3 : i32
      %dma_start3A_266 = arith.constant 384 : i32
      %dma_start3A_267 = arith.constant 0 : i32
      %dma_start3A_268 = tpu.memref_slice %arg12[%dma_start3A_266, %dma_start3A_267] : memref<1024x16xf32, #tpu.memory_space<vmem>> -> memref<128x16xf32, #tpu.memory_space<vmem>>
      %dma_start3A_269 = arith.constant 0 : i32
      %dma_start3A_270 = tpu.memref_slice %arg10[%dma_start3A_265, %dma_start3A_269] : memref<8x128xi32, #tpu.memory_space<vmem>> -> memref<1x128xi32, #tpu.memory_space<vmem>>
      %dma_start3A_271 = tpu.memref_squeeze %dma_start3A_270 : memref<1x128xi32, #tpu.memory_space<vmem>> -> memref<128xi32, #tpu.memory_space<vmem>>
      %dma_start3A_272 = arith.constant 0 : i32
      %dma_start3A_273 = arith.constant 0 : i32
      %dma_start3A_274 = tpu.memref_slice %arg5[%dma_start3A_272, %dma_start3A_273] : memref<200000x16xf32, #tpu.memory_space<hbm>> -> memref<200000x16xf32, #tpu.memory_space<hbm>>
      tpu.enqueue_indirect_dma source(%dma_start3A_274 : memref<200000x16xf32, #tpu.memory_space<hbm>>) target(%dma_start3A_268 : memref<128x16xf32, #tpu.memory_space<vmem>>) offsets(%dma_start3A_271 : memref<128xi32, #tpu.memory_space<vmem>>) semaphore(%arg14 : memref<!tpu.dma_semaphore, #tpu.memory_space<semaphore_mem>>)
      %dma_start3A_275 = arith.constant 4 : i32
      %dma_start3A_276 = arith.constant 512 : i32
      %dma_start3A_277 = arith.constant 0 : i32
      %dma_start3A_278 = tpu.memref_slice %arg12[%dma_start3A_276, %dma_start3A_277] : memref<1024x16xf32, #tpu.memory_space<vmem>> -> memref<128x16xf32, #tpu.memory_space<vmem>>
      %dma_start3A_279 = arith.constant 0 : i32
      %dma_start3A_280 = tpu.memref_slice %arg10[%dma_start3A_275, %dma_start3A_279] : memref<8x128xi32, #tpu.memory_space<vmem>> -> memref<1x128xi32, #tpu.memory_space<vmem>>
      %dma_start3A_281 = tpu.memref_squeeze %dma_start3A_280 : memref<1x128xi32, #tpu.memory_space<vmem>> -> memref<128xi32, #tpu.memory_space<vmem>>
      %dma_start3A_282 = arith.constant 0 : i32
      %dma_start3A_283 = arith.constant 0 : i32
      %dma_start3A_284 = tpu.memref_slice %arg5[%dma_start3A_282, %dma_start3A_283] : memref<200000x16xf32, #tpu.memory_space<hbm>> -> memref<200000x16xf32, #tpu.memory_space<hbm>>
      tpu.enqueue_indirect_dma source(%dma_start3A_284 : memref<200000x16xf32, #tpu.memory_space<hbm>>) target(%dma_start3A_278 : memref<128x16xf32, #tpu.memory_space<vmem>>) offsets(%dma_start3A_281 : memref<128xi32, #tpu.memory_space<vmem>>) semaphore(%arg14 : memref<!tpu.dma_semaphore, #tpu.memory_space<semaphore_mem>>)
      %dma_start3A_285 = arith.constant 5 : i32
      %dma_start3A_286 = arith.constant 640 : i32
      %dma_start3A_287 = arith.constant 0 : i32
      %dma_start3A_288 = tpu.memref_slice %arg12[%dma_start3A_286, %dma_start3A_287] : memref<1024x16xf32, #tpu.memory_space<vmem>> -> memref<128x16xf32, #tpu.memory_space<vmem>>
      %dma_start3A_289 = arith.constant 0 : i32
      %dma_start3A_290 = tpu.memref_slice %arg10[%dma_start3A_285, %dma_start3A_289] : memref<8x128xi32, #tpu.memory_space<vmem>> -> memref<1x128xi32, #tpu.memory_space<vmem>>
      %dma_start3A_291 = tpu.memref_squeeze %dma_start3A_290 : memref<1x128xi32, #tpu.memory_space<vmem>> -> memref<128xi32, #tpu.memory_space<vmem>>
      %dma_start3A_292 = arith.constant 0 : i32
      %dma_start3A_293 = arith.constant 0 : i32
      %dma_start3A_294 = tpu.memref_slice %arg5[%dma_start3A_292, %dma_start3A_293] : memref<200000x16xf32, #tpu.memory_space<hbm>> -> memref<200000x16xf32, #tpu.memory_space<hbm>>
      tpu.enqueue_indirect_dma source(%dma_start3A_294 : memref<200000x16xf32, #tpu.memory_space<hbm>>) target(%dma_start3A_288 : memref<128x16xf32, #tpu.memory_space<vmem>>) offsets(%dma_start3A_291 : memref<128xi32, #tpu.memory_space<vmem>>) semaphore(%arg14 : memref<!tpu.dma_semaphore, #tpu.memory_space<semaphore_mem>>)
      %dma_start3A_295 = arith.constant 6 : i32
      %dma_start3A_296 = arith.constant 768 : i32
      %dma_start3A_297 = arith.constant 0 : i32
      %dma_start3A_298 = tpu.memref_slice %arg12[%dma_start3A_296, %dma_start3A_297] : memref<1024x16xf32, #tpu.memory_space<vmem>> -> memref<128x16xf32, #tpu.memory_space<vmem>>
      %dma_start3A_299 = arith.constant 0 : i32
      %dma_start3A_300 = tpu.memref_slice %arg10[%dma_start3A_295, %dma_start3A_299] : memref<8x128xi32, #tpu.memory_space<vmem>> -> memref<1x128xi32, #tpu.memory_space<vmem>>
      %dma_start3A_301 = tpu.memref_squeeze %dma_start3A_300 : memref<1x128xi32, #tpu.memory_space<vmem>> -> memref<128xi32, #tpu.memory_space<vmem>>
      %dma_start3A_302 = arith.constant 0 : i32
      %dma_start3A_303 = arith.constant 0 : i32
      %dma_start3A_304 = tpu.memref_slice %arg5[%dma_start3A_302, %dma_start3A_303] : memref<200000x16xf32, #tpu.memory_space<hbm>> -> memref<200000x16xf32, #tpu.memory_space<hbm>>
      tpu.enqueue_indirect_dma source(%dma_start3A_304 : memref<200000x16xf32, #tpu.memory_space<hbm>>) target(%dma_start3A_298 : memref<128x16xf32, #tpu.memory_space<vmem>>) offsets(%dma_start3A_301 : memref<128xi32, #tpu.memory_space<vmem>>) semaphore(%arg14 : memref<!tpu.dma_semaphore, #tpu.memory_space<semaphore_mem>>)
      %dma_start3A_305 = arith.constant 7 : i32
      %dma_start3A_306 = arith.constant 896 : i32
      %dma_start3A_307 = arith.constant 0 : i32
      %dma_start3A_308 = tpu.memref_slice %arg12[%dma_start3A_306, %dma_start3A_307] : memref<1024x16xf32, #tpu.memory_space<vmem>> -> memref<128x16xf32, #tpu.memory_space<vmem>>
      %dma_start3A_309 = arith.constant 0 : i32
      %dma_start3A_310 = tpu.memref_slice %arg10[%dma_start3A_305, %dma_start3A_309] : memref<8x128xi32, #tpu.memory_space<vmem>> -> memref<1x128xi32, #tpu.memory_space<vmem>>
      %dma_start3A_311 = tpu.memref_squeeze %dma_start3A_310 : memref<1x128xi32, #tpu.memory_space<vmem>> -> memref<128xi32, #tpu.memory_space<vmem>>
      %dma_start3A_312 = arith.constant 0 : i32
      %dma_start3A_313 = arith.constant 0 : i32
      %dma_start3A_314 = tpu.memref_slice %arg5[%dma_start3A_312, %dma_start3A_313] : memref<200000x16xf32, #tpu.memory_space<hbm>> -> memref<200000x16xf32, #tpu.memory_space<hbm>>
      tpu.enqueue_indirect_dma source(%dma_start3A_314 : memref<200000x16xf32, #tpu.memory_space<hbm>>) target(%dma_start3A_308 : memref<128x16xf32, #tpu.memory_space<vmem>>) offsets(%dma_start3A_311 : memref<128xi32, #tpu.memory_space<vmem>>) semaphore(%arg14 : memref<!tpu.dma_semaphore, #tpu.memory_space<semaphore_mem>>)
      %dma_wait3A = arith.constant 0 : i32
      %dma_wait3A_315 = arith.constant 0 : i32
      %dma_wait3A_316 = arith.constant 0 : i32
      %dma_wait3A_317 = tpu.memref_slice %arg12[%dma_wait3A_315, %dma_wait3A_316] : memref<1024x16xf32, #tpu.memory_space<vmem>> -> memref<128x16xf32, #tpu.memory_space<vmem>>
      %dma_wait3A_318 = arith.constant 0 : i32
      %dma_wait3A_319 = tpu.memref_slice %arg10[%dma_wait3A, %dma_wait3A_318] : memref<8x128xi32, #tpu.memory_space<vmem>> -> memref<1x128xi32, #tpu.memory_space<vmem>>
      %dma_wait3A_320 = tpu.memref_squeeze %dma_wait3A_319 : memref<1x128xi32, #tpu.memory_space<vmem>> -> memref<128xi32, #tpu.memory_space<vmem>>
      %dma_wait3A_321 = arith.constant 0 : i32
      %dma_wait3A_322 = arith.constant 0 : i32
      %dma_wait3A_323 = tpu.memref_slice %arg5[%dma_wait3A_321, %dma_wait3A_322] : memref<200000x16xf32, #tpu.memory_space<hbm>> -> memref<200000x16xf32, #tpu.memory_space<hbm>>
      tpu.wait_indirect_dma semaphore(%arg14 : memref<!tpu.dma_semaphore, #tpu.memory_space<semaphore_mem>>) src(%dma_wait3A_323 : memref<200000x16xf32, #tpu.memory_space<hbm>>) dst(%dma_wait3A_317 : memref<128x16xf32, #tpu.memory_space<vmem>>)
      %dma_wait3A_324 = arith.constant 1 : i32
      %dma_wait3A_325 = arith.constant 128 : i32
      %dma_wait3A_326 = arith.constant 0 : i32
      %dma_wait3A_327 = tpu.memref_slice %arg12[%dma_wait3A_325, %dma_wait3A_326] : memref<1024x16xf32, #tpu.memory_space<vmem>> -> memref<128x16xf32, #tpu.memory_space<vmem>>
      %dma_wait3A_328 = arith.constant 0 : i32
      %dma_wait3A_329 = tpu.memref_slice %arg10[%dma_wait3A_324, %dma_wait3A_328] : memref<8x128xi32, #tpu.memory_space<vmem>> -> memref<1x128xi32, #tpu.memory_space<vmem>>
      %dma_wait3A_330 = tpu.memref_squeeze %dma_wait3A_329 : memref<1x128xi32, #tpu.memory_space<vmem>> -> memref<128xi32, #tpu.memory_space<vmem>>
      %dma_wait3A_331 = arith.constant 0 : i32
      %dma_wait3A_332 = arith.constant 0 : i32
      %dma_wait3A_333 = tpu.memref_slice %arg5[%dma_wait3A_331, %dma_wait3A_332] : memref<200000x16xf32, #tpu.memory_space<hbm>> -> memref<200000x16xf32, #tpu.memory_space<hbm>>
      tpu.wait_indirect_dma semaphore(%arg14 : memref<!tpu.dma_semaphore, #tpu.memory_space<semaphore_mem>>) src(%dma_wait3A_333 : memref<200000x16xf32, #tpu.memory_space<hbm>>) dst(%dma_wait3A_327 : memref<128x16xf32, #tpu.memory_space<vmem>>)
      %dma_wait3A_334 = arith.constant 2 : i32
      %dma_wait3A_335 = arith.constant 256 : i32
      %dma_wait3A_336 = arith.constant 0 : i32
      %dma_wait3A_337 = tpu.memref_slice %arg12[%dma_wait3A_335, %dma_wait3A_336] : memref<1024x16xf32, #tpu.memory_space<vmem>> -> memref<128x16xf32, #tpu.memory_space<vmem>>
      %dma_wait3A_338 = arith.constant 0 : i32
      %dma_wait3A_339 = tpu.memref_slice %arg10[%dma_wait3A_334, %dma_wait3A_338] : memref<8x128xi32, #tpu.memory_space<vmem>> -> memref<1x128xi32, #tpu.memory_space<vmem>>
      %dma_wait3A_340 = tpu.memref_squeeze %dma_wait3A_339 : memref<1x128xi32, #tpu.memory_space<vmem>> -> memref<128xi32, #tpu.memory_space<vmem>>
      %dma_wait3A_341 = arith.constant 0 : i32
      %dma_wait3A_342 = arith.constant 0 : i32
      %dma_wait3A_343 = tpu.memref_slice %arg5[%dma_wait3A_341, %dma_wait3A_342] : memref<200000x16xf32, #tpu.memory_space<hbm>> -> memref<200000x16xf32, #tpu.memory_space<hbm>>
      tpu.wait_indirect_dma semaphore(%arg14 : memref<!tpu.dma_semaphore, #tpu.memory_space<semaphore_mem>>) src(%dma_wait3A_343 : memref<200000x16xf32, #tpu.memory_space<hbm>>) dst(%dma_wait3A_337 : memref<128x16xf32, #tpu.memory_space<vmem>>)
      %dma_wait3A_344 = arith.constant 3 : i32
      %dma_wait3A_345 = arith.constant 384 : i32
      %dma_wait3A_346 = arith.constant 0 : i32
      %dma_wait3A_347 = tpu.memref_slice %arg12[%dma_wait3A_345, %dma_wait3A_346] : memref<1024x16xf32, #tpu.memory_space<vmem>> -> memref<128x16xf32, #tpu.memory_space<vmem>>
      %dma_wait3A_348 = arith.constant 0 : i32
      %dma_wait3A_349 = tpu.memref_slice %arg10[%dma_wait3A_344, %dma_wait3A_348] : memref<8x128xi32, #tpu.memory_space<vmem>> -> memref<1x128xi32, #tpu.memory_space<vmem>>
      %dma_wait3A_350 = tpu.memref_squeeze %dma_wait3A_349 : memref<1x128xi32, #tpu.memory_space<vmem>> -> memref<128xi32, #tpu.memory_space<vmem>>
      %dma_wait3A_351 = arith.constant 0 : i32
      %dma_wait3A_352 = arith.constant 0 : i32
      %dma_wait3A_353 = tpu.memref_slice %arg5[%dma_wait3A_351, %dma_wait3A_352] : memref<200000x16xf32, #tpu.memory_space<hbm>> -> memref<200000x16xf32, #tpu.memory_space<hbm>>
      tpu.wait_indirect_dma semaphore(%arg14 : memref<!tpu.dma_semaphore, #tpu.memory_space<semaphore_mem>>) src(%dma_wait3A_353 : memref<200000x16xf32, #tpu.memory_space<hbm>>) dst(%dma_wait3A_347 : memref<128x16xf32, #tpu.memory_space<vmem>>)
      %dma_wait3A_354 = arith.constant 4 : i32
      %dma_wait3A_355 = arith.constant 512 : i32
      %dma_wait3A_356 = arith.constant 0 : i32
      %dma_wait3A_357 = tpu.memref_slice %arg12[%dma_wait3A_355, %dma_wait3A_356] : memref<1024x16xf32, #tpu.memory_space<vmem>> -> memref<128x16xf32, #tpu.memory_space<vmem>>
      %dma_wait3A_358 = arith.constant 0 : i32
      %dma_wait3A_359 = tpu.memref_slice %arg10[%dma_wait3A_354, %dma_wait3A_358] : memref<8x128xi32, #tpu.memory_space<vmem>> -> memref<1x128xi32, #tpu.memory_space<vmem>>
      %dma_wait3A_360 = tpu.memref_squeeze %dma_wait3A_359 : memref<1x128xi32, #tpu.memory_space<vmem>> -> memref<128xi32, #tpu.memory_space<vmem>>
      %dma_wait3A_361 = arith.constant 0 : i32
      %dma_wait3A_362 = arith.constant 0 : i32
      %dma_wait3A_363 = tpu.memref_slice %arg5[%dma_wait3A_361, %dma_wait3A_362] : memref<200000x16xf32, #tpu.memory_space<hbm>> -> memref<200000x16xf32, #tpu.memory_space<hbm>>
      tpu.wait_indirect_dma semaphore(%arg14 : memref<!tpu.dma_semaphore, #tpu.memory_space<semaphore_mem>>) src(%dma_wait3A_363 : memref<200000x16xf32, #tpu.memory_space<hbm>>) dst(%dma_wait3A_357 : memref<128x16xf32, #tpu.memory_space<vmem>>)
      %dma_wait3A_364 = arith.constant 5 : i32
      %dma_wait3A_365 = arith.constant 640 : i32
      %dma_wait3A_366 = arith.constant 0 : i32
      %dma_wait3A_367 = tpu.memref_slice %arg12[%dma_wait3A_365, %dma_wait3A_366] : memref<1024x16xf32, #tpu.memory_space<vmem>> -> memref<128x16xf32, #tpu.memory_space<vmem>>
      %dma_wait3A_368 = arith.constant 0 : i32
      %dma_wait3A_369 = tpu.memref_slice %arg10[%dma_wait3A_364, %dma_wait3A_368] : memref<8x128xi32, #tpu.memory_space<vmem>> -> memref<1x128xi32, #tpu.memory_space<vmem>>
      %dma_wait3A_370 = tpu.memref_squeeze %dma_wait3A_369 : memref<1x128xi32, #tpu.memory_space<vmem>> -> memref<128xi32, #tpu.memory_space<vmem>>
      %dma_wait3A_371 = arith.constant 0 : i32
      %dma_wait3A_372 = arith.constant 0 : i32
      %dma_wait3A_373 = tpu.memref_slice %arg5[%dma_wait3A_371, %dma_wait3A_372] : memref<200000x16xf32, #tpu.memory_space<hbm>> -> memref<200000x16xf32, #tpu.memory_space<hbm>>
      tpu.wait_indirect_dma semaphore(%arg14 : memref<!tpu.dma_semaphore, #tpu.memory_space<semaphore_mem>>) src(%dma_wait3A_373 : memref<200000x16xf32, #tpu.memory_space<hbm>>) dst(%dma_wait3A_367 : memref<128x16xf32, #tpu.memory_space<vmem>>)
      %dma_wait3A_374 = arith.constant 6 : i32
      %dma_wait3A_375 = arith.constant 768 : i32
      %dma_wait3A_376 = arith.constant 0 : i32
      %dma_wait3A_377 = tpu.memref_slice %arg12[%dma_wait3A_375, %dma_wait3A_376] : memref<1024x16xf32, #tpu.memory_space<vmem>> -> memref<128x16xf32, #tpu.memory_space<vmem>>
      %dma_wait3A_378 = arith.constant 0 : i32
      %dma_wait3A_379 = tpu.memref_slice %arg10[%dma_wait3A_374, %dma_wait3A_378] : memref<8x128xi32, #tpu.memory_space<vmem>> -> memref<1x128xi32, #tpu.memory_space<vmem>>
      %dma_wait3A_380 = tpu.memref_squeeze %dma_wait3A_379 : memref<1x128xi32, #tpu.memory_space<vmem>> -> memref<128xi32, #tpu.memory_space<vmem>>
      %dma_wait3A_381 = arith.constant 0 : i32
      %dma_wait3A_382 = arith.constant 0 : i32
      %dma_wait3A_383 = tpu.memref_slice %arg5[%dma_wait3A_381, %dma_wait3A_382] : memref<200000x16xf32, #tpu.memory_space<hbm>> -> memref<200000x16xf32, #tpu.memory_space<hbm>>
      tpu.wait_indirect_dma semaphore(%arg14 : memref<!tpu.dma_semaphore, #tpu.memory_space<semaphore_mem>>) src(%dma_wait3A_383 : memref<200000x16xf32, #tpu.memory_space<hbm>>) dst(%dma_wait3A_377 : memref<128x16xf32, #tpu.memory_space<vmem>>)
      %dma_wait3A_384 = arith.constant 7 : i32
      %dma_wait3A_385 = arith.constant 896 : i32
      %dma_wait3A_386 = arith.constant 0 : i32
      %dma_wait3A_387 = tpu.memref_slice %arg12[%dma_wait3A_385, %dma_wait3A_386] : memref<1024x16xf32, #tpu.memory_space<vmem>> -> memref<128x16xf32, #tpu.memory_space<vmem>>
      %dma_wait3A_388 = arith.constant 0 : i32
      %dma_wait3A_389 = tpu.memref_slice %arg10[%dma_wait3A_384, %dma_wait3A_388] : memref<8x128xi32, #tpu.memory_space<vmem>> -> memref<1x128xi32, #tpu.memory_space<vmem>>
      %dma_wait3A_390 = tpu.memref_squeeze %dma_wait3A_389 : memref<1x128xi32, #tpu.memory_space<vmem>> -> memref<128xi32, #tpu.memory_space<vmem>>
      %dma_wait3A_391 = arith.constant 0 : i32
      %dma_wait3A_392 = arith.constant 0 : i32
      %dma_wait3A_393 = tpu.memref_slice %arg5[%dma_wait3A_391, %dma_wait3A_392] : memref<200000x16xf32, #tpu.memory_space<hbm>> -> memref<200000x16xf32, #tpu.memory_space<hbm>>
      tpu.wait_indirect_dma semaphore(%arg14 : memref<!tpu.dma_semaphore, #tpu.memory_space<semaphore_mem>>) src(%dma_wait3A_393 : memref<200000x16xf32, #tpu.memory_space<hbm>>) dst(%dma_wait3A_387 : memref<128x16xf32, #tpu.memory_space<vmem>>)
      %scan3A_394 = arith.constant 0 : i32
      %scan3A_395 = arith.constant 0 : i32
      %scan3A_396 = arith.constant 64 : i32
      %scan3A_397 = arith.addi %scan3A_395, %scan3A_396 : i32
      %scan3A_398 = arith.constant 1 : i32
      %scan3A_399 = scf.for %scan3A_409 = %scan3A_395 to %scan3A_397 step %scan3A_398 iter_args(%scan3A_410 = %scan3A_394) -> (i32)  : i32 {
        %mul3A_411 = arith.constant 16 : i32
        %mul3A_412 = arith.muli %scan3A_409, %mul3A_411 : i32
        %get3A = arith.index_cast %mul3A_412 : i32 to index
        %get3A_413 = tpu.vector_load %arg11[%get3A] {strides = array<i32>} : memref<1024xf32, #tpu.memory_space<vmem>>, vector<16xf32>,
        %get3A_414 = vector.shape_cast %get3A_413 : vector<16xf32> to vector<16xf32>
        %slice3A = vector.extract_strided_slice %get3A_414 {offsets = [0], sizes = [1], strides = [1]} : vector<16xf32> to vector<1xf32>
        %broadcast_in_dim3A_415 = vector.shape_cast %slice3A : vector<1xf32> to vector<1xf32>
        %broadcast_in_dim3A_416 = vector.broadcast %broadcast_in_dim3A_415 : vector<1xf32> to vector<16xf32>
        %add3A_417 = arith.constant 0 : i32
        %add3A_418 = arith.addi %mul3A_412, %add3A_417 : i32
        %get3A_419 = arith.index_cast %add3A_418 : i32 to index
        %get3A_420 = arith.constant 0 : index
        %get3A_421 = tpu.vector_load %arg12[%get3A_419, %get3A_420] {strides = array<i32>} : memref<1024x16xf32, #tpu.memory_space<vmem>>, vector<1x16xf32>,
        %get3A_422 = vector.shape_cast %get3A_421 : vector<1x16xf32> to vector<16xf32>
        %mul3A_423 = arith.mulf %get3A_422, %broadcast_in_dim3A_416 : vector<16xf32>
        %add3A_424 = arith.constant 0 : i32
        %add3A_425 = arith.addi %mul3A_412, %add3A_424 : i32
        %swap3A = arith.index_cast %add3A_425 : i32 to index
        %swap3A_426 = arith.constant 0 : index
        %swap3A_427 = tpu.vector_load %arg12[%swap3A, %swap3A_426] {strides = array<i32>} : memref<1024x16xf32, #tpu.memory_space<vmem>>, vector<1x16xf32>,
        %swap3A_428 = vector.shape_cast %swap3A_427 : vector<1x16xf32> to vector<16xf32>
        %swap3A_429 = vector.shape_cast %mul3A_423 : vector<16xf32> to vector<1x16xf32>
        tpu.vector_store %arg12[%swap3A, %swap3A_426], %swap3A_429 {strides = array<i32>} : memref<1024x16xf32, #tpu.memory_space<vmem>>, vector<1x16xf32>,
        %slice3A_430 = vector.extract_strided_slice %get3A_414 {offsets = [1], sizes = [1], strides = [1]} : vector<16xf32> to vector<1xf32>
        %broadcast_in_dim3A_431 = vector.shape_cast %slice3A_430 : vector<1xf32> to vector<1xf32>
        %broadcast_in_dim3A_432 = vector.broadcast %broadcast_in_dim3A_431 : vector<1xf32> to vector<16xf32>
        %add3A_433 = arith.constant 1 : i32
        %add3A_434 = arith.addi %mul3A_412, %add3A_433 : i32
        %get3A_435 = arith.index_cast %add3A_434 : i32 to index
        %get3A_436 = arith.constant 0 : index
        %get3A_437 = tpu.vector_load %arg12[%get3A_435, %get3A_436] {strides = array<i32>} : memref<1024x16xf32, #tpu.memory_space<vmem>>, vector<1x16xf32>,
        %get3A_438 = vector.shape_cast %get3A_437 : vector<1x16xf32> to vector<16xf32>
        %mul3A_439 = arith.mulf %get3A_438, %broadcast_in_dim3A_432 : vector<16xf32>
        %add3A_440 = arith.constant 1 : i32
        %add3A_441 = arith.addi %mul3A_412, %add3A_440 : i32
        %swap3A_442 = arith.index_cast %add3A_441 : i32 to index
        %swap3A_443 = arith.constant 0 : index
        %swap3A_444 = tpu.vector_load %arg12[%swap3A_442, %swap3A_443] {strides = array<i32>} : memref<1024x16xf32, #tpu.memory_space<vmem>>, vector<1x16xf32>,
        %swap3A_445 = vector.shape_cast %swap3A_444 : vector<1x16xf32> to vector<16xf32>
        %swap3A_446 = vector.shape_cast %mul3A_439 : vector<16xf32> to vector<1x16xf32>
        tpu.vector_store %arg12[%swap3A_442, %swap3A_443], %swap3A_446 {strides = array<i32>} : memref<1024x16xf32, #tpu.memory_space<vmem>>, vector<1x16xf32>,
        %slice3A_447 = vector.extract_strided_slice %get3A_414 {offsets = [2], sizes = [1], strides = [1]} : vector<16xf32> to vector<1xf32>
        %broadcast_in_dim3A_448 = vector.shape_cast %slice3A_447 : vector<1xf32> to vector<1xf32>
        %broadcast_in_dim3A_449 = vector.broadcast %broadcast_in_dim3A_448 : vector<1xf32> to vector<16xf32>
        %add3A_450 = arith.constant 2 : i32
        %add3A_451 = arith.addi %mul3A_412, %add3A_450 : i32
        %get3A_452 = arith.index_cast %add3A_451 : i32 to index
        %get3A_453 = arith.constant 0 : index
        %get3A_454 = tpu.vector_load %arg12[%get3A_452, %get3A_453] {strides = array<i32>} : memref<1024x16xf32, #tpu.memory_space<vmem>>, vector<1x16xf32>,
        %get3A_455 = vector.shape_cast %get3A_454 : vector<1x16xf32> to vector<16xf32>
        %mul3A_456 = arith.mulf %get3A_455, %broadcast_in_dim3A_449 : vector<16xf32>
        %add3A_457 = arith.constant 2 : i32
        %add3A_458 = arith.addi %mul3A_412, %add3A_457 : i32
        %swap3A_459 = arith.index_cast %add3A_458 : i32 to index
        %swap3A_460 = arith.constant 0 : index
        %swap3A_461 = tpu.vector_load %arg12[%swap3A_459, %swap3A_460] {strides = array<i32>} : memref<1024x16xf32, #tpu.memory_space<vmem>>, vector<1x16xf32>,
        %swap3A_462 = vector.shape_cast %swap3A_461 : vector<1x16xf32> to vector<16xf32>
        %swap3A_463 = vector.shape_cast %mul3A_456 : vector<16xf32> to vector<1x16xf32>
        tpu.vector_store %arg12[%swap3A_459, %swap3A_460], %swap3A_463 {strides = array<i32>} : memref<1024x16xf32, #tpu.memory_space<vmem>>, vector<1x16xf32>,
        %slice3A_464 = vector.extract_strided_slice %get3A_414 {offsets = [3], sizes = [1], strides = [1]} : vector<16xf32> to vector<1xf32>
        %broadcast_in_dim3A_465 = vector.shape_cast %slice3A_464 : vector<1xf32> to vector<1xf32>
        %broadcast_in_dim3A_466 = vector.broadcast %broadcast_in_dim3A_465 : vector<1xf32> to vector<16xf32>
        %add3A_467 = arith.constant 3 : i32
        %add3A_468 = arith.addi %mul3A_412, %add3A_467 : i32
        %get3A_469 = arith.index_cast %add3A_468 : i32 to index
        %get3A_470 = arith.constant 0 : index
        %get3A_471 = tpu.vector_load %arg12[%get3A_469, %get3A_470] {strides = array<i32>} : memref<1024x16xf32, #tpu.memory_space<vmem>>, vector<1x16xf32>,
        %get3A_472 = vector.shape_cast %get3A_471 : vector<1x16xf32> to vector<16xf32>
        %mul3A_473 = arith.mulf %get3A_472, %broadcast_in_dim3A_466 : vector<16xf32>
        %add3A_474 = arith.constant 3 : i32
        %add3A_475 = arith.addi %mul3A_412, %add3A_474 : i32
        %swap3A_476 = arith.index_cast %add3A_475 : i32 to index
        %swap3A_477 = arith.constant 0 : index
        %swap3A_478 = tpu.vector_load %arg12[%swap3A_476, %swap3A_477] {strides = array<i32>} : memref<1024x16xf32, #tpu.memory_space<vmem>>, vector<1x16xf32>,
        %swap3A_479 = vector.shape_cast %swap3A_478 : vector<1x16xf32> to vector<16xf32>
        %swap3A_480 = vector.shape_cast %mul3A_473 : vector<16xf32> to vector<1x16xf32>
        tpu.vector_store %arg12[%swap3A_476, %swap3A_477], %swap3A_480 {strides = array<i32>} : memref<1024x16xf32, #tpu.memory_space<vmem>>, vector<1x16xf32>,
        %slice3A_481 = vector.extract_strided_slice %get3A_414 {offsets = [4], sizes = [1], strides = [1]} : vector<16xf32> to vector<1xf32>
        %broadcast_in_dim3A_482 = vector.shape_cast %slice3A_481 : vector<1xf32> to vector<1xf32>
        %broadcast_in_dim3A_483 = vector.broadcast %broadcast_in_dim3A_482 : vector<1xf32> to vector<16xf32>
        %add3A_484 = arith.constant 4 : i32
        %add3A_485 = arith.addi %mul3A_412, %add3A_484 : i32
        %get3A_486 = arith.index_cast %add3A_485 : i32 to index
        %get3A_487 = arith.constant 0 : index
        %get3A_488 = tpu.vector_load %arg12[%get3A_486, %get3A_487] {strides = array<i32>} : memref<1024x16xf32, #tpu.memory_space<vmem>>, vector<1x16xf32>,
        %get3A_489 = vector.shape_cast %get3A_488 : vector<1x16xf32> to vector<16xf32>
        %mul3A_490 = arith.mulf %get3A_489, %broadcast_in_dim3A_483 : vector<16xf32>
        %add3A_491 = arith.constant 4 : i32
        %add3A_492 = arith.addi %mul3A_412, %add3A_491 : i32
        %swap3A_493 = arith.index_cast %add3A_492 : i32 to index
        %swap3A_494 = arith.constant 0 : index
        %swap3A_495 = tpu.vector_load %arg12[%swap3A_493, %swap3A_494] {strides = array<i32>} : memref<1024x16xf32, #tpu.memory_space<vmem>>, vector<1x16xf32>,
        %swap3A_496 = vector.shape_cast %swap3A_495 : vector<1x16xf32> to vector<16xf32>
        %swap3A_497 = vector.shape_cast %mul3A_490 : vector<16xf32> to vector<1x16xf32>
        tpu.vector_store %arg12[%swap3A_493, %swap3A_494], %swap3A_497 {strides = array<i32>} : memref<1024x16xf32, #tpu.memory_space<vmem>>, vector<1x16xf32>,
        %slice3A_498 = vector.extract_strided_slice %get3A_414 {offsets = [5], sizes = [1], strides = [1]} : vector<16xf32> to vector<1xf32>
        %broadcast_in_dim3A_499 = vector.shape_cast %slice3A_498 : vector<1xf32> to vector<1xf32>
        %broadcast_in_dim3A_500 = vector.broadcast %broadcast_in_dim3A_499 : vector<1xf32> to vector<16xf32>
        %add3A_501 = arith.constant 5 : i32
        %add3A_502 = arith.addi %mul3A_412, %add3A_501 : i32
        %get3A_503 = arith.index_cast %add3A_502 : i32 to index
        %get3A_504 = arith.constant 0 : index
        %get3A_505 = tpu.vector_load %arg12[%get3A_503, %get3A_504] {strides = array<i32>} : memref<1024x16xf32, #tpu.memory_space<vmem>>, vector<1x16xf32>,
        %get3A_506 = vector.shape_cast %get3A_505 : vector<1x16xf32> to vector<16xf32>
        %mul3A_507 = arith.mulf %get3A_506, %broadcast_in_dim3A_500 : vector<16xf32>
        %add3A_508 = arith.constant 5 : i32
        %add3A_509 = arith.addi %mul3A_412, %add3A_508 : i32
        %swap3A_510 = arith.index_cast %add3A_509 : i32 to index
        %swap3A_511 = arith.constant 0 : index
        %swap3A_512 = tpu.vector_load %arg12[%swap3A_510, %swap3A_511] {strides = array<i32>} : memref<1024x16xf32, #tpu.memory_space<vmem>>, vector<1x16xf32>,
        %swap3A_513 = vector.shape_cast %swap3A_512 : vector<1x16xf32> to vector<16xf32>
        %swap3A_514 = vector.shape_cast %mul3A_507 : vector<16xf32> to vector<1x16xf32>
        tpu.vector_store %arg12[%swap3A_510, %swap3A_511], %swap3A_514 {strides = array<i32>} : memref<1024x16xf32, #tpu.memory_space<vmem>>, vector<1x16xf32>,
        %slice3A_515 = vector.extract_strided_slice %get3A_414 {offsets = [6], sizes = [1], strides = [1]} : vector<16xf32> to vector<1xf32>
        %broadcast_in_dim3A_516 = vector.shape_cast %slice3A_515 : vector<1xf32> to vector<1xf32>
        %broadcast_in_dim3A_517 = vector.broadcast %broadcast_in_dim3A_516 : vector<1xf32> to vector<16xf32>
        %add3A_518 = arith.constant 6 : i32
        %add3A_519 = arith.addi %mul3A_412, %add3A_518 : i32
        %get3A_520 = arith.index_cast %add3A_519 : i32 to index
        %get3A_521 = arith.constant 0 : index
        %get3A_522 = tpu.vector_load %arg12[%get3A_520, %get3A_521] {strides = array<i32>} : memref<1024x16xf32, #tpu.memory_space<vmem>>, vector<1x16xf32>,
        %get3A_523 = vector.shape_cast %get3A_522 : vector<1x16xf32> to vector<16xf32>
        %mul3A_524 = arith.mulf %get3A_523, %broadcast_in_dim3A_517 : vector<16xf32>
        %add3A_525 = arith.constant 6 : i32
        %add3A_526 = arith.addi %mul3A_412, %add3A_525 : i32
        %swap3A_527 = arith.index_cast %add3A_526 : i32 to index
        %swap3A_528 = arith.constant 0 : index
        %swap3A_529 = tpu.vector_load %arg12[%swap3A_527, %swap3A_528] {strides = array<i32>} : memref<1024x16xf32, #tpu.memory_space<vmem>>, vector<1x16xf32>,
        %swap3A_530 = vector.shape_cast %swap3A_529 : vector<1x16xf32> to vector<16xf32>
        %swap3A_531 = vector.shape_cast %mul3A_524 : vector<16xf32> to vector<1x16xf32>
        tpu.vector_store %arg12[%swap3A_527, %swap3A_528], %swap3A_531 {strides = array<i32>} : memref<1024x16xf32, #tpu.memory_space<vmem>>, vector<1x16xf32>,
        %slice3A_532 = vector.extract_strided_slice %get3A_414 {offsets = [7], sizes = [1], strides = [1]} : vector<16xf32> to vector<1xf32>
        %broadcast_in_dim3A_533 = vector.shape_cast %slice3A_532 : vector<1xf32> to vector<1xf32>
        %broadcast_in_dim3A_534 = vector.broadcast %broadcast_in_dim3A_533 : vector<1xf32> to vector<16xf32>
        %add3A_535 = arith.constant 7 : i32
        %add3A_536 = arith.addi %mul3A_412, %add3A_535 : i32
        %get3A_537 = arith.index_cast %add3A_536 : i32 to index
        %get3A_538 = arith.constant 0 : index
        %get3A_539 = tpu.vector_load %arg12[%get3A_537, %get3A_538] {strides = array<i32>} : memref<1024x16xf32, #tpu.memory_space<vmem>>, vector<1x16xf32>,
        %get3A_540 = vector.shape_cast %get3A_539 : vector<1x16xf32> to vector<16xf32>
        %mul3A_541 = arith.mulf %get3A_540, %broadcast_in_dim3A_534 : vector<16xf32>
        %add3A_542 = arith.constant 7 : i32
        %add3A_543 = arith.addi %mul3A_412, %add3A_542 : i32
        %swap3A_544 = arith.index_cast %add3A_543 : i32 to index
        %swap3A_545 = arith.constant 0 : index
        %swap3A_546 = tpu.vector_load %arg12[%swap3A_544, %swap3A_545] {strides = array<i32>} : memref<1024x16xf32, #tpu.memory_space<vmem>>, vector<1x16xf32>,
        %swap3A_547 = vector.shape_cast %swap3A_546 : vector<1x16xf32> to vector<16xf32>
        %swap3A_548 = vector.shape_cast %mul3A_541 : vector<16xf32> to vector<1x16xf32>
        tpu.vector_store %arg12[%swap3A_544, %swap3A_545], %swap3A_548 {strides = array<i32>} : memref<1024x16xf32, #tpu.memory_space<vmem>>, vector<1x16xf32>,
        %slice3A_549 = vector.extract_strided_slice %get3A_414 {offsets = [8], sizes = [1], strides = [1]} : vector<16xf32> to vector<1xf32>
        %broadcast_in_dim3A_550 = vector.shape_cast %slice3A_549 : vector<1xf32> to vector<1xf32>
        %broadcast_in_dim3A_551 = vector.broadcast %broadcast_in_dim3A_550 : vector<1xf32> to vector<16xf32>
        %add3A_552 = arith.constant 8 : i32
        %add3A_553 = arith.addi %mul3A_412, %add3A_552 : i32
        %get3A_554 = arith.index_cast %add3A_553 : i32 to index
        %get3A_555 = arith.constant 0 : index
        %get3A_556 = tpu.vector_load %arg12[%get3A_554, %get3A_555] {strides = array<i32>} : memref<1024x16xf32, #tpu.memory_space<vmem>>, vector<1x16xf32>,
        %get3A_557 = vector.shape_cast %get3A_556 : vector<1x16xf32> to vector<16xf32>
        %mul3A_558 = arith.mulf %get3A_557, %broadcast_in_dim3A_551 : vector<16xf32>
        %add3A_559 = arith.constant 8 : i32
        %add3A_560 = arith.addi %mul3A_412, %add3A_559 : i32
        %swap3A_561 = arith.index_cast %add3A_560 : i32 to index
        %swap3A_562 = arith.constant 0 : index
        %swap3A_563 = tpu.vector_load %arg12[%swap3A_561, %swap3A_562] {strides = array<i32>} : memref<1024x16xf32, #tpu.memory_space<vmem>>, vector<1x16xf32>,
        %swap3A_564 = vector.shape_cast %swap3A_563 : vector<1x16xf32> to vector<16xf32>
        %swap3A_565 = vector.shape_cast %mul3A_558 : vector<16xf32> to vector<1x16xf32>
        tpu.vector_store %arg12[%swap3A_561, %swap3A_562], %swap3A_565 {strides = array<i32>} : memref<1024x16xf32, #tpu.memory_space<vmem>>, vector<1x16xf32>,
        %slice3A_566 = vector.extract_strided_slice %get3A_414 {offsets = [9], sizes = [1], strides = [1]} : vector<16xf32> to vector<1xf32>
        %broadcast_in_dim3A_567 = vector.shape_cast %slice3A_566 : vector<1xf32> to vector<1xf32>
        %broadcast_in_dim3A_568 = vector.broadcast %broadcast_in_dim3A_567 : vector<1xf32> to vector<16xf32>
        %add3A_569 = arith.constant 9 : i32
        %add3A_570 = arith.addi %mul3A_412, %add3A_569 : i32
        %get3A_571 = arith.index_cast %add3A_570 : i32 to index
        %get3A_572 = arith.constant 0 : index
        %get3A_573 = tpu.vector_load %arg12[%get3A_571, %get3A_572] {strides = array<i32>} : memref<1024x16xf32, #tpu.memory_space<vmem>>, vector<1x16xf32>,
        %get3A_574 = vector.shape_cast %get3A_573 : vector<1x16xf32> to vector<16xf32>
        %mul3A_575 = arith.mulf %get3A_574, %broadcast_in_dim3A_568 : vector<16xf32>
        %add3A_576 = arith.constant 9 : i32
        %add3A_577 = arith.addi %mul3A_412, %add3A_576 : i32
        %swap3A_578 = arith.index_cast %add3A_577 : i32 to index
        %swap3A_579 = arith.constant 0 : index
        %swap3A_580 = tpu.vector_load %arg12[%swap3A_578, %swap3A_579] {strides = array<i32>} : memref<1024x16xf32, #tpu.memory_space<vmem>>, vector<1x16xf32>,
        %swap3A_581 = vector.shape_cast %swap3A_580 : vector<1x16xf32> to vector<16xf32>
        %swap3A_582 = vector.shape_cast %mul3A_575 : vector<16xf32> to vector<1x16xf32>
        tpu.vector_store %arg12[%swap3A_578, %swap3A_579], %swap3A_582 {strides = array<i32>} : memref<1024x16xf32, #tpu.memory_space<vmem>>, vector<1x16xf32>,
        %slice3A_583 = vector.extract_strided_slice %get3A_414 {offsets = [10], sizes = [1], strides = [1]} : vector<16xf32> to vector<1xf32>
        %broadcast_in_dim3A_584 = vector.shape_cast %slice3A_583 : vector<1xf32> to vector<1xf32>
        %broadcast_in_dim3A_585 = vector.broadcast %broadcast_in_dim3A_584 : vector<1xf32> to vector<16xf32>
        %add3A_586 = arith.constant 10 : i32
        %add3A_587 = arith.addi %mul3A_412, %add3A_586 : i32
        %get3A_588 = arith.index_cast %add3A_587 : i32 to index
        %get3A_589 = arith.constant 0 : index
        %get3A_590 = tpu.vector_load %arg12[%get3A_588, %get3A_589] {strides = array<i32>} : memref<1024x16xf32, #tpu.memory_space<vmem>>, vector<1x16xf32>,
        %get3A_591 = vector.shape_cast %get3A_590 : vector<1x16xf32> to vector<16xf32>
        %mul3A_592 = arith.mulf %get3A_591, %broadcast_in_dim3A_585 : vector<16xf32>
        %add3A_593 = arith.constant 10 : i32
        %add3A_594 = arith.addi %mul3A_412, %add3A_593 : i32
        %swap3A_595 = arith.index_cast %add3A_594 : i32 to index
        %swap3A_596 = arith.constant 0 : index
        %swap3A_597 = tpu.vector_load %arg12[%swap3A_595, %swap3A_596] {strides = array<i32>} : memref<1024x16xf32, #tpu.memory_space<vmem>>, vector<1x16xf32>,
        %swap3A_598 = vector.shape_cast %swap3A_597 : vector<1x16xf32> to vector<16xf32>
        %swap3A_599 = vector.shape_cast %mul3A_592 : vector<16xf32> to vector<1x16xf32>
        tpu.vector_store %arg12[%swap3A_595, %swap3A_596], %swap3A_599 {strides = array<i32>} : memref<1024x16xf32, #tpu.memory_space<vmem>>, vector<1x16xf32>,
        %slice3A_600 = vector.extract_strided_slice %get3A_414 {offsets = [11], sizes = [1], strides = [1]} : vector<16xf32> to vector<1xf32>
        %broadcast_in_dim3A_601 = vector.shape_cast %slice3A_600 : vector<1xf32> to vector<1xf32>
        %broadcast_in_dim3A_602 = vector.broadcast %broadcast_in_dim3A_601 : vector<1xf32> to vector<16xf32>
        %add3A_603 = arith.constant 11 : i32
        %add3A_604 = arith.addi %mul3A_412, %add3A_603 : i32
        %get3A_605 = arith.index_cast %add3A_604 : i32 to index
        %get3A_606 = arith.constant 0 : index
        %get3A_607 = tpu.vector_load %arg12[%get3A_605, %get3A_606] {strides = array<i32>} : memref<1024x16xf32, #tpu.memory_space<vmem>>, vector<1x16xf32>,
        %get3A_608 = vector.shape_cast %get3A_607 : vector<1x16xf32> to vector<16xf32>
        %mul3A_609 = arith.mulf %get3A_608, %broadcast_in_dim3A_602 : vector<16xf32>
        %add3A_610 = arith.constant 11 : i32
        %add3A_611 = arith.addi %mul3A_412, %add3A_610 : i32
        %swap3A_612 = arith.index_cast %add3A_611 : i32 to index
        %swap3A_613 = arith.constant 0 : index
        %swap3A_614 = tpu.vector_load %arg12[%swap3A_612, %swap3A_613] {strides = array<i32>} : memref<1024x16xf32, #tpu.memory_space<vmem>>, vector<1x16xf32>,
        %swap3A_615 = vector.shape_cast %swap3A_614 : vector<1x16xf32> to vector<16xf32>
        %swap3A_616 = vector.shape_cast %mul3A_609 : vector<16xf32> to vector<1x16xf32>
        tpu.vector_store %arg12[%swap3A_612, %swap3A_613], %swap3A_616 {strides = array<i32>} : memref<1024x16xf32, #tpu.memory_space<vmem>>, vector<1x16xf32>,
        %slice3A_617 = vector.extract_strided_slice %get3A_414 {offsets = [12], sizes = [1], strides = [1]} : vector<16xf32> to vector<1xf32>
        %broadcast_in_dim3A_618 = vector.shape_cast %slice3A_617 : vector<1xf32> to vector<1xf32>
        %broadcast_in_dim3A_619 = vector.broadcast %broadcast_in_dim3A_618 : vector<1xf32> to vector<16xf32>
        %add3A_620 = arith.constant 12 : i32
        %add3A_621 = arith.addi %mul3A_412, %add3A_620 : i32
        %get3A_622 = arith.index_cast %add3A_621 : i32 to index
        %get3A_623 = arith.constant 0 : index
        %get3A_624 = tpu.vector_load %arg12[%get3A_622, %get3A_623] {strides = array<i32>} : memref<1024x16xf32, #tpu.memory_space<vmem>>, vector<1x16xf32>,
        %get3A_625 = vector.shape_cast %get3A_624 : vector<1x16xf32> to vector<16xf32>
        %mul3A_626 = arith.mulf %get3A_625, %broadcast_in_dim3A_619 : vector<16xf32>
        %add3A_627 = arith.constant 12 : i32
        %add3A_628 = arith.addi %mul3A_412, %add3A_627 : i32
        %swap3A_629 = arith.index_cast %add3A_628 : i32 to index
        %swap3A_630 = arith.constant 0 : index
        %swap3A_631 = tpu.vector_load %arg12[%swap3A_629, %swap3A_630] {strides = array<i32>} : memref<1024x16xf32, #tpu.memory_space<vmem>>, vector<1x16xf32>,
        %swap3A_632 = vector.shape_cast %swap3A_631 : vector<1x16xf32> to vector<16xf32>
        %swap3A_633 = vector.shape_cast %mul3A_626 : vector<16xf32> to vector<1x16xf32>
        tpu.vector_store %arg12[%swap3A_629, %swap3A_630], %swap3A_633 {strides = array<i32>} : memref<1024x16xf32, #tpu.memory_space<vmem>>, vector<1x16xf32>,
        %slice3A_634 = vector.extract_strided_slice %get3A_414 {offsets = [13], sizes = [1], strides = [1]} : vector<16xf32> to vector<1xf32>
        %broadcast_in_dim3A_635 = vector.shape_cast %slice3A_634 : vector<1xf32> to vector<1xf32>
        %broadcast_in_dim3A_636 = vector.broadcast %broadcast_in_dim3A_635 : vector<1xf32> to vector<16xf32>
        %add3A_637 = arith.constant 13 : i32
        %add3A_638 = arith.addi %mul3A_412, %add3A_637 : i32
        %get3A_639 = arith.index_cast %add3A_638 : i32 to index
        %get3A_640 = arith.constant 0 : index
        %get3A_641 = tpu.vector_load %arg12[%get3A_639, %get3A_640] {strides = array<i32>} : memref<1024x16xf32, #tpu.memory_space<vmem>>, vector<1x16xf32>,
        %get3A_642 = vector.shape_cast %get3A_641 : vector<1x16xf32> to vector<16xf32>
        %mul3A_643 = arith.mulf %get3A_642, %broadcast_in_dim3A_636 : vector<16xf32>
        %add3A_644 = arith.constant 13 : i32
        %add3A_645 = arith.addi %mul3A_412, %add3A_644 : i32
        %swap3A_646 = arith.index_cast %add3A_645 : i32 to index
        %swap3A_647 = arith.constant 0 : index
        %swap3A_648 = tpu.vector_load %arg12[%swap3A_646, %swap3A_647] {strides = array<i32>} : memref<1024x16xf32, #tpu.memory_space<vmem>>, vector<1x16xf32>,
        %swap3A_649 = vector.shape_cast %swap3A_648 : vector<1x16xf32> to vector<16xf32>
        %swap3A_650 = vector.shape_cast %mul3A_643 : vector<16xf32> to vector<1x16xf32>
        tpu.vector_store %arg12[%swap3A_646, %swap3A_647], %swap3A_650 {strides = array<i32>} : memref<1024x16xf32, #tpu.memory_space<vmem>>, vector<1x16xf32>,
        %slice3A_651 = vector.extract_strided_slice %get3A_414 {offsets = [14], sizes = [1], strides = [1]} : vector<16xf32> to vector<1xf32>
        %broadcast_in_dim3A_652 = vector.shape_cast %slice3A_651 : vector<1xf32> to vector<1xf32>
        %broadcast_in_dim3A_653 = vector.broadcast %broadcast_in_dim3A_652 : vector<1xf32> to vector<16xf32>
        %add3A_654 = arith.constant 14 : i32
        %add3A_655 = arith.addi %mul3A_412, %add3A_654 : i32
        %get3A_656 = arith.index_cast %add3A_655 : i32 to index
        %get3A_657 = arith.constant 0 : index
        %get3A_658 = tpu.vector_load %arg12[%get3A_656, %get3A_657] {strides = array<i32>} : memref<1024x16xf32, #tpu.memory_space<vmem>>, vector<1x16xf32>,
        %get3A_659 = vector.shape_cast %get3A_658 : vector<1x16xf32> to vector<16xf32>
        %mul3A_660 = arith.mulf %get3A_659, %broadcast_in_dim3A_653 : vector<16xf32>
        %add3A_661 = arith.constant 14 : i32
        %add3A_662 = arith.addi %mul3A_412, %add3A_661 : i32
        %swap3A_663 = arith.index_cast %add3A_662 : i32 to index
        %swap3A_664 = arith.constant 0 : index
        %swap3A_665 = tpu.vector_load %arg12[%swap3A_663, %swap3A_664] {strides = array<i32>} : memref<1024x16xf32, #tpu.memory_space<vmem>>, vector<1x16xf32>,
        %swap3A_666 = vector.shape_cast %swap3A_665 : vector<1x16xf32> to vector<16xf32>
        %swap3A_667 = vector.shape_cast %mul3A_660 : vector<16xf32> to vector<1x16xf32>
        tpu.vector_store %arg12[%swap3A_663, %swap3A_664], %swap3A_667 {strides = array<i32>} : memref<1024x16xf32, #tpu.memory_space<vmem>>, vector<1x16xf32>,
        %slice3A_668 = vector.extract_strided_slice %get3A_414 {offsets = [15], sizes = [1], strides = [1]} : vector<16xf32> to vector<1xf32>
        %broadcast_in_dim3A_669 = vector.shape_cast %slice3A_668 : vector<1xf32> to vector<1xf32>
        %broadcast_in_dim3A_670 = vector.broadcast %broadcast_in_dim3A_669 : vector<1xf32> to vector<16xf32>
        %add3A_671 = arith.constant 15 : i32
        %add3A_672 = arith.addi %mul3A_412, %add3A_671 : i32
        %get3A_673 = arith.index_cast %add3A_672 : i32 to index
        %get3A_674 = arith.constant 0 : index
        %get3A_675 = tpu.vector_load %arg12[%get3A_673, %get3A_674] {strides = array<i32>} : memref<1024x16xf32, #tpu.memory_space<vmem>>, vector<1x16xf32>,
        %get3A_676 = vector.shape_cast %get3A_675 : vector<1x16xf32> to vector<16xf32>
        %mul3A_677 = arith.mulf %get3A_676, %broadcast_in_dim3A_670 : vector<16xf32>
        %add3A_678 = arith.constant 15 : i32
        %add3A_679 = arith.addi %mul3A_412, %add3A_678 : i32
        %swap3A_680 = arith.index_cast %add3A_679 : i32 to index
        %swap3A_681 = arith.constant 0 : index
        %swap3A_682 = tpu.vector_load %arg12[%swap3A_680, %swap3A_681] {strides = array<i32>} : memref<1024x16xf32, #tpu.memory_space<vmem>>, vector<1x16xf32>,
        %swap3A_683 = vector.shape_cast %swap3A_682 : vector<1x16xf32> to vector<16xf32>
        %swap3A_684 = vector.shape_cast %mul3A_677 : vector<16xf32> to vector<1x16xf32>
        tpu.vector_store %arg12[%swap3A_680, %swap3A_681], %swap3A_684 {strides = array<i32>} : memref<1024x16xf32, #tpu.memory_space<vmem>>, vector<1x16xf32>,
        %scan3A_685 = arith.constant 0 : i32
        scf.yield %scan3A_685 : i32
      }
      %scan3A_400 = arith.constant 64 : i32
      %run_scoped3A = arith.constant 0 : i32
      "tpu.region"() ({
        %run_scoped3A_409 = tpu.sem_alloc : memref<!tpu.dma_semaphore, #tpu.memory_space<semaphore_mem>>
        %dma_start3A_410 = arith.constant 0 : i32
        %dma_start3A_411 = arith.constant 0 : i32
        %dma_start3A_412 = tpu.memref_slice %arg12[%dma_start3A_410, %dma_start3A_411] : memref<1024x16xf32, #tpu.memory_space<vmem>> -> memref<128x16xf32, #tpu.memory_space<vmem>>
        %dma_start3A_413 = arith.constant 0 : i32
        %dma_start3A_414 = tpu.memref_slice %arg9[%run_scoped3A, %dma_start3A_413] : memref<8x128xi32, #tpu.memory_space<vmem>> -> memref<1x128xi32, #tpu.memory_space<vmem>>
        %dma_start3A_415 = tpu.memref_squeeze %dma_start3A_414 : memref<1x128xi32, #tpu.memory_space<vmem>> -> memref<128xi32, #tpu.memory_space<vmem>>
        %dma_start3A_416 = arith.constant 0 : i32
        %dma_start3A_417 = arith.constant 0 : i32
        %dma_start3A_418 = tpu.memref_slice %arg7[%dma_start3A_416, %dma_start3A_417] : memref<100096x16xf32, #tpu.memory_space<vmem_shared>> -> memref<100096x16xf32, #tpu.memory_space<vmem_shared>>
        tpu.enqueue_indirect_dma source(%dma_start3A_412 : memref<128x16xf32, #tpu.memory_space<vmem>>) target(%dma_start3A_418 : memref<100096x16xf32, #tpu.memory_space<vmem_shared>>) offsets(%dma_start3A_415 : memref<128xi32, #tpu.memory_space<vmem>>) semaphore(%run_scoped3A_409 : memref<!tpu.dma_semaphore, #tpu.memory_space<semaphore_mem>>) {add = true}
        %dma_wait3A_419 = arith.constant 0 : i32
        %dma_wait3A_420 = arith.constant 0 : i32
        %dma_wait3A_421 = tpu.memref_slice %arg12[%dma_wait3A_419, %dma_wait3A_420] : memref<1024x16xf32, #tpu.memory_space<vmem>> -> memref<128x16xf32, #tpu.memory_space<vmem>>
        %dma_wait3A_422 = arith.constant 0 : i32
        %dma_wait3A_423 = tpu.memref_slice %arg9[%run_scoped3A, %dma_wait3A_422] : memref<8x128xi32, #tpu.memory_space<vmem>> -> memref<1x128xi32, #tpu.memory_space<vmem>>
        %dma_wait3A_424 = tpu.memref_squeeze %dma_wait3A_423 : memref<1x128xi32, #tpu.memory_space<vmem>> -> memref<128xi32, #tpu.memory_space<vmem>>
        %dma_wait3A_425 = arith.constant 0 : i32
        %dma_wait3A_426 = arith.constant 0 : i32
        %dma_wait3A_427 = tpu.memref_slice %arg7[%dma_wait3A_425, %dma_wait3A_426] : memref<100096x16xf32, #tpu.memory_space<vmem_shared>> -> memref<100096x16xf32, #tpu.memory_space<vmem_shared>>
        tpu.wait_indirect_dma semaphore(%run_scoped3A_409 : memref<!tpu.dma_semaphore, #tpu.memory_space<semaphore_mem>>) src(%dma_wait3A_421 : memref<128x16xf32, #tpu.memory_space<vmem>>) dst(%dma_wait3A_427 : memref<100096x16xf32, #tpu.memory_space<vmem_shared>>)
        tpu.yield
      }) : () -> ()
      %run_scoped3A_401 = arith.constant 1 : i32
      "tpu.region"() ({
        %run_scoped3A_409 = tpu.sem_alloc : memref<!tpu.dma_semaphore, #tpu.memory_space<semaphore_mem>>
        %dma_start3A_410 = arith.constant 128 : i32
        %dma_start3A_411 = arith.constant 0 : i32
        %dma_start3A_412 = tpu.memref_slice %arg12[%dma_start3A_410, %dma_start3A_411] : memref<1024x16xf32, #tpu.memory_space<vmem>> -> memref<128x16xf32, #tpu.memory_space<vmem>>
        %dma_start3A_413 = arith.constant 0 : i32
        %dma_start3A_414 = tpu.memref_slice %arg9[%run_scoped3A_401, %dma_start3A_413] : memref<8x128xi32, #tpu.memory_space<vmem>> -> memref<1x128xi32, #tpu.memory_space<vmem>>
        %dma_start3A_415 = tpu.memref_squeeze %dma_start3A_414 : memref<1x128xi32, #tpu.memory_space<vmem>> -> memref<128xi32, #tpu.memory_space<vmem>>
        %dma_start3A_416 = arith.constant 0 : i32
        %dma_start3A_417 = arith.constant 0 : i32
        %dma_start3A_418 = tpu.memref_slice %arg7[%dma_start3A_416, %dma_start3A_417] : memref<100096x16xf32, #tpu.memory_space<vmem_shared>> -> memref<100096x16xf32, #tpu.memory_space<vmem_shared>>
        tpu.enqueue_indirect_dma source(%dma_start3A_412 : memref<128x16xf32, #tpu.memory_space<vmem>>) target(%dma_start3A_418 : memref<100096x16xf32, #tpu.memory_space<vmem_shared>>) offsets(%dma_start3A_415 : memref<128xi32, #tpu.memory_space<vmem>>) semaphore(%run_scoped3A_409 : memref<!tpu.dma_semaphore, #tpu.memory_space<semaphore_mem>>) {add = true}
        %dma_wait3A_419 = arith.constant 128 : i32
        %dma_wait3A_420 = arith.constant 0 : i32
        %dma_wait3A_421 = tpu.memref_slice %arg12[%dma_wait3A_419, %dma_wait3A_420] : memref<1024x16xf32, #tpu.memory_space<vmem>> -> memref<128x16xf32, #tpu.memory_space<vmem>>
        %dma_wait3A_422 = arith.constant 0 : i32
        %dma_wait3A_423 = tpu.memref_slice %arg9[%run_scoped3A_401, %dma_wait3A_422] : memref<8x128xi32, #tpu.memory_space<vmem>> -> memref<1x128xi32, #tpu.memory_space<vmem>>
        %dma_wait3A_424 = tpu.memref_squeeze %dma_wait3A_423 : memref<1x128xi32, #tpu.memory_space<vmem>> -> memref<128xi32, #tpu.memory_space<vmem>>
        %dma_wait3A_425 = arith.constant 0 : i32
        %dma_wait3A_426 = arith.constant 0 : i32
        %dma_wait3A_427 = tpu.memref_slice %arg7[%dma_wait3A_425, %dma_wait3A_426] : memref<100096x16xf32, #tpu.memory_space<vmem_shared>> -> memref<100096x16xf32, #tpu.memory_space<vmem_shared>>
        tpu.wait_indirect_dma semaphore(%run_scoped3A_409 : memref<!tpu.dma_semaphore, #tpu.memory_space<semaphore_mem>>) src(%dma_wait3A_421 : memref<128x16xf32, #tpu.memory_space<vmem>>) dst(%dma_wait3A_427 : memref<100096x16xf32, #tpu.memory_space<vmem_shared>>)
        tpu.yield
      }) : () -> ()
      %run_scoped3A_402 = arith.constant 2 : i32
      "tpu.region"() ({
        %run_scoped3A_409 = tpu.sem_alloc : memref<!tpu.dma_semaphore, #tpu.memory_space<semaphore_mem>>
        %dma_start3A_410 = arith.constant 256 : i32
        %dma_start3A_411 = arith.constant 0 : i32
        %dma_start3A_412 = tpu.memref_slice %arg12[%dma_start3A_410, %dma_start3A_411] : memref<1024x16xf32, #tpu.memory_space<vmem>> -> memref<128x16xf32, #tpu.memory_space<vmem>>
        %dma_start3A_413 = arith.constant 0 : i32
        %dma_start3A_414 = tpu.memref_slice %arg9[%run_scoped3A_402, %dma_start3A_413] : memref<8x128xi32, #tpu.memory_space<vmem>> -> memref<1x128xi32, #tpu.memory_space<vmem>>
        %dma_start3A_415 = tpu.memref_squeeze %dma_start3A_414 : memref<1x128xi32, #tpu.memory_space<vmem>> -> memref<128xi32, #tpu.memory_space<vmem>>
        %dma_start3A_416 = arith.constant 0 : i32
        %dma_start3A_417 = arith.constant 0 : i32
        %dma_start3A_418 = tpu.memref_slice %arg7[%dma_start3A_416, %dma_start3A_417] : memref<100096x16xf32, #tpu.memory_space<vmem_shared>> -> memref<100096x16xf32, #tpu.memory_space<vmem_shared>>
        tpu.enqueue_indirect_dma source(%dma_start3A_412 : memref<128x16xf32, #tpu.memory_space<vmem>>) target(%dma_start3A_418 : memref<100096x16xf32, #tpu.memory_space<vmem_shared>>) offsets(%dma_start3A_415 : memref<128xi32, #tpu.memory_space<vmem>>) semaphore(%run_scoped3A_409 : memref<!tpu.dma_semaphore, #tpu.memory_space<semaphore_mem>>) {add = true}
        %dma_wait3A_419 = arith.constant 256 : i32
        %dma_wait3A_420 = arith.constant 0 : i32
        %dma_wait3A_421 = tpu.memref_slice %arg12[%dma_wait3A_419, %dma_wait3A_420] : memref<1024x16xf32, #tpu.memory_space<vmem>> -> memref<128x16xf32, #tpu.memory_space<vmem>>
        %dma_wait3A_422 = arith.constant 0 : i32
        %dma_wait3A_423 = tpu.memref_slice %arg9[%run_scoped3A_402, %dma_wait3A_422] : memref<8x128xi32, #tpu.memory_space<vmem>> -> memref<1x128xi32, #tpu.memory_space<vmem>>
        %dma_wait3A_424 = tpu.memref_squeeze %dma_wait3A_423 : memref<1x128xi32, #tpu.memory_space<vmem>> -> memref<128xi32, #tpu.memory_space<vmem>>
        %dma_wait3A_425 = arith.constant 0 : i32
        %dma_wait3A_426 = arith.constant 0 : i32
        %dma_wait3A_427 = tpu.memref_slice %arg7[%dma_wait3A_425, %dma_wait3A_426] : memref<100096x16xf32, #tpu.memory_space<vmem_shared>> -> memref<100096x16xf32, #tpu.memory_space<vmem_shared>>
        tpu.wait_indirect_dma semaphore(%run_scoped3A_409 : memref<!tpu.dma_semaphore, #tpu.memory_space<semaphore_mem>>) src(%dma_wait3A_421 : memref<128x16xf32, #tpu.memory_space<vmem>>) dst(%dma_wait3A_427 : memref<100096x16xf32, #tpu.memory_space<vmem_shared>>)
        tpu.yield
      }) : () -> ()
      %run_scoped3A_403 = arith.constant 3 : i32
      "tpu.region"() ({
        %run_scoped3A_409 = tpu.sem_alloc : memref<!tpu.dma_semaphore, #tpu.memory_space<semaphore_mem>>
        %dma_start3A_410 = arith.constant 384 : i32
        %dma_start3A_411 = arith.constant 0 : i32
        %dma_start3A_412 = tpu.memref_slice %arg12[%dma_start3A_410, %dma_start3A_411] : memref<1024x16xf32, #tpu.memory_space<vmem>> -> memref<128x16xf32, #tpu.memory_space<vmem>>
        %dma_start3A_413 = arith.constant 0 : i32
        %dma_start3A_414 = tpu.memref_slice %arg9[%run_scoped3A_403, %dma_start3A_413] : memref<8x128xi32, #tpu.memory_space<vmem>> -> memref<1x128xi32, #tpu.memory_space<vmem>>
        %dma_start3A_415 = tpu.memref_squeeze %dma_start3A_414 : memref<1x128xi32, #tpu.memory_space<vmem>> -> memref<128xi32, #tpu.memory_space<vmem>>
        %dma_start3A_416 = arith.constant 0 : i32
        %dma_start3A_417 = arith.constant 0 : i32
        %dma_start3A_418 = tpu.memref_slice %arg7[%dma_start3A_416, %dma_start3A_417] : memref<100096x16xf32, #tpu.memory_space<vmem_shared>> -> memref<100096x16xf32, #tpu.memory_space<vmem_shared>>
        tpu.enqueue_indirect_dma source(%dma_start3A_412 : memref<128x16xf32, #tpu.memory_space<vmem>>) target(%dma_start3A_418 : memref<100096x16xf32, #tpu.memory_space<vmem_shared>>) offsets(%dma_start3A_415 : memref<128xi32, #tpu.memory_space<vmem>>) semaphore(%run_scoped3A_409 : memref<!tpu.dma_semaphore, #tpu.memory_space<semaphore_mem>>) {add = true}
        %dma_wait3A_419 = arith.constant 384 : i32
        %dma_wait3A_420 = arith.constant 0 : i32
        %dma_wait3A_421 = tpu.memref_slice %arg12[%dma_wait3A_419, %dma_wait3A_420] : memref<1024x16xf32, #tpu.memory_space<vmem>> -> memref<128x16xf32, #tpu.memory_space<vmem>>
        %dma_wait3A_422 = arith.constant 0 : i32
        %dma_wait3A_423 = tpu.memref_slice %arg9[%run_scoped3A_403, %dma_wait3A_422] : memref<8x128xi32, #tpu.memory_space<vmem>> -> memref<1x128xi32, #tpu.memory_space<vmem>>
        %dma_wait3A_424 = tpu.memref_squeeze %dma_wait3A_423 : memref<1x128xi32, #tpu.memory_space<vmem>> -> memref<128xi32, #tpu.memory_space<vmem>>
        %dma_wait3A_425 = arith.constant 0 : i32
        %dma_wait3A_426 = arith.constant 0 : i32
        %dma_wait3A_427 = tpu.memref_slice %arg7[%dma_wait3A_425, %dma_wait3A_426] : memref<100096x16xf32, #tpu.memory_space<vmem_shared>> -> memref<100096x16xf32, #tpu.memory_space<vmem_shared>>
        tpu.wait_indirect_dma semaphore(%run_scoped3A_409 : memref<!tpu.dma_semaphore, #tpu.memory_space<semaphore_mem>>) src(%dma_wait3A_421 : memref<128x16xf32, #tpu.memory_space<vmem>>) dst(%dma_wait3A_427 : memref<100096x16xf32, #tpu.memory_space<vmem_shared>>)
        tpu.yield
      }) : () -> ()
      %run_scoped3A_404 = arith.constant 4 : i32
      "tpu.region"() ({
        %run_scoped3A_409 = tpu.sem_alloc : memref<!tpu.dma_semaphore, #tpu.memory_space<semaphore_mem>>
        %dma_start3A_410 = arith.constant 512 : i32
        %dma_start3A_411 = arith.constant 0 : i32
        %dma_start3A_412 = tpu.memref_slice %arg12[%dma_start3A_410, %dma_start3A_411] : memref<1024x16xf32, #tpu.memory_space<vmem>> -> memref<128x16xf32, #tpu.memory_space<vmem>>
        %dma_start3A_413 = arith.constant 0 : i32
        %dma_start3A_414 = tpu.memref_slice %arg9[%run_scoped3A_404, %dma_start3A_413] : memref<8x128xi32, #tpu.memory_space<vmem>> -> memref<1x128xi32, #tpu.memory_space<vmem>>
        %dma_start3A_415 = tpu.memref_squeeze %dma_start3A_414 : memref<1x128xi32, #tpu.memory_space<vmem>> -> memref<128xi32, #tpu.memory_space<vmem>>
        %dma_start3A_416 = arith.constant 0 : i32
        %dma_start3A_417 = arith.constant 0 : i32
        %dma_start3A_418 = tpu.memref_slice %arg7[%dma_start3A_416, %dma_start3A_417] : memref<100096x16xf32, #tpu.memory_space<vmem_shared>> -> memref<100096x16xf32, #tpu.memory_space<vmem_shared>>
        tpu.enqueue_indirect_dma source(%dma_start3A_412 : memref<128x16xf32, #tpu.memory_space<vmem>>) target(%dma_start3A_418 : memref<100096x16xf32, #tpu.memory_space<vmem_shared>>) offsets(%dma_start3A_415 : memref<128xi32, #tpu.memory_space<vmem>>) semaphore(%run_scoped3A_409 : memref<!tpu.dma_semaphore, #tpu.memory_space<semaphore_mem>>) {add = true}
        %dma_wait3A_419 = arith.constant 512 : i32
        %dma_wait3A_420 = arith.constant 0 : i32
        %dma_wait3A_421 = tpu.memref_slice %arg12[%dma_wait3A_419, %dma_wait3A_420] : memref<1024x16xf32, #tpu.memory_space<vmem>> -> memref<128x16xf32, #tpu.memory_space<vmem>>
        %dma_wait3A_422 = arith.constant 0 : i32
        %dma_wait3A_423 = tpu.memref_slice %arg9[%run_scoped3A_404, %dma_wait3A_422] : memref<8x128xi32, #tpu.memory_space<vmem>> -> memref<1x128xi32, #tpu.memory_space<vmem>>
        %dma_wait3A_424 = tpu.memref_squeeze %dma_wait3A_423 : memref<1x128xi32, #tpu.memory_space<vmem>> -> memref<128xi32, #tpu.memory_space<vmem>>
        %dma_wait3A_425 = arith.constant 0 : i32
        %dma_wait3A_426 = arith.constant 0 : i32
        %dma_wait3A_427 = tpu.memref_slice %arg7[%dma_wait3A_425, %dma_wait3A_426] : memref<100096x16xf32, #tpu.memory_space<vmem_shared>> -> memref<100096x16xf32, #tpu.memory_space<vmem_shared>>
        tpu.wait_indirect_dma semaphore(%run_scoped3A_409 : memref<!tpu.dma_semaphore, #tpu.memory_space<semaphore_mem>>) src(%dma_wait3A_421 : memref<128x16xf32, #tpu.memory_space<vmem>>) dst(%dma_wait3A_427 : memref<100096x16xf32, #tpu.memory_space<vmem_shared>>)
        tpu.yield
      }) : () -> ()
      %run_scoped3A_405 = arith.constant 5 : i32
      "tpu.region"() ({
        %run_scoped3A_409 = tpu.sem_alloc : memref<!tpu.dma_semaphore, #tpu.memory_space<semaphore_mem>>
        %dma_start3A_410 = arith.constant 640 : i32
        %dma_start3A_411 = arith.constant 0 : i32
        %dma_start3A_412 = tpu.memref_slice %arg12[%dma_start3A_410, %dma_start3A_411] : memref<1024x16xf32, #tpu.memory_space<vmem>> -> memref<128x16xf32, #tpu.memory_space<vmem>>
        %dma_start3A_413 = arith.constant 0 : i32
        %dma_start3A_414 = tpu.memref_slice %arg9[%run_scoped3A_405, %dma_start3A_413] : memref<8x128xi32, #tpu.memory_space<vmem>> -> memref<1x128xi32, #tpu.memory_space<vmem>>
        %dma_start3A_415 = tpu.memref_squeeze %dma_start3A_414 : memref<1x128xi32, #tpu.memory_space<vmem>> -> memref<128xi32, #tpu.memory_space<vmem>>
        %dma_start3A_416 = arith.constant 0 : i32
        %dma_start3A_417 = arith.constant 0 : i32
        %dma_start3A_418 = tpu.memref_slice %arg7[%dma_start3A_416, %dma_start3A_417] : memref<100096x16xf32, #tpu.memory_space<vmem_shared>> -> memref<100096x16xf32, #tpu.memory_space<vmem_shared>>
        tpu.enqueue_indirect_dma source(%dma_start3A_412 : memref<128x16xf32, #tpu.memory_space<vmem>>) target(%dma_start3A_418 : memref<100096x16xf32, #tpu.memory_space<vmem_shared>>) offsets(%dma_start3A_415 : memref<128xi32, #tpu.memory_space<vmem>>) semaphore(%run_scoped3A_409 : memref<!tpu.dma_semaphore, #tpu.memory_space<semaphore_mem>>) {add = true}
        %dma_wait3A_419 = arith.constant 640 : i32
        %dma_wait3A_420 = arith.constant 0 : i32
        %dma_wait3A_421 = tpu.memref_slice %arg12[%dma_wait3A_419, %dma_wait3A_420] : memref<1024x16xf32, #tpu.memory_space<vmem>> -> memref<128x16xf32, #tpu.memory_space<vmem>>
        %dma_wait3A_422 = arith.constant 0 : i32
        %dma_wait3A_423 = tpu.memref_slice %arg9[%run_scoped3A_405, %dma_wait3A_422] : memref<8x128xi32, #tpu.memory_space<vmem>> -> memref<1x128xi32, #tpu.memory_space<vmem>>
        %dma_wait3A_424 = tpu.memref_squeeze %dma_wait3A_423 : memref<1x128xi32, #tpu.memory_space<vmem>> -> memref<128xi32, #tpu.memory_space<vmem>>
        %dma_wait3A_425 = arith.constant 0 : i32
        %dma_wait3A_426 = arith.constant 0 : i32
        %dma_wait3A_427 = tpu.memref_slice %arg7[%dma_wait3A_425, %dma_wait3A_426] : memref<100096x16xf32, #tpu.memory_space<vmem_shared>> -> memref<100096x16xf32, #tpu.memory_space<vmem_shared>>
        tpu.wait_indirect_dma semaphore(%run_scoped3A_409 : memref<!tpu.dma_semaphore, #tpu.memory_space<semaphore_mem>>) src(%dma_wait3A_421 : memref<128x16xf32, #tpu.memory_space<vmem>>) dst(%dma_wait3A_427 : memref<100096x16xf32, #tpu.memory_space<vmem_shared>>)
        tpu.yield
      }) : () -> ()
      %run_scoped3A_406 = arith.constant 6 : i32
      "tpu.region"() ({
        %run_scoped3A_409 = tpu.sem_alloc : memref<!tpu.dma_semaphore, #tpu.memory_space<semaphore_mem>>
        %dma_start3A_410 = arith.constant 768 : i32
        %dma_start3A_411 = arith.constant 0 : i32
        %dma_start3A_412 = tpu.memref_slice %arg12[%dma_start3A_410, %dma_start3A_411] : memref<1024x16xf32, #tpu.memory_space<vmem>> -> memref<128x16xf32, #tpu.memory_space<vmem>>
        %dma_start3A_413 = arith.constant 0 : i32
        %dma_start3A_414 = tpu.memref_slice %arg9[%run_scoped3A_406, %dma_start3A_413] : memref<8x128xi32, #tpu.memory_space<vmem>> -> memref<1x128xi32, #tpu.memory_space<vmem>>
        %dma_start3A_415 = tpu.memref_squeeze %dma_start3A_414 : memref<1x128xi32, #tpu.memory_space<vmem>> -> memref<128xi32, #tpu.memory_space<vmem>>
        %dma_start3A_416 = arith.constant 0 : i32
        %dma_start3A_417 = arith.constant 0 : i32
        %dma_start3A_418 = tpu.memref_slice %arg7[%dma_start3A_416, %dma_start3A_417] : memref<100096x16xf32, #tpu.memory_space<vmem_shared>> -> memref<100096x16xf32, #tpu.memory_space<vmem_shared>>
        tpu.enqueue_indirect_dma source(%dma_start3A_412 : memref<128x16xf32, #tpu.memory_space<vmem>>) target(%dma_start3A_418 : memref<100096x16xf32, #tpu.memory_space<vmem_shared>>) offsets(%dma_start3A_415 : memref<128xi32, #tpu.memory_space<vmem>>) semaphore(%run_scoped3A_409 : memref<!tpu.dma_semaphore, #tpu.memory_space<semaphore_mem>>) {add = true}
        %dma_wait3A_419 = arith.constant 768 : i32
        %dma_wait3A_420 = arith.constant 0 : i32
        %dma_wait3A_421 = tpu.memref_slice %arg12[%dma_wait3A_419, %dma_wait3A_420] : memref<1024x16xf32, #tpu.memory_space<vmem>> -> memref<128x16xf32, #tpu.memory_space<vmem>>
        %dma_wait3A_422 = arith.constant 0 : i32
        %dma_wait3A_423 = tpu.memref_slice %arg9[%run_scoped3A_406, %dma_wait3A_422] : memref<8x128xi32, #tpu.memory_space<vmem>> -> memref<1x128xi32, #tpu.memory_space<vmem>>
        %dma_wait3A_424 = tpu.memref_squeeze %dma_wait3A_423 : memref<1x128xi32, #tpu.memory_space<vmem>> -> memref<128xi32, #tpu.memory_space<vmem>>
        %dma_wait3A_425 = arith.constant 0 : i32
        %dma_wait3A_426 = arith.constant 0 : i32
        %dma_wait3A_427 = tpu.memref_slice %arg7[%dma_wait3A_425, %dma_wait3A_426] : memref<100096x16xf32, #tpu.memory_space<vmem_shared>> -> memref<100096x16xf32, #tpu.memory_space<vmem_shared>>
        tpu.wait_indirect_dma semaphore(%run_scoped3A_409 : memref<!tpu.dma_semaphore, #tpu.memory_space<semaphore_mem>>) src(%dma_wait3A_421 : memref<128x16xf32, #tpu.memory_space<vmem>>) dst(%dma_wait3A_427 : memref<100096x16xf32, #tpu.memory_space<vmem_shared>>)
        tpu.yield
      }) : () -> ()
      %run_scoped3A_407 = arith.constant 7 : i32
      "tpu.region"() ({
        %run_scoped3A_409 = tpu.sem_alloc : memref<!tpu.dma_semaphore, #tpu.memory_space<semaphore_mem>>
        %dma_start3A_410 = arith.constant 896 : i32
        %dma_start3A_411 = arith.constant 0 : i32
        %dma_start3A_412 = tpu.memref_slice %arg12[%dma_start3A_410, %dma_start3A_411] : memref<1024x16xf32, #tpu.memory_space<vmem>> -> memref<128x16xf32, #tpu.memory_space<vmem>>
        %dma_start3A_413 = arith.constant 0 : i32
        %dma_start3A_414 = tpu.memref_slice %arg9[%run_scoped3A_407, %dma_start3A_413] : memref<8x128xi32, #tpu.memory_space<vmem>> -> memref<1x128xi32, #tpu.memory_space<vmem>>
        %dma_start3A_415 = tpu.memref_squeeze %dma_start3A_414 : memref<1x128xi32, #tpu.memory_space<vmem>> -> memref<128xi32, #tpu.memory_space<vmem>>
        %dma_start3A_416 = arith.constant 0 : i32
        %dma_start3A_417 = arith.constant 0 : i32
        %dma_start3A_418 = tpu.memref_slice %arg7[%dma_start3A_416, %dma_start3A_417] : memref<100096x16xf32, #tpu.memory_space<vmem_shared>> -> memref<100096x16xf32, #tpu.memory_space<vmem_shared>>
        tpu.enqueue_indirect_dma source(%dma_start3A_412 : memref<128x16xf32, #tpu.memory_space<vmem>>) target(%dma_start3A_418 : memref<100096x16xf32, #tpu.memory_space<vmem_shared>>) offsets(%dma_start3A_415 : memref<128xi32, #tpu.memory_space<vmem>>) semaphore(%run_scoped3A_409 : memref<!tpu.dma_semaphore, #tpu.memory_space<semaphore_mem>>) {add = true}
        %dma_wait3A_419 = arith.constant 896 : i32
        %dma_wait3A_420 = arith.constant 0 : i32
        %dma_wait3A_421 = tpu.memref_slice %arg12[%dma_wait3A_419, %dma_wait3A_420] : memref<1024x16xf32, #tpu.memory_space<vmem>> -> memref<128x16xf32, #tpu.memory_space<vmem>>
        %dma_wait3A_422 = arith.constant 0 : i32
        %dma_wait3A_423 = tpu.memref_slice %arg9[%run_scoped3A_407, %dma_wait3A_422] : memref<8x128xi32, #tpu.memory_space<vmem>> -> memref<1x128xi32, #tpu.memory_space<vmem>>
        %dma_wait3A_424 = tpu.memref_squeeze %dma_wait3A_423 : memref<1x128xi32, #tpu.memory_space<vmem>> -> memref<128xi32, #tpu.memory_space<vmem>>
        %dma_wait3A_425 = arith.constant 0 : i32
        %dma_wait3A_426 = arith.constant 0 : i32
        %dma_wait3A_427 = tpu.memref_slice %arg7[%dma_wait3A_425, %dma_wait3A_426] : memref<100096x16xf32, #tpu.memory_space<vmem_shared>> -> memref<100096x16xf32, #tpu.memory_space<vmem_shared>>
        tpu.wait_indirect_dma semaphore(%run_scoped3A_409 : memref<!tpu.dma_semaphore, #tpu.memory_space<semaphore_mem>>) src(%dma_wait3A_421 : memref<128x16xf32, #tpu.memory_space<vmem>>) dst(%dma_wait3A_427 : memref<100096x16xf32, #tpu.memory_space<vmem_shared>>)
        tpu.yield
      }) : () -> ()
      %scan3A_408 = arith.constant 0 : i32
      scf.yield %scan3A_408 : i32
    }
    %scan3A_47 = arith.constant 98 : i32
    %barrier3A_48 = arith.constant 0 : index
    tpu.barrier barrier_id(%barrier3A_48)
    %mul3A_49 = arith.constant 6256 : i32
    %mul3A_50 = arith.muli %arg1, %mul3A_49 : i32
    %min3A = arith.constant 93744 : i32
    %min3A_51 = arith.minsi %mul3A_50, %min3A : i32
    %add3A_52 = arith.constant 0 : i32
    %add3A_53 = arith.addi %min3A_51, %add3A_52 : i32
    "tpu.region"() ({
      %run_scoped3A = tpu.sem_alloc : memref<!tpu.dma_semaphore, #tpu.memory_space<semaphore_mem>>
      %dma_start3A = arith.constant 0 : i32
      %dma_start3A_171 = tpu.memref_slice %arg7[%add3A_53, %dma_start3A] : memref<100096x16xf32, #tpu.memory_space<vmem_shared>> -> memref<368x16xf32, #tpu.memory_space<vmem_shared>>
      %dma_start3A_172 = arith.constant 0 : i32
      %dma_start3A_173 = tpu.memref_slice %arg7[%add3A_53, %dma_start3A_172] : memref<100096x16xf32, #tpu.memory_space<vmem_shared>> -> memref<368x16xf32, #tpu.memory_space<vmem_shared>>
      tpu.enqueue_dma source(%dma_start3A_173 : memref<368x16xf32, #tpu.memory_space<vmem_shared>>) target(%arg13 : memref<368x16xf32, #tpu.memory_space<vmem>>) target_semaphore(%run_scoped3A : memref<!tpu.dma_semaphore, #tpu.memory_space<semaphore_mem>>)
      %dma_wait3A = arith.constant 0 : i32
      %dma_wait3A_174 = tpu.memref_slice %arg7[%add3A_53, %dma_wait3A] : memref<100096x16xf32, #tpu.memory_space<vmem_shared>> -> memref<368x16xf32, #tpu.memory_space<vmem_shared>>
      %dma_wait3A_175 = arith.constant 0 : i32
      %dma_wait3A_176 = tpu.memref_slice %arg7[%add3A_53, %dma_wait3A_175] : memref<100096x16xf32, #tpu.memory_space<vmem_shared>> -> memref<368x16xf32, #tpu.memory_space<vmem_shared>>
      tpu.wait_dma2 semaphore(%run_scoped3A : memref<!tpu.dma_semaphore, #tpu.memory_space<semaphore_mem>>) src(%dma_wait3A_176 : memref<368x16xf32, #tpu.memory_space<vmem_shared>>) dst(%arg13 : memref<368x16xf32, #tpu.memory_space<vmem>>)
      tpu.yield
    }) : () -> ()
    %mul3A_54 = arith.constant 100000 : i32
    %mul3A_55 = arith.muli %arg0, %mul3A_54 : i32
    %add3A_56 = arith.addi %mul3A_55, %min3A_51 : i32
    %add3A_57 = arith.constant 0 : i32
    %add3A_58 = arith.addi %add3A_56, %add3A_57 : i32
    "tpu.region"() ({
      %run_scoped3A = tpu.sem_alloc : memref<!tpu.dma_semaphore, #tpu.memory_space<semaphore_mem>>
      %dma_start3A = arith.constant 0 : i32
      %dma_start3A_171 = tpu.memref_slice %arg6[%add3A_58, %dma_start3A] : memref<200000x16xf32, #tpu.memory_space<hbm>> -> memref<368x16xf32, #tpu.memory_space<hbm>>
      %dma_start3A_172 = arith.constant 0 : i32
      %dma_start3A_173 = tpu.memref_slice %arg6[%add3A_58, %dma_start3A_172] : memref<200000x16xf32, #tpu.memory_space<hbm>> -> memref<368x16xf32, #tpu.memory_space<hbm>>
      tpu.enqueue_dma source(%arg13 : memref<368x16xf32, #tpu.memory_space<vmem>>) target(%dma_start3A_173 : memref<368x16xf32, #tpu.memory_space<hbm>>) target_semaphore(%run_scoped3A : memref<!tpu.dma_semaphore, #tpu.memory_space<semaphore_mem>>)
      %dma_wait3A = arith.constant 0 : i32
      %dma_wait3A_174 = tpu.memref_slice %arg6[%add3A_58, %dma_wait3A] : memref<200000x16xf32, #tpu.memory_space<hbm>> -> memref<368x16xf32, #tpu.memory_space<hbm>>
      %dma_wait3A_175 = arith.constant 0 : i32
      %dma_wait3A_176 = tpu.memref_slice %arg6[%add3A_58, %dma_wait3A_175] : memref<200000x16xf32, #tpu.memory_space<hbm>> -> memref<368x16xf32, #tpu.memory_space<hbm>>
      tpu.wait_dma2 semaphore(%run_scoped3A : memref<!tpu.dma_semaphore, #tpu.memory_space<semaphore_mem>>) src(%arg13 : memref<368x16xf32, #tpu.memory_space<vmem>>) dst(%dma_wait3A_176 : memref<368x16xf32, #tpu.memory_space<hbm>>)
      tpu.yield
    }) : () -> ()
    %add3A_59 = arith.constant 368 : i32
    %add3A_60 = arith.addi %min3A_51, %add3A_59 : i32
    "tpu.region"() ({
      %run_scoped3A = tpu.sem_alloc : memref<!tpu.dma_semaphore, #tpu.memory_space<semaphore_mem>>
      %dma_start3A = arith.constant 0 : i32
      %dma_start3A_171 = tpu.memref_slice %arg7[%add3A_60, %dma_start3A] : memref<100096x16xf32, #tpu.memory_space<vmem_shared>> -> memref<368x16xf32, #tpu.memory_space<vmem_shared>>
      %dma_start3A_172 = arith.constant 0 : i32
      %dma_start3A_173 = tpu.memref_slice %arg7[%add3A_60, %dma_start3A_172] : memref<100096x16xf32, #tpu.memory_space<vmem_shared>> -> memref<368x16xf32, #tpu.memory_space<vmem_shared>>
      tpu.enqueue_dma source(%dma_start3A_173 : memref<368x16xf32, #tpu.memory_space<vmem_shared>>) target(%arg13 : memref<368x16xf32, #tpu.memory_space<vmem>>) target_semaphore(%run_scoped3A : memref<!tpu.dma_semaphore, #tpu.memory_space<semaphore_mem>>)
      %dma_wait3A = arith.constant 0 : i32
      %dma_wait3A_174 = tpu.memref_slice %arg7[%add3A_60, %dma_wait3A] : memref<100096x16xf32, #tpu.memory_space<vmem_shared>> -> memref<368x16xf32, #tpu.memory_space<vmem_shared>>
      %dma_wait3A_175 = arith.constant 0 : i32
      %dma_wait3A_176 = tpu.memref_slice %arg7[%add3A_60, %dma_wait3A_175] : memref<100096x16xf32, #tpu.memory_space<vmem_shared>> -> memref<368x16xf32, #tpu.memory_space<vmem_shared>>
      tpu.wait_dma2 semaphore(%run_scoped3A : memref<!tpu.dma_semaphore, #tpu.memory_space<semaphore_mem>>) src(%dma_wait3A_176 : memref<368x16xf32, #tpu.memory_space<vmem_shared>>) dst(%arg13 : memref<368x16xf32, #tpu.memory_space<vmem>>)
      tpu.yield
    }) : () -> ()
    %mul3A_61 = arith.constant 100000 : i32
    %mul3A_62 = arith.muli %arg0, %mul3A_61 : i32
    %add3A_63 = arith.addi %mul3A_62, %min3A_51 : i32
    %add3A_64 = arith.constant 368 : i32
    %add3A_65 = arith.addi %add3A_63, %add3A_64 : i32
    "tpu.region"() ({
      %run_scoped3A = tpu.sem_alloc : memref<!tpu.dma_semaphore, #tpu.memory_space<semaphore_mem>>
      %dma_start3A = arith.constant 0 : i32
      %dma_start3A_171 = tpu.memref_slice %arg6[%add3A_65, %dma_start3A] : memref<200000x16xf32, #tpu.memory_space<hbm>> -> memref<368x16xf32, #tpu.memory_space<hbm>>
      %dma_start3A_172 = arith.constant 0 : i32
      %dma_start3A_173 = tpu.memref_slice %arg6[%add3A_65, %dma_start3A_172] : memref<200000x16xf32, #tpu.memory_space<hbm>> -> memref<368x16xf32, #tpu.memory_space<hbm>>
      tpu.enqueue_dma source(%arg13 : memref<368x16xf32, #tpu.memory_space<vmem>>) target(%dma_start3A_173 : memref<368x16xf32, #tpu.memory_space<hbm>>) target_semaphore(%run_scoped3A : memref<!tpu.dma_semaphore, #tpu.memory_space<semaphore_mem>>)
      %dma_wait3A = arith.constant 0 : i32
      %dma_wait3A_174 = tpu.memref_slice %arg6[%add3A_65, %dma_wait3A] : memref<200000x16xf32, #tpu.memory_space<hbm>> -> memref<368x16xf32, #tpu.memory_space<hbm>>
      %dma_wait3A_175 = arith.constant 0 : i32
      %dma_wait3A_176 = tpu.memref_slice %arg6[%add3A_65, %dma_wait3A_175] : memref<200000x16xf32, #tpu.memory_space<hbm>> -> memref<368x16xf32, #tpu.memory_space<hbm>>
      tpu.wait_dma2 semaphore(%run_scoped3A : memref<!tpu.dma_semaphore, #tpu.memory_space<semaphore_mem>>) src(%arg13 : memref<368x16xf32, #tpu.memory_space<vmem>>) dst(%dma_wait3A_176 : memref<368x16xf32, #tpu.memory_space<hbm>>)
      tpu.yield
    }) : () -> ()
    %add3A_66 = arith.constant 736 : i32
    %add3A_67 = arith.addi %min3A_51, %add3A_66 : i32
    "tpu.region"() ({
      %run_scoped3A = tpu.sem_alloc : memref<!tpu.dma_semaphore, #tpu.memory_space<semaphore_mem>>
      %dma_start3A = arith.constant 0 : i32
      %dma_start3A_171 = tpu.memref_slice %arg7[%add3A_67, %dma_start3A] : memref<100096x16xf32, #tpu.memory_space<vmem_shared>> -> memref<368x16xf32, #tpu.memory_space<vmem_shared>>
      %dma_start3A_172 = arith.constant 0 : i32
      %dma_start3A_173 = tpu.memref_slice %arg7[%add3A_67, %dma_start3A_172] : memref<100096x16xf32, #tpu.memory_space<vmem_shared>> -> memref<368x16xf32, #tpu.memory_space<vmem_shared>>
      tpu.enqueue_dma source(%dma_start3A_173 : memref<368x16xf32, #tpu.memory_space<vmem_shared>>) target(%arg13 : memref<368x16xf32, #tpu.memory_space<vmem>>) target_semaphore(%run_scoped3A : memref<!tpu.dma_semaphore, #tpu.memory_space<semaphore_mem>>)
      %dma_wait3A = arith.constant 0 : i32
      %dma_wait3A_174 = tpu.memref_slice %arg7[%add3A_67, %dma_wait3A] : memref<100096x16xf32, #tpu.memory_space<vmem_shared>> -> memref<368x16xf32, #tpu.memory_space<vmem_shared>>
      %dma_wait3A_175 = arith.constant 0 : i32
      %dma_wait3A_176 = tpu.memref_slice %arg7[%add3A_67, %dma_wait3A_175] : memref<100096x16xf32, #tpu.memory_space<vmem_shared>> -> memref<368x16xf32, #tpu.memory_space<vmem_shared>>
      tpu.wait_dma2 semaphore(%run_scoped3A : memref<!tpu.dma_semaphore, #tpu.memory_space<semaphore_mem>>) src(%dma_wait3A_176 : memref<368x16xf32, #tpu.memory_space<vmem_shared>>) dst(%arg13 : memref<368x16xf32, #tpu.memory_space<vmem>>)
      tpu.yield
    }) : () -> ()
    %mul3A_68 = arith.constant 100000 : i32
    %mul3A_69 = arith.muli %arg0, %mul3A_68 : i32
    %add3A_70 = arith.addi %mul3A_69, %min3A_51 : i32
    %add3A_71 = arith.constant 736 : i32
    %add3A_72 = arith.addi %add3A_70, %add3A_71 : i32
    "tpu.region"() ({
      %run_scoped3A = tpu.sem_alloc : memref<!tpu.dma_semaphore, #tpu.memory_space<semaphore_mem>>
      %dma_start3A = arith.constant 0 : i32
      %dma_start3A_171 = tpu.memref_slice %arg6[%add3A_72, %dma_start3A] : memref<200000x16xf32, #tpu.memory_space<hbm>> -> memref<368x16xf32, #tpu.memory_space<hbm>>
      %dma_start3A_172 = arith.constant 0 : i32
      %dma_start3A_173 = tpu.memref_slice %arg6[%add3A_72, %dma_start3A_172] : memref<200000x16xf32, #tpu.memory_space<hbm>> -> memref<368x16xf32, #tpu.memory_space<hbm>>
      tpu.enqueue_dma source(%arg13 : memref<368x16xf32, #tpu.memory_space<vmem>>) target(%dma_start3A_173 : memref<368x16xf32, #tpu.memory_space<hbm>>) target_semaphore(%run_scoped3A : memref<!tpu.dma_semaphore, #tpu.memory_space<semaphore_mem>>)
      %dma_wait3A = arith.constant 0 : i32
      %dma_wait3A_174 = tpu.memref_slice %arg6[%add3A_72, %dma_wait3A] : memref<200000x16xf32, #tpu.memory_space<hbm>> -> memref<368x16xf32, #tpu.memory_space<hbm>>
      %dma_wait3A_175 = arith.constant 0 : i32
      %dma_wait3A_176 = tpu.memref_slice %arg6[%add3A_72, %dma_wait3A_175] : memref<200000x16xf32, #tpu.memory_space<hbm>> -> memref<368x16xf32, #tpu.memory_space<hbm>>
      tpu.wait_dma2 semaphore(%run_scoped3A : memref<!tpu.dma_semaphore, #tpu.memory_space<semaphore_mem>>) src(%arg13 : memref<368x16xf32, #tpu.memory_space<vmem>>) dst(%dma_wait3A_176 : memref<368x16xf32, #tpu.memory_space<hbm>>)
      tpu.yield
    }) : () -> ()
    %add3A_73 = arith.constant 1104 : i32
    %add3A_74 = arith.addi %min3A_51, %add3A_73 : i32
    "tpu.region"() ({
      %run_scoped3A = tpu.sem_alloc : memref<!tpu.dma_semaphore, #tpu.memory_space<semaphore_mem>>
      %dma_start3A = arith.constant 0 : i32
      %dma_start3A_171 = tpu.memref_slice %arg7[%add3A_74, %dma_start3A] : memref<100096x16xf32, #tpu.memory_space<vmem_shared>> -> memref<368x16xf32, #tpu.memory_space<vmem_shared>>
      %dma_start3A_172 = arith.constant 0 : i32
      %dma_start3A_173 = tpu.memref_slice %arg7[%add3A_74, %dma_start3A_172] : memref<100096x16xf32, #tpu.memory_space<vmem_shared>> -> memref<368x16xf32, #tpu.memory_space<vmem_shared>>
      tpu.enqueue_dma source(%dma_start3A_173 : memref<368x16xf32, #tpu.memory_space<vmem_shared>>) target(%arg13 : memref<368x16xf32, #tpu.memory_space<vmem>>) target_semaphore(%run_scoped3A : memref<!tpu.dma_semaphore, #tpu.memory_space<semaphore_mem>>)
      %dma_wait3A = arith.constant 0 : i32
      %dma_wait3A_174 = tpu.memref_slice %arg7[%add3A_74, %dma_wait3A] : memref<100096x16xf32, #tpu.memory_space<vmem_shared>> -> memref<368x16xf32, #tpu.memory_space<vmem_shared>>
      %dma_wait3A_175 = arith.constant 0 : i32
      %dma_wait3A_176 = tpu.memref_slice %arg7[%add3A_74, %dma_wait3A_175] : memref<100096x16xf32, #tpu.memory_space<vmem_shared>> -> memref<368x16xf32, #tpu.memory_space<vmem_shared>>
      tpu.wait_dma2 semaphore(%run_scoped3A : memref<!tpu.dma_semaphore, #tpu.memory_space<semaphore_mem>>) src(%dma_wait3A_176 : memref<368x16xf32, #tpu.memory_space<vmem_shared>>) dst(%arg13 : memref<368x16xf32, #tpu.memory_space<vmem>>)
      tpu.yield
    }) : () -> ()
    %mul3A_75 = arith.constant 100000 : i32
    %mul3A_76 = arith.muli %arg0, %mul3A_75 : i32
    %add3A_77 = arith.addi %mul3A_76, %min3A_51 : i32
    %add3A_78 = arith.constant 1104 : i32
    %add3A_79 = arith.addi %add3A_77, %add3A_78 : i32
    "tpu.region"() ({
      %run_scoped3A = tpu.sem_alloc : memref<!tpu.dma_semaphore, #tpu.memory_space<semaphore_mem>>
      %dma_start3A = arith.constant 0 : i32
      %dma_start3A_171 = tpu.memref_slice %arg6[%add3A_79, %dma_start3A] : memref<200000x16xf32, #tpu.memory_space<hbm>> -> memref<368x16xf32, #tpu.memory_space<hbm>>
      %dma_start3A_172 = arith.constant 0 : i32
      %dma_start3A_173 = tpu.memref_slice %arg6[%add3A_79, %dma_start3A_172] : memref<200000x16xf32, #tpu.memory_space<hbm>> -> memref<368x16xf32, #tpu.memory_space<hbm>>
      tpu.enqueue_dma source(%arg13 : memref<368x16xf32, #tpu.memory_space<vmem>>) target(%dma_start3A_173 : memref<368x16xf32, #tpu.memory_space<hbm>>) target_semaphore(%run_scoped3A : memref<!tpu.dma_semaphore, #tpu.memory_space<semaphore_mem>>)
      %dma_wait3A = arith.constant 0 : i32
      %dma_wait3A_174 = tpu.memref_slice %arg6[%add3A_79, %dma_wait3A] : memref<200000x16xf32, #tpu.memory_space<hbm>> -> memref<368x16xf32, #tpu.memory_space<hbm>>
      %dma_wait3A_175 = arith.constant 0 : i32
      %dma_wait3A_176 = tpu.memref_slice %arg6[%add3A_79, %dma_wait3A_175] : memref<200000x16xf32, #tpu.memory_space<hbm>> -> memref<368x16xf32, #tpu.memory_space<hbm>>
      tpu.wait_dma2 semaphore(%run_scoped3A : memref<!tpu.dma_semaphore, #tpu.memory_space<semaphore_mem>>) src(%arg13 : memref<368x16xf32, #tpu.memory_space<vmem>>) dst(%dma_wait3A_176 : memref<368x16xf32, #tpu.memory_space<hbm>>)
      tpu.yield
    }) : () -> ()
    %add3A_80 = arith.constant 1472 : i32
    %add3A_81 = arith.addi %min3A_51, %add3A_80 : i32
    "tpu.region"() ({
      %run_scoped3A = tpu.sem_alloc : memref<!tpu.dma_semaphore, #tpu.memory_space<semaphore_mem>>
      %dma_start3A = arith.constant 0 : i32
      %dma_start3A_171 = tpu.memref_slice %arg7[%add3A_81, %dma_start3A] : memref<100096x16xf32, #tpu.memory_space<vmem_shared>> -> memref<368x16xf32, #tpu.memory_space<vmem_shared>>
      %dma_start3A_172 = arith.constant 0 : i32
      %dma_start3A_173 = tpu.memref_slice %arg7[%add3A_81, %dma_start3A_172] : memref<100096x16xf32, #tpu.memory_space<vmem_shared>> -> memref<368x16xf32, #tpu.memory_space<vmem_shared>>
      tpu.enqueue_dma source(%dma_start3A_173 : memref<368x16xf32, #tpu.memory_space<vmem_shared>>) target(%arg13 : memref<368x16xf32, #tpu.memory_space<vmem>>) target_semaphore(%run_scoped3A : memref<!tpu.dma_semaphore, #tpu.memory_space<semaphore_mem>>)
      %dma_wait3A = arith.constant 0 : i32
      %dma_wait3A_174 = tpu.memref_slice %arg7[%add3A_81, %dma_wait3A] : memref<100096x16xf32, #tpu.memory_space<vmem_shared>> -> memref<368x16xf32, #tpu.memory_space<vmem_shared>>
      %dma_wait3A_175 = arith.constant 0 : i32
      %dma_wait3A_176 = tpu.memref_slice %arg7[%add3A_81, %dma_wait3A_175] : memref<100096x16xf32, #tpu.memory_space<vmem_shared>> -> memref<368x16xf32, #tpu.memory_space<vmem_shared>>
      tpu.wait_dma2 semaphore(%run_scoped3A : memref<!tpu.dma_semaphore, #tpu.memory_space<semaphore_mem>>) src(%dma_wait3A_176 : memref<368x16xf32, #tpu.memory_space<vmem_shared>>) dst(%arg13 : memref<368x16xf32, #tpu.memory_space<vmem>>)
      tpu.yield
    }) : () -> ()
    %mul3A_82 = arith.constant 100000 : i32
    %mul3A_83 = arith.muli %arg0, %mul3A_82 : i32
    %add3A_84 = arith.addi %mul3A_83, %min3A_51 : i32
    %add3A_85 = arith.constant 1472 : i32
    %add3A_86 = arith.addi %add3A_84, %add3A_85 : i32
    "tpu.region"() ({
      %run_scoped3A = tpu.sem_alloc : memref<!tpu.dma_semaphore, #tpu.memory_space<semaphore_mem>>
      %dma_start3A = arith.constant 0 : i32
      %dma_start3A_171 = tpu.memref_slice %arg6[%add3A_86, %dma_start3A] : memref<200000x16xf32, #tpu.memory_space<hbm>> -> memref<368x16xf32, #tpu.memory_space<hbm>>
      %dma_start3A_172 = arith.constant 0 : i32
      %dma_start3A_173 = tpu.memref_slice %arg6[%add3A_86, %dma_start3A_172] : memref<200000x16xf32, #tpu.memory_space<hbm>> -> memref<368x16xf32, #tpu.memory_space<hbm>>
      tpu.enqueue_dma source(%arg13 : memref<368x16xf32, #tpu.memory_space<vmem>>) target(%dma_start3A_173 : memref<368x16xf32, #tpu.memory_space<hbm>>) target_semaphore(%run_scoped3A : memref<!tpu.dma_semaphore, #tpu.memory_space<semaphore_mem>>)
      %dma_wait3A = arith.constant 0 : i32
      %dma_wait3A_174 = tpu.memref_slice %arg6[%add3A_86, %dma_wait3A] : memref<200000x16xf32, #tpu.memory_space<hbm>> -> memref<368x16xf32, #tpu.memory_space<hbm>>
      %dma_wait3A_175 = arith.constant 0 : i32
      %dma_wait3A_176 = tpu.memref_slice %arg6[%add3A_86, %dma_wait3A_175] : memref<200000x16xf32, #tpu.memory_space<hbm>> -> memref<368x16xf32, #tpu.memory_space<hbm>>
      tpu.wait_dma2 semaphore(%run_scoped3A : memref<!tpu.dma_semaphore, #tpu.memory_space<semaphore_mem>>) src(%arg13 : memref<368x16xf32, #tpu.memory_space<vmem>>) dst(%dma_wait3A_176 : memref<368x16xf32, #tpu.memory_space<hbm>>)
      tpu.yield
    }) : () -> ()
    %add3A_87 = arith.constant 1840 : i32
    %add3A_88 = arith.addi %min3A_51, %add3A_87 : i32
    "tpu.region"() ({
      %run_scoped3A = tpu.sem_alloc : memref<!tpu.dma_semaphore, #tpu.memory_space<semaphore_mem>>
      %dma_start3A = arith.constant 0 : i32
      %dma_start3A_171 = tpu.memref_slice %arg7[%add3A_88, %dma_start3A] : memref<100096x16xf32, #tpu.memory_space<vmem_shared>> -> memref<368x16xf32, #tpu.memory_space<vmem_shared>>
      %dma_start3A_172 = arith.constant 0 : i32
      %dma_start3A_173 = tpu.memref_slice %arg7[%add3A_88, %dma_start3A_172] : memref<100096x16xf32, #tpu.memory_space<vmem_shared>> -> memref<368x16xf32, #tpu.memory_space<vmem_shared>>
      tpu.enqueue_dma source(%dma_start3A_173 : memref<368x16xf32, #tpu.memory_space<vmem_shared>>) target(%arg13 : memref<368x16xf32, #tpu.memory_space<vmem>>) target_semaphore(%run_scoped3A : memref<!tpu.dma_semaphore, #tpu.memory_space<semaphore_mem>>)
      %dma_wait3A = arith.constant 0 : i32
      %dma_wait3A_174 = tpu.memref_slice %arg7[%add3A_88, %dma_wait3A] : memref<100096x16xf32, #tpu.memory_space<vmem_shared>> -> memref<368x16xf32, #tpu.memory_space<vmem_shared>>
      %dma_wait3A_175 = arith.constant 0 : i32
      %dma_wait3A_176 = tpu.memref_slice %arg7[%add3A_88, %dma_wait3A_175] : memref<100096x16xf32, #tpu.memory_space<vmem_shared>> -> memref<368x16xf32, #tpu.memory_space<vmem_shared>>
      tpu.wait_dma2 semaphore(%run_scoped3A : memref<!tpu.dma_semaphore, #tpu.memory_space<semaphore_mem>>) src(%dma_wait3A_176 : memref<368x16xf32, #tpu.memory_space<vmem_shared>>) dst(%arg13 : memref<368x16xf32, #tpu.memory_space<vmem>>)
      tpu.yield
    }) : () -> ()
    %mul3A_89 = arith.constant 100000 : i32
    %mul3A_90 = arith.muli %arg0, %mul3A_89 : i32
    %add3A_91 = arith.addi %mul3A_90, %min3A_51 : i32
    %add3A_92 = arith.constant 1840 : i32
    %add3A_93 = arith.addi %add3A_91, %add3A_92 : i32
    "tpu.region"() ({
      %run_scoped3A = tpu.sem_alloc : memref<!tpu.dma_semaphore, #tpu.memory_space<semaphore_mem>>
      %dma_start3A = arith.constant 0 : i32
      %dma_start3A_171 = tpu.memref_slice %arg6[%add3A_93, %dma_start3A] : memref<200000x16xf32, #tpu.memory_space<hbm>> -> memref<368x16xf32, #tpu.memory_space<hbm>>
      %dma_start3A_172 = arith.constant 0 : i32
      %dma_start3A_173 = tpu.memref_slice %arg6[%add3A_93, %dma_start3A_172] : memref<200000x16xf32, #tpu.memory_space<hbm>> -> memref<368x16xf32, #tpu.memory_space<hbm>>
      tpu.enqueue_dma source(%arg13 : memref<368x16xf32, #tpu.memory_space<vmem>>) target(%dma_start3A_173 : memref<368x16xf32, #tpu.memory_space<hbm>>) target_semaphore(%run_scoped3A : memref<!tpu.dma_semaphore, #tpu.memory_space<semaphore_mem>>)
      %dma_wait3A = arith.constant 0 : i32
      %dma_wait3A_174 = tpu.memref_slice %arg6[%add3A_93, %dma_wait3A] : memref<200000x16xf32, #tpu.memory_space<hbm>> -> memref<368x16xf32, #tpu.memory_space<hbm>>
      %dma_wait3A_175 = arith.constant 0 : i32
      %dma_wait3A_176 = tpu.memref_slice %arg6[%add3A_93, %dma_wait3A_175] : memref<200000x16xf32, #tpu.memory_space<hbm>> -> memref<368x16xf32, #tpu.memory_space<hbm>>
      tpu.wait_dma2 semaphore(%run_scoped3A : memref<!tpu.dma_semaphore, #tpu.memory_space<semaphore_mem>>) src(%arg13 : memref<368x16xf32, #tpu.memory_space<vmem>>) dst(%dma_wait3A_176 : memref<368x16xf32, #tpu.memory_space<hbm>>)
      tpu.yield
    }) : () -> ()
    %add3A_94 = arith.constant 2208 : i32
    %add3A_95 = arith.addi %min3A_51, %add3A_94 : i32
    "tpu.region"() ({
      %run_scoped3A = tpu.sem_alloc : memref<!tpu.dma_semaphore, #tpu.memory_space<semaphore_mem>>
      %dma_start3A = arith.constant 0 : i32
      %dma_start3A_171 = tpu.memref_slice %arg7[%add3A_95, %dma_start3A] : memref<100096x16xf32, #tpu.memory_space<vmem_shared>> -> memref<368x16xf32, #tpu.memory_space<vmem_shared>>
      %dma_start3A_172 = arith.constant 0 : i32
      %dma_start3A_173 = tpu.memref_slice %arg7[%add3A_95, %dma_start3A_172] : memref<100096x16xf32, #tpu.memory_space<vmem_shared>> -> memref<368x16xf32, #tpu.memory_space<vmem_shared>>
      tpu.enqueue_dma source(%dma_start3A_173 : memref<368x16xf32, #tpu.memory_space<vmem_shared>>) target(%arg13 : memref<368x16xf32, #tpu.memory_space<vmem>>) target_semaphore(%run_scoped3A : memref<!tpu.dma_semaphore, #tpu.memory_space<semaphore_mem>>)
      %dma_wait3A = arith.constant 0 : i32
      %dma_wait3A_174 = tpu.memref_slice %arg7[%add3A_95, %dma_wait3A] : memref<100096x16xf32, #tpu.memory_space<vmem_shared>> -> memref<368x16xf32, #tpu.memory_space<vmem_shared>>
      %dma_wait3A_175 = arith.constant 0 : i32
      %dma_wait3A_176 = tpu.memref_slice %arg7[%add3A_95, %dma_wait3A_175] : memref<100096x16xf32, #tpu.memory_space<vmem_shared>> -> memref<368x16xf32, #tpu.memory_space<vmem_shared>>
      tpu.wait_dma2 semaphore(%run_scoped3A : memref<!tpu.dma_semaphore, #tpu.memory_space<semaphore_mem>>) src(%dma_wait3A_176 : memref<368x16xf32, #tpu.memory_space<vmem_shared>>) dst(%arg13 : memref<368x16xf32, #tpu.memory_space<vmem>>)
      tpu.yield
    }) : () -> ()
    %mul3A_96 = arith.constant 100000 : i32
    %mul3A_97 = arith.muli %arg0, %mul3A_96 : i32
    %add3A_98 = arith.addi %mul3A_97, %min3A_51 : i32
    %add3A_99 = arith.constant 2208 : i32
    %add3A_100 = arith.addi %add3A_98, %add3A_99 : i32
    "tpu.region"() ({
      %run_scoped3A = tpu.sem_alloc : memref<!tpu.dma_semaphore, #tpu.memory_space<semaphore_mem>>
      %dma_start3A = arith.constant 0 : i32
      %dma_start3A_171 = tpu.memref_slice %arg6[%add3A_100, %dma_start3A] : memref<200000x16xf32, #tpu.memory_space<hbm>> -> memref<368x16xf32, #tpu.memory_space<hbm>>
      %dma_start3A_172 = arith.constant 0 : i32
      %dma_start3A_173 = tpu.memref_slice %arg6[%add3A_100, %dma_start3A_172] : memref<200000x16xf32, #tpu.memory_space<hbm>> -> memref<368x16xf32, #tpu.memory_space<hbm>>
      tpu.enqueue_dma source(%arg13 : memref<368x16xf32, #tpu.memory_space<vmem>>) target(%dma_start3A_173 : memref<368x16xf32, #tpu.memory_space<hbm>>) target_semaphore(%run_scoped3A : memref<!tpu.dma_semaphore, #tpu.memory_space<semaphore_mem>>)
      %dma_wait3A = arith.constant 0 : i32
      %dma_wait3A_174 = tpu.memref_slice %arg6[%add3A_100, %dma_wait3A] : memref<200000x16xf32, #tpu.memory_space<hbm>> -> memref<368x16xf32, #tpu.memory_space<hbm>>
      %dma_wait3A_175 = arith.constant 0 : i32
      %dma_wait3A_176 = tpu.memref_slice %arg6[%add3A_100, %dma_wait3A_175] : memref<200000x16xf32, #tpu.memory_space<hbm>> -> memref<368x16xf32, #tpu.memory_space<hbm>>
      tpu.wait_dma2 semaphore(%run_scoped3A : memref<!tpu.dma_semaphore, #tpu.memory_space<semaphore_mem>>) src(%arg13 : memref<368x16xf32, #tpu.memory_space<vmem>>) dst(%dma_wait3A_176 : memref<368x16xf32, #tpu.memory_space<hbm>>)
      tpu.yield
    }) : () -> ()
    %add3A_101 = arith.constant 2576 : i32
    %add3A_102 = arith.addi %min3A_51, %add3A_101 : i32
    "tpu.region"() ({
      %run_scoped3A = tpu.sem_alloc : memref<!tpu.dma_semaphore, #tpu.memory_space<semaphore_mem>>
      %dma_start3A = arith.constant 0 : i32
      %dma_start3A_171 = tpu.memref_slice %arg7[%add3A_102, %dma_start3A] : memref<100096x16xf32, #tpu.memory_space<vmem_shared>> -> memref<368x16xf32, #tpu.memory_space<vmem_shared>>
      %dma_start3A_172 = arith.constant 0 : i32
      %dma_start3A_173 = tpu.memref_slice %arg7[%add3A_102, %dma_start3A_172] : memref<100096x16xf32, #tpu.memory_space<vmem_shared>> -> memref<368x16xf32, #tpu.memory_space<vmem_shared>>
      tpu.enqueue_dma source(%dma_start3A_173 : memref<368x16xf32, #tpu.memory_space<vmem_shared>>) target(%arg13 : memref<368x16xf32, #tpu.memory_space<vmem>>) target_semaphore(%run_scoped3A : memref<!tpu.dma_semaphore, #tpu.memory_space<semaphore_mem>>)
      %dma_wait3A = arith.constant 0 : i32
      %dma_wait3A_174 = tpu.memref_slice %arg7[%add3A_102, %dma_wait3A] : memref<100096x16xf32, #tpu.memory_space<vmem_shared>> -> memref<368x16xf32, #tpu.memory_space<vmem_shared>>
      %dma_wait3A_175 = arith.constant 0 : i32
      %dma_wait3A_176 = tpu.memref_slice %arg7[%add3A_102, %dma_wait3A_175] : memref<100096x16xf32, #tpu.memory_space<vmem_shared>> -> memref<368x16xf32, #tpu.memory_space<vmem_shared>>
      tpu.wait_dma2 semaphore(%run_scoped3A : memref<!tpu.dma_semaphore, #tpu.memory_space<semaphore_mem>>) src(%dma_wait3A_176 : memref<368x16xf32, #tpu.memory_space<vmem_shared>>) dst(%arg13 : memref<368x16xf32, #tpu.memory_space<vmem>>)
      tpu.yield
    }) : () -> ()
    %mul3A_103 = arith.constant 100000 : i32
    %mul3A_104 = arith.muli %arg0, %mul3A_103 : i32
    %add3A_105 = arith.addi %mul3A_104, %min3A_51 : i32
    %add3A_106 = arith.constant 2576 : i32
    %add3A_107 = arith.addi %add3A_105, %add3A_106 : i32
    "tpu.region"() ({
      %run_scoped3A = tpu.sem_alloc : memref<!tpu.dma_semaphore, #tpu.memory_space<semaphore_mem>>
      %dma_start3A = arith.constant 0 : i32
      %dma_start3A_171 = tpu.memref_slice %arg6[%add3A_107, %dma_start3A] : memref<200000x16xf32, #tpu.memory_space<hbm>> -> memref<368x16xf32, #tpu.memory_space<hbm>>
      %dma_start3A_172 = arith.constant 0 : i32
      %dma_start3A_173 = tpu.memref_slice %arg6[%add3A_107, %dma_start3A_172] : memref<200000x16xf32, #tpu.memory_space<hbm>> -> memref<368x16xf32, #tpu.memory_space<hbm>>
      tpu.enqueue_dma source(%arg13 : memref<368x16xf32, #tpu.memory_space<vmem>>) target(%dma_start3A_173 : memref<368x16xf32, #tpu.memory_space<hbm>>) target_semaphore(%run_scoped3A : memref<!tpu.dma_semaphore, #tpu.memory_space<semaphore_mem>>)
      %dma_wait3A = arith.constant 0 : i32
      %dma_wait3A_174 = tpu.memref_slice %arg6[%add3A_107, %dma_wait3A] : memref<200000x16xf32, #tpu.memory_space<hbm>> -> memref<368x16xf32, #tpu.memory_space<hbm>>
      %dma_wait3A_175 = arith.constant 0 : i32
      %dma_wait3A_176 = tpu.memref_slice %arg6[%add3A_107, %dma_wait3A_175] : memref<200000x16xf32, #tpu.memory_space<hbm>> -> memref<368x16xf32, #tpu.memory_space<hbm>>
      tpu.wait_dma2 semaphore(%run_scoped3A : memref<!tpu.dma_semaphore, #tpu.memory_space<semaphore_mem>>) src(%arg13 : memref<368x16xf32, #tpu.memory_space<vmem>>) dst(%dma_wait3A_176 : memref<368x16xf32, #tpu.memory_space<hbm>>)
      tpu.yield
    }) : () -> ()
    %add3A_108 = arith.constant 2944 : i32
    %add3A_109 = arith.addi %min3A_51, %add3A_108 : i32
    "tpu.region"() ({
      %run_scoped3A = tpu.sem_alloc : memref<!tpu.dma_semaphore, #tpu.memory_space<semaphore_mem>>
      %dma_start3A = arith.constant 0 : i32
      %dma_start3A_171 = tpu.memref_slice %arg7[%add3A_109, %dma_start3A] : memref<100096x16xf32, #tpu.memory_space<vmem_shared>> -> memref<368x16xf32, #tpu.memory_space<vmem_shared>>
      %dma_start3A_172 = arith.constant 0 : i32
      %dma_start3A_173 = tpu.memref_slice %arg7[%add3A_109, %dma_start3A_172] : memref<100096x16xf32, #tpu.memory_space<vmem_shared>> -> memref<368x16xf32, #tpu.memory_space<vmem_shared>>
      tpu.enqueue_dma source(%dma_start3A_173 : memref<368x16xf32, #tpu.memory_space<vmem_shared>>) target(%arg13 : memref<368x16xf32, #tpu.memory_space<vmem>>) target_semaphore(%run_scoped3A : memref<!tpu.dma_semaphore, #tpu.memory_space<semaphore_mem>>)
      %dma_wait3A = arith.constant 0 : i32
      %dma_wait3A_174 = tpu.memref_slice %arg7[%add3A_109, %dma_wait3A] : memref<100096x16xf32, #tpu.memory_space<vmem_shared>> -> memref<368x16xf32, #tpu.memory_space<vmem_shared>>
      %dma_wait3A_175 = arith.constant 0 : i32
      %dma_wait3A_176 = tpu.memref_slice %arg7[%add3A_109, %dma_wait3A_175] : memref<100096x16xf32, #tpu.memory_space<vmem_shared>> -> memref<368x16xf32, #tpu.memory_space<vmem_shared>>
      tpu.wait_dma2 semaphore(%run_scoped3A : memref<!tpu.dma_semaphore, #tpu.memory_space<semaphore_mem>>) src(%dma_wait3A_176 : memref<368x16xf32, #tpu.memory_space<vmem_shared>>) dst(%arg13 : memref<368x16xf32, #tpu.memory_space<vmem>>)
      tpu.yield
    }) : () -> ()
    %mul3A_110 = arith.constant 100000 : i32
    %mul3A_111 = arith.muli %arg0, %mul3A_110 : i32
    %add3A_112 = arith.addi %mul3A_111, %min3A_51 : i32
    %add3A_113 = arith.constant 2944 : i32
    %add3A_114 = arith.addi %add3A_112, %add3A_113 : i32
    "tpu.region"() ({
      %run_scoped3A = tpu.sem_alloc : memref<!tpu.dma_semaphore, #tpu.memory_space<semaphore_mem>>
      %dma_start3A = arith.constant 0 : i32
      %dma_start3A_171 = tpu.memref_slice %arg6[%add3A_114, %dma_start3A] : memref<200000x16xf32, #tpu.memory_space<hbm>> -> memref<368x16xf32, #tpu.memory_space<hbm>>
      %dma_start3A_172 = arith.constant 0 : i32
      %dma_start3A_173 = tpu.memref_slice %arg6[%add3A_114, %dma_start3A_172] : memref<200000x16xf32, #tpu.memory_space<hbm>> -> memref<368x16xf32, #tpu.memory_space<hbm>>
      tpu.enqueue_dma source(%arg13 : memref<368x16xf32, #tpu.memory_space<vmem>>) target(%dma_start3A_173 : memref<368x16xf32, #tpu.memory_space<hbm>>) target_semaphore(%run_scoped3A : memref<!tpu.dma_semaphore, #tpu.memory_space<semaphore_mem>>)
      %dma_wait3A = arith.constant 0 : i32
      %dma_wait3A_174 = tpu.memref_slice %arg6[%add3A_114, %dma_wait3A] : memref<200000x16xf32, #tpu.memory_space<hbm>> -> memref<368x16xf32, #tpu.memory_space<hbm>>
      %dma_wait3A_175 = arith.constant 0 : i32
      %dma_wait3A_176 = tpu.memref_slice %arg6[%add3A_114, %dma_wait3A_175] : memref<200000x16xf32, #tpu.memory_space<hbm>> -> memref<368x16xf32, #tpu.memory_space<hbm>>
      tpu.wait_dma2 semaphore(%run_scoped3A : memref<!tpu.dma_semaphore, #tpu.memory_space<semaphore_mem>>) src(%arg13 : memref<368x16xf32, #tpu.memory_space<vmem>>) dst(%dma_wait3A_176 : memref<368x16xf32, #tpu.memory_space<hbm>>)
      tpu.yield
    }) : () -> ()
    %add3A_115 = arith.constant 3312 : i32
    %add3A_116 = arith.addi %min3A_51, %add3A_115 : i32
    "tpu.region"() ({
      %run_scoped3A = tpu.sem_alloc : memref<!tpu.dma_semaphore, #tpu.memory_space<semaphore_mem>>
      %dma_start3A = arith.constant 0 : i32
      %dma_start3A_171 = tpu.memref_slice %arg7[%add3A_116, %dma_start3A] : memref<100096x16xf32, #tpu.memory_space<vmem_shared>> -> memref<368x16xf32, #tpu.memory_space<vmem_shared>>
      %dma_start3A_172 = arith.constant 0 : i32
      %dma_start3A_173 = tpu.memref_slice %arg7[%add3A_116, %dma_start3A_172] : memref<100096x16xf32, #tpu.memory_space<vmem_shared>> -> memref<368x16xf32, #tpu.memory_space<vmem_shared>>
      tpu.enqueue_dma source(%dma_start3A_173 : memref<368x16xf32, #tpu.memory_space<vmem_shared>>) target(%arg13 : memref<368x16xf32, #tpu.memory_space<vmem>>) target_semaphore(%run_scoped3A : memref<!tpu.dma_semaphore, #tpu.memory_space<semaphore_mem>>)
      %dma_wait3A = arith.constant 0 : i32
      %dma_wait3A_174 = tpu.memref_slice %arg7[%add3A_116, %dma_wait3A] : memref<100096x16xf32, #tpu.memory_space<vmem_shared>> -> memref<368x16xf32, #tpu.memory_space<vmem_shared>>
      %dma_wait3A_175 = arith.constant 0 : i32
      %dma_wait3A_176 = tpu.memref_slice %arg7[%add3A_116, %dma_wait3A_175] : memref<100096x16xf32, #tpu.memory_space<vmem_shared>> -> memref<368x16xf32, #tpu.memory_space<vmem_shared>>
      tpu.wait_dma2 semaphore(%run_scoped3A : memref<!tpu.dma_semaphore, #tpu.memory_space<semaphore_mem>>) src(%dma_wait3A_176 : memref<368x16xf32, #tpu.memory_space<vmem_shared>>) dst(%arg13 : memref<368x16xf32, #tpu.memory_space<vmem>>)
      tpu.yield
    }) : () -> ()
    %mul3A_117 = arith.constant 100000 : i32
    %mul3A_118 = arith.muli %arg0, %mul3A_117 : i32
    %add3A_119 = arith.addi %mul3A_118, %min3A_51 : i32
    %add3A_120 = arith.constant 3312 : i32
    %add3A_121 = arith.addi %add3A_119, %add3A_120 : i32
    "tpu.region"() ({
      %run_scoped3A = tpu.sem_alloc : memref<!tpu.dma_semaphore, #tpu.memory_space<semaphore_mem>>
      %dma_start3A = arith.constant 0 : i32
      %dma_start3A_171 = tpu.memref_slice %arg6[%add3A_121, %dma_start3A] : memref<200000x16xf32, #tpu.memory_space<hbm>> -> memref<368x16xf32, #tpu.memory_space<hbm>>
      %dma_start3A_172 = arith.constant 0 : i32
      %dma_start3A_173 = tpu.memref_slice %arg6[%add3A_121, %dma_start3A_172] : memref<200000x16xf32, #tpu.memory_space<hbm>> -> memref<368x16xf32, #tpu.memory_space<hbm>>
      tpu.enqueue_dma source(%arg13 : memref<368x16xf32, #tpu.memory_space<vmem>>) target(%dma_start3A_173 : memref<368x16xf32, #tpu.memory_space<hbm>>) target_semaphore(%run_scoped3A : memref<!tpu.dma_semaphore, #tpu.memory_space<semaphore_mem>>)
      %dma_wait3A = arith.constant 0 : i32
      %dma_wait3A_174 = tpu.memref_slice %arg6[%add3A_121, %dma_wait3A] : memref<200000x16xf32, #tpu.memory_space<hbm>> -> memref<368x16xf32, #tpu.memory_space<hbm>>
      %dma_wait3A_175 = arith.constant 0 : i32
      %dma_wait3A_176 = tpu.memref_slice %arg6[%add3A_121, %dma_wait3A_175] : memref<200000x16xf32, #tpu.memory_space<hbm>> -> memref<368x16xf32, #tpu.memory_space<hbm>>
      tpu.wait_dma2 semaphore(%run_scoped3A : memref<!tpu.dma_semaphore, #tpu.memory_space<semaphore_mem>>) src(%arg13 : memref<368x16xf32, #tpu.memory_space<vmem>>) dst(%dma_wait3A_176 : memref<368x16xf32, #tpu.memory_space<hbm>>)
      tpu.yield
    }) : () -> ()
    %add3A_122 = arith.constant 3680 : i32
    %add3A_123 = arith.addi %min3A_51, %add3A_122 : i32
    "tpu.region"() ({
      %run_scoped3A = tpu.sem_alloc : memref<!tpu.dma_semaphore, #tpu.memory_space<semaphore_mem>>
      %dma_start3A = arith.constant 0 : i32
      %dma_start3A_171 = tpu.memref_slice %arg7[%add3A_123, %dma_start3A] : memref<100096x16xf32, #tpu.memory_space<vmem_shared>> -> memref<368x16xf32, #tpu.memory_space<vmem_shared>>
      %dma_start3A_172 = arith.constant 0 : i32
      %dma_start3A_173 = tpu.memref_slice %arg7[%add3A_123, %dma_start3A_172] : memref<100096x16xf32, #tpu.memory_space<vmem_shared>> -> memref<368x16xf32, #tpu.memory_space<vmem_shared>>
      tpu.enqueue_dma source(%dma_start3A_173 : memref<368x16xf32, #tpu.memory_space<vmem_shared>>) target(%arg13 : memref<368x16xf32, #tpu.memory_space<vmem>>) target_semaphore(%run_scoped3A : memref<!tpu.dma_semaphore, #tpu.memory_space<semaphore_mem>>)
      %dma_wait3A = arith.constant 0 : i32
      %dma_wait3A_174 = tpu.memref_slice %arg7[%add3A_123, %dma_wait3A] : memref<100096x16xf32, #tpu.memory_space<vmem_shared>> -> memref<368x16xf32, #tpu.memory_space<vmem_shared>>
      %dma_wait3A_175 = arith.constant 0 : i32
      %dma_wait3A_176 = tpu.memref_slice %arg7[%add3A_123, %dma_wait3A_175] : memref<100096x16xf32, #tpu.memory_space<vmem_shared>> -> memref<368x16xf32, #tpu.memory_space<vmem_shared>>
      tpu.wait_dma2 semaphore(%run_scoped3A : memref<!tpu.dma_semaphore, #tpu.memory_space<semaphore_mem>>) src(%dma_wait3A_176 : memref<368x16xf32, #tpu.memory_space<vmem_shared>>) dst(%arg13 : memref<368x16xf32, #tpu.memory_space<vmem>>)
      tpu.yield
    }) : () -> ()
    %mul3A_124 = arith.constant 100000 : i32
    %mul3A_125 = arith.muli %arg0, %mul3A_124 : i32
    %add3A_126 = arith.addi %mul3A_125, %min3A_51 : i32
    %add3A_127 = arith.constant 3680 : i32
    %add3A_128 = arith.addi %add3A_126, %add3A_127 : i32
    "tpu.region"() ({
      %run_scoped3A = tpu.sem_alloc : memref<!tpu.dma_semaphore, #tpu.memory_space<semaphore_mem>>
      %dma_start3A = arith.constant 0 : i32
      %dma_start3A_171 = tpu.memref_slice %arg6[%add3A_128, %dma_start3A] : memref<200000x16xf32, #tpu.memory_space<hbm>> -> memref<368x16xf32, #tpu.memory_space<hbm>>
      %dma_start3A_172 = arith.constant 0 : i32
      %dma_start3A_173 = tpu.memref_slice %arg6[%add3A_128, %dma_start3A_172] : memref<200000x16xf32, #tpu.memory_space<hbm>> -> memref<368x16xf32, #tpu.memory_space<hbm>>
      tpu.enqueue_dma source(%arg13 : memref<368x16xf32, #tpu.memory_space<vmem>>) target(%dma_start3A_173 : memref<368x16xf32, #tpu.memory_space<hbm>>) target_semaphore(%run_scoped3A : memref<!tpu.dma_semaphore, #tpu.memory_space<semaphore_mem>>)
      %dma_wait3A = arith.constant 0 : i32
      %dma_wait3A_174 = tpu.memref_slice %arg6[%add3A_128, %dma_wait3A] : memref<200000x16xf32, #tpu.memory_space<hbm>> -> memref<368x16xf32, #tpu.memory_space<hbm>>
      %dma_wait3A_175 = arith.constant 0 : i32
      %dma_wait3A_176 = tpu.memref_slice %arg6[%add3A_128, %dma_wait3A_175] : memref<200000x16xf32, #tpu.memory_space<hbm>> -> memref<368x16xf32, #tpu.memory_space<hbm>>
      tpu.wait_dma2 semaphore(%run_scoped3A : memref<!tpu.dma_semaphore, #tpu.memory_space<semaphore_mem>>) src(%arg13 : memref<368x16xf32, #tpu.memory_space<vmem>>) dst(%dma_wait3A_176 : memref<368x16xf32, #tpu.memory_space<hbm>>)
      tpu.yield
    }) : () -> ()
    %add3A_129 = arith.constant 4048 : i32
    %add3A_130 = arith.addi %min3A_51, %add3A_129 : i32
    "tpu.region"() ({
      %run_scoped3A = tpu.sem_alloc : memref<!tpu.dma_semaphore, #tpu.memory_space<semaphore_mem>>
      %dma_start3A = arith.constant 0 : i32
      %dma_start3A_171 = tpu.memref_slice %arg7[%add3A_130, %dma_start3A] : memref<100096x16xf32, #tpu.memory_space<vmem_shared>> -> memref<368x16xf32, #tpu.memory_space<vmem_shared>>
      %dma_start3A_172 = arith.constant 0 : i32
      %dma_start3A_173 = tpu.memref_slice %arg7[%add3A_130, %dma_start3A_172] : memref<100096x16xf32, #tpu.memory_space<vmem_shared>> -> memref<368x16xf32, #tpu.memory_space<vmem_shared>>
      tpu.enqueue_dma source(%dma_start3A_173 : memref<368x16xf32, #tpu.memory_space<vmem_shared>>) target(%arg13 : memref<368x16xf32, #tpu.memory_space<vmem>>) target_semaphore(%run_scoped3A : memref<!tpu.dma_semaphore, #tpu.memory_space<semaphore_mem>>)
      %dma_wait3A = arith.constant 0 : i32
      %dma_wait3A_174 = tpu.memref_slice %arg7[%add3A_130, %dma_wait3A] : memref<100096x16xf32, #tpu.memory_space<vmem_shared>> -> memref<368x16xf32, #tpu.memory_space<vmem_shared>>
      %dma_wait3A_175 = arith.constant 0 : i32
      %dma_wait3A_176 = tpu.memref_slice %arg7[%add3A_130, %dma_wait3A_175] : memref<100096x16xf32, #tpu.memory_space<vmem_shared>> -> memref<368x16xf32, #tpu.memory_space<vmem_shared>>
      tpu.wait_dma2 semaphore(%run_scoped3A : memref<!tpu.dma_semaphore, #tpu.memory_space<semaphore_mem>>) src(%dma_wait3A_176 : memref<368x16xf32, #tpu.memory_space<vmem_shared>>) dst(%arg13 : memref<368x16xf32, #tpu.memory_space<vmem>>)
      tpu.yield
    }) : () -> ()
    %mul3A_131 = arith.constant 100000 : i32
    %mul3A_132 = arith.muli %arg0, %mul3A_131 : i32
    %add3A_133 = arith.addi %mul3A_132, %min3A_51 : i32
    %add3A_134 = arith.constant 4048 : i32
    %add3A_135 = arith.addi %add3A_133, %add3A_134 : i32
    "tpu.region"() ({
      %run_scoped3A = tpu.sem_alloc : memref<!tpu.dma_semaphore, #tpu.memory_space<semaphore_mem>>
      %dma_start3A = arith.constant 0 : i32
      %dma_start3A_171 = tpu.memref_slice %arg6[%add3A_135, %dma_start3A] : memref<200000x16xf32, #tpu.memory_space<hbm>> -> memref<368x16xf32, #tpu.memory_space<hbm>>
      %dma_start3A_172 = arith.constant 0 : i32
      %dma_start3A_173 = tpu.memref_slice %arg6[%add3A_135, %dma_start3A_172] : memref<200000x16xf32, #tpu.memory_space<hbm>> -> memref<368x16xf32, #tpu.memory_space<hbm>>
      tpu.enqueue_dma source(%arg13 : memref<368x16xf32, #tpu.memory_space<vmem>>) target(%dma_start3A_173 : memref<368x16xf32, #tpu.memory_space<hbm>>) target_semaphore(%run_scoped3A : memref<!tpu.dma_semaphore, #tpu.memory_space<semaphore_mem>>)
      %dma_wait3A = arith.constant 0 : i32
      %dma_wait3A_174 = tpu.memref_slice %arg6[%add3A_135, %dma_wait3A] : memref<200000x16xf32, #tpu.memory_space<hbm>> -> memref<368x16xf32, #tpu.memory_space<hbm>>
      %dma_wait3A_175 = arith.constant 0 : i32
      %dma_wait3A_176 = tpu.memref_slice %arg6[%add3A_135, %dma_wait3A_175] : memref<200000x16xf32, #tpu.memory_space<hbm>> -> memref<368x16xf32, #tpu.memory_space<hbm>>
      tpu.wait_dma2 semaphore(%run_scoped3A : memref<!tpu.dma_semaphore, #tpu.memory_space<semaphore_mem>>) src(%arg13 : memref<368x16xf32, #tpu.memory_space<vmem>>) dst(%dma_wait3A_176 : memref<368x16xf32, #tpu.memory_space<hbm>>)
      tpu.yield
    }) : () -> ()
    %add3A_136 = arith.constant 4416 : i32
    %add3A_137 = arith.addi %min3A_51, %add3A_136 : i32
    "tpu.region"() ({
      %run_scoped3A = tpu.sem_alloc : memref<!tpu.dma_semaphore, #tpu.memory_space<semaphore_mem>>
      %dma_start3A = arith.constant 0 : i32
      %dma_start3A_171 = tpu.memref_slice %arg7[%add3A_137, %dma_start3A] : memref<100096x16xf32, #tpu.memory_space<vmem_shared>> -> memref<368x16xf32, #tpu.memory_space<vmem_shared>>
      %dma_start3A_172 = arith.constant 0 : i32
      %dma_start3A_173 = tpu.memref_slice %arg7[%add3A_137, %dma_start3A_172] : memref<100096x16xf32, #tpu.memory_space<vmem_shared>> -> memref<368x16xf32, #tpu.memory_space<vmem_shared>>
      tpu.enqueue_dma source(%dma_start3A_173 : memref<368x16xf32, #tpu.memory_space<vmem_shared>>) target(%arg13 : memref<368x16xf32, #tpu.memory_space<vmem>>) target_semaphore(%run_scoped3A : memref<!tpu.dma_semaphore, #tpu.memory_space<semaphore_mem>>)
      %dma_wait3A = arith.constant 0 : i32
      %dma_wait3A_174 = tpu.memref_slice %arg7[%add3A_137, %dma_wait3A] : memref<100096x16xf32, #tpu.memory_space<vmem_shared>> -> memref<368x16xf32, #tpu.memory_space<vmem_shared>>
      %dma_wait3A_175 = arith.constant 0 : i32
      %dma_wait3A_176 = tpu.memref_slice %arg7[%add3A_137, %dma_wait3A_175] : memref<100096x16xf32, #tpu.memory_space<vmem_shared>> -> memref<368x16xf32, #tpu.memory_space<vmem_shared>>
      tpu.wait_dma2 semaphore(%run_scoped3A : memref<!tpu.dma_semaphore, #tpu.memory_space<semaphore_mem>>) src(%dma_wait3A_176 : memref<368x16xf32, #tpu.memory_space<vmem_shared>>) dst(%arg13 : memref<368x16xf32, #tpu.memory_space<vmem>>)
      tpu.yield
    }) : () -> ()
    %mul3A_138 = arith.constant 100000 : i32
    %mul3A_139 = arith.muli %arg0, %mul3A_138 : i32
    %add3A_140 = arith.addi %mul3A_139, %min3A_51 : i32
    %add3A_141 = arith.constant 4416 : i32
    %add3A_142 = arith.addi %add3A_140, %add3A_141 : i32
    "tpu.region"() ({
      %run_scoped3A = tpu.sem_alloc : memref<!tpu.dma_semaphore, #tpu.memory_space<semaphore_mem>>
      %dma_start3A = arith.constant 0 : i32
      %dma_start3A_171 = tpu.memref_slice %arg6[%add3A_142, %dma_start3A] : memref<200000x16xf32, #tpu.memory_space<hbm>> -> memref<368x16xf32, #tpu.memory_space<hbm>>
      %dma_start3A_172 = arith.constant 0 : i32
      %dma_start3A_173 = tpu.memref_slice %arg6[%add3A_142, %dma_start3A_172] : memref<200000x16xf32, #tpu.memory_space<hbm>> -> memref<368x16xf32, #tpu.memory_space<hbm>>
      tpu.enqueue_dma source(%arg13 : memref<368x16xf32, #tpu.memory_space<vmem>>) target(%dma_start3A_173 : memref<368x16xf32, #tpu.memory_space<hbm>>) target_semaphore(%run_scoped3A : memref<!tpu.dma_semaphore, #tpu.memory_space<semaphore_mem>>)
      %dma_wait3A = arith.constant 0 : i32
      %dma_wait3A_174 = tpu.memref_slice %arg6[%add3A_142, %dma_wait3A] : memref<200000x16xf32, #tpu.memory_space<hbm>> -> memref<368x16xf32, #tpu.memory_space<hbm>>
      %dma_wait3A_175 = arith.constant 0 : i32
      %dma_wait3A_176 = tpu.memref_slice %arg6[%add3A_142, %dma_wait3A_175] : memref<200000x16xf32, #tpu.memory_space<hbm>> -> memref<368x16xf32, #tpu.memory_space<hbm>>
      tpu.wait_dma2 semaphore(%run_scoped3A : memref<!tpu.dma_semaphore, #tpu.memory_space<semaphore_mem>>) src(%arg13 : memref<368x16xf32, #tpu.memory_space<vmem>>) dst(%dma_wait3A_176 : memref<368x16xf32, #tpu.memory_space<hbm>>)
      tpu.yield
    }) : () -> ()
    %add3A_143 = arith.constant 4784 : i32
    %add3A_144 = arith.addi %min3A_51, %add3A_143 : i32
    "tpu.region"() ({
      %run_scoped3A = tpu.sem_alloc : memref<!tpu.dma_semaphore, #tpu.memory_space<semaphore_mem>>
      %dma_start3A = arith.constant 0 : i32
      %dma_start3A_171 = tpu.memref_slice %arg7[%add3A_144, %dma_start3A] : memref<100096x16xf32, #tpu.memory_space<vmem_shared>> -> memref<368x16xf32, #tpu.memory_space<vmem_shared>>
      %dma_start3A_172 = arith.constant 0 : i32
      %dma_start3A_173 = tpu.memref_slice %arg7[%add3A_144, %dma_start3A_172] : memref<100096x16xf32, #tpu.memory_space<vmem_shared>> -> memref<368x16xf32, #tpu.memory_space<vmem_shared>>
      tpu.enqueue_dma source(%dma_start3A_173 : memref<368x16xf32, #tpu.memory_space<vmem_shared>>) target(%arg13 : memref<368x16xf32, #tpu.memory_space<vmem>>) target_semaphore(%run_scoped3A : memref<!tpu.dma_semaphore, #tpu.memory_space<semaphore_mem>>)
      %dma_wait3A = arith.constant 0 : i32
      %dma_wait3A_174 = tpu.memref_slice %arg7[%add3A_144, %dma_wait3A] : memref<100096x16xf32, #tpu.memory_space<vmem_shared>> -> memref<368x16xf32, #tpu.memory_space<vmem_shared>>
      %dma_wait3A_175 = arith.constant 0 : i32
      %dma_wait3A_176 = tpu.memref_slice %arg7[%add3A_144, %dma_wait3A_175] : memref<100096x16xf32, #tpu.memory_space<vmem_shared>> -> memref<368x16xf32, #tpu.memory_space<vmem_shared>>
      tpu.wait_dma2 semaphore(%run_scoped3A : memref<!tpu.dma_semaphore, #tpu.memory_space<semaphore_mem>>) src(%dma_wait3A_176 : memref<368x16xf32, #tpu.memory_space<vmem_shared>>) dst(%arg13 : memref<368x16xf32, #tpu.memory_space<vmem>>)
      tpu.yield
    }) : () -> ()
    %mul3A_145 = arith.constant 100000 : i32
    %mul3A_146 = arith.muli %arg0, %mul3A_145 : i32
    %add3A_147 = arith.addi %mul3A_146, %min3A_51 : i32
    %add3A_148 = arith.constant 4784 : i32
    %add3A_149 = arith.addi %add3A_147, %add3A_148 : i32
    "tpu.region"() ({
      %run_scoped3A = tpu.sem_alloc : memref<!tpu.dma_semaphore, #tpu.memory_space<semaphore_mem>>
      %dma_start3A = arith.constant 0 : i32
      %dma_start3A_171 = tpu.memref_slice %arg6[%add3A_149, %dma_start3A] : memref<200000x16xf32, #tpu.memory_space<hbm>> -> memref<368x16xf32, #tpu.memory_space<hbm>>
      %dma_start3A_172 = arith.constant 0 : i32
      %dma_start3A_173 = tpu.memref_slice %arg6[%add3A_149, %dma_start3A_172] : memref<200000x16xf32, #tpu.memory_space<hbm>> -> memref<368x16xf32, #tpu.memory_space<hbm>>
      tpu.enqueue_dma source(%arg13 : memref<368x16xf32, #tpu.memory_space<vmem>>) target(%dma_start3A_173 : memref<368x16xf32, #tpu.memory_space<hbm>>) target_semaphore(%run_scoped3A : memref<!tpu.dma_semaphore, #tpu.memory_space<semaphore_mem>>)
      %dma_wait3A = arith.constant 0 : i32
      %dma_wait3A_174 = tpu.memref_slice %arg6[%add3A_149, %dma_wait3A] : memref<200000x16xf32, #tpu.memory_space<hbm>> -> memref<368x16xf32, #tpu.memory_space<hbm>>
      %dma_wait3A_175 = arith.constant 0 : i32
      %dma_wait3A_176 = tpu.memref_slice %arg6[%add3A_149, %dma_wait3A_175] : memref<200000x16xf32, #tpu.memory_space<hbm>> -> memref<368x16xf32, #tpu.memory_space<hbm>>
      tpu.wait_dma2 semaphore(%run_scoped3A : memref<!tpu.dma_semaphore, #tpu.memory_space<semaphore_mem>>) src(%arg13 : memref<368x16xf32, #tpu.memory_space<vmem>>) dst(%dma_wait3A_176 : memref<368x16xf32, #tpu.memory_space<hbm>>)
      tpu.yield
    }) : () -> ()
    %add3A_150 = arith.constant 5152 : i32
    %add3A_151 = arith.addi %min3A_51, %add3A_150 : i32
    "tpu.region"() ({
      %run_scoped3A = tpu.sem_alloc : memref<!tpu.dma_semaphore, #tpu.memory_space<semaphore_mem>>
      %dma_start3A = arith.constant 0 : i32
      %dma_start3A_171 = tpu.memref_slice %arg7[%add3A_151, %dma_start3A] : memref<100096x16xf32, #tpu.memory_space<vmem_shared>> -> memref<368x16xf32, #tpu.memory_space<vmem_shared>>
      %dma_start3A_172 = arith.constant 0 : i32
      %dma_start3A_173 = tpu.memref_slice %arg7[%add3A_151, %dma_start3A_172] : memref<100096x16xf32, #tpu.memory_space<vmem_shared>> -> memref<368x16xf32, #tpu.memory_space<vmem_shared>>
      tpu.enqueue_dma source(%dma_start3A_173 : memref<368x16xf32, #tpu.memory_space<vmem_shared>>) target(%arg13 : memref<368x16xf32, #tpu.memory_space<vmem>>) target_semaphore(%run_scoped3A : memref<!tpu.dma_semaphore, #tpu.memory_space<semaphore_mem>>)
      %dma_wait3A = arith.constant 0 : i32
      %dma_wait3A_174 = tpu.memref_slice %arg7[%add3A_151, %dma_wait3A] : memref<100096x16xf32, #tpu.memory_space<vmem_shared>> -> memref<368x16xf32, #tpu.memory_space<vmem_shared>>
      %dma_wait3A_175 = arith.constant 0 : i32
      %dma_wait3A_176 = tpu.memref_slice %arg7[%add3A_151, %dma_wait3A_175] : memref<100096x16xf32, #tpu.memory_space<vmem_shared>> -> memref<368x16xf32, #tpu.memory_space<vmem_shared>>
      tpu.wait_dma2 semaphore(%run_scoped3A : memref<!tpu.dma_semaphore, #tpu.memory_space<semaphore_mem>>) src(%dma_wait3A_176 : memref<368x16xf32, #tpu.memory_space<vmem_shared>>) dst(%arg13 : memref<368x16xf32, #tpu.memory_space<vmem>>)
      tpu.yield
    }) : () -> ()
    %mul3A_152 = arith.constant 100000 : i32
    %mul3A_153 = arith.muli %arg0, %mul3A_152 : i32
    %add3A_154 = arith.addi %mul3A_153, %min3A_51 : i32
    %add3A_155 = arith.constant 5152 : i32
    %add3A_156 = arith.addi %add3A_154, %add3A_155 : i32
    "tpu.region"() ({
      %run_scoped3A = tpu.sem_alloc : memref<!tpu.dma_semaphore, #tpu.memory_space<semaphore_mem>>
      %dma_start3A = arith.constant 0 : i32
      %dma_start3A_171 = tpu.memref_slice %arg6[%add3A_156, %dma_start3A] : memref<200000x16xf32, #tpu.memory_space<hbm>> -> memref<368x16xf32, #tpu.memory_space<hbm>>
      %dma_start3A_172 = arith.constant 0 : i32
      %dma_start3A_173 = tpu.memref_slice %arg6[%add3A_156, %dma_start3A_172] : memref<200000x16xf32, #tpu.memory_space<hbm>> -> memref<368x16xf32, #tpu.memory_space<hbm>>
      tpu.enqueue_dma source(%arg13 : memref<368x16xf32, #tpu.memory_space<vmem>>) target(%dma_start3A_173 : memref<368x16xf32, #tpu.memory_space<hbm>>) target_semaphore(%run_scoped3A : memref<!tpu.dma_semaphore, #tpu.memory_space<semaphore_mem>>)
      %dma_wait3A = arith.constant 0 : i32
      %dma_wait3A_174 = tpu.memref_slice %arg6[%add3A_156, %dma_wait3A] : memref<200000x16xf32, #tpu.memory_space<hbm>> -> memref<368x16xf32, #tpu.memory_space<hbm>>
      %dma_wait3A_175 = arith.constant 0 : i32
      %dma_wait3A_176 = tpu.memref_slice %arg6[%add3A_156, %dma_wait3A_175] : memref<200000x16xf32, #tpu.memory_space<hbm>> -> memref<368x16xf32, #tpu.memory_space<hbm>>
      tpu.wait_dma2 semaphore(%run_scoped3A : memref<!tpu.dma_semaphore, #tpu.memory_space<semaphore_mem>>) src(%arg13 : memref<368x16xf32, #tpu.memory_space<vmem>>) dst(%dma_wait3A_176 : memref<368x16xf32, #tpu.memory_space<hbm>>)
      tpu.yield
    }) : () -> ()
    %add3A_157 = arith.constant 5520 : i32
    %add3A_158 = arith.addi %min3A_51, %add3A_157 : i32
    "tpu.region"() ({
      %run_scoped3A = tpu.sem_alloc : memref<!tpu.dma_semaphore, #tpu.memory_space<semaphore_mem>>
      %dma_start3A = arith.constant 0 : i32
      %dma_start3A_171 = tpu.memref_slice %arg7[%add3A_158, %dma_start3A] : memref<100096x16xf32, #tpu.memory_space<vmem_shared>> -> memref<368x16xf32, #tpu.memory_space<vmem_shared>>
      %dma_start3A_172 = arith.constant 0 : i32
      %dma_start3A_173 = tpu.memref_slice %arg7[%add3A_158, %dma_start3A_172] : memref<100096x16xf32, #tpu.memory_space<vmem_shared>> -> memref<368x16xf32, #tpu.memory_space<vmem_shared>>
      tpu.enqueue_dma source(%dma_start3A_173 : memref<368x16xf32, #tpu.memory_space<vmem_shared>>) target(%arg13 : memref<368x16xf32, #tpu.memory_space<vmem>>) target_semaphore(%run_scoped3A : memref<!tpu.dma_semaphore, #tpu.memory_space<semaphore_mem>>)
      %dma_wait3A = arith.constant 0 : i32
      %dma_wait3A_174 = tpu.memref_slice %arg7[%add3A_158, %dma_wait3A] : memref<100096x16xf32, #tpu.memory_space<vmem_shared>> -> memref<368x16xf32, #tpu.memory_space<vmem_shared>>
      %dma_wait3A_175 = arith.constant 0 : i32
      %dma_wait3A_176 = tpu.memref_slice %arg7[%add3A_158, %dma_wait3A_175] : memref<100096x16xf32, #tpu.memory_space<vmem_shared>> -> memref<368x16xf32, #tpu.memory_space<vmem_shared>>
      tpu.wait_dma2 semaphore(%run_scoped3A : memref<!tpu.dma_semaphore, #tpu.memory_space<semaphore_mem>>) src(%dma_wait3A_176 : memref<368x16xf32, #tpu.memory_space<vmem_shared>>) dst(%arg13 : memref<368x16xf32, #tpu.memory_space<vmem>>)
      tpu.yield
    }) : () -> ()
    %mul3A_159 = arith.constant 100000 : i32
    %mul3A_160 = arith.muli %arg0, %mul3A_159 : i32
    %add3A_161 = arith.addi %mul3A_160, %min3A_51 : i32
    %add3A_162 = arith.constant 5520 : i32
    %add3A_163 = arith.addi %add3A_161, %add3A_162 : i32
    "tpu.region"() ({
      %run_scoped3A = tpu.sem_alloc : memref<!tpu.dma_semaphore, #tpu.memory_space<semaphore_mem>>
      %dma_start3A = arith.constant 0 : i32
      %dma_start3A_171 = tpu.memref_slice %arg6[%add3A_163, %dma_start3A] : memref<200000x16xf32, #tpu.memory_space<hbm>> -> memref<368x16xf32, #tpu.memory_space<hbm>>
      %dma_start3A_172 = arith.constant 0 : i32
      %dma_start3A_173 = tpu.memref_slice %arg6[%add3A_163, %dma_start3A_172] : memref<200000x16xf32, #tpu.memory_space<hbm>> -> memref<368x16xf32, #tpu.memory_space<hbm>>
      tpu.enqueue_dma source(%arg13 : memref<368x16xf32, #tpu.memory_space<vmem>>) target(%dma_start3A_173 : memref<368x16xf32, #tpu.memory_space<hbm>>) target_semaphore(%run_scoped3A : memref<!tpu.dma_semaphore, #tpu.memory_space<semaphore_mem>>)
      %dma_wait3A = arith.constant 0 : i32
      %dma_wait3A_174 = tpu.memref_slice %arg6[%add3A_163, %dma_wait3A] : memref<200000x16xf32, #tpu.memory_space<hbm>> -> memref<368x16xf32, #tpu.memory_space<hbm>>
      %dma_wait3A_175 = arith.constant 0 : i32
      %dma_wait3A_176 = tpu.memref_slice %arg6[%add3A_163, %dma_wait3A_175] : memref<200000x16xf32, #tpu.memory_space<hbm>> -> memref<368x16xf32, #tpu.memory_space<hbm>>
      tpu.wait_dma2 semaphore(%run_scoped3A : memref<!tpu.dma_semaphore, #tpu.memory_space<semaphore_mem>>) src(%arg13 : memref<368x16xf32, #tpu.memory_space<vmem>>) dst(%dma_wait3A_176 : memref<368x16xf32, #tpu.memory_space<hbm>>)
      tpu.yield
    }) : () -> ()
    %add3A_164 = arith.constant 5888 : i32
    %add3A_165 = arith.addi %min3A_51, %add3A_164 : i32
    "tpu.region"() ({
      %run_scoped3A = tpu.sem_alloc : memref<!tpu.dma_semaphore, #tpu.memory_space<semaphore_mem>>
      %dma_start3A = arith.constant 0 : i32
      %dma_start3A_171 = tpu.memref_slice %arg7[%add3A_165, %dma_start3A] : memref<100096x16xf32, #tpu.memory_space<vmem_shared>> -> memref<368x16xf32, #tpu.memory_space<vmem_shared>>
      %dma_start3A_172 = arith.constant 0 : i32
      %dma_start3A_173 = tpu.memref_slice %arg7[%add3A_165, %dma_start3A_172] : memref<100096x16xf32, #tpu.memory_space<vmem_shared>> -> memref<368x16xf32, #tpu.memory_space<vmem_shared>>
      tpu.enqueue_dma source(%dma_start3A_173 : memref<368x16xf32, #tpu.memory_space<vmem_shared>>) target(%arg13 : memref<368x16xf32, #tpu.memory_space<vmem>>) target_semaphore(%run_scoped3A : memref<!tpu.dma_semaphore, #tpu.memory_space<semaphore_mem>>)
      %dma_wait3A = arith.constant 0 : i32
      %dma_wait3A_174 = tpu.memref_slice %arg7[%add3A_165, %dma_wait3A] : memref<100096x16xf32, #tpu.memory_space<vmem_shared>> -> memref<368x16xf32, #tpu.memory_space<vmem_shared>>
      %dma_wait3A_175 = arith.constant 0 : i32
      %dma_wait3A_176 = tpu.memref_slice %arg7[%add3A_165, %dma_wait3A_175] : memref<100096x16xf32, #tpu.memory_space<vmem_shared>> -> memref<368x16xf32, #tpu.memory_space<vmem_shared>>
      tpu.wait_dma2 semaphore(%run_scoped3A : memref<!tpu.dma_semaphore, #tpu.memory_space<semaphore_mem>>) src(%dma_wait3A_176 : memref<368x16xf32, #tpu.memory_space<vmem_shared>>) dst(%arg13 : memref<368x16xf32, #tpu.memory_space<vmem>>)
      tpu.yield
    }) : () -> ()
    %mul3A_166 = arith.constant 100000 : i32
    %mul3A_167 = arith.muli %arg0, %mul3A_166 : i32
    %add3A_168 = arith.addi %mul3A_167, %min3A_51 : i32
    %add3A_169 = arith.constant 5888 : i32
    %add3A_170 = arith.addi %add3A_168, %add3A_169 : i32
    "tpu.region"() ({
      %run_scoped3A = tpu.sem_alloc : memref<!tpu.dma_semaphore, #tpu.memory_space<semaphore_mem>>
      %dma_start3A = arith.constant 0 : i32
      %dma_start3A_171 = tpu.memref_slice %arg6[%add3A_170, %dma_start3A] : memref<200000x16xf32, #tpu.memory_space<hbm>> -> memref<368x16xf32, #tpu.memory_space<hbm>>
      %dma_start3A_172 = arith.constant 0 : i32
      %dma_start3A_173 = tpu.memref_slice %arg6[%add3A_170, %dma_start3A_172] : memref<200000x16xf32, #tpu.memory_space<hbm>> -> memref<368x16xf32, #tpu.memory_space<hbm>>
      tpu.enqueue_dma source(%arg13 : memref<368x16xf32, #tpu.memory_space<vmem>>) target(%dma_start3A_173 : memref<368x16xf32, #tpu.memory_space<hbm>>) target_semaphore(%run_scoped3A : memref<!tpu.dma_semaphore, #tpu.memory_space<semaphore_mem>>)
      %dma_wait3A = arith.constant 0 : i32
      %dma_wait3A_174 = tpu.memref_slice %arg6[%add3A_170, %dma_wait3A] : memref<200000x16xf32, #tpu.memory_space<hbm>> -> memref<368x16xf32, #tpu.memory_space<hbm>>
      %dma_wait3A_175 = arith.constant 0 : i32
      %dma_wait3A_176 = tpu.memref_slice %arg6[%add3A_170, %dma_wait3A_175] : memref<200000x16xf32, #tpu.memory_space<hbm>> -> memref<368x16xf32, #tpu.memory_space<hbm>>
      tpu.wait_dma2 semaphore(%run_scoped3A : memref<!tpu.dma_semaphore, #tpu.memory_space<semaphore_mem>>) src(%arg13 : memref<368x16xf32, #tpu.memory_space<vmem>>) dst(%dma_wait3A_176 : memref<368x16xf32, #tpu.memory_space<hbm>>)
      tpu.yield
    }) : () -> ()
    return
  }
}

#map = affine_map<(d0, d1) -> (0, 0)>
#map1 = affine_map<(d0, d1) -> (0)>
module attributes {stable_mosaic.version = 14 : i64} {
  func.func @k(%arg0: i32, %arg1: i32, %arg2: memref<12544x128xi32, #tpu.memory_space<hbm>>, %arg3: memref<12544x128xi32, #tpu.memory_space<hbm>>, %arg4: memref<100000xf32, #tpu.memory_space<hbm>>, %arg5: memref<16xf32, #tpu.memory_space<hbm>>, %arg6: memref<16xf32, #tpu.memory_space<hbm>>, %arg7: memref<200000xf32, #tpu.memory_space<hbm>>, %arg8: memref<200000xf32, #tpu.memory_space<hbm>>, %arg9: memref<100096xf32, #tpu.memory_space<vmem_shared>>, %arg10: memref<100096xf32, #tpu.memory_space<vmem_shared>>, %arg11: memref<100096xf32, #tpu.memory_space<vmem_shared>>, %arg12: memref<8x128xi32, #tpu.memory_space<vmem>>, %arg13: memref<8x128xi32, #tpu.memory_space<vmem>>, %arg14: memref<1024xf32, #tpu.memory_space<vmem>>, %arg15: memref<1024xf32, #tpu.memory_space<vmem>>, %arg16: memref<1024xf32, #tpu.memory_space<vmem>>, %arg17: memref<1024xf32, #tpu.memory_space<vmem>>, %arg18: memref<16xf32, #tpu.memory_space<vmem>>, %arg19: memref<16xf32, #tpu.memory_space<vmem>>, %arg20: memref<6256xf32, #tpu.memory_space<vmem>>, %arg21: memref<6256xf32, #tpu.memory_space<vmem>>, %arg22: memref<!tpu.dma_semaphore, #tpu.memory_space<semaphore_mem>>) attributes {dimension_semantics = [#tpu.dimension_semantics<core_parallel>, #tpu.dimension_semantics<subcore_parallel>], iteration_bounds = array<i64: 2, 16>, scalar_prefetch = 0 : i64, scratch_operands = 14 : i64, tpu.core_type = #tpu.core_type<sc_vector_subcore>, window_params = [{transform_indices = #map}, {transform_indices = #map}, {transform_indices = #map1}, {transform_indices = #map1}, {transform_indices = #map1}, {transform_indices = #map1}, {transform_indices = #map1}]} {
    %mul3A = arith.constant 2 : i32
    %mul3A_0 = arith.muli %arg1, %mul3A : i32
    %add3A = arith.addi %mul3A_0, %arg0 : i32
    %broadcast_in_dim3A = arith.constant 0.000000e+00 : f32
    %broadcast_in_dim3A_1 = vector.broadcast %broadcast_in_dim3A : f32 to vector<16xf32>
    %scan3A = arith.constant 0 : i32
    %scan3A_2 = arith.constant 0 : i32
    %scan3A_3 = arith.constant 391 : i32
    %scan3A_4 = arith.addi %scan3A_2, %scan3A_3 : i32
    %scan3A_5 = arith.constant 1 : i32
    %scan3A_6 = scf.for %scan3A_38 = %scan3A_2 to %scan3A_4 step %scan3A_5 iter_args(%scan3A_39 = %scan3A) -> (i32)  : i32 {
      %mul3A_40 = arith.constant 16 : i32
      %mul3A_41 = arith.muli %scan3A_38, %mul3A_40 : i32
      %swap3A = arith.index_cast %mul3A_41 : i32 to index
      %swap3A_42 = tpu.vector_load %arg20[%swap3A] {strides = array<i32>} : memref<6256xf32, #tpu.memory_space<vmem>>, vector<16xf32>,
      %swap3A_43 = vector.shape_cast %swap3A_42 : vector<16xf32> to vector<16xf32>
      %swap3A_44 = vector.shape_cast %broadcast_in_dim3A_1 : vector<16xf32> to vector<16xf32>
      tpu.vector_store %arg20[%swap3A], %swap3A_44 {strides = array<i32>} : memref<6256xf32, #tpu.memory_space<vmem>>, vector<16xf32>,
      %scan3A_45 = arith.constant 0 : i32
      scf.yield %scan3A_45 : i32
    }
    %scan3A_7 = arith.constant 391 : i32
    %mul3A_8 = arith.constant 6256 : i32
    %mul3A_9 = arith.muli %arg1, %mul3A_8 : i32
    "tpu.region"() ({
      %run_scoped3A = tpu.sem_alloc : memref<!tpu.dma_semaphore, #tpu.memory_space<semaphore_mem>>
      %dma_start3A = tpu.memref_slice %arg10[%mul3A_9] : memref<100096xf32, #tpu.memory_space<vmem_shared>> -> memref<6256xf32, #tpu.memory_space<vmem_shared>>
      %dma_start3A_38 = tpu.memref_slice %arg10[%mul3A_9] : memref<100096xf32, #tpu.memory_space<vmem_shared>> -> memref<6256xf32, #tpu.memory_space<vmem_shared>>
      tpu.enqueue_dma source(%arg20 : memref<6256xf32, #tpu.memory_space<vmem>>) target(%dma_start3A_38 : memref<6256xf32, #tpu.memory_space<vmem_shared>>) target_semaphore(%run_scoped3A : memref<!tpu.dma_semaphore, #tpu.memory_space<semaphore_mem>>)
      %dma_wait3A = tpu.memref_slice %arg10[%mul3A_9] : memref<100096xf32, #tpu.memory_space<vmem_shared>> -> memref<6256xf32, #tpu.memory_space<vmem_shared>>
      %dma_wait3A_39 = tpu.memref_slice %arg10[%mul3A_9] : memref<100096xf32, #tpu.memory_space<vmem_shared>> -> memref<6256xf32, #tpu.memory_space<vmem_shared>>
      tpu.wait_dma2 semaphore(%run_scoped3A : memref<!tpu.dma_semaphore, #tpu.memory_space<semaphore_mem>>) src(%arg20 : memref<6256xf32, #tpu.memory_space<vmem>>) dst(%dma_wait3A_39 : memref<6256xf32, #tpu.memory_space<vmem_shared>>)
      tpu.yield
    }) : () -> ()
    "tpu.region"() ({
      %run_scoped3A = tpu.sem_alloc : memref<!tpu.dma_semaphore, #tpu.memory_space<semaphore_mem>>
      %dma_start3A = tpu.memref_slice %arg11[%mul3A_9] : memref<100096xf32, #tpu.memory_space<vmem_shared>> -> memref<6256xf32, #tpu.memory_space<vmem_shared>>
      %dma_start3A_38 = tpu.memref_slice %arg11[%mul3A_9] : memref<100096xf32, #tpu.memory_space<vmem_shared>> -> memref<6256xf32, #tpu.memory_space<vmem_shared>>
      tpu.enqueue_dma source(%arg20 : memref<6256xf32, #tpu.memory_space<vmem>>) target(%dma_start3A_38 : memref<6256xf32, #tpu.memory_space<vmem_shared>>) target_semaphore(%run_scoped3A : memref<!tpu.dma_semaphore, #tpu.memory_space<semaphore_mem>>)
      %dma_wait3A = tpu.memref_slice %arg11[%mul3A_9] : memref<100096xf32, #tpu.memory_space<vmem_shared>> -> memref<6256xf32, #tpu.memory_space<vmem_shared>>
      %dma_wait3A_39 = tpu.memref_slice %arg11[%mul3A_9] : memref<100096xf32, #tpu.memory_space<vmem_shared>> -> memref<6256xf32, #tpu.memory_space<vmem_shared>>
      tpu.wait_dma2 semaphore(%run_scoped3A : memref<!tpu.dma_semaphore, #tpu.memory_space<semaphore_mem>>) src(%arg20 : memref<6256xf32, #tpu.memory_space<vmem>>) dst(%dma_wait3A_39 : memref<6256xf32, #tpu.memory_space<vmem_shared>>)
      tpu.yield
    }) : () -> ()
    %mul3A_10 = arith.constant 6256 : i32
    %mul3A_11 = arith.muli %arg1, %mul3A_10 : i32
    %min3A = arith.constant 93744 : i32
    %min3A_12 = arith.minsi %mul3A_11, %min3A : i32
    "tpu.region"() ({
      %run_scoped3A = tpu.sem_alloc : memref<!tpu.dma_semaphore, #tpu.memory_space<semaphore_mem>>
      %dma_start3A = tpu.memref_slice %arg4[%min3A_12] : memref<100000xf32, #tpu.memory_space<hbm>> -> memref<6256xf32, #tpu.memory_space<hbm>>
      %dma_start3A_38 = tpu.memref_slice %arg4[%min3A_12] : memref<100000xf32, #tpu.memory_space<hbm>> -> memref<6256xf32, #tpu.memory_space<hbm>>
      tpu.enqueue_dma source(%dma_start3A_38 : memref<6256xf32, #tpu.memory_space<hbm>>) target(%arg21 : memref<6256xf32, #tpu.memory_space<vmem>>) target_semaphore(%run_scoped3A : memref<!tpu.dma_semaphore, #tpu.memory_space<semaphore_mem>>)
      %dma_wait3A = tpu.memref_slice %arg4[%min3A_12] : memref<100000xf32, #tpu.memory_space<hbm>> -> memref<6256xf32, #tpu.memory_space<hbm>>
      %dma_wait3A_39 = tpu.memref_slice %arg4[%min3A_12] : memref<100000xf32, #tpu.memory_space<hbm>> -> memref<6256xf32, #tpu.memory_space<hbm>>
      tpu.wait_dma2 semaphore(%run_scoped3A : memref<!tpu.dma_semaphore, #tpu.memory_space<semaphore_mem>>) src(%dma_wait3A_39 : memref<6256xf32, #tpu.memory_space<hbm>>) dst(%arg21 : memref<6256xf32, #tpu.memory_space<vmem>>)
      tpu.yield
    }) : () -> ()
    "tpu.region"() ({
      %run_scoped3A = tpu.sem_alloc : memref<!tpu.dma_semaphore, #tpu.memory_space<semaphore_mem>>
      %dma_start3A = tpu.memref_slice %arg9[%min3A_12] : memref<100096xf32, #tpu.memory_space<vmem_shared>> -> memref<6256xf32, #tpu.memory_space<vmem_shared>>
      %dma_start3A_38 = tpu.memref_slice %arg9[%min3A_12] : memref<100096xf32, #tpu.memory_space<vmem_shared>> -> memref<6256xf32, #tpu.memory_space<vmem_shared>>
      tpu.enqueue_dma source(%arg21 : memref<6256xf32, #tpu.memory_space<vmem>>) target(%dma_start3A_38 : memref<6256xf32, #tpu.memory_space<vmem_shared>>) target_semaphore(%run_scoped3A : memref<!tpu.dma_semaphore, #tpu.memory_space<semaphore_mem>>)
      %dma_wait3A = tpu.memref_slice %arg9[%min3A_12] : memref<100096xf32, #tpu.memory_space<vmem_shared>> -> memref<6256xf32, #tpu.memory_space<vmem_shared>>
      %dma_wait3A_39 = tpu.memref_slice %arg9[%min3A_12] : memref<100096xf32, #tpu.memory_space<vmem_shared>> -> memref<6256xf32, #tpu.memory_space<vmem_shared>>
      tpu.wait_dma2 semaphore(%run_scoped3A : memref<!tpu.dma_semaphore, #tpu.memory_space<semaphore_mem>>) src(%arg21 : memref<6256xf32, #tpu.memory_space<vmem>>) dst(%dma_wait3A_39 : memref<6256xf32, #tpu.memory_space<vmem_shared>>)
      tpu.yield
    }) : () -> ()
    %eq3A = arith.constant 0 : i32
    %eq3A_13 = arith.cmpi eq, %arg1, %eq3A : i32
    %convert_element_type3A = arith.extui %eq3A_13 : i1 to i32
    %cond3A = arith.constant 0 : i32
    %cond3A_14 = arith.cmpi ne, %convert_element_type3A, %cond3A : i32
    scf.if %cond3A_14 {
      "tpu.region"() ({
        %run_scoped3A = tpu.sem_alloc : memref<!tpu.dma_semaphore, #tpu.memory_space<semaphore_mem>>
        %dma_start3A = arith.constant 0 : i32
        %dma_start3A_38 = tpu.memref_slice %arg20[%dma_start3A] : memref<6256xf32, #tpu.memory_space<vmem>> -> memref<96xf32, #tpu.memory_space<vmem>>
        %dma_start3A_39 = arith.constant 100000 : i32
        %dma_start3A_40 = tpu.memref_slice %arg9[%dma_start3A_39] : memref<100096xf32, #tpu.memory_space<vmem_shared>> -> memref<96xf32, #tpu.memory_space<vmem_shared>>
        %dma_start3A_41 = arith.constant 100000 : i32
        %dma_start3A_42 = tpu.memref_slice %arg9[%dma_start3A_41] : memref<100096xf32, #tpu.memory_space<vmem_shared>> -> memref<96xf32, #tpu.memory_space<vmem_shared>>
        %dma_start3A_43 = arith.constant 0 : i32
        %dma_start3A_44 = tpu.memref_slice %arg20[%dma_start3A_43] : memref<6256xf32, #tpu.memory_space<vmem>> -> memref<96xf32, #tpu.memory_space<vmem>>
        tpu.enqueue_dma source(%dma_start3A_44 : memref<96xf32, #tpu.memory_space<vmem>>) target(%dma_start3A_42 : memref<96xf32, #tpu.memory_space<vmem_shared>>) target_semaphore(%run_scoped3A : memref<!tpu.dma_semaphore, #tpu.memory_space<semaphore_mem>>)
        %dma_wait3A = arith.constant 0 : i32
        %dma_wait3A_45 = tpu.memref_slice %arg20[%dma_wait3A] : memref<6256xf32, #tpu.memory_space<vmem>> -> memref<96xf32, #tpu.memory_space<vmem>>
        %dma_wait3A_46 = arith.constant 100000 : i32
        %dma_wait3A_47 = tpu.memref_slice %arg9[%dma_wait3A_46] : memref<100096xf32, #tpu.memory_space<vmem_shared>> -> memref<96xf32, #tpu.memory_space<vmem_shared>>
        %dma_wait3A_48 = arith.constant 100000 : i32
        %dma_wait3A_49 = tpu.memref_slice %arg9[%dma_wait3A_48] : memref<100096xf32, #tpu.memory_space<vmem_shared>> -> memref<96xf32, #tpu.memory_space<vmem_shared>>
        %dma_wait3A_50 = arith.constant 0 : i32
        %dma_wait3A_51 = tpu.memref_slice %arg20[%dma_wait3A_50] : memref<6256xf32, #tpu.memory_space<vmem>> -> memref<96xf32, #tpu.memory_space<vmem>>
        tpu.wait_dma2 semaphore(%run_scoped3A : memref<!tpu.dma_semaphore, #tpu.memory_space<semaphore_mem>>) src(%dma_wait3A_51 : memref<96xf32, #tpu.memory_space<vmem>>) dst(%dma_wait3A_49 : memref<96xf32, #tpu.memory_space<vmem_shared>>)
        tpu.yield
      }) : () -> ()
    } else {
    }
    "tpu.region"() ({
      %run_scoped3A = tpu.sem_alloc : memref<!tpu.dma_semaphore, #tpu.memory_space<semaphore_mem>>
      tpu.enqueue_dma source(%arg5 : memref<16xf32, #tpu.memory_space<hbm>>) target(%arg18 : memref<16xf32, #tpu.memory_space<vmem>>) target_semaphore(%run_scoped3A : memref<!tpu.dma_semaphore, #tpu.memory_space<semaphore_mem>>)
      tpu.wait_dma2 semaphore(%run_scoped3A : memref<!tpu.dma_semaphore, #tpu.memory_space<semaphore_mem>>) src(%arg5 : memref<16xf32, #tpu.memory_space<hbm>>) dst(%arg18 : memref<16xf32, #tpu.memory_space<vmem>>)
      tpu.yield
    }) : () -> ()
    "tpu.region"() ({
      %run_scoped3A = tpu.sem_alloc : memref<!tpu.dma_semaphore, #tpu.memory_space<semaphore_mem>>
      tpu.enqueue_dma source(%arg6 : memref<16xf32, #tpu.memory_space<hbm>>) target(%arg19 : memref<16xf32, #tpu.memory_space<vmem>>) target_semaphore(%run_scoped3A : memref<!tpu.dma_semaphore, #tpu.memory_space<semaphore_mem>>)
      tpu.wait_dma2 semaphore(%run_scoped3A : memref<!tpu.dma_semaphore, #tpu.memory_space<semaphore_mem>>) src(%arg6 : memref<16xf32, #tpu.memory_space<hbm>>) dst(%arg19 : memref<16xf32, #tpu.memory_space<vmem>>)
      tpu.yield
    }) : () -> ()
    %barrier3A = arith.constant 0 : index
    tpu.barrier barrier_id(%barrier3A)
    %get3A = arith.constant 0 : index
    %get3A_15 = tpu.vector_load %arg18[%get3A] {strides = array<i32>} : memref<16xf32, #tpu.memory_space<vmem>>, vector<16xf32>,
    %get3A_16 = vector.shape_cast %get3A_15 : vector<16xf32> to vector<16xf32>
    %get3A_17 = arith.constant 0 : index
    %get3A_18 = tpu.vector_load %arg19[%get3A_17] {strides = array<i32>} : memref<16xf32, #tpu.memory_space<vmem>>, vector<16xf32>,
    %get3A_19 = vector.shape_cast %get3A_18 : vector<16xf32> to vector<16xf32>
    %scan3A_20 = arith.constant 0 : i32
    %scan3A_21 = arith.constant 0 : i32
    %scan3A_22 = arith.constant 49 : i32
    %scan3A_23 = arith.addi %scan3A_21, %scan3A_22 : i32
    %scan3A_24 = arith.constant 1 : i32
    %scan3A_25 = scf.for %scan3A_38 = %scan3A_21 to %scan3A_23 step %scan3A_24 iter_args(%scan3A_39 = %scan3A_20) -> (i32)  : i32 {
      %mul3A_40 = arith.constant 392 : i32
      %mul3A_41 = arith.muli %add3A, %mul3A_40 : i32
      %mul3A_42 = arith.constant 8 : i32
      %mul3A_43 = arith.muli %scan3A_38, %mul3A_42 : i32
      %add3A_44 = arith.addi %mul3A_41, %mul3A_43 : i32
      "tpu.region"() ({
        %run_scoped3A_322 = tpu.sem_alloc : memref<!tpu.dma_semaphore, #tpu.memory_space<semaphore_mem>>
        %dma_start3A_323 = arith.constant 0 : i32
        %dma_start3A_324 = tpu.memref_slice %arg2[%add3A_44, %dma_start3A_323] : memref<12544x128xi32, #tpu.memory_space<hbm>> -> memref<8x128xi32, #tpu.memory_space<hbm>>
        %dma_start3A_325 = arith.constant 0 : i32
        %dma_start3A_326 = tpu.memref_slice %arg2[%add3A_44, %dma_start3A_325] : memref<12544x128xi32, #tpu.memory_space<hbm>> -> memref<8x128xi32, #tpu.memory_space<hbm>>
        tpu.enqueue_dma source(%dma_start3A_326 : memref<8x128xi32, #tpu.memory_space<hbm>>) target(%arg12 : memref<8x128xi32, #tpu.memory_space<vmem>>) target_semaphore(%run_scoped3A_322 : memref<!tpu.dma_semaphore, #tpu.memory_space<semaphore_mem>>)
        %dma_wait3A_327 = arith.constant 0 : i32
        %dma_wait3A_328 = tpu.memref_slice %arg2[%add3A_44, %dma_wait3A_327] : memref<12544x128xi32, #tpu.memory_space<hbm>> -> memref<8x128xi32, #tpu.memory_space<hbm>>
        %dma_wait3A_329 = arith.constant 0 : i32
        %dma_wait3A_330 = tpu.memref_slice %arg2[%add3A_44, %dma_wait3A_329] : memref<12544x128xi32, #tpu.memory_space<hbm>> -> memref<8x128xi32, #tpu.memory_space<hbm>>
        tpu.wait_dma2 semaphore(%run_scoped3A_322 : memref<!tpu.dma_semaphore, #tpu.memory_space<semaphore_mem>>) src(%dma_wait3A_330 : memref<8x128xi32, #tpu.memory_space<hbm>>) dst(%arg12 : memref<8x128xi32, #tpu.memory_space<vmem>>)
        tpu.yield
      }) : () -> ()
      "tpu.region"() ({
        %run_scoped3A_322 = tpu.sem_alloc : memref<!tpu.dma_semaphore, #tpu.memory_space<semaphore_mem>>
        %dma_start3A_323 = arith.constant 0 : i32
        %dma_start3A_324 = tpu.memref_slice %arg3[%add3A_44, %dma_start3A_323] : memref<12544x128xi32, #tpu.memory_space<hbm>> -> memref<8x128xi32, #tpu.memory_space<hbm>>
        %dma_start3A_325 = arith.constant 0 : i32
        %dma_start3A_326 = tpu.memref_slice %arg3[%add3A_44, %dma_start3A_325] : memref<12544x128xi32, #tpu.memory_space<hbm>> -> memref<8x128xi32, #tpu.memory_space<hbm>>
        tpu.enqueue_dma source(%dma_start3A_326 : memref<8x128xi32, #tpu.memory_space<hbm>>) target(%arg13 : memref<8x128xi32, #tpu.memory_space<vmem>>) target_semaphore(%run_scoped3A_322 : memref<!tpu.dma_semaphore, #tpu.memory_space<semaphore_mem>>)
        %dma_wait3A_327 = arith.constant 0 : i32
        %dma_wait3A_328 = tpu.memref_slice %arg3[%add3A_44, %dma_wait3A_327] : memref<12544x128xi32, #tpu.memory_space<hbm>> -> memref<8x128xi32, #tpu.memory_space<hbm>>
        %dma_wait3A_329 = arith.constant 0 : i32
        %dma_wait3A_330 = tpu.memref_slice %arg3[%add3A_44, %dma_wait3A_329] : memref<12544x128xi32, #tpu.memory_space<hbm>> -> memref<8x128xi32, #tpu.memory_space<hbm>>
        tpu.wait_dma2 semaphore(%run_scoped3A_322 : memref<!tpu.dma_semaphore, #tpu.memory_space<semaphore_mem>>) src(%dma_wait3A_330 : memref<8x128xi32, #tpu.memory_space<hbm>>) dst(%arg13 : memref<8x128xi32, #tpu.memory_space<vmem>>)
        tpu.yield
      }) : () -> ()
      %dma_start3A = arith.constant 0 : i32
      %dma_start3A_45 = arith.constant 0 : i32
      %dma_start3A_46 = tpu.memref_slice %arg14[%dma_start3A_45] : memref<1024xf32, #tpu.memory_space<vmem>> -> memref<128xf32, #tpu.memory_space<vmem>>
      %dma_start3A_47 = arith.constant 0 : i32
      %dma_start3A_48 = tpu.memref_slice %arg12[%dma_start3A, %dma_start3A_47] : memref<8x128xi32, #tpu.memory_space<vmem>> -> memref<1x128xi32, #tpu.memory_space<vmem>>
      %dma_start3A_49 = tpu.memref_squeeze %dma_start3A_48 : memref<1x128xi32, #tpu.memory_space<vmem>> -> memref<128xi32, #tpu.memory_space<vmem>>
      %dma_start3A_50 = arith.constant 0 : i32
      %dma_start3A_51 = tpu.memref_slice %arg9[%dma_start3A_50] : memref<100096xf32, #tpu.memory_space<vmem_shared>> -> memref<100096xf32, #tpu.memory_space<vmem_shared>>
      tpu.enqueue_indirect_dma source(%dma_start3A_51 : memref<100096xf32, #tpu.memory_space<vmem_shared>>) target(%dma_start3A_46 : memref<128xf32, #tpu.memory_space<vmem>>) offsets(%dma_start3A_49 : memref<128xi32, #tpu.memory_space<vmem>>) semaphore(%arg22 : memref<!tpu.dma_semaphore, #tpu.memory_space<semaphore_mem>>)
      %dma_start3A_52 = arith.constant 1 : i32
      %dma_start3A_53 = arith.constant 128 : i32
      %dma_start3A_54 = tpu.memref_slice %arg14[%dma_start3A_53] : memref<1024xf32, #tpu.memory_space<vmem>> -> memref<128xf32, #tpu.memory_space<vmem>>
      %dma_start3A_55 = arith.constant 0 : i32
      %dma_start3A_56 = tpu.memref_slice %arg12[%dma_start3A_52, %dma_start3A_55] : memref<8x128xi32, #tpu.memory_space<vmem>> -> memref<1x128xi32, #tpu.memory_space<vmem>>
      %dma_start3A_57 = tpu.memref_squeeze %dma_start3A_56 : memref<1x128xi32, #tpu.memory_space<vmem>> -> memref<128xi32, #tpu.memory_space<vmem>>
      %dma_start3A_58 = arith.constant 0 : i32
      %dma_start3A_59 = tpu.memref_slice %arg9[%dma_start3A_58] : memref<100096xf32, #tpu.memory_space<vmem_shared>> -> memref<100096xf32, #tpu.memory_space<vmem_shared>>
      tpu.enqueue_indirect_dma source(%dma_start3A_59 : memref<100096xf32, #tpu.memory_space<vmem_shared>>) target(%dma_start3A_54 : memref<128xf32, #tpu.memory_space<vmem>>) offsets(%dma_start3A_57 : memref<128xi32, #tpu.memory_space<vmem>>) semaphore(%arg22 : memref<!tpu.dma_semaphore, #tpu.memory_space<semaphore_mem>>)
      %dma_start3A_60 = arith.constant 2 : i32
      %dma_start3A_61 = arith.constant 256 : i32
      %dma_start3A_62 = tpu.memref_slice %arg14[%dma_start3A_61] : memref<1024xf32, #tpu.memory_space<vmem>> -> memref<128xf32, #tpu.memory_space<vmem>>
      %dma_start3A_63 = arith.constant 0 : i32
      %dma_start3A_64 = tpu.memref_slice %arg12[%dma_start3A_60, %dma_start3A_63] : memref<8x128xi32, #tpu.memory_space<vmem>> -> memref<1x128xi32, #tpu.memory_space<vmem>>
      %dma_start3A_65 = tpu.memref_squeeze %dma_start3A_64 : memref<1x128xi32, #tpu.memory_space<vmem>> -> memref<128xi32, #tpu.memory_space<vmem>>
      %dma_start3A_66 = arith.constant 0 : i32
      %dma_start3A_67 = tpu.memref_slice %arg9[%dma_start3A_66] : memref<100096xf32, #tpu.memory_space<vmem_shared>> -> memref<100096xf32, #tpu.memory_space<vmem_shared>>
      tpu.enqueue_indirect_dma source(%dma_start3A_67 : memref<100096xf32, #tpu.memory_space<vmem_shared>>) target(%dma_start3A_62 : memref<128xf32, #tpu.memory_space<vmem>>) offsets(%dma_start3A_65 : memref<128xi32, #tpu.memory_space<vmem>>) semaphore(%arg22 : memref<!tpu.dma_semaphore, #tpu.memory_space<semaphore_mem>>)
      %dma_start3A_68 = arith.constant 3 : i32
      %dma_start3A_69 = arith.constant 384 : i32
      %dma_start3A_70 = tpu.memref_slice %arg14[%dma_start3A_69] : memref<1024xf32, #tpu.memory_space<vmem>> -> memref<128xf32, #tpu.memory_space<vmem>>
      %dma_start3A_71 = arith.constant 0 : i32
      %dma_start3A_72 = tpu.memref_slice %arg12[%dma_start3A_68, %dma_start3A_71] : memref<8x128xi32, #tpu.memory_space<vmem>> -> memref<1x128xi32, #tpu.memory_space<vmem>>
      %dma_start3A_73 = tpu.memref_squeeze %dma_start3A_72 : memref<1x128xi32, #tpu.memory_space<vmem>> -> memref<128xi32, #tpu.memory_space<vmem>>
      %dma_start3A_74 = arith.constant 0 : i32
      %dma_start3A_75 = tpu.memref_slice %arg9[%dma_start3A_74] : memref<100096xf32, #tpu.memory_space<vmem_shared>> -> memref<100096xf32, #tpu.memory_space<vmem_shared>>
      tpu.enqueue_indirect_dma source(%dma_start3A_75 : memref<100096xf32, #tpu.memory_space<vmem_shared>>) target(%dma_start3A_70 : memref<128xf32, #tpu.memory_space<vmem>>) offsets(%dma_start3A_73 : memref<128xi32, #tpu.memory_space<vmem>>) semaphore(%arg22 : memref<!tpu.dma_semaphore, #tpu.memory_space<semaphore_mem>>)
      %dma_start3A_76 = arith.constant 4 : i32
      %dma_start3A_77 = arith.constant 512 : i32
      %dma_start3A_78 = tpu.memref_slice %arg14[%dma_start3A_77] : memref<1024xf32, #tpu.memory_space<vmem>> -> memref<128xf32, #tpu.memory_space<vmem>>
      %dma_start3A_79 = arith.constant 0 : i32
      %dma_start3A_80 = tpu.memref_slice %arg12[%dma_start3A_76, %dma_start3A_79] : memref<8x128xi32, #tpu.memory_space<vmem>> -> memref<1x128xi32, #tpu.memory_space<vmem>>
      %dma_start3A_81 = tpu.memref_squeeze %dma_start3A_80 : memref<1x128xi32, #tpu.memory_space<vmem>> -> memref<128xi32, #tpu.memory_space<vmem>>
      %dma_start3A_82 = arith.constant 0 : i32
      %dma_start3A_83 = tpu.memref_slice %arg9[%dma_start3A_82] : memref<100096xf32, #tpu.memory_space<vmem_shared>> -> memref<100096xf32, #tpu.memory_space<vmem_shared>>
      tpu.enqueue_indirect_dma source(%dma_start3A_83 : memref<100096xf32, #tpu.memory_space<vmem_shared>>) target(%dma_start3A_78 : memref<128xf32, #tpu.memory_space<vmem>>) offsets(%dma_start3A_81 : memref<128xi32, #tpu.memory_space<vmem>>) semaphore(%arg22 : memref<!tpu.dma_semaphore, #tpu.memory_space<semaphore_mem>>)
      %dma_start3A_84 = arith.constant 5 : i32
      %dma_start3A_85 = arith.constant 640 : i32
      %dma_start3A_86 = tpu.memref_slice %arg14[%dma_start3A_85] : memref<1024xf32, #tpu.memory_space<vmem>> -> memref<128xf32, #tpu.memory_space<vmem>>
      %dma_start3A_87 = arith.constant 0 : i32
      %dma_start3A_88 = tpu.memref_slice %arg12[%dma_start3A_84, %dma_start3A_87] : memref<8x128xi32, #tpu.memory_space<vmem>> -> memref<1x128xi32, #tpu.memory_space<vmem>>
      %dma_start3A_89 = tpu.memref_squeeze %dma_start3A_88 : memref<1x128xi32, #tpu.memory_space<vmem>> -> memref<128xi32, #tpu.memory_space<vmem>>
      %dma_start3A_90 = arith.constant 0 : i32
      %dma_start3A_91 = tpu.memref_slice %arg9[%dma_start3A_90] : memref<100096xf32, #tpu.memory_space<vmem_shared>> -> memref<100096xf32, #tpu.memory_space<vmem_shared>>
      tpu.enqueue_indirect_dma source(%dma_start3A_91 : memref<100096xf32, #tpu.memory_space<vmem_shared>>) target(%dma_start3A_86 : memref<128xf32, #tpu.memory_space<vmem>>) offsets(%dma_start3A_89 : memref<128xi32, #tpu.memory_space<vmem>>) semaphore(%arg22 : memref<!tpu.dma_semaphore, #tpu.memory_space<semaphore_mem>>)
      %dma_start3A_92 = arith.constant 6 : i32
      %dma_start3A_93 = arith.constant 768 : i32
      %dma_start3A_94 = tpu.memref_slice %arg14[%dma_start3A_93] : memref<1024xf32, #tpu.memory_space<vmem>> -> memref<128xf32, #tpu.memory_space<vmem>>
      %dma_start3A_95 = arith.constant 0 : i32
      %dma_start3A_96 = tpu.memref_slice %arg12[%dma_start3A_92, %dma_start3A_95] : memref<8x128xi32, #tpu.memory_space<vmem>> -> memref<1x128xi32, #tpu.memory_space<vmem>>
      %dma_start3A_97 = tpu.memref_squeeze %dma_start3A_96 : memref<1x128xi32, #tpu.memory_space<vmem>> -> memref<128xi32, #tpu.memory_space<vmem>>
      %dma_start3A_98 = arith.constant 0 : i32
      %dma_start3A_99 = tpu.memref_slice %arg9[%dma_start3A_98] : memref<100096xf32, #tpu.memory_space<vmem_shared>> -> memref<100096xf32, #tpu.memory_space<vmem_shared>>
      tpu.enqueue_indirect_dma source(%dma_start3A_99 : memref<100096xf32, #tpu.memory_space<vmem_shared>>) target(%dma_start3A_94 : memref<128xf32, #tpu.memory_space<vmem>>) offsets(%dma_start3A_97 : memref<128xi32, #tpu.memory_space<vmem>>) semaphore(%arg22 : memref<!tpu.dma_semaphore, #tpu.memory_space<semaphore_mem>>)
      %dma_start3A_100 = arith.constant 7 : i32
      %dma_start3A_101 = arith.constant 896 : i32
      %dma_start3A_102 = tpu.memref_slice %arg14[%dma_start3A_101] : memref<1024xf32, #tpu.memory_space<vmem>> -> memref<128xf32, #tpu.memory_space<vmem>>
      %dma_start3A_103 = arith.constant 0 : i32
      %dma_start3A_104 = tpu.memref_slice %arg12[%dma_start3A_100, %dma_start3A_103] : memref<8x128xi32, #tpu.memory_space<vmem>> -> memref<1x128xi32, #tpu.memory_space<vmem>>
      %dma_start3A_105 = tpu.memref_squeeze %dma_start3A_104 : memref<1x128xi32, #tpu.memory_space<vmem>> -> memref<128xi32, #tpu.memory_space<vmem>>
      %dma_start3A_106 = arith.constant 0 : i32
      %dma_start3A_107 = tpu.memref_slice %arg9[%dma_start3A_106] : memref<100096xf32, #tpu.memory_space<vmem_shared>> -> memref<100096xf32, #tpu.memory_space<vmem_shared>>
      tpu.enqueue_indirect_dma source(%dma_start3A_107 : memref<100096xf32, #tpu.memory_space<vmem_shared>>) target(%dma_start3A_102 : memref<128xf32, #tpu.memory_space<vmem>>) offsets(%dma_start3A_105 : memref<128xi32, #tpu.memory_space<vmem>>) semaphore(%arg22 : memref<!tpu.dma_semaphore, #tpu.memory_space<semaphore_mem>>)
      %dma_wait3A = arith.constant 0 : i32
      %dma_wait3A_108 = arith.constant 0 : i32
      %dma_wait3A_109 = tpu.memref_slice %arg14[%dma_wait3A_108] : memref<1024xf32, #tpu.memory_space<vmem>> -> memref<128xf32, #tpu.memory_space<vmem>>
      %dma_wait3A_110 = arith.constant 0 : i32
      %dma_wait3A_111 = tpu.memref_slice %arg12[%dma_wait3A, %dma_wait3A_110] : memref<8x128xi32, #tpu.memory_space<vmem>> -> memref<1x128xi32, #tpu.memory_space<vmem>>
      %dma_wait3A_112 = tpu.memref_squeeze %dma_wait3A_111 : memref<1x128xi32, #tpu.memory_space<vmem>> -> memref<128xi32, #tpu.memory_space<vmem>>
      %dma_wait3A_113 = arith.constant 0 : i32
      %dma_wait3A_114 = tpu.memref_slice %arg9[%dma_wait3A_113] : memref<100096xf32, #tpu.memory_space<vmem_shared>> -> memref<100096xf32, #tpu.memory_space<vmem_shared>>
      tpu.wait_indirect_dma semaphore(%arg22 : memref<!tpu.dma_semaphore, #tpu.memory_space<semaphore_mem>>) src(%dma_wait3A_114 : memref<100096xf32, #tpu.memory_space<vmem_shared>>) dst(%dma_wait3A_109 : memref<128xf32, #tpu.memory_space<vmem>>)
      %dma_wait3A_115 = arith.constant 1 : i32
      %dma_wait3A_116 = arith.constant 128 : i32
      %dma_wait3A_117 = tpu.memref_slice %arg14[%dma_wait3A_116] : memref<1024xf32, #tpu.memory_space<vmem>> -> memref<128xf32, #tpu.memory_space<vmem>>
      %dma_wait3A_118 = arith.constant 0 : i32
      %dma_wait3A_119 = tpu.memref_slice %arg12[%dma_wait3A_115, %dma_wait3A_118] : memref<8x128xi32, #tpu.memory_space<vmem>> -> memref<1x128xi32, #tpu.memory_space<vmem>>
      %dma_wait3A_120 = tpu.memref_squeeze %dma_wait3A_119 : memref<1x128xi32, #tpu.memory_space<vmem>> -> memref<128xi32, #tpu.memory_space<vmem>>
      %dma_wait3A_121 = arith.constant 0 : i32
      %dma_wait3A_122 = tpu.memref_slice %arg9[%dma_wait3A_121] : memref<100096xf32, #tpu.memory_space<vmem_shared>> -> memref<100096xf32, #tpu.memory_space<vmem_shared>>
      tpu.wait_indirect_dma semaphore(%arg22 : memref<!tpu.dma_semaphore, #tpu.memory_space<semaphore_mem>>) src(%dma_wait3A_122 : memref<100096xf32, #tpu.memory_space<vmem_shared>>) dst(%dma_wait3A_117 : memref<128xf32, #tpu.memory_space<vmem>>)
      %dma_wait3A_123 = arith.constant 2 : i32
      %dma_wait3A_124 = arith.constant 256 : i32
      %dma_wait3A_125 = tpu.memref_slice %arg14[%dma_wait3A_124] : memref<1024xf32, #tpu.memory_space<vmem>> -> memref<128xf32, #tpu.memory_space<vmem>>
      %dma_wait3A_126 = arith.constant 0 : i32
      %dma_wait3A_127 = tpu.memref_slice %arg12[%dma_wait3A_123, %dma_wait3A_126] : memref<8x128xi32, #tpu.memory_space<vmem>> -> memref<1x128xi32, #tpu.memory_space<vmem>>
      %dma_wait3A_128 = tpu.memref_squeeze %dma_wait3A_127 : memref<1x128xi32, #tpu.memory_space<vmem>> -> memref<128xi32, #tpu.memory_space<vmem>>
      %dma_wait3A_129 = arith.constant 0 : i32
      %dma_wait3A_130 = tpu.memref_slice %arg9[%dma_wait3A_129] : memref<100096xf32, #tpu.memory_space<vmem_shared>> -> memref<100096xf32, #tpu.memory_space<vmem_shared>>
      tpu.wait_indirect_dma semaphore(%arg22 : memref<!tpu.dma_semaphore, #tpu.memory_space<semaphore_mem>>) src(%dma_wait3A_130 : memref<100096xf32, #tpu.memory_space<vmem_shared>>) dst(%dma_wait3A_125 : memref<128xf32, #tpu.memory_space<vmem>>)
      %dma_wait3A_131 = arith.constant 3 : i32
      %dma_wait3A_132 = arith.constant 384 : i32
      %dma_wait3A_133 = tpu.memref_slice %arg14[%dma_wait3A_132] : memref<1024xf32, #tpu.memory_space<vmem>> -> memref<128xf32, #tpu.memory_space<vmem>>
      %dma_wait3A_134 = arith.constant 0 : i32
      %dma_wait3A_135 = tpu.memref_slice %arg12[%dma_wait3A_131, %dma_wait3A_134] : memref<8x128xi32, #tpu.memory_space<vmem>> -> memref<1x128xi32, #tpu.memory_space<vmem>>
      %dma_wait3A_136 = tpu.memref_squeeze %dma_wait3A_135 : memref<1x128xi32, #tpu.memory_space<vmem>> -> memref<128xi32, #tpu.memory_space<vmem>>
      %dma_wait3A_137 = arith.constant 0 : i32
      %dma_wait3A_138 = tpu.memref_slice %arg9[%dma_wait3A_137] : memref<100096xf32, #tpu.memory_space<vmem_shared>> -> memref<100096xf32, #tpu.memory_space<vmem_shared>>
      tpu.wait_indirect_dma semaphore(%arg22 : memref<!tpu.dma_semaphore, #tpu.memory_space<semaphore_mem>>) src(%dma_wait3A_138 : memref<100096xf32, #tpu.memory_space<vmem_shared>>) dst(%dma_wait3A_133 : memref<128xf32, #tpu.memory_space<vmem>>)
      %dma_wait3A_139 = arith.constant 4 : i32
      %dma_wait3A_140 = arith.constant 512 : i32
      %dma_wait3A_141 = tpu.memref_slice %arg14[%dma_wait3A_140] : memref<1024xf32, #tpu.memory_space<vmem>> -> memref<128xf32, #tpu.memory_space<vmem>>
      %dma_wait3A_142 = arith.constant 0 : i32
      %dma_wait3A_143 = tpu.memref_slice %arg12[%dma_wait3A_139, %dma_wait3A_142] : memref<8x128xi32, #tpu.memory_space<vmem>> -> memref<1x128xi32, #tpu.memory_space<vmem>>
      %dma_wait3A_144 = tpu.memref_squeeze %dma_wait3A_143 : memref<1x128xi32, #tpu.memory_space<vmem>> -> memref<128xi32, #tpu.memory_space<vmem>>
      %dma_wait3A_145 = arith.constant 0 : i32
      %dma_wait3A_146 = tpu.memref_slice %arg9[%dma_wait3A_145] : memref<100096xf32, #tpu.memory_space<vmem_shared>> -> memref<100096xf32, #tpu.memory_space<vmem_shared>>
      tpu.wait_indirect_dma semaphore(%arg22 : memref<!tpu.dma_semaphore, #tpu.memory_space<semaphore_mem>>) src(%dma_wait3A_146 : memref<100096xf32, #tpu.memory_space<vmem_shared>>) dst(%dma_wait3A_141 : memref<128xf32, #tpu.memory_space<vmem>>)
      %dma_wait3A_147 = arith.constant 5 : i32
      %dma_wait3A_148 = arith.constant 640 : i32
      %dma_wait3A_149 = tpu.memref_slice %arg14[%dma_wait3A_148] : memref<1024xf32, #tpu.memory_space<vmem>> -> memref<128xf32, #tpu.memory_space<vmem>>
      %dma_wait3A_150 = arith.constant 0 : i32
      %dma_wait3A_151 = tpu.memref_slice %arg12[%dma_wait3A_147, %dma_wait3A_150] : memref<8x128xi32, #tpu.memory_space<vmem>> -> memref<1x128xi32, #tpu.memory_space<vmem>>
      %dma_wait3A_152 = tpu.memref_squeeze %dma_wait3A_151 : memref<1x128xi32, #tpu.memory_space<vmem>> -> memref<128xi32, #tpu.memory_space<vmem>>
      %dma_wait3A_153 = arith.constant 0 : i32
      %dma_wait3A_154 = tpu.memref_slice %arg9[%dma_wait3A_153] : memref<100096xf32, #tpu.memory_space<vmem_shared>> -> memref<100096xf32, #tpu.memory_space<vmem_shared>>
      tpu.wait_indirect_dma semaphore(%arg22 : memref<!tpu.dma_semaphore, #tpu.memory_space<semaphore_mem>>) src(%dma_wait3A_154 : memref<100096xf32, #tpu.memory_space<vmem_shared>>) dst(%dma_wait3A_149 : memref<128xf32, #tpu.memory_space<vmem>>)
      %dma_wait3A_155 = arith.constant 6 : i32
      %dma_wait3A_156 = arith.constant 768 : i32
      %dma_wait3A_157 = tpu.memref_slice %arg14[%dma_wait3A_156] : memref<1024xf32, #tpu.memory_space<vmem>> -> memref<128xf32, #tpu.memory_space<vmem>>
      %dma_wait3A_158 = arith.constant 0 : i32
      %dma_wait3A_159 = tpu.memref_slice %arg12[%dma_wait3A_155, %dma_wait3A_158] : memref<8x128xi32, #tpu.memory_space<vmem>> -> memref<1x128xi32, #tpu.memory_space<vmem>>
      %dma_wait3A_160 = tpu.memref_squeeze %dma_wait3A_159 : memref<1x128xi32, #tpu.memory_space<vmem>> -> memref<128xi32, #tpu.memory_space<vmem>>
      %dma_wait3A_161 = arith.constant 0 : i32
      %dma_wait3A_162 = tpu.memref_slice %arg9[%dma_wait3A_161] : memref<100096xf32, #tpu.memory_space<vmem_shared>> -> memref<100096xf32, #tpu.memory_space<vmem_shared>>
      tpu.wait_indirect_dma semaphore(%arg22 : memref<!tpu.dma_semaphore, #tpu.memory_space<semaphore_mem>>) src(%dma_wait3A_162 : memref<100096xf32, #tpu.memory_space<vmem_shared>>) dst(%dma_wait3A_157 : memref<128xf32, #tpu.memory_space<vmem>>)
      %dma_wait3A_163 = arith.constant 7 : i32
      %dma_wait3A_164 = arith.constant 896 : i32
      %dma_wait3A_165 = tpu.memref_slice %arg14[%dma_wait3A_164] : memref<1024xf32, #tpu.memory_space<vmem>> -> memref<128xf32, #tpu.memory_space<vmem>>
      %dma_wait3A_166 = arith.constant 0 : i32
      %dma_wait3A_167 = tpu.memref_slice %arg12[%dma_wait3A_163, %dma_wait3A_166] : memref<8x128xi32, #tpu.memory_space<vmem>> -> memref<1x128xi32, #tpu.memory_space<vmem>>
      %dma_wait3A_168 = tpu.memref_squeeze %dma_wait3A_167 : memref<1x128xi32, #tpu.memory_space<vmem>> -> memref<128xi32, #tpu.memory_space<vmem>>
      %dma_wait3A_169 = arith.constant 0 : i32
      %dma_wait3A_170 = tpu.memref_slice %arg9[%dma_wait3A_169] : memref<100096xf32, #tpu.memory_space<vmem_shared>> -> memref<100096xf32, #tpu.memory_space<vmem_shared>>
      tpu.wait_indirect_dma semaphore(%arg22 : memref<!tpu.dma_semaphore, #tpu.memory_space<semaphore_mem>>) src(%dma_wait3A_170 : memref<100096xf32, #tpu.memory_space<vmem_shared>>) dst(%dma_wait3A_165 : memref<128xf32, #tpu.memory_space<vmem>>)
      %dma_start3A_171 = arith.constant 0 : i32
      %dma_start3A_172 = arith.constant 0 : i32
      %dma_start3A_173 = tpu.memref_slice %arg15[%dma_start3A_172] : memref<1024xf32, #tpu.memory_space<vmem>> -> memref<128xf32, #tpu.memory_space<vmem>>
      %dma_start3A_174 = arith.constant 0 : i32
      %dma_start3A_175 = tpu.memref_slice %arg13[%dma_start3A_171, %dma_start3A_174] : memref<8x128xi32, #tpu.memory_space<vmem>> -> memref<1x128xi32, #tpu.memory_space<vmem>>
      %dma_start3A_176 = tpu.memref_squeeze %dma_start3A_175 : memref<1x128xi32, #tpu.memory_space<vmem>> -> memref<128xi32, #tpu.memory_space<vmem>>
      %dma_start3A_177 = arith.constant 0 : i32
      %dma_start3A_178 = tpu.memref_slice %arg9[%dma_start3A_177] : memref<100096xf32, #tpu.memory_space<vmem_shared>> -> memref<100096xf32, #tpu.memory_space<vmem_shared>>
      tpu.enqueue_indirect_dma source(%dma_start3A_178 : memref<100096xf32, #tpu.memory_space<vmem_shared>>) target(%dma_start3A_173 : memref<128xf32, #tpu.memory_space<vmem>>) offsets(%dma_start3A_176 : memref<128xi32, #tpu.memory_space<vmem>>) semaphore(%arg22 : memref<!tpu.dma_semaphore, #tpu.memory_space<semaphore_mem>>)
      %dma_start3A_179 = arith.constant 1 : i32
      %dma_start3A_180 = arith.constant 128 : i32
      %dma_start3A_181 = tpu.memref_slice %arg15[%dma_start3A_180] : memref<1024xf32, #tpu.memory_space<vmem>> -> memref<128xf32, #tpu.memory_space<vmem>>
      %dma_start3A_182 = arith.constant 0 : i32
      %dma_start3A_183 = tpu.memref_slice %arg13[%dma_start3A_179, %dma_start3A_182] : memref<8x128xi32, #tpu.memory_space<vmem>> -> memref<1x128xi32, #tpu.memory_space<vmem>>
      %dma_start3A_184 = tpu.memref_squeeze %dma_start3A_183 : memref<1x128xi32, #tpu.memory_space<vmem>> -> memref<128xi32, #tpu.memory_space<vmem>>
      %dma_start3A_185 = arith.constant 0 : i32
      %dma_start3A_186 = tpu.memref_slice %arg9[%dma_start3A_185] : memref<100096xf32, #tpu.memory_space<vmem_shared>> -> memref<100096xf32, #tpu.memory_space<vmem_shared>>
      tpu.enqueue_indirect_dma source(%dma_start3A_186 : memref<100096xf32, #tpu.memory_space<vmem_shared>>) target(%dma_start3A_181 : memref<128xf32, #tpu.memory_space<vmem>>) offsets(%dma_start3A_184 : memref<128xi32, #tpu.memory_space<vmem>>) semaphore(%arg22 : memref<!tpu.dma_semaphore, #tpu.memory_space<semaphore_mem>>)
      %dma_start3A_187 = arith.constant 2 : i32
      %dma_start3A_188 = arith.constant 256 : i32
      %dma_start3A_189 = tpu.memref_slice %arg15[%dma_start3A_188] : memref<1024xf32, #tpu.memory_space<vmem>> -> memref<128xf32, #tpu.memory_space<vmem>>
      %dma_start3A_190 = arith.constant 0 : i32
      %dma_start3A_191 = tpu.memref_slice %arg13[%dma_start3A_187, %dma_start3A_190] : memref<8x128xi32, #tpu.memory_space<vmem>> -> memref<1x128xi32, #tpu.memory_space<vmem>>
      %dma_start3A_192 = tpu.memref_squeeze %dma_start3A_191 : memref<1x128xi32, #tpu.memory_space<vmem>> -> memref<128xi32, #tpu.memory_space<vmem>>
      %dma_start3A_193 = arith.constant 0 : i32
      %dma_start3A_194 = tpu.memref_slice %arg9[%dma_start3A_193] : memref<100096xf32, #tpu.memory_space<vmem_shared>> -> memref<100096xf32, #tpu.memory_space<vmem_shared>>
      tpu.enqueue_indirect_dma source(%dma_start3A_194 : memref<100096xf32, #tpu.memory_space<vmem_shared>>) target(%dma_start3A_189 : memref<128xf32, #tpu.memory_space<vmem>>) offsets(%dma_start3A_192 : memref<128xi32, #tpu.memory_space<vmem>>) semaphore(%arg22 : memref<!tpu.dma_semaphore, #tpu.memory_space<semaphore_mem>>)
      %dma_start3A_195 = arith.constant 3 : i32
      %dma_start3A_196 = arith.constant 384 : i32
      %dma_start3A_197 = tpu.memref_slice %arg15[%dma_start3A_196] : memref<1024xf32, #tpu.memory_space<vmem>> -> memref<128xf32, #tpu.memory_space<vmem>>
      %dma_start3A_198 = arith.constant 0 : i32
      %dma_start3A_199 = tpu.memref_slice %arg13[%dma_start3A_195, %dma_start3A_198] : memref<8x128xi32, #tpu.memory_space<vmem>> -> memref<1x128xi32, #tpu.memory_space<vmem>>
      %dma_start3A_200 = tpu.memref_squeeze %dma_start3A_199 : memref<1x128xi32, #tpu.memory_space<vmem>> -> memref<128xi32, #tpu.memory_space<vmem>>
      %dma_start3A_201 = arith.constant 0 : i32
      %dma_start3A_202 = tpu.memref_slice %arg9[%dma_start3A_201] : memref<100096xf32, #tpu.memory_space<vmem_shared>> -> memref<100096xf32, #tpu.memory_space<vmem_shared>>
      tpu.enqueue_indirect_dma source(%dma_start3A_202 : memref<100096xf32, #tpu.memory_space<vmem_shared>>) target(%dma_start3A_197 : memref<128xf32, #tpu.memory_space<vmem>>) offsets(%dma_start3A_200 : memref<128xi32, #tpu.memory_space<vmem>>) semaphore(%arg22 : memref<!tpu.dma_semaphore, #tpu.memory_space<semaphore_mem>>)
      %dma_start3A_203 = arith.constant 4 : i32
      %dma_start3A_204 = arith.constant 512 : i32
      %dma_start3A_205 = tpu.memref_slice %arg15[%dma_start3A_204] : memref<1024xf32, #tpu.memory_space<vmem>> -> memref<128xf32, #tpu.memory_space<vmem>>
      %dma_start3A_206 = arith.constant 0 : i32
      %dma_start3A_207 = tpu.memref_slice %arg13[%dma_start3A_203, %dma_start3A_206] : memref<8x128xi32, #tpu.memory_space<vmem>> -> memref<1x128xi32, #tpu.memory_space<vmem>>
      %dma_start3A_208 = tpu.memref_squeeze %dma_start3A_207 : memref<1x128xi32, #tpu.memory_space<vmem>> -> memref<128xi32, #tpu.memory_space<vmem>>
      %dma_start3A_209 = arith.constant 0 : i32
      %dma_start3A_210 = tpu.memref_slice %arg9[%dma_start3A_209] : memref<100096xf32, #tpu.memory_space<vmem_shared>> -> memref<100096xf32, #tpu.memory_space<vmem_shared>>
      tpu.enqueue_indirect_dma source(%dma_start3A_210 : memref<100096xf32, #tpu.memory_space<vmem_shared>>) target(%dma_start3A_205 : memref<128xf32, #tpu.memory_space<vmem>>) offsets(%dma_start3A_208 : memref<128xi32, #tpu.memory_space<vmem>>) semaphore(%arg22 : memref<!tpu.dma_semaphore, #tpu.memory_space<semaphore_mem>>)
      %dma_start3A_211 = arith.constant 5 : i32
      %dma_start3A_212 = arith.constant 640 : i32
      %dma_start3A_213 = tpu.memref_slice %arg15[%dma_start3A_212] : memref<1024xf32, #tpu.memory_space<vmem>> -> memref<128xf32, #tpu.memory_space<vmem>>
      %dma_start3A_214 = arith.constant 0 : i32
      %dma_start3A_215 = tpu.memref_slice %arg13[%dma_start3A_211, %dma_start3A_214] : memref<8x128xi32, #tpu.memory_space<vmem>> -> memref<1x128xi32, #tpu.memory_space<vmem>>
      %dma_start3A_216 = tpu.memref_squeeze %dma_start3A_215 : memref<1x128xi32, #tpu.memory_space<vmem>> -> memref<128xi32, #tpu.memory_space<vmem>>
      %dma_start3A_217 = arith.constant 0 : i32
      %dma_start3A_218 = tpu.memref_slice %arg9[%dma_start3A_217] : memref<100096xf32, #tpu.memory_space<vmem_shared>> -> memref<100096xf32, #tpu.memory_space<vmem_shared>>
      tpu.enqueue_indirect_dma source(%dma_start3A_218 : memref<100096xf32, #tpu.memory_space<vmem_shared>>) target(%dma_start3A_213 : memref<128xf32, #tpu.memory_space<vmem>>) offsets(%dma_start3A_216 : memref<128xi32, #tpu.memory_space<vmem>>) semaphore(%arg22 : memref<!tpu.dma_semaphore, #tpu.memory_space<semaphore_mem>>)
      %dma_start3A_219 = arith.constant 6 : i32
      %dma_start3A_220 = arith.constant 768 : i32
      %dma_start3A_221 = tpu.memref_slice %arg15[%dma_start3A_220] : memref<1024xf32, #tpu.memory_space<vmem>> -> memref<128xf32, #tpu.memory_space<vmem>>
      %dma_start3A_222 = arith.constant 0 : i32
      %dma_start3A_223 = tpu.memref_slice %arg13[%dma_start3A_219, %dma_start3A_222] : memref<8x128xi32, #tpu.memory_space<vmem>> -> memref<1x128xi32, #tpu.memory_space<vmem>>
      %dma_start3A_224 = tpu.memref_squeeze %dma_start3A_223 : memref<1x128xi32, #tpu.memory_space<vmem>> -> memref<128xi32, #tpu.memory_space<vmem>>
      %dma_start3A_225 = arith.constant 0 : i32
      %dma_start3A_226 = tpu.memref_slice %arg9[%dma_start3A_225] : memref<100096xf32, #tpu.memory_space<vmem_shared>> -> memref<100096xf32, #tpu.memory_space<vmem_shared>>
      tpu.enqueue_indirect_dma source(%dma_start3A_226 : memref<100096xf32, #tpu.memory_space<vmem_shared>>) target(%dma_start3A_221 : memref<128xf32, #tpu.memory_space<vmem>>) offsets(%dma_start3A_224 : memref<128xi32, #tpu.memory_space<vmem>>) semaphore(%arg22 : memref<!tpu.dma_semaphore, #tpu.memory_space<semaphore_mem>>)
      %dma_start3A_227 = arith.constant 7 : i32
      %dma_start3A_228 = arith.constant 896 : i32
      %dma_start3A_229 = tpu.memref_slice %arg15[%dma_start3A_228] : memref<1024xf32, #tpu.memory_space<vmem>> -> memref<128xf32, #tpu.memory_space<vmem>>
      %dma_start3A_230 = arith.constant 0 : i32
      %dma_start3A_231 = tpu.memref_slice %arg13[%dma_start3A_227, %dma_start3A_230] : memref<8x128xi32, #tpu.memory_space<vmem>> -> memref<1x128xi32, #tpu.memory_space<vmem>>
      %dma_start3A_232 = tpu.memref_squeeze %dma_start3A_231 : memref<1x128xi32, #tpu.memory_space<vmem>> -> memref<128xi32, #tpu.memory_space<vmem>>
      %dma_start3A_233 = arith.constant 0 : i32
      %dma_start3A_234 = tpu.memref_slice %arg9[%dma_start3A_233] : memref<100096xf32, #tpu.memory_space<vmem_shared>> -> memref<100096xf32, #tpu.memory_space<vmem_shared>>
      tpu.enqueue_indirect_dma source(%dma_start3A_234 : memref<100096xf32, #tpu.memory_space<vmem_shared>>) target(%dma_start3A_229 : memref<128xf32, #tpu.memory_space<vmem>>) offsets(%dma_start3A_232 : memref<128xi32, #tpu.memory_space<vmem>>) semaphore(%arg22 : memref<!tpu.dma_semaphore, #tpu.memory_space<semaphore_mem>>)
      %dma_wait3A_235 = arith.constant 0 : i32
      %dma_wait3A_236 = arith.constant 0 : i32
      %dma_wait3A_237 = tpu.memref_slice %arg15[%dma_wait3A_236] : memref<1024xf32, #tpu.memory_space<vmem>> -> memref<128xf32, #tpu.memory_space<vmem>>
      %dma_wait3A_238 = arith.constant 0 : i32
      %dma_wait3A_239 = tpu.memref_slice %arg13[%dma_wait3A_235, %dma_wait3A_238] : memref<8x128xi32, #tpu.memory_space<vmem>> -> memref<1x128xi32, #tpu.memory_space<vmem>>
      %dma_wait3A_240 = tpu.memref_squeeze %dma_wait3A_239 : memref<1x128xi32, #tpu.memory_space<vmem>> -> memref<128xi32, #tpu.memory_space<vmem>>
      %dma_wait3A_241 = arith.constant 0 : i32
      %dma_wait3A_242 = tpu.memref_slice %arg9[%dma_wait3A_241] : memref<100096xf32, #tpu.memory_space<vmem_shared>> -> memref<100096xf32, #tpu.memory_space<vmem_shared>>
      tpu.wait_indirect_dma semaphore(%arg22 : memref<!tpu.dma_semaphore, #tpu.memory_space<semaphore_mem>>) src(%dma_wait3A_242 : memref<100096xf32, #tpu.memory_space<vmem_shared>>) dst(%dma_wait3A_237 : memref<128xf32, #tpu.memory_space<vmem>>)
      %dma_wait3A_243 = arith.constant 1 : i32
      %dma_wait3A_244 = arith.constant 128 : i32
      %dma_wait3A_245 = tpu.memref_slice %arg15[%dma_wait3A_244] : memref<1024xf32, #tpu.memory_space<vmem>> -> memref<128xf32, #tpu.memory_space<vmem>>
      %dma_wait3A_246 = arith.constant 0 : i32
      %dma_wait3A_247 = tpu.memref_slice %arg13[%dma_wait3A_243, %dma_wait3A_246] : memref<8x128xi32, #tpu.memory_space<vmem>> -> memref<1x128xi32, #tpu.memory_space<vmem>>
      %dma_wait3A_248 = tpu.memref_squeeze %dma_wait3A_247 : memref<1x128xi32, #tpu.memory_space<vmem>> -> memref<128xi32, #tpu.memory_space<vmem>>
      %dma_wait3A_249 = arith.constant 0 : i32
      %dma_wait3A_250 = tpu.memref_slice %arg9[%dma_wait3A_249] : memref<100096xf32, #tpu.memory_space<vmem_shared>> -> memref<100096xf32, #tpu.memory_space<vmem_shared>>
      tpu.wait_indirect_dma semaphore(%arg22 : memref<!tpu.dma_semaphore, #tpu.memory_space<semaphore_mem>>) src(%dma_wait3A_250 : memref<100096xf32, #tpu.memory_space<vmem_shared>>) dst(%dma_wait3A_245 : memref<128xf32, #tpu.memory_space<vmem>>)
      %dma_wait3A_251 = arith.constant 2 : i32
      %dma_wait3A_252 = arith.constant 256 : i32
      %dma_wait3A_253 = tpu.memref_slice %arg15[%dma_wait3A_252] : memref<1024xf32, #tpu.memory_space<vmem>> -> memref<128xf32, #tpu.memory_space<vmem>>
      %dma_wait3A_254 = arith.constant 0 : i32
      %dma_wait3A_255 = tpu.memref_slice %arg13[%dma_wait3A_251, %dma_wait3A_254] : memref<8x128xi32, #tpu.memory_space<vmem>> -> memref<1x128xi32, #tpu.memory_space<vmem>>
      %dma_wait3A_256 = tpu.memref_squeeze %dma_wait3A_255 : memref<1x128xi32, #tpu.memory_space<vmem>> -> memref<128xi32, #tpu.memory_space<vmem>>
      %dma_wait3A_257 = arith.constant 0 : i32
      %dma_wait3A_258 = tpu.memref_slice %arg9[%dma_wait3A_257] : memref<100096xf32, #tpu.memory_space<vmem_shared>> -> memref<100096xf32, #tpu.memory_space<vmem_shared>>
      tpu.wait_indirect_dma semaphore(%arg22 : memref<!tpu.dma_semaphore, #tpu.memory_space<semaphore_mem>>) src(%dma_wait3A_258 : memref<100096xf32, #tpu.memory_space<vmem_shared>>) dst(%dma_wait3A_253 : memref<128xf32, #tpu.memory_space<vmem>>)
      %dma_wait3A_259 = arith.constant 3 : i32
      %dma_wait3A_260 = arith.constant 384 : i32
      %dma_wait3A_261 = tpu.memref_slice %arg15[%dma_wait3A_260] : memref<1024xf32, #tpu.memory_space<vmem>> -> memref<128xf32, #tpu.memory_space<vmem>>
      %dma_wait3A_262 = arith.constant 0 : i32
      %dma_wait3A_263 = tpu.memref_slice %arg13[%dma_wait3A_259, %dma_wait3A_262] : memref<8x128xi32, #tpu.memory_space<vmem>> -> memref<1x128xi32, #tpu.memory_space<vmem>>
      %dma_wait3A_264 = tpu.memref_squeeze %dma_wait3A_263 : memref<1x128xi32, #tpu.memory_space<vmem>> -> memref<128xi32, #tpu.memory_space<vmem>>
      %dma_wait3A_265 = arith.constant 0 : i32
      %dma_wait3A_266 = tpu.memref_slice %arg9[%dma_wait3A_265] : memref<100096xf32, #tpu.memory_space<vmem_shared>> -> memref<100096xf32, #tpu.memory_space<vmem_shared>>
      tpu.wait_indirect_dma semaphore(%arg22 : memref<!tpu.dma_semaphore, #tpu.memory_space<semaphore_mem>>) src(%dma_wait3A_266 : memref<100096xf32, #tpu.memory_space<vmem_shared>>) dst(%dma_wait3A_261 : memref<128xf32, #tpu.memory_space<vmem>>)
      %dma_wait3A_267 = arith.constant 4 : i32
      %dma_wait3A_268 = arith.constant 512 : i32
      %dma_wait3A_269 = tpu.memref_slice %arg15[%dma_wait3A_268] : memref<1024xf32, #tpu.memory_space<vmem>> -> memref<128xf32, #tpu.memory_space<vmem>>
      %dma_wait3A_270 = arith.constant 0 : i32
      %dma_wait3A_271 = tpu.memref_slice %arg13[%dma_wait3A_267, %dma_wait3A_270] : memref<8x128xi32, #tpu.memory_space<vmem>> -> memref<1x128xi32, #tpu.memory_space<vmem>>
      %dma_wait3A_272 = tpu.memref_squeeze %dma_wait3A_271 : memref<1x128xi32, #tpu.memory_space<vmem>> -> memref<128xi32, #tpu.memory_space<vmem>>
      %dma_wait3A_273 = arith.constant 0 : i32
      %dma_wait3A_274 = tpu.memref_slice %arg9[%dma_wait3A_273] : memref<100096xf32, #tpu.memory_space<vmem_shared>> -> memref<100096xf32, #tpu.memory_space<vmem_shared>>
      tpu.wait_indirect_dma semaphore(%arg22 : memref<!tpu.dma_semaphore, #tpu.memory_space<semaphore_mem>>) src(%dma_wait3A_274 : memref<100096xf32, #tpu.memory_space<vmem_shared>>) dst(%dma_wait3A_269 : memref<128xf32, #tpu.memory_space<vmem>>)
      %dma_wait3A_275 = arith.constant 5 : i32
      %dma_wait3A_276 = arith.constant 640 : i32
      %dma_wait3A_277 = tpu.memref_slice %arg15[%dma_wait3A_276] : memref<1024xf32, #tpu.memory_space<vmem>> -> memref<128xf32, #tpu.memory_space<vmem>>
      %dma_wait3A_278 = arith.constant 0 : i32
      %dma_wait3A_279 = tpu.memref_slice %arg13[%dma_wait3A_275, %dma_wait3A_278] : memref<8x128xi32, #tpu.memory_space<vmem>> -> memref<1x128xi32, #tpu.memory_space<vmem>>
      %dma_wait3A_280 = tpu.memref_squeeze %dma_wait3A_279 : memref<1x128xi32, #tpu.memory_space<vmem>> -> memref<128xi32, #tpu.memory_space<vmem>>
      %dma_wait3A_281 = arith.constant 0 : i32
      %dma_wait3A_282 = tpu.memref_slice %arg9[%dma_wait3A_281] : memref<100096xf32, #tpu.memory_space<vmem_shared>> -> memref<100096xf32, #tpu.memory_space<vmem_shared>>
      tpu.wait_indirect_dma semaphore(%arg22 : memref<!tpu.dma_semaphore, #tpu.memory_space<semaphore_mem>>) src(%dma_wait3A_282 : memref<100096xf32, #tpu.memory_space<vmem_shared>>) dst(%dma_wait3A_277 : memref<128xf32, #tpu.memory_space<vmem>>)
      %dma_wait3A_283 = arith.constant 6 : i32
      %dma_wait3A_284 = arith.constant 768 : i32
      %dma_wait3A_285 = tpu.memref_slice %arg15[%dma_wait3A_284] : memref<1024xf32, #tpu.memory_space<vmem>> -> memref<128xf32, #tpu.memory_space<vmem>>
      %dma_wait3A_286 = arith.constant 0 : i32
      %dma_wait3A_287 = tpu.memref_slice %arg13[%dma_wait3A_283, %dma_wait3A_286] : memref<8x128xi32, #tpu.memory_space<vmem>> -> memref<1x128xi32, #tpu.memory_space<vmem>>
      %dma_wait3A_288 = tpu.memref_squeeze %dma_wait3A_287 : memref<1x128xi32, #tpu.memory_space<vmem>> -> memref<128xi32, #tpu.memory_space<vmem>>
      %dma_wait3A_289 = arith.constant 0 : i32
      %dma_wait3A_290 = tpu.memref_slice %arg9[%dma_wait3A_289] : memref<100096xf32, #tpu.memory_space<vmem_shared>> -> memref<100096xf32, #tpu.memory_space<vmem_shared>>
      tpu.wait_indirect_dma semaphore(%arg22 : memref<!tpu.dma_semaphore, #tpu.memory_space<semaphore_mem>>) src(%dma_wait3A_290 : memref<100096xf32, #tpu.memory_space<vmem_shared>>) dst(%dma_wait3A_285 : memref<128xf32, #tpu.memory_space<vmem>>)
      %dma_wait3A_291 = arith.constant 7 : i32
      %dma_wait3A_292 = arith.constant 896 : i32
      %dma_wait3A_293 = tpu.memref_slice %arg15[%dma_wait3A_292] : memref<1024xf32, #tpu.memory_space<vmem>> -> memref<128xf32, #tpu.memory_space<vmem>>
      %dma_wait3A_294 = arith.constant 0 : i32
      %dma_wait3A_295 = tpu.memref_slice %arg13[%dma_wait3A_291, %dma_wait3A_294] : memref<8x128xi32, #tpu.memory_space<vmem>> -> memref<1x128xi32, #tpu.memory_space<vmem>>
      %dma_wait3A_296 = tpu.memref_squeeze %dma_wait3A_295 : memref<1x128xi32, #tpu.memory_space<vmem>> -> memref<128xi32, #tpu.memory_space<vmem>>
      %dma_wait3A_297 = arith.constant 0 : i32
      %dma_wait3A_298 = tpu.memref_slice %arg9[%dma_wait3A_297] : memref<100096xf32, #tpu.memory_space<vmem_shared>> -> memref<100096xf32, #tpu.memory_space<vmem_shared>>
      tpu.wait_indirect_dma semaphore(%arg22 : memref<!tpu.dma_semaphore, #tpu.memory_space<semaphore_mem>>) src(%dma_wait3A_298 : memref<100096xf32, #tpu.memory_space<vmem_shared>>) dst(%dma_wait3A_293 : memref<128xf32, #tpu.memory_space<vmem>>)
      %scan3A_299 = arith.constant 0 : i32
      %scan3A_300 = arith.constant 0 : i32
      %scan3A_301 = arith.constant 64 : i32
      %scan3A_302 = arith.addi %scan3A_300, %scan3A_301 : i32
      %scan3A_303 = arith.constant 1 : i32
      %scan3A_304 = scf.for %scan3A_322 = %scan3A_300 to %scan3A_302 step %scan3A_303 iter_args(%scan3A_323 = %scan3A_299) -> (i32)  : i32 {
        %mul3A_324 = arith.constant 16 : i32
        %mul3A_325 = arith.muli %scan3A_322, %mul3A_324 : i32
        %get3A_326 = arith.index_cast %mul3A_325 : i32 to index
        %get3A_327 = tpu.vector_load %arg14[%get3A_326] {strides = array<i32>} : memref<1024xf32, #tpu.memory_space<vmem>>, vector<16xf32>,
        %get3A_328 = vector.shape_cast %get3A_327 : vector<16xf32> to vector<16xf32>
        %mul3A_329 = arith.mulf %get3A_328, %get3A_16 : vector<16xf32>
        %mul3A_330 = arith.constant 16 : i32
        %mul3A_331 = arith.muli %scan3A_322, %mul3A_330 : i32
        %get3A_332 = arith.index_cast %mul3A_331 : i32 to index
        %get3A_333 = tpu.vector_load %arg15[%get3A_332] {strides = array<i32>} : memref<1024xf32, #tpu.memory_space<vmem>>, vector<16xf32>,
        %get3A_334 = vector.shape_cast %get3A_333 : vector<16xf32> to vector<16xf32>
        %mul3A_335 = arith.mulf %get3A_334, %get3A_19 : vector<16xf32>
        %add3A_336 = arith.addf %mul3A_329, %mul3A_335 : vector<16xf32>
        %lt3A = arith.constant 0.000000e+00 : f32
        %lt3A_337 = vector.broadcast %lt3A : f32 to vector<16xf32>
        %lt3A_338 = arith.cmpf olt, %add3A_336, %lt3A_337 : vector<16xf32>
        %mul3A_339 = arith.constant 2.000000e-01 : f32
        %mul3A_340 = vector.broadcast %mul3A_339 : f32 to vector<16xf32>
        %mul3A_341 = arith.mulf %add3A_336, %mul3A_340 : vector<16xf32>
        %select_n3A = arith.select %lt3A_338, %mul3A_341, %add3A_336 : vector<16xi1>, vector<16xf32>
        %exp3A = math.exp %select_n3A : vector<16xf32>
        %mul3A_342 = arith.constant 16 : i32
        %mul3A_343 = arith.muli %scan3A_322, %mul3A_342 : i32
        %swap3A = arith.index_cast %mul3A_343 : i32 to index
        %swap3A_344 = tpu.vector_load %arg16[%swap3A] {strides = array<i32>} : memref<1024xf32, #tpu.memory_space<vmem>>, vector<16xf32>,
        %swap3A_345 = vector.shape_cast %swap3A_344 : vector<16xf32> to vector<16xf32>
        %swap3A_346 = vector.shape_cast %exp3A : vector<16xf32> to vector<16xf32>
        tpu.vector_store %arg16[%swap3A], %swap3A_346 {strides = array<i32>} : memref<1024xf32, #tpu.memory_space<vmem>>, vector<16xf32>,
        %mul3A_347 = arith.mulf %exp3A, %get3A_328 : vector<16xf32>
        %mul3A_348 = arith.constant 16 : i32
        %mul3A_349 = arith.muli %scan3A_322, %mul3A_348 : i32
        %swap3A_350 = arith.index_cast %mul3A_349 : i32 to index
        %swap3A_351 = tpu.vector_load %arg17[%swap3A_350] {strides = array<i32>} : memref<1024xf32, #tpu.memory_space<vmem>>, vector<16xf32>,
        %swap3A_352 = vector.shape_cast %swap3A_351 : vector<16xf32> to vector<16xf32>
        %swap3A_353 = vector.shape_cast %mul3A_347 : vector<16xf32> to vector<16xf32>
        tpu.vector_store %arg17[%swap3A_350], %swap3A_353 {strides = array<i32>} : memref<1024xf32, #tpu.memory_space<vmem>>, vector<16xf32>,
        %scan3A_354 = arith.constant 0 : i32
        scf.yield %scan3A_354 : i32
      }
      %scan3A_305 = arith.constant 64 : i32
      %run_scoped3A = arith.constant 0 : i32
      "tpu.region"() ({
        %run_scoped3A_322 = tpu.sem_alloc : memref<!tpu.dma_semaphore, #tpu.memory_space<semaphore_mem>>
        %dma_start3A_323 = arith.constant 0 : i32
        %dma_start3A_324 = tpu.memref_slice %arg16[%dma_start3A_323] : memref<1024xf32, #tpu.memory_space<vmem>> -> memref<128xf32, #tpu.memory_space<vmem>>
        %dma_start3A_325 = arith.constant 0 : i32
        %dma_start3A_326 = tpu.memref_slice %arg13[%run_scoped3A, %dma_start3A_325] : memref<8x128xi32, #tpu.memory_space<vmem>> -> memref<1x128xi32, #tpu.memory_space<vmem>>
        %dma_start3A_327 = tpu.memref_squeeze %dma_start3A_326 : memref<1x128xi32, #tpu.memory_space<vmem>> -> memref<128xi32, #tpu.memory_space<vmem>>
        %dma_start3A_328 = arith.constant 0 : i32
        %dma_start3A_329 = tpu.memref_slice %arg11[%dma_start3A_328] : memref<100096xf32, #tpu.memory_space<vmem_shared>> -> memref<100096xf32, #tpu.memory_space<vmem_shared>>
        tpu.enqueue_indirect_dma source(%dma_start3A_324 : memref<128xf32, #tpu.memory_space<vmem>>) target(%dma_start3A_329 : memref<100096xf32, #tpu.memory_space<vmem_shared>>) offsets(%dma_start3A_327 : memref<128xi32, #tpu.memory_space<vmem>>) semaphore(%run_scoped3A_322 : memref<!tpu.dma_semaphore, #tpu.memory_space<semaphore_mem>>) {add = true}
        %dma_wait3A_330 = arith.constant 0 : i32
        %dma_wait3A_331 = tpu.memref_slice %arg16[%dma_wait3A_330] : memref<1024xf32, #tpu.memory_space<vmem>> -> memref<128xf32, #tpu.memory_space<vmem>>
        %dma_wait3A_332 = arith.constant 0 : i32
        %dma_wait3A_333 = tpu.memref_slice %arg13[%run_scoped3A, %dma_wait3A_332] : memref<8x128xi32, #tpu.memory_space<vmem>> -> memref<1x128xi32, #tpu.memory_space<vmem>>
        %dma_wait3A_334 = tpu.memref_squeeze %dma_wait3A_333 : memref<1x128xi32, #tpu.memory_space<vmem>> -> memref<128xi32, #tpu.memory_space<vmem>>
        %dma_wait3A_335 = arith.constant 0 : i32
        %dma_wait3A_336 = tpu.memref_slice %arg11[%dma_wait3A_335] : memref<100096xf32, #tpu.memory_space<vmem_shared>> -> memref<100096xf32, #tpu.memory_space<vmem_shared>>
        tpu.wait_indirect_dma semaphore(%run_scoped3A_322 : memref<!tpu.dma_semaphore, #tpu.memory_space<semaphore_mem>>) src(%dma_wait3A_331 : memref<128xf32, #tpu.memory_space<vmem>>) dst(%dma_wait3A_336 : memref<100096xf32, #tpu.memory_space<vmem_shared>>)
        tpu.yield
      }) : () -> ()
      %run_scoped3A_306 = arith.constant 0 : i32
      "tpu.region"() ({
        %run_scoped3A_322 = tpu.sem_alloc : memref<!tpu.dma_semaphore, #tpu.memory_space<semaphore_mem>>
        %dma_start3A_323 = arith.constant 0 : i32
        %dma_start3A_324 = tpu.memref_slice %arg17[%dma_start3A_323] : memref<1024xf32, #tpu.memory_space<vmem>> -> memref<128xf32, #tpu.memory_space<vmem>>
        %dma_start3A_325 = arith.constant 0 : i32
        %dma_start3A_326 = tpu.memref_slice %arg13[%run_scoped3A_306, %dma_start3A_325] : memref<8x128xi32, #tpu.memory_space<vmem>> -> memref<1x128xi32, #tpu.memory_space<vmem>>
        %dma_start3A_327 = tpu.memref_squeeze %dma_start3A_326 : memref<1x128xi32, #tpu.memory_space<vmem>> -> memref<128xi32, #tpu.memory_space<vmem>>
        %dma_start3A_328 = arith.constant 0 : i32
        %dma_start3A_329 = tpu.memref_slice %arg10[%dma_start3A_328] : memref<100096xf32, #tpu.memory_space<vmem_shared>> -> memref<100096xf32, #tpu.memory_space<vmem_shared>>
        tpu.enqueue_indirect_dma source(%dma_start3A_324 : memref<128xf32, #tpu.memory_space<vmem>>) target(%dma_start3A_329 : memref<100096xf32, #tpu.memory_space<vmem_shared>>) offsets(%dma_start3A_327 : memref<128xi32, #tpu.memory_space<vmem>>) semaphore(%run_scoped3A_322 : memref<!tpu.dma_semaphore, #tpu.memory_space<semaphore_mem>>) {add = true}
        %dma_wait3A_330 = arith.constant 0 : i32
        %dma_wait3A_331 = tpu.memref_slice %arg17[%dma_wait3A_330] : memref<1024xf32, #tpu.memory_space<vmem>> -> memref<128xf32, #tpu.memory_space<vmem>>
        %dma_wait3A_332 = arith.constant 0 : i32
        %dma_wait3A_333 = tpu.memref_slice %arg13[%run_scoped3A_306, %dma_wait3A_332] : memref<8x128xi32, #tpu.memory_space<vmem>> -> memref<1x128xi32, #tpu.memory_space<vmem>>
        %dma_wait3A_334 = tpu.memref_squeeze %dma_wait3A_333 : memref<1x128xi32, #tpu.memory_space<vmem>> -> memref<128xi32, #tpu.memory_space<vmem>>
        %dma_wait3A_335 = arith.constant 0 : i32
        %dma_wait3A_336 = tpu.memref_slice %arg10[%dma_wait3A_335] : memref<100096xf32, #tpu.memory_space<vmem_shared>> -> memref<100096xf32, #tpu.memory_space<vmem_shared>>
        tpu.wait_indirect_dma semaphore(%run_scoped3A_322 : memref<!tpu.dma_semaphore, #tpu.memory_space<semaphore_mem>>) src(%dma_wait3A_331 : memref<128xf32, #tpu.memory_space<vmem>>) dst(%dma_wait3A_336 : memref<100096xf32, #tpu.memory_space<vmem_shared>>)
        tpu.yield
      }) : () -> ()
      %run_scoped3A_307 = arith.constant 1 : i32
      "tpu.region"() ({
        %run_scoped3A_322 = tpu.sem_alloc : memref<!tpu.dma_semaphore, #tpu.memory_space<semaphore_mem>>
        %dma_start3A_323 = arith.constant 128 : i32
        %dma_start3A_324 = tpu.memref_slice %arg16[%dma_start3A_323] : memref<1024xf32, #tpu.memory_space<vmem>> -> memref<128xf32, #tpu.memory_space<vmem>>
        %dma_start3A_325 = arith.constant 0 : i32
        %dma_start3A_326 = tpu.memref_slice %arg13[%run_scoped3A_307, %dma_start3A_325] : memref<8x128xi32, #tpu.memory_space<vmem>> -> memref<1x128xi32, #tpu.memory_space<vmem>>
        %dma_start3A_327 = tpu.memref_squeeze %dma_start3A_326 : memref<1x128xi32, #tpu.memory_space<vmem>> -> memref<128xi32, #tpu.memory_space<vmem>>
        %dma_start3A_328 = arith.constant 0 : i32
        %dma_start3A_329 = tpu.memref_slice %arg11[%dma_start3A_328] : memref<100096xf32, #tpu.memory_space<vmem_shared>> -> memref<100096xf32, #tpu.memory_space<vmem_shared>>
        tpu.enqueue_indirect_dma source(%dma_start3A_324 : memref<128xf32, #tpu.memory_space<vmem>>) target(%dma_start3A_329 : memref<100096xf32, #tpu.memory_space<vmem_shared>>) offsets(%dma_start3A_327 : memref<128xi32, #tpu.memory_space<vmem>>) semaphore(%run_scoped3A_322 : memref<!tpu.dma_semaphore, #tpu.memory_space<semaphore_mem>>) {add = true}
        %dma_wait3A_330 = arith.constant 128 : i32
        %dma_wait3A_331 = tpu.memref_slice %arg16[%dma_wait3A_330] : memref<1024xf32, #tpu.memory_space<vmem>> -> memref<128xf32, #tpu.memory_space<vmem>>
        %dma_wait3A_332 = arith.constant 0 : i32
        %dma_wait3A_333 = tpu.memref_slice %arg13[%run_scoped3A_307, %dma_wait3A_332] : memref<8x128xi32, #tpu.memory_space<vmem>> -> memref<1x128xi32, #tpu.memory_space<vmem>>
        %dma_wait3A_334 = tpu.memref_squeeze %dma_wait3A_333 : memref<1x128xi32, #tpu.memory_space<vmem>> -> memref<128xi32, #tpu.memory_space<vmem>>
        %dma_wait3A_335 = arith.constant 0 : i32
        %dma_wait3A_336 = tpu.memref_slice %arg11[%dma_wait3A_335] : memref<100096xf32, #tpu.memory_space<vmem_shared>> -> memref<100096xf32, #tpu.memory_space<vmem_shared>>
        tpu.wait_indirect_dma semaphore(%run_scoped3A_322 : memref<!tpu.dma_semaphore, #tpu.memory_space<semaphore_mem>>) src(%dma_wait3A_331 : memref<128xf32, #tpu.memory_space<vmem>>) dst(%dma_wait3A_336 : memref<100096xf32, #tpu.memory_space<vmem_shared>>)
        tpu.yield
      }) : () -> ()
      %run_scoped3A_308 = arith.constant 1 : i32
      "tpu.region"() ({
        %run_scoped3A_322 = tpu.sem_alloc : memref<!tpu.dma_semaphore, #tpu.memory_space<semaphore_mem>>
        %dma_start3A_323 = arith.constant 128 : i32
        %dma_start3A_324 = tpu.memref_slice %arg17[%dma_start3A_323] : memref<1024xf32, #tpu.memory_space<vmem>> -> memref<128xf32, #tpu.memory_space<vmem>>
        %dma_start3A_325 = arith.constant 0 : i32
        %dma_start3A_326 = tpu.memref_slice %arg13[%run_scoped3A_308, %dma_start3A_325] : memref<8x128xi32, #tpu.memory_space<vmem>> -> memref<1x128xi32, #tpu.memory_space<vmem>>
        %dma_start3A_327 = tpu.memref_squeeze %dma_start3A_326 : memref<1x128xi32, #tpu.memory_space<vmem>> -> memref<128xi32, #tpu.memory_space<vmem>>
        %dma_start3A_328 = arith.constant 0 : i32
        %dma_start3A_329 = tpu.memref_slice %arg10[%dma_start3A_328] : memref<100096xf32, #tpu.memory_space<vmem_shared>> -> memref<100096xf32, #tpu.memory_space<vmem_shared>>
        tpu.enqueue_indirect_dma source(%dma_start3A_324 : memref<128xf32, #tpu.memory_space<vmem>>) target(%dma_start3A_329 : memref<100096xf32, #tpu.memory_space<vmem_shared>>) offsets(%dma_start3A_327 : memref<128xi32, #tpu.memory_space<vmem>>) semaphore(%run_scoped3A_322 : memref<!tpu.dma_semaphore, #tpu.memory_space<semaphore_mem>>) {add = true}
        %dma_wait3A_330 = arith.constant 128 : i32
        %dma_wait3A_331 = tpu.memref_slice %arg17[%dma_wait3A_330] : memref<1024xf32, #tpu.memory_space<vmem>> -> memref<128xf32, #tpu.memory_space<vmem>>
        %dma_wait3A_332 = arith.constant 0 : i32
        %dma_wait3A_333 = tpu.memref_slice %arg13[%run_scoped3A_308, %dma_wait3A_332] : memref<8x128xi32, #tpu.memory_space<vmem>> -> memref<1x128xi32, #tpu.memory_space<vmem>>
        %dma_wait3A_334 = tpu.memref_squeeze %dma_wait3A_333 : memref<1x128xi32, #tpu.memory_space<vmem>> -> memref<128xi32, #tpu.memory_space<vmem>>
        %dma_wait3A_335 = arith.constant 0 : i32
        %dma_wait3A_336 = tpu.memref_slice %arg10[%dma_wait3A_335] : memref<100096xf32, #tpu.memory_space<vmem_shared>> -> memref<100096xf32, #tpu.memory_space<vmem_shared>>
        tpu.wait_indirect_dma semaphore(%run_scoped3A_322 : memref<!tpu.dma_semaphore, #tpu.memory_space<semaphore_mem>>) src(%dma_wait3A_331 : memref<128xf32, #tpu.memory_space<vmem>>) dst(%dma_wait3A_336 : memref<100096xf32, #tpu.memory_space<vmem_shared>>)
        tpu.yield
      }) : () -> ()
      %run_scoped3A_309 = arith.constant 2 : i32
      "tpu.region"() ({
        %run_scoped3A_322 = tpu.sem_alloc : memref<!tpu.dma_semaphore, #tpu.memory_space<semaphore_mem>>
        %dma_start3A_323 = arith.constant 256 : i32
        %dma_start3A_324 = tpu.memref_slice %arg16[%dma_start3A_323] : memref<1024xf32, #tpu.memory_space<vmem>> -> memref<128xf32, #tpu.memory_space<vmem>>
        %dma_start3A_325 = arith.constant 0 : i32
        %dma_start3A_326 = tpu.memref_slice %arg13[%run_scoped3A_309, %dma_start3A_325] : memref<8x128xi32, #tpu.memory_space<vmem>> -> memref<1x128xi32, #tpu.memory_space<vmem>>
        %dma_start3A_327 = tpu.memref_squeeze %dma_start3A_326 : memref<1x128xi32, #tpu.memory_space<vmem>> -> memref<128xi32, #tpu.memory_space<vmem>>
        %dma_start3A_328 = arith.constant 0 : i32
        %dma_start3A_329 = tpu.memref_slice %arg11[%dma_start3A_328] : memref<100096xf32, #tpu.memory_space<vmem_shared>> -> memref<100096xf32, #tpu.memory_space<vmem_shared>>
        tpu.enqueue_indirect_dma source(%dma_start3A_324 : memref<128xf32, #tpu.memory_space<vmem>>) target(%dma_start3A_329 : memref<100096xf32, #tpu.memory_space<vmem_shared>>) offsets(%dma_start3A_327 : memref<128xi32, #tpu.memory_space<vmem>>) semaphore(%run_scoped3A_322 : memref<!tpu.dma_semaphore, #tpu.memory_space<semaphore_mem>>) {add = true}
        %dma_wait3A_330 = arith.constant 256 : i32
        %dma_wait3A_331 = tpu.memref_slice %arg16[%dma_wait3A_330] : memref<1024xf32, #tpu.memory_space<vmem>> -> memref<128xf32, #tpu.memory_space<vmem>>
        %dma_wait3A_332 = arith.constant 0 : i32
        %dma_wait3A_333 = tpu.memref_slice %arg13[%run_scoped3A_309, %dma_wait3A_332] : memref<8x128xi32, #tpu.memory_space<vmem>> -> memref<1x128xi32, #tpu.memory_space<vmem>>
        %dma_wait3A_334 = tpu.memref_squeeze %dma_wait3A_333 : memref<1x128xi32, #tpu.memory_space<vmem>> -> memref<128xi32, #tpu.memory_space<vmem>>
        %dma_wait3A_335 = arith.constant 0 : i32
        %dma_wait3A_336 = tpu.memref_slice %arg11[%dma_wait3A_335] : memref<100096xf32, #tpu.memory_space<vmem_shared>> -> memref<100096xf32, #tpu.memory_space<vmem_shared>>
        tpu.wait_indirect_dma semaphore(%run_scoped3A_322 : memref<!tpu.dma_semaphore, #tpu.memory_space<semaphore_mem>>) src(%dma_wait3A_331 : memref<128xf32, #tpu.memory_space<vmem>>) dst(%dma_wait3A_336 : memref<100096xf32, #tpu.memory_space<vmem_shared>>)
        tpu.yield
      }) : () -> ()
      %run_scoped3A_310 = arith.constant 2 : i32
      "tpu.region"() ({
        %run_scoped3A_322 = tpu.sem_alloc : memref<!tpu.dma_semaphore, #tpu.memory_space<semaphore_mem>>
        %dma_start3A_323 = arith.constant 256 : i32
        %dma_start3A_324 = tpu.memref_slice %arg17[%dma_start3A_323] : memref<1024xf32, #tpu.memory_space<vmem>> -> memref<128xf32, #tpu.memory_space<vmem>>
        %dma_start3A_325 = arith.constant 0 : i32
        %dma_start3A_326 = tpu.memref_slice %arg13[%run_scoped3A_310, %dma_start3A_325] : memref<8x128xi32, #tpu.memory_space<vmem>> -> memref<1x128xi32, #tpu.memory_space<vmem>>
        %dma_start3A_327 = tpu.memref_squeeze %dma_start3A_326 : memref<1x128xi32, #tpu.memory_space<vmem>> -> memref<128xi32, #tpu.memory_space<vmem>>
        %dma_start3A_328 = arith.constant 0 : i32
        %dma_start3A_329 = tpu.memref_slice %arg10[%dma_start3A_328] : memref<100096xf32, #tpu.memory_space<vmem_shared>> -> memref<100096xf32, #tpu.memory_space<vmem_shared>>
        tpu.enqueue_indirect_dma source(%dma_start3A_324 : memref<128xf32, #tpu.memory_space<vmem>>) target(%dma_start3A_329 : memref<100096xf32, #tpu.memory_space<vmem_shared>>) offsets(%dma_start3A_327 : memref<128xi32, #tpu.memory_space<vmem>>) semaphore(%run_scoped3A_322 : memref<!tpu.dma_semaphore, #tpu.memory_space<semaphore_mem>>) {add = true}
        %dma_wait3A_330 = arith.constant 256 : i32
        %dma_wait3A_331 = tpu.memref_slice %arg17[%dma_wait3A_330] : memref<1024xf32, #tpu.memory_space<vmem>> -> memref<128xf32, #tpu.memory_space<vmem>>
        %dma_wait3A_332 = arith.constant 0 : i32
        %dma_wait3A_333 = tpu.memref_slice %arg13[%run_scoped3A_310, %dma_wait3A_332] : memref<8x128xi32, #tpu.memory_space<vmem>> -> memref<1x128xi32, #tpu.memory_space<vmem>>
        %dma_wait3A_334 = tpu.memref_squeeze %dma_wait3A_333 : memref<1x128xi32, #tpu.memory_space<vmem>> -> memref<128xi32, #tpu.memory_space<vmem>>
        %dma_wait3A_335 = arith.constant 0 : i32
        %dma_wait3A_336 = tpu.memref_slice %arg10[%dma_wait3A_335] : memref<100096xf32, #tpu.memory_space<vmem_shared>> -> memref<100096xf32, #tpu.memory_space<vmem_shared>>
        tpu.wait_indirect_dma semaphore(%run_scoped3A_322 : memref<!tpu.dma_semaphore, #tpu.memory_space<semaphore_mem>>) src(%dma_wait3A_331 : memref<128xf32, #tpu.memory_space<vmem>>) dst(%dma_wait3A_336 : memref<100096xf32, #tpu.memory_space<vmem_shared>>)
        tpu.yield
      }) : () -> ()
      %run_scoped3A_311 = arith.constant 3 : i32
      "tpu.region"() ({
        %run_scoped3A_322 = tpu.sem_alloc : memref<!tpu.dma_semaphore, #tpu.memory_space<semaphore_mem>>
        %dma_start3A_323 = arith.constant 384 : i32
        %dma_start3A_324 = tpu.memref_slice %arg16[%dma_start3A_323] : memref<1024xf32, #tpu.memory_space<vmem>> -> memref<128xf32, #tpu.memory_space<vmem>>
        %dma_start3A_325 = arith.constant 0 : i32
        %dma_start3A_326 = tpu.memref_slice %arg13[%run_scoped3A_311, %dma_start3A_325] : memref<8x128xi32, #tpu.memory_space<vmem>> -> memref<1x128xi32, #tpu.memory_space<vmem>>
        %dma_start3A_327 = tpu.memref_squeeze %dma_start3A_326 : memref<1x128xi32, #tpu.memory_space<vmem>> -> memref<128xi32, #tpu.memory_space<vmem>>
        %dma_start3A_328 = arith.constant 0 : i32
        %dma_start3A_329 = tpu.memref_slice %arg11[%dma_start3A_328] : memref<100096xf32, #tpu.memory_space<vmem_shared>> -> memref<100096xf32, #tpu.memory_space<vmem_shared>>
        tpu.enqueue_indirect_dma source(%dma_start3A_324 : memref<128xf32, #tpu.memory_space<vmem>>) target(%dma_start3A_329 : memref<100096xf32, #tpu.memory_space<vmem_shared>>) offsets(%dma_start3A_327 : memref<128xi32, #tpu.memory_space<vmem>>) semaphore(%run_scoped3A_322 : memref<!tpu.dma_semaphore, #tpu.memory_space<semaphore_mem>>) {add = true}
        %dma_wait3A_330 = arith.constant 384 : i32
        %dma_wait3A_331 = tpu.memref_slice %arg16[%dma_wait3A_330] : memref<1024xf32, #tpu.memory_space<vmem>> -> memref<128xf32, #tpu.memory_space<vmem>>
        %dma_wait3A_332 = arith.constant 0 : i32
        %dma_wait3A_333 = tpu.memref_slice %arg13[%run_scoped3A_311, %dma_wait3A_332] : memref<8x128xi32, #tpu.memory_space<vmem>> -> memref<1x128xi32, #tpu.memory_space<vmem>>
        %dma_wait3A_334 = tpu.memref_squeeze %dma_wait3A_333 : memref<1x128xi32, #tpu.memory_space<vmem>> -> memref<128xi32, #tpu.memory_space<vmem>>
        %dma_wait3A_335 = arith.constant 0 : i32
        %dma_wait3A_336 = tpu.memref_slice %arg11[%dma_wait3A_335] : memref<100096xf32, #tpu.memory_space<vmem_shared>> -> memref<100096xf32, #tpu.memory_space<vmem_shared>>
        tpu.wait_indirect_dma semaphore(%run_scoped3A_322 : memref<!tpu.dma_semaphore, #tpu.memory_space<semaphore_mem>>) src(%dma_wait3A_331 : memref<128xf32, #tpu.memory_space<vmem>>) dst(%dma_wait3A_336 : memref<100096xf32, #tpu.memory_space<vmem_shared>>)
        tpu.yield
      }) : () -> ()
      %run_scoped3A_312 = arith.constant 3 : i32
      "tpu.region"() ({
        %run_scoped3A_322 = tpu.sem_alloc : memref<!tpu.dma_semaphore, #tpu.memory_space<semaphore_mem>>
        %dma_start3A_323 = arith.constant 384 : i32
        %dma_start3A_324 = tpu.memref_slice %arg17[%dma_start3A_323] : memref<1024xf32, #tpu.memory_space<vmem>> -> memref<128xf32, #tpu.memory_space<vmem>>
        %dma_start3A_325 = arith.constant 0 : i32
        %dma_start3A_326 = tpu.memref_slice %arg13[%run_scoped3A_312, %dma_start3A_325] : memref<8x128xi32, #tpu.memory_space<vmem>> -> memref<1x128xi32, #tpu.memory_space<vmem>>
        %dma_start3A_327 = tpu.memref_squeeze %dma_start3A_326 : memref<1x128xi32, #tpu.memory_space<vmem>> -> memref<128xi32, #tpu.memory_space<vmem>>
        %dma_start3A_328 = arith.constant 0 : i32
        %dma_start3A_329 = tpu.memref_slice %arg10[%dma_start3A_328] : memref<100096xf32, #tpu.memory_space<vmem_shared>> -> memref<100096xf32, #tpu.memory_space<vmem_shared>>
        tpu.enqueue_indirect_dma source(%dma_start3A_324 : memref<128xf32, #tpu.memory_space<vmem>>) target(%dma_start3A_329 : memref<100096xf32, #tpu.memory_space<vmem_shared>>) offsets(%dma_start3A_327 : memref<128xi32, #tpu.memory_space<vmem>>) semaphore(%run_scoped3A_322 : memref<!tpu.dma_semaphore, #tpu.memory_space<semaphore_mem>>) {add = true}
        %dma_wait3A_330 = arith.constant 384 : i32
        %dma_wait3A_331 = tpu.memref_slice %arg17[%dma_wait3A_330] : memref<1024xf32, #tpu.memory_space<vmem>> -> memref<128xf32, #tpu.memory_space<vmem>>
        %dma_wait3A_332 = arith.constant 0 : i32
        %dma_wait3A_333 = tpu.memref_slice %arg13[%run_scoped3A_312, %dma_wait3A_332] : memref<8x128xi32, #tpu.memory_space<vmem>> -> memref<1x128xi32, #tpu.memory_space<vmem>>
        %dma_wait3A_334 = tpu.memref_squeeze %dma_wait3A_333 : memref<1x128xi32, #tpu.memory_space<vmem>> -> memref<128xi32, #tpu.memory_space<vmem>>
        %dma_wait3A_335 = arith.constant 0 : i32
        %dma_wait3A_336 = tpu.memref_slice %arg10[%dma_wait3A_335] : memref<100096xf32, #tpu.memory_space<vmem_shared>> -> memref<100096xf32, #tpu.memory_space<vmem_shared>>
        tpu.wait_indirect_dma semaphore(%run_scoped3A_322 : memref<!tpu.dma_semaphore, #tpu.memory_space<semaphore_mem>>) src(%dma_wait3A_331 : memref<128xf32, #tpu.memory_space<vmem>>) dst(%dma_wait3A_336 : memref<100096xf32, #tpu.memory_space<vmem_shared>>)
        tpu.yield
      }) : () -> ()
      %run_scoped3A_313 = arith.constant 4 : i32
      "tpu.region"() ({
        %run_scoped3A_322 = tpu.sem_alloc : memref<!tpu.dma_semaphore, #tpu.memory_space<semaphore_mem>>
        %dma_start3A_323 = arith.constant 512 : i32
        %dma_start3A_324 = tpu.memref_slice %arg16[%dma_start3A_323] : memref<1024xf32, #tpu.memory_space<vmem>> -> memref<128xf32, #tpu.memory_space<vmem>>
        %dma_start3A_325 = arith.constant 0 : i32
        %dma_start3A_326 = tpu.memref_slice %arg13[%run_scoped3A_313, %dma_start3A_325] : memref<8x128xi32, #tpu.memory_space<vmem>> -> memref<1x128xi32, #tpu.memory_space<vmem>>
        %dma_start3A_327 = tpu.memref_squeeze %dma_start3A_326 : memref<1x128xi32, #tpu.memory_space<vmem>> -> memref<128xi32, #tpu.memory_space<vmem>>
        %dma_start3A_328 = arith.constant 0 : i32
        %dma_start3A_329 = tpu.memref_slice %arg11[%dma_start3A_328] : memref<100096xf32, #tpu.memory_space<vmem_shared>> -> memref<100096xf32, #tpu.memory_space<vmem_shared>>
        tpu.enqueue_indirect_dma source(%dma_start3A_324 : memref<128xf32, #tpu.memory_space<vmem>>) target(%dma_start3A_329 : memref<100096xf32, #tpu.memory_space<vmem_shared>>) offsets(%dma_start3A_327 : memref<128xi32, #tpu.memory_space<vmem>>) semaphore(%run_scoped3A_322 : memref<!tpu.dma_semaphore, #tpu.memory_space<semaphore_mem>>) {add = true}
        %dma_wait3A_330 = arith.constant 512 : i32
        %dma_wait3A_331 = tpu.memref_slice %arg16[%dma_wait3A_330] : memref<1024xf32, #tpu.memory_space<vmem>> -> memref<128xf32, #tpu.memory_space<vmem>>
        %dma_wait3A_332 = arith.constant 0 : i32
        %dma_wait3A_333 = tpu.memref_slice %arg13[%run_scoped3A_313, %dma_wait3A_332] : memref<8x128xi32, #tpu.memory_space<vmem>> -> memref<1x128xi32, #tpu.memory_space<vmem>>
        %dma_wait3A_334 = tpu.memref_squeeze %dma_wait3A_333 : memref<1x128xi32, #tpu.memory_space<vmem>> -> memref<128xi32, #tpu.memory_space<vmem>>
        %dma_wait3A_335 = arith.constant 0 : i32
        %dma_wait3A_336 = tpu.memref_slice %arg11[%dma_wait3A_335] : memref<100096xf32, #tpu.memory_space<vmem_shared>> -> memref<100096xf32, #tpu.memory_space<vmem_shared>>
        tpu.wait_indirect_dma semaphore(%run_scoped3A_322 : memref<!tpu.dma_semaphore, #tpu.memory_space<semaphore_mem>>) src(%dma_wait3A_331 : memref<128xf32, #tpu.memory_space<vmem>>) dst(%dma_wait3A_336 : memref<100096xf32, #tpu.memory_space<vmem_shared>>)
        tpu.yield
      }) : () -> ()
      %run_scoped3A_314 = arith.constant 4 : i32
      "tpu.region"() ({
        %run_scoped3A_322 = tpu.sem_alloc : memref<!tpu.dma_semaphore, #tpu.memory_space<semaphore_mem>>
        %dma_start3A_323 = arith.constant 512 : i32
        %dma_start3A_324 = tpu.memref_slice %arg17[%dma_start3A_323] : memref<1024xf32, #tpu.memory_space<vmem>> -> memref<128xf32, #tpu.memory_space<vmem>>
        %dma_start3A_325 = arith.constant 0 : i32
        %dma_start3A_326 = tpu.memref_slice %arg13[%run_scoped3A_314, %dma_start3A_325] : memref<8x128xi32, #tpu.memory_space<vmem>> -> memref<1x128xi32, #tpu.memory_space<vmem>>
        %dma_start3A_327 = tpu.memref_squeeze %dma_start3A_326 : memref<1x128xi32, #tpu.memory_space<vmem>> -> memref<128xi32, #tpu.memory_space<vmem>>
        %dma_start3A_328 = arith.constant 0 : i32
        %dma_start3A_329 = tpu.memref_slice %arg10[%dma_start3A_328] : memref<100096xf32, #tpu.memory_space<vmem_shared>> -> memref<100096xf32, #tpu.memory_space<vmem_shared>>
        tpu.enqueue_indirect_dma source(%dma_start3A_324 : memref<128xf32, #tpu.memory_space<vmem>>) target(%dma_start3A_329 : memref<100096xf32, #tpu.memory_space<vmem_shared>>) offsets(%dma_start3A_327 : memref<128xi32, #tpu.memory_space<vmem>>) semaphore(%run_scoped3A_322 : memref<!tpu.dma_semaphore, #tpu.memory_space<semaphore_mem>>) {add = true}
        %dma_wait3A_330 = arith.constant 512 : i32
        %dma_wait3A_331 = tpu.memref_slice %arg17[%dma_wait3A_330] : memref<1024xf32, #tpu.memory_space<vmem>> -> memref<128xf32, #tpu.memory_space<vmem>>
        %dma_wait3A_332 = arith.constant 0 : i32
        %dma_wait3A_333 = tpu.memref_slice %arg13[%run_scoped3A_314, %dma_wait3A_332] : memref<8x128xi32, #tpu.memory_space<vmem>> -> memref<1x128xi32, #tpu.memory_space<vmem>>
        %dma_wait3A_334 = tpu.memref_squeeze %dma_wait3A_333 : memref<1x128xi32, #tpu.memory_space<vmem>> -> memref<128xi32, #tpu.memory_space<vmem>>
        %dma_wait3A_335 = arith.constant 0 : i32
        %dma_wait3A_336 = tpu.memref_slice %arg10[%dma_wait3A_335] : memref<100096xf32, #tpu.memory_space<vmem_shared>> -> memref<100096xf32, #tpu.memory_space<vmem_shared>>
        tpu.wait_indirect_dma semaphore(%run_scoped3A_322 : memref<!tpu.dma_semaphore, #tpu.memory_space<semaphore_mem>>) src(%dma_wait3A_331 : memref<128xf32, #tpu.memory_space<vmem>>) dst(%dma_wait3A_336 : memref<100096xf32, #tpu.memory_space<vmem_shared>>)
        tpu.yield
      }) : () -> ()
      %run_scoped3A_315 = arith.constant 5 : i32
      "tpu.region"() ({
        %run_scoped3A_322 = tpu.sem_alloc : memref<!tpu.dma_semaphore, #tpu.memory_space<semaphore_mem>>
        %dma_start3A_323 = arith.constant 640 : i32
        %dma_start3A_324 = tpu.memref_slice %arg16[%dma_start3A_323] : memref<1024xf32, #tpu.memory_space<vmem>> -> memref<128xf32, #tpu.memory_space<vmem>>
        %dma_start3A_325 = arith.constant 0 : i32
        %dma_start3A_326 = tpu.memref_slice %arg13[%run_scoped3A_315, %dma_start3A_325] : memref<8x128xi32, #tpu.memory_space<vmem>> -> memref<1x128xi32, #tpu.memory_space<vmem>>
        %dma_start3A_327 = tpu.memref_squeeze %dma_start3A_326 : memref<1x128xi32, #tpu.memory_space<vmem>> -> memref<128xi32, #tpu.memory_space<vmem>>
        %dma_start3A_328 = arith.constant 0 : i32
        %dma_start3A_329 = tpu.memref_slice %arg11[%dma_start3A_328] : memref<100096xf32, #tpu.memory_space<vmem_shared>> -> memref<100096xf32, #tpu.memory_space<vmem_shared>>
        tpu.enqueue_indirect_dma source(%dma_start3A_324 : memref<128xf32, #tpu.memory_space<vmem>>) target(%dma_start3A_329 : memref<100096xf32, #tpu.memory_space<vmem_shared>>) offsets(%dma_start3A_327 : memref<128xi32, #tpu.memory_space<vmem>>) semaphore(%run_scoped3A_322 : memref<!tpu.dma_semaphore, #tpu.memory_space<semaphore_mem>>) {add = true}
        %dma_wait3A_330 = arith.constant 640 : i32
        %dma_wait3A_331 = tpu.memref_slice %arg16[%dma_wait3A_330] : memref<1024xf32, #tpu.memory_space<vmem>> -> memref<128xf32, #tpu.memory_space<vmem>>
        %dma_wait3A_332 = arith.constant 0 : i32
        %dma_wait3A_333 = tpu.memref_slice %arg13[%run_scoped3A_315, %dma_wait3A_332] : memref<8x128xi32, #tpu.memory_space<vmem>> -> memref<1x128xi32, #tpu.memory_space<vmem>>
        %dma_wait3A_334 = tpu.memref_squeeze %dma_wait3A_333 : memref<1x128xi32, #tpu.memory_space<vmem>> -> memref<128xi32, #tpu.memory_space<vmem>>
        %dma_wait3A_335 = arith.constant 0 : i32
        %dma_wait3A_336 = tpu.memref_slice %arg11[%dma_wait3A_335] : memref<100096xf32, #tpu.memory_space<vmem_shared>> -> memref<100096xf32, #tpu.memory_space<vmem_shared>>
        tpu.wait_indirect_dma semaphore(%run_scoped3A_322 : memref<!tpu.dma_semaphore, #tpu.memory_space<semaphore_mem>>) src(%dma_wait3A_331 : memref<128xf32, #tpu.memory_space<vmem>>) dst(%dma_wait3A_336 : memref<100096xf32, #tpu.memory_space<vmem_shared>>)
        tpu.yield
      }) : () -> ()
      %run_scoped3A_316 = arith.constant 5 : i32
      "tpu.region"() ({
        %run_scoped3A_322 = tpu.sem_alloc : memref<!tpu.dma_semaphore, #tpu.memory_space<semaphore_mem>>
        %dma_start3A_323 = arith.constant 640 : i32
        %dma_start3A_324 = tpu.memref_slice %arg17[%dma_start3A_323] : memref<1024xf32, #tpu.memory_space<vmem>> -> memref<128xf32, #tpu.memory_space<vmem>>
        %dma_start3A_325 = arith.constant 0 : i32
        %dma_start3A_326 = tpu.memref_slice %arg13[%run_scoped3A_316, %dma_start3A_325] : memref<8x128xi32, #tpu.memory_space<vmem>> -> memref<1x128xi32, #tpu.memory_space<vmem>>
        %dma_start3A_327 = tpu.memref_squeeze %dma_start3A_326 : memref<1x128xi32, #tpu.memory_space<vmem>> -> memref<128xi32, #tpu.memory_space<vmem>>
        %dma_start3A_328 = arith.constant 0 : i32
        %dma_start3A_329 = tpu.memref_slice %arg10[%dma_start3A_328] : memref<100096xf32, #tpu.memory_space<vmem_shared>> -> memref<100096xf32, #tpu.memory_space<vmem_shared>>
        tpu.enqueue_indirect_dma source(%dma_start3A_324 : memref<128xf32, #tpu.memory_space<vmem>>) target(%dma_start3A_329 : memref<100096xf32, #tpu.memory_space<vmem_shared>>) offsets(%dma_start3A_327 : memref<128xi32, #tpu.memory_space<vmem>>) semaphore(%run_scoped3A_322 : memref<!tpu.dma_semaphore, #tpu.memory_space<semaphore_mem>>) {add = true}
        %dma_wait3A_330 = arith.constant 640 : i32
        %dma_wait3A_331 = tpu.memref_slice %arg17[%dma_wait3A_330] : memref<1024xf32, #tpu.memory_space<vmem>> -> memref<128xf32, #tpu.memory_space<vmem>>
        %dma_wait3A_332 = arith.constant 0 : i32
        %dma_wait3A_333 = tpu.memref_slice %arg13[%run_scoped3A_316, %dma_wait3A_332] : memref<8x128xi32, #tpu.memory_space<vmem>> -> memref<1x128xi32, #tpu.memory_space<vmem>>
        %dma_wait3A_334 = tpu.memref_squeeze %dma_wait3A_333 : memref<1x128xi32, #tpu.memory_space<vmem>> -> memref<128xi32, #tpu.memory_space<vmem>>
        %dma_wait3A_335 = arith.constant 0 : i32
        %dma_wait3A_336 = tpu.memref_slice %arg10[%dma_wait3A_335] : memref<100096xf32, #tpu.memory_space<vmem_shared>> -> memref<100096xf32, #tpu.memory_space<vmem_shared>>
        tpu.wait_indirect_dma semaphore(%run_scoped3A_322 : memref<!tpu.dma_semaphore, #tpu.memory_space<semaphore_mem>>) src(%dma_wait3A_331 : memref<128xf32, #tpu.memory_space<vmem>>) dst(%dma_wait3A_336 : memref<100096xf32, #tpu.memory_space<vmem_shared>>)
        tpu.yield
      }) : () -> ()
      %run_scoped3A_317 = arith.constant 6 : i32
      "tpu.region"() ({
        %run_scoped3A_322 = tpu.sem_alloc : memref<!tpu.dma_semaphore, #tpu.memory_space<semaphore_mem>>
        %dma_start3A_323 = arith.constant 768 : i32
        %dma_start3A_324 = tpu.memref_slice %arg16[%dma_start3A_323] : memref<1024xf32, #tpu.memory_space<vmem>> -> memref<128xf32, #tpu.memory_space<vmem>>
        %dma_start3A_325 = arith.constant 0 : i32
        %dma_start3A_326 = tpu.memref_slice %arg13[%run_scoped3A_317, %dma_start3A_325] : memref<8x128xi32, #tpu.memory_space<vmem>> -> memref<1x128xi32, #tpu.memory_space<vmem>>
        %dma_start3A_327 = tpu.memref_squeeze %dma_start3A_326 : memref<1x128xi32, #tpu.memory_space<vmem>> -> memref<128xi32, #tpu.memory_space<vmem>>
        %dma_start3A_328 = arith.constant 0 : i32
        %dma_start3A_329 = tpu.memref_slice %arg11[%dma_start3A_328] : memref<100096xf32, #tpu.memory_space<vmem_shared>> -> memref<100096xf32, #tpu.memory_space<vmem_shared>>
        tpu.enqueue_indirect_dma source(%dma_start3A_324 : memref<128xf32, #tpu.memory_space<vmem>>) target(%dma_start3A_329 : memref<100096xf32, #tpu.memory_space<vmem_shared>>) offsets(%dma_start3A_327 : memref<128xi32, #tpu.memory_space<vmem>>) semaphore(%run_scoped3A_322 : memref<!tpu.dma_semaphore, #tpu.memory_space<semaphore_mem>>) {add = true}
        %dma_wait3A_330 = arith.constant 768 : i32
        %dma_wait3A_331 = tpu.memref_slice %arg16[%dma_wait3A_330] : memref<1024xf32, #tpu.memory_space<vmem>> -> memref<128xf32, #tpu.memory_space<vmem>>
        %dma_wait3A_332 = arith.constant 0 : i32
        %dma_wait3A_333 = tpu.memref_slice %arg13[%run_scoped3A_317, %dma_wait3A_332] : memref<8x128xi32, #tpu.memory_space<vmem>> -> memref<1x128xi32, #tpu.memory_space<vmem>>
        %dma_wait3A_334 = tpu.memref_squeeze %dma_wait3A_333 : memref<1x128xi32, #tpu.memory_space<vmem>> -> memref<128xi32, #tpu.memory_space<vmem>>
        %dma_wait3A_335 = arith.constant 0 : i32
        %dma_wait3A_336 = tpu.memref_slice %arg11[%dma_wait3A_335] : memref<100096xf32, #tpu.memory_space<vmem_shared>> -> memref<100096xf32, #tpu.memory_space<vmem_shared>>
        tpu.wait_indirect_dma semaphore(%run_scoped3A_322 : memref<!tpu.dma_semaphore, #tpu.memory_space<semaphore_mem>>) src(%dma_wait3A_331 : memref<128xf32, #tpu.memory_space<vmem>>) dst(%dma_wait3A_336 : memref<100096xf32, #tpu.memory_space<vmem_shared>>)
        tpu.yield
      }) : () -> ()
      %run_scoped3A_318 = arith.constant 6 : i32
      "tpu.region"() ({
        %run_scoped3A_322 = tpu.sem_alloc : memref<!tpu.dma_semaphore, #tpu.memory_space<semaphore_mem>>
        %dma_start3A_323 = arith.constant 768 : i32
        %dma_start3A_324 = tpu.memref_slice %arg17[%dma_start3A_323] : memref<1024xf32, #tpu.memory_space<vmem>> -> memref<128xf32, #tpu.memory_space<vmem>>
        %dma_start3A_325 = arith.constant 0 : i32
        %dma_start3A_326 = tpu.memref_slice %arg13[%run_scoped3A_318, %dma_start3A_325] : memref<8x128xi32, #tpu.memory_space<vmem>> -> memref<1x128xi32, #tpu.memory_space<vmem>>
        %dma_start3A_327 = tpu.memref_squeeze %dma_start3A_326 : memref<1x128xi32, #tpu.memory_space<vmem>> -> memref<128xi32, #tpu.memory_space<vmem>>
        %dma_start3A_328 = arith.constant 0 : i32
        %dma_start3A_329 = tpu.memref_slice %arg10[%dma_start3A_328] : memref<100096xf32, #tpu.memory_space<vmem_shared>> -> memref<100096xf32, #tpu.memory_space<vmem_shared>>
        tpu.enqueue_indirect_dma source(%dma_start3A_324 : memref<128xf32, #tpu.memory_space<vmem>>) target(%dma_start3A_329 : memref<100096xf32, #tpu.memory_space<vmem_shared>>) offsets(%dma_start3A_327 : memref<128xi32, #tpu.memory_space<vmem>>) semaphore(%run_scoped3A_322 : memref<!tpu.dma_semaphore, #tpu.memory_space<semaphore_mem>>) {add = true}
        %dma_wait3A_330 = arith.constant 768 : i32
        %dma_wait3A_331 = tpu.memref_slice %arg17[%dma_wait3A_330] : memref<1024xf32, #tpu.memory_space<vmem>> -> memref<128xf32, #tpu.memory_space<vmem>>
        %dma_wait3A_332 = arith.constant 0 : i32
        %dma_wait3A_333 = tpu.memref_slice %arg13[%run_scoped3A_318, %dma_wait3A_332] : memref<8x128xi32, #tpu.memory_space<vmem>> -> memref<1x128xi32, #tpu.memory_space<vmem>>
        %dma_wait3A_334 = tpu.memref_squeeze %dma_wait3A_333 : memref<1x128xi32, #tpu.memory_space<vmem>> -> memref<128xi32, #tpu.memory_space<vmem>>
        %dma_wait3A_335 = arith.constant 0 : i32
        %dma_wait3A_336 = tpu.memref_slice %arg10[%dma_wait3A_335] : memref<100096xf32, #tpu.memory_space<vmem_shared>> -> memref<100096xf32, #tpu.memory_space<vmem_shared>>
        tpu.wait_indirect_dma semaphore(%run_scoped3A_322 : memref<!tpu.dma_semaphore, #tpu.memory_space<semaphore_mem>>) src(%dma_wait3A_331 : memref<128xf32, #tpu.memory_space<vmem>>) dst(%dma_wait3A_336 : memref<100096xf32, #tpu.memory_space<vmem_shared>>)
        tpu.yield
      }) : () -> ()
      %run_scoped3A_319 = arith.constant 7 : i32
      "tpu.region"() ({
        %run_scoped3A_322 = tpu.sem_alloc : memref<!tpu.dma_semaphore, #tpu.memory_space<semaphore_mem>>
        %dma_start3A_323 = arith.constant 896 : i32
        %dma_start3A_324 = tpu.memref_slice %arg16[%dma_start3A_323] : memref<1024xf32, #tpu.memory_space<vmem>> -> memref<128xf32, #tpu.memory_space<vmem>>
        %dma_start3A_325 = arith.constant 0 : i32
        %dma_start3A_326 = tpu.memref_slice %arg13[%run_scoped3A_319, %dma_start3A_325] : memref<8x128xi32, #tpu.memory_space<vmem>> -> memref<1x128xi32, #tpu.memory_space<vmem>>
        %dma_start3A_327 = tpu.memref_squeeze %dma_start3A_326 : memref<1x128xi32, #tpu.memory_space<vmem>> -> memref<128xi32, #tpu.memory_space<vmem>>
        %dma_start3A_328 = arith.constant 0 : i32
        %dma_start3A_329 = tpu.memref_slice %arg11[%dma_start3A_328] : memref<100096xf32, #tpu.memory_space<vmem_shared>> -> memref<100096xf32, #tpu.memory_space<vmem_shared>>
        tpu.enqueue_indirect_dma source(%dma_start3A_324 : memref<128xf32, #tpu.memory_space<vmem>>) target(%dma_start3A_329 : memref<100096xf32, #tpu.memory_space<vmem_shared>>) offsets(%dma_start3A_327 : memref<128xi32, #tpu.memory_space<vmem>>) semaphore(%run_scoped3A_322 : memref<!tpu.dma_semaphore, #tpu.memory_space<semaphore_mem>>) {add = true}
        %dma_wait3A_330 = arith.constant 896 : i32
        %dma_wait3A_331 = tpu.memref_slice %arg16[%dma_wait3A_330] : memref<1024xf32, #tpu.memory_space<vmem>> -> memref<128xf32, #tpu.memory_space<vmem>>
        %dma_wait3A_332 = arith.constant 0 : i32
        %dma_wait3A_333 = tpu.memref_slice %arg13[%run_scoped3A_319, %dma_wait3A_332] : memref<8x128xi32, #tpu.memory_space<vmem>> -> memref<1x128xi32, #tpu.memory_space<vmem>>
        %dma_wait3A_334 = tpu.memref_squeeze %dma_wait3A_333 : memref<1x128xi32, #tpu.memory_space<vmem>> -> memref<128xi32, #tpu.memory_space<vmem>>
        %dma_wait3A_335 = arith.constant 0 : i32
        %dma_wait3A_336 = tpu.memref_slice %arg11[%dma_wait3A_335] : memref<100096xf32, #tpu.memory_space<vmem_shared>> -> memref<100096xf32, #tpu.memory_space<vmem_shared>>
        tpu.wait_indirect_dma semaphore(%run_scoped3A_322 : memref<!tpu.dma_semaphore, #tpu.memory_space<semaphore_mem>>) src(%dma_wait3A_331 : memref<128xf32, #tpu.memory_space<vmem>>) dst(%dma_wait3A_336 : memref<100096xf32, #tpu.memory_space<vmem_shared>>)
        tpu.yield
      }) : () -> ()
      %run_scoped3A_320 = arith.constant 7 : i32
      "tpu.region"() ({
        %run_scoped3A_322 = tpu.sem_alloc : memref<!tpu.dma_semaphore, #tpu.memory_space<semaphore_mem>>
        %dma_start3A_323 = arith.constant 896 : i32
        %dma_start3A_324 = tpu.memref_slice %arg17[%dma_start3A_323] : memref<1024xf32, #tpu.memory_space<vmem>> -> memref<128xf32, #tpu.memory_space<vmem>>
        %dma_start3A_325 = arith.constant 0 : i32
        %dma_start3A_326 = tpu.memref_slice %arg13[%run_scoped3A_320, %dma_start3A_325] : memref<8x128xi32, #tpu.memory_space<vmem>> -> memref<1x128xi32, #tpu.memory_space<vmem>>
        %dma_start3A_327 = tpu.memref_squeeze %dma_start3A_326 : memref<1x128xi32, #tpu.memory_space<vmem>> -> memref<128xi32, #tpu.memory_space<vmem>>
        %dma_start3A_328 = arith.constant 0 : i32
        %dma_start3A_329 = tpu.memref_slice %arg10[%dma_start3A_328] : memref<100096xf32, #tpu.memory_space<vmem_shared>> -> memref<100096xf32, #tpu.memory_space<vmem_shared>>
        tpu.enqueue_indirect_dma source(%dma_start3A_324 : memref<128xf32, #tpu.memory_space<vmem>>) target(%dma_start3A_329 : memref<100096xf32, #tpu.memory_space<vmem_shared>>) offsets(%dma_start3A_327 : memref<128xi32, #tpu.memory_space<vmem>>) semaphore(%run_scoped3A_322 : memref<!tpu.dma_semaphore, #tpu.memory_space<semaphore_mem>>) {add = true}
        %dma_wait3A_330 = arith.constant 896 : i32
        %dma_wait3A_331 = tpu.memref_slice %arg17[%dma_wait3A_330] : memref<1024xf32, #tpu.memory_space<vmem>> -> memref<128xf32, #tpu.memory_space<vmem>>
        %dma_wait3A_332 = arith.constant 0 : i32
        %dma_wait3A_333 = tpu.memref_slice %arg13[%run_scoped3A_320, %dma_wait3A_332] : memref<8x128xi32, #tpu.memory_space<vmem>> -> memref<1x128xi32, #tpu.memory_space<vmem>>
        %dma_wait3A_334 = tpu.memref_squeeze %dma_wait3A_333 : memref<1x128xi32, #tpu.memory_space<vmem>> -> memref<128xi32, #tpu.memory_space<vmem>>
        %dma_wait3A_335 = arith.constant 0 : i32
        %dma_wait3A_336 = tpu.memref_slice %arg10[%dma_wait3A_335] : memref<100096xf32, #tpu.memory_space<vmem_shared>> -> memref<100096xf32, #tpu.memory_space<vmem_shared>>
        tpu.wait_indirect_dma semaphore(%run_scoped3A_322 : memref<!tpu.dma_semaphore, #tpu.memory_space<semaphore_mem>>) src(%dma_wait3A_331 : memref<128xf32, #tpu.memory_space<vmem>>) dst(%dma_wait3A_336 : memref<100096xf32, #tpu.memory_space<vmem_shared>>)
        tpu.yield
      }) : () -> ()
      %scan3A_321 = arith.constant 0 : i32
      scf.yield %scan3A_321 : i32
    }
    %scan3A_26 = arith.constant 49 : i32
    %barrier3A_27 = arith.constant 0 : index
    tpu.barrier barrier_id(%barrier3A_27)
    %mul3A_28 = arith.constant 6256 : i32
    %mul3A_29 = arith.muli %arg1, %mul3A_28 : i32
    %min3A_30 = arith.constant 93744 : i32
    %min3A_31 = arith.minsi %mul3A_29, %min3A_30 : i32
    "tpu.region"() ({
      %run_scoped3A = tpu.sem_alloc : memref<!tpu.dma_semaphore, #tpu.memory_space<semaphore_mem>>
      %dma_start3A = tpu.memref_slice %arg10[%min3A_31] : memref<100096xf32, #tpu.memory_space<vmem_shared>> -> memref<6256xf32, #tpu.memory_space<vmem_shared>>
      %dma_start3A_38 = tpu.memref_slice %arg10[%min3A_31] : memref<100096xf32, #tpu.memory_space<vmem_shared>> -> memref<6256xf32, #tpu.memory_space<vmem_shared>>
      tpu.enqueue_dma source(%dma_start3A_38 : memref<6256xf32, #tpu.memory_space<vmem_shared>>) target(%arg21 : memref<6256xf32, #tpu.memory_space<vmem>>) target_semaphore(%run_scoped3A : memref<!tpu.dma_semaphore, #tpu.memory_space<semaphore_mem>>)
      %dma_wait3A = tpu.memref_slice %arg10[%min3A_31] : memref<100096xf32, #tpu.memory_space<vmem_shared>> -> memref<6256xf32, #tpu.memory_space<vmem_shared>>
      %dma_wait3A_39 = tpu.memref_slice %arg10[%min3A_31] : memref<100096xf32, #tpu.memory_space<vmem_shared>> -> memref<6256xf32, #tpu.memory_space<vmem_shared>>
      tpu.wait_dma2 semaphore(%run_scoped3A : memref<!tpu.dma_semaphore, #tpu.memory_space<semaphore_mem>>) src(%dma_wait3A_39 : memref<6256xf32, #tpu.memory_space<vmem_shared>>) dst(%arg21 : memref<6256xf32, #tpu.memory_space<vmem>>)
      tpu.yield
    }) : () -> ()
    %mul3A_32 = arith.constant 100000 : i32
    %mul3A_33 = arith.muli %arg0, %mul3A_32 : i32
    %add3A_34 = arith.addi %mul3A_33, %min3A_31 : i32
    "tpu.region"() ({
      %run_scoped3A = tpu.sem_alloc : memref<!tpu.dma_semaphore, #tpu.memory_space<semaphore_mem>>
      %dma_start3A = tpu.memref_slice %arg7[%add3A_34] : memref<200000xf32, #tpu.memory_space<hbm>> -> memref<6256xf32, #tpu.memory_space<hbm>>
      %dma_start3A_38 = tpu.memref_slice %arg7[%add3A_34] : memref<200000xf32, #tpu.memory_space<hbm>> -> memref<6256xf32, #tpu.memory_space<hbm>>
      tpu.enqueue_dma source(%arg21 : memref<6256xf32, #tpu.memory_space<vmem>>) target(%dma_start3A_38 : memref<6256xf32, #tpu.memory_space<hbm>>) target_semaphore(%run_scoped3A : memref<!tpu.dma_semaphore, #tpu.memory_space<semaphore_mem>>)
      %dma_wait3A = tpu.memref_slice %arg7[%add3A_34] : memref<200000xf32, #tpu.memory_space<hbm>> -> memref<6256xf32, #tpu.memory_space<hbm>>
      %dma_wait3A_39 = tpu.memref_slice %arg7[%add3A_34] : memref<200000xf32, #tpu.memory_space<hbm>> -> memref<6256xf32, #tpu.memory_space<hbm>>
      tpu.wait_dma2 semaphore(%run_scoped3A : memref<!tpu.dma_semaphore, #tpu.memory_space<semaphore_mem>>) src(%arg21 : memref<6256xf32, #tpu.memory_space<vmem>>) dst(%dma_wait3A_39 : memref<6256xf32, #tpu.memory_space<hbm>>)
      tpu.yield
    }) : () -> ()
    "tpu.region"() ({
      %run_scoped3A = tpu.sem_alloc : memref<!tpu.dma_semaphore, #tpu.memory_space<semaphore_mem>>
      %dma_start3A = tpu.memref_slice %arg11[%min3A_31] : memref<100096xf32, #tpu.memory_space<vmem_shared>> -> memref<6256xf32, #tpu.memory_space<vmem_shared>>
      %dma_start3A_38 = tpu.memref_slice %arg11[%min3A_31] : memref<100096xf32, #tpu.memory_space<vmem_shared>> -> memref<6256xf32, #tpu.memory_space<vmem_shared>>
      tpu.enqueue_dma source(%dma_start3A_38 : memref<6256xf32, #tpu.memory_space<vmem_shared>>) target(%arg21 : memref<6256xf32, #tpu.memory_space<vmem>>) target_semaphore(%run_scoped3A : memref<!tpu.dma_semaphore, #tpu.memory_space<semaphore_mem>>)
      %dma_wait3A = tpu.memref_slice %arg11[%min3A_31] : memref<100096xf32, #tpu.memory_space<vmem_shared>> -> memref<6256xf32, #tpu.memory_space<vmem_shared>>
      %dma_wait3A_39 = tpu.memref_slice %arg11[%min3A_31] : memref<100096xf32, #tpu.memory_space<vmem_shared>> -> memref<6256xf32, #tpu.memory_space<vmem_shared>>
      tpu.wait_dma2 semaphore(%run_scoped3A : memref<!tpu.dma_semaphore, #tpu.memory_space<semaphore_mem>>) src(%dma_wait3A_39 : memref<6256xf32, #tpu.memory_space<vmem_shared>>) dst(%arg21 : memref<6256xf32, #tpu.memory_space<vmem>>)
      tpu.yield
    }) : () -> ()
    %mul3A_35 = arith.constant 100000 : i32
    %mul3A_36 = arith.muli %arg0, %mul3A_35 : i32
    %add3A_37 = arith.addi %mul3A_36, %min3A_31 : i32
    "tpu.region"() ({
      %run_scoped3A = tpu.sem_alloc : memref<!tpu.dma_semaphore, #tpu.memory_space<semaphore_mem>>
      %dma_start3A = tpu.memref_slice %arg8[%add3A_37] : memref<200000xf32, #tpu.memory_space<hbm>> -> memref<6256xf32, #tpu.memory_space<hbm>>
      %dma_start3A_38 = tpu.memref_slice %arg8[%add3A_37] : memref<200000xf32, #tpu.memory_space<hbm>> -> memref<6256xf32, #tpu.memory_space<hbm>>
      tpu.enqueue_dma source(%arg21 : memref<6256xf32, #tpu.memory_space<vmem>>) target(%dma_start3A_38 : memref<6256xf32, #tpu.memory_space<hbm>>) target_semaphore(%run_scoped3A : memref<!tpu.dma_semaphore, #tpu.memory_space<semaphore_mem>>)
      %dma_wait3A = tpu.memref_slice %arg8[%add3A_37] : memref<200000xf32, #tpu.memory_space<hbm>> -> memref<6256xf32, #tpu.memory_space<hbm>>
      %dma_wait3A_39 = tpu.memref_slice %arg8[%add3A_37] : memref<200000xf32, #tpu.memory_space<hbm>> -> memref<6256xf32, #tpu.memory_space<hbm>>
      tpu.wait_dma2 semaphore(%run_scoped3A : memref<!tpu.dma_semaphore, #tpu.memory_space<semaphore_mem>>) src(%arg21 : memref<6256xf32, #tpu.memory_space<vmem>>) dst(%dma_wait3A_39 : memref<6256xf32, #tpu.memory_space<hbm>>)
      tpu.yield
    }) : () -> ()
    return
  }
}

module attributes {stable_mosaic.version = 14 : i64} {
  func.func @body(%arg0: i32, %arg1: memref<5000x5xf32, #tpu.memory_space<vmem>>, %arg2: memref<5x32xf32, #tpu.memory_space<vmem>>, %arg3: memref<32xf32, #tpu.memory_space<vmem>>, %arg4: memref<32xf32, #tpu.memory_space<vmem>>, %arg5: memref<5000x32xf32, #tpu.memory_space<vmem>>, %arg6: memref<5000x1xf32, #tpu.memory_space<vmem>>, %arg7: memref<5000x1xf32, #tpu.memory_space<vmem>>) attributes {dimension_semantics = [#tpu.dimension_semantics<arbitrary>], iteration_bounds = array<i64: 20>, scalar_prefetch = 0 : i64, scratch_operands = 0 : i64, tpu.core_type = #tpu.core_type<tc>, window_params = [{transform_indices = @transform_0, window_bounds = array<i64: 5000, 5>}, {pipeline_mode = #tpu.pipeline_mode<synchronous>, transform_indices = @transform_1, window_bounds = array<i64: 5, 32>}, {pipeline_mode = #tpu.pipeline_mode<synchronous>, transform_indices = @transform_2, window_bounds = array<i64: 32>}, {pipeline_mode = #tpu.pipeline_mode<synchronous>, transform_indices = @transform_3, window_bounds = array<i64: 32>}, {transform_indices = @transform_4, window_bounds = array<i64: 5000, 32>}, {transform_indices = @transform_5, window_bounds = array<i64: 5000, 1>}, {transform_indices = @transform_6, window_bounds = array<i64: 5000, 1>}]} {
    %get3A = arith.constant 0 : index
    %get3A_0 = arith.constant 0 : index
    %get3A_1 = vector.load %arg1[%get3A, %get3A_0] : memref<5000x5xf32, #tpu.memory_space<vmem>>, vector<5000x5xf32>
    %get3A_2 = arith.constant 0 : index
    %get3A_3 = arith.constant 0 : index
    %get3A_4 = vector.load %arg2[%get3A_2, %get3A_3] : memref<5x32xf32, #tpu.memory_space<vmem>>, vector<5x32xf32>
    %dot_general3A = arith.constant dense<0.000000e+00> : vector<5000x32xf32>
    %dot_general3A_5 = tpu.matmul %get3A_1, %get3A_4, %dot_general3A {dimension_numbers = #tpu.dot_dimension_numbers<[1], [0], [0], [1], [0, 0, 1, 1], [], []>, transpose_lhs_hint = false} : vector<5000x5xf32>, vector<5x32xf32>, vector<5000x32xf32> -> vector<5000x32xf32>
    %swap3A = arith.constant 0 : index
    %swap3A_6 = arith.constant 0 : index
    %swap3A_7 = vector.load %arg5[%swap3A, %swap3A_6] : memref<5000x32xf32, #tpu.memory_space<vmem>>, vector<5000x32xf32>
    tpu.vector_store %arg5[%swap3A, %swap3A_6], %dot_general3A_5 {strides = array<i32>} : memref<5000x32xf32, #tpu.memory_space<vmem>>, vector<5000x32xf32>,
    %get3A_8 = arith.constant 0 : index
    %get3A_9 = vector.load %arg3[%get3A_8] : memref<32xf32, #tpu.memory_space<vmem>>, vector<32xf32>
    %broadcast_in_dim3A = vector.shape_cast %get3A_9 : vector<32xf32> to vector<1x32xf32>
    %mul3A = vector.broadcast %broadcast_in_dim3A : vector<1x32xf32> to vector<5000x32xf32>
    %mul3A_10 = arith.mulf %dot_general3A_5, %mul3A : vector<5000x32xf32>
    %reduce_sum3A = arith.constant dense<0.000000e+00> : vector<5000xf32>
    %reduce_sum3A_11 = vector.multi_reduction <add>, %mul3A_10, %reduce_sum3A [1] : vector<5000x32xf32> to vector<5000xf32>
    %broadcast_in_dim3A_12 = vector.shape_cast %reduce_sum3A_11 : vector<5000xf32> to vector<5000x1xf32>
    %swap3A_13 = arith.constant 0 : index
    %swap3A_14 = arith.constant 0 : index
    %swap3A_15 = vector.load %arg6[%swap3A_13, %swap3A_14] : memref<5000x1xf32, #tpu.memory_space<vmem>>, vector<5000x1xf32>
    tpu.vector_store %arg6[%swap3A_13, %swap3A_14], %broadcast_in_dim3A_12 {strides = array<i32>} : memref<5000x1xf32, #tpu.memory_space<vmem>>, vector<5000x1xf32>,
    %get3A_16 = arith.constant 0 : index
    %get3A_17 = vector.load %arg4[%get3A_16] : memref<32xf32, #tpu.memory_space<vmem>>, vector<32xf32>
    %broadcast_in_dim3A_18 = vector.shape_cast %get3A_17 : vector<32xf32> to vector<1x32xf32>
    %mul3A_19 = vector.broadcast %broadcast_in_dim3A_18 : vector<1x32xf32> to vector<5000x32xf32>
    %mul3A_20 = arith.mulf %dot_general3A_5, %mul3A_19 : vector<5000x32xf32>
    %reduce_sum3A_21 = arith.constant dense<0.000000e+00> : vector<5000xf32>
    %reduce_sum3A_22 = vector.multi_reduction <add>, %mul3A_20, %reduce_sum3A_21 [1] : vector<5000x32xf32> to vector<5000xf32>
    %broadcast_in_dim3A_23 = vector.shape_cast %reduce_sum3A_22 : vector<5000xf32> to vector<5000x1xf32>
    %swap3A_24 = arith.constant 0 : index
    %swap3A_25 = arith.constant 0 : index
    %swap3A_26 = vector.load %arg7[%swap3A_24, %swap3A_25] : memref<5000x1xf32, #tpu.memory_space<vmem>>, vector<5000x1xf32>
    tpu.vector_store %arg7[%swap3A_24, %swap3A_25], %broadcast_in_dim3A_23 {strides = array<i32>} : memref<5000x1xf32, #tpu.memory_space<vmem>>, vector<5000x1xf32>,
    return
  }
  func.func @transform_0(%arg0: i32) -> (i32, i32) {
    %c0_i32 = arith.constant 0 : i32
    %c0_i32_0 = arith.constant 0 : i32
    return %arg0, %c0_i32 : i32, i32
  }
  func.func @transform_1(%arg0: i32) -> (i32, i32) {
    %c0_i32 = arith.constant 0 : i32
    %c0_i32_0 = arith.constant 0 : i32
    %c0_i32_1 = arith.constant 0 : i32
    return %c0_i32, %c0_i32_0 : i32, i32
  }
  func.func @transform_2(%arg0: i32) -> i32 {
    %c0_i32 = arith.constant 0 : i32
    %c0_i32_0 = arith.constant 0 : i32
    return %c0_i32 : i32
  }
  func.func @transform_3(%arg0: i32) -> i32 {
    %c0_i32 = arith.constant 0 : i32
    %c0_i32_0 = arith.constant 0 : i32
    return %c0_i32 : i32
  }
  func.func @transform_4(%arg0: i32) -> (i32, i32) {
    %c0_i32 = arith.constant 0 : i32
    %c0_i32_0 = arith.constant 0 : i32
    return %arg0, %c0_i32 : i32, i32
  }
  func.func @transform_5(%arg0: i32) -> (i32, i32) {
    %c0_i32 = arith.constant 0 : i32
    %c0_i32_0 = arith.constant 0 : i32
    return %arg0, %c0_i32 : i32, i32
  }
  func.func @transform_6(%arg0: i32) -> (i32, i32) {
    %c0_i32 = arith.constant 0 : i32
    %c0_i32_0 = arith.constant 0 : i32
    return %arg0, %c0_i32 : i32, i32
  }
}

module attributes {stable_mosaic.version = 14 : i64} {
  func.func @body(%arg0: i32, %arg1: memref<2x5000x16xf32, #tpu.memory_space<vmem>>, %arg2: memref<5000x1xf32, #tpu.memory_space<vmem>>, %arg3: memref<5000x1xf32, #tpu.memory_space<vmem>>, %arg4: memref<32xf32, #tpu.memory_space<vmem>>, %arg5: memref<32x1xf32, #tpu.memory_space<vmem>>, %arg6: memref<5000x1xf32, #tpu.memory_space<vmem>>) attributes {dimension_semantics = [#tpu.dimension_semantics<arbitrary>], iteration_bounds = array<i64: 20>, scalar_prefetch = 0 : i64, scratch_operands = 0 : i64, tpu.core_type = #tpu.core_type<tc>, window_params = [{transform_indices = @transform_0, window_bounds = array<i64: 2, 5000, 16>}, {transform_indices = @transform_1, window_bounds = array<i64: 5000, 1>}, {transform_indices = @transform_2, window_bounds = array<i64: 5000, 1>}, {pipeline_mode = #tpu.pipeline_mode<synchronous>, transform_indices = @transform_3, window_bounds = array<i64: 32>}, {pipeline_mode = #tpu.pipeline_mode<synchronous>, transform_indices = @transform_4, window_bounds = array<i64: 32, 1>}, {transform_indices = @transform_5, window_bounds = array<i64: 5000, 1>}]} {
    %get3A = arith.constant 0 : index
    %get3A_0 = arith.constant 0 : index
    %get3A_1 = arith.constant 0 : index
    %get3A_2 = vector.load %arg1[%get3A, %get3A_0, %get3A_1] : memref<2x5000x16xf32, #tpu.memory_space<vmem>>, vector<1x5000x16xf32>
    %get3A_3 = vector.shape_cast %get3A_2 : vector<1x5000x16xf32> to vector<5000x16xf32>
    %get3A_4 = arith.constant 1 : index
    %get3A_5 = arith.constant 0 : index
    %get3A_6 = arith.constant 0 : index
    %get3A_7 = vector.load %arg1[%get3A_4, %get3A_5, %get3A_6] : memref<2x5000x16xf32, #tpu.memory_space<vmem>>, vector<1x5000x16xf32>
    %get3A_8 = vector.shape_cast %get3A_7 : vector<1x5000x16xf32> to vector<5000x16xf32>
    %concatenate3A = tpu.concatenate %get3A_3, %get3A_8 in 1 : vector<5000x16xf32>, vector<5000x16xf32> -> vector<5000x32xf32>
    %get3A_9 = arith.constant 0 : index
    %get3A_10 = arith.constant 0 : index
    %get3A_11 = vector.load %arg2[%get3A_9, %get3A_10] : memref<5000x1xf32, #tpu.memory_space<vmem>>, vector<5000x1xf32>
    %get3A_12 = arith.constant 0 : index
    %get3A_13 = arith.constant 0 : index
    %get3A_14 = vector.load %arg3[%get3A_12, %get3A_13] : memref<5000x1xf32, #tpu.memory_space<vmem>>, vector<5000x1xf32>
    %add3A = arith.addf %get3A_11, %get3A_14 : vector<5000x1xf32>
    %add3A_15 = arith.constant 1.000000e-16 : f32
    %add3A_16 = vector.broadcast %add3A_15 : f32 to vector<5000x1xf32>
    %add3A_17 = arith.addf %add3A, %add3A_16 : vector<5000x1xf32>
    %div3A = vector.broadcast %add3A_17 : vector<5000x1xf32> to vector<5000x32xf32>
    %div3A_18 = arith.divf %concatenate3A, %div3A : vector<5000x32xf32>
    %get3A_19 = arith.constant 0 : index
    %get3A_20 = vector.load %arg4[%get3A_19] : memref<32xf32, #tpu.memory_space<vmem>>, vector<32xf32>
    %broadcast_in_dim3A = vector.shape_cast %get3A_20 : vector<32xf32> to vector<1x32xf32>
    %add3A_21 = vector.broadcast %broadcast_in_dim3A : vector<1x32xf32> to vector<5000x32xf32>
    %add3A_22 = arith.addf %div3A_18, %add3A_21 : vector<5000x32xf32>
    %max3A = arith.constant 0.000000e+00 : f32
    %max3A_23 = vector.broadcast %max3A : f32 to vector<5000x32xf32>
    %max3A_24 = arith.maximumf %add3A_22, %max3A_23 : vector<5000x32xf32>
    %get3A_25 = arith.constant 0 : index
    %get3A_26 = arith.constant 0 : index
    %get3A_27 = vector.load %arg5[%get3A_25, %get3A_26] : memref<32x1xf32, #tpu.memory_space<vmem>>, vector<32x1xf32>
    %squeeze3A = vector.shape_cast %get3A_27 : vector<32x1xf32> to vector<32xf32>
    %broadcast_in_dim3A_28 = vector.shape_cast %squeeze3A : vector<32xf32> to vector<1x32xf32>
    %mul3A = vector.broadcast %broadcast_in_dim3A_28 : vector<1x32xf32> to vector<5000x32xf32>
    %mul3A_29 = arith.mulf %max3A_24, %mul3A : vector<5000x32xf32>
    %reduce_sum3A = arith.constant dense<0.000000e+00> : vector<5000xf32>
    %reduce_sum3A_30 = vector.multi_reduction <add>, %mul3A_29, %reduce_sum3A [1] : vector<5000x32xf32> to vector<5000xf32>
    %broadcast_in_dim3A_31 = vector.shape_cast %reduce_sum3A_30 : vector<5000xf32> to vector<5000x1xf32>
    %swap3A = arith.constant 0 : index
    %swap3A_32 = arith.constant 0 : index
    %swap3A_33 = vector.load %arg6[%swap3A, %swap3A_32] : memref<5000x1xf32, #tpu.memory_space<vmem>>, vector<5000x1xf32>
    tpu.vector_store %arg6[%swap3A, %swap3A_32], %broadcast_in_dim3A_31 {strides = array<i32>} : memref<5000x1xf32, #tpu.memory_space<vmem>>, vector<5000x1xf32>,
    return
  }
  func.func @transform_0(%arg0: i32) -> (i32, i32, i32) {
    %c0_i32 = arith.constant 0 : i32
    %c0_i32_0 = arith.constant 0 : i32
    %c0_i32_1 = arith.constant 0 : i32
    return %c0_i32, %arg0, %c0_i32_0 : i32, i32, i32
  }
  func.func @transform_1(%arg0: i32) -> (i32, i32) {
    %c0_i32 = arith.constant 0 : i32
    %c0_i32_0 = arith.constant 0 : i32
    return %arg0, %c0_i32 : i32, i32
  }
  func.func @transform_2(%arg0: i32) -> (i32, i32) {
    %c0_i32 = arith.constant 0 : i32
    %c0_i32_0 = arith.constant 0 : i32
    return %arg0, %c0_i32 : i32, i32
  }
  func.func @transform_3(%arg0: i32) -> i32 {
    %c0_i32 = arith.constant 0 : i32
    %c0_i32_0 = arith.constant 0 : i32
    return %c0_i32 : i32
  }
  func.func @transform_4(%arg0: i32) -> (i32, i32) {
    %c0_i32 = arith.constant 0 : i32
    %c0_i32_0 = arith.constant 0 : i32
    %c0_i32_1 = arith.constant 0 : i32
    return %c0_i32, %c0_i32_0 : i32, i32
  }
  func.func @transform_5(%arg0: i32) -> (i32, i32) {
    %c0_i32 = arith.constant 0 : i32
    %c0_i32_0 = arith.constant 0 : i32
    return %arg0, %c0_i32 : i32, i32
  }
}

module attributes {stable_mosaic.version = 14 : i64} {
  func.func @body(%arg0: i32, %arg1: memref<5000x1xf32, #tpu.memory_space<vmem>>, %arg2: memref<5000x1xf32, #tpu.memory_space<vmem>>, %arg3: memref<5000x1xf32, #tpu.memory_space<vmem>>, %arg4: memref<5000x1xf32, #tpu.memory_space<vmem>>, %arg5: memref<1xf32, #tpu.memory_space<vmem>>, %arg6: memref<5000x1xf32, #tpu.memory_space<vmem>>) attributes {dimension_semantics = [#tpu.dimension_semantics<arbitrary>], iteration_bounds = array<i64: 20>, scalar_prefetch = 0 : i64, scratch_operands = 0 : i64, tpu.core_type = #tpu.core_type<tc>, window_params = [{transform_indices = @transform_0, window_bounds = array<i64: 5000, 1>}, {transform_indices = @transform_1, window_bounds = array<i64: 5000, 1>}, {transform_indices = @transform_2, window_bounds = array<i64: 5000, 1>}, {transform_indices = @transform_3, window_bounds = array<i64: 5000, 1>}, {pipeline_mode = #tpu.pipeline_mode<synchronous>, transform_indices = @transform_4, window_bounds = array<i64: 1>}, {transform_indices = @transform_5, window_bounds = array<i64: 5000, 1>}]} {
    %get3A = arith.constant 0 : index
    %get3A_0 = arith.constant 0 : index
    %get3A_1 = vector.load %arg1[%get3A, %get3A_0] : memref<5000x1xf32, #tpu.memory_space<vmem>>, vector<5000x1xf32>
    %get3A_2 = arith.constant 0 : index
    %get3A_3 = arith.constant 0 : index
    %get3A_4 = vector.load %arg2[%get3A_2, %get3A_3] : memref<5000x1xf32, #tpu.memory_space<vmem>>, vector<5000x1xf32>
    %add3A = arith.addf %get3A_1, %get3A_4 : vector<5000x1xf32>
    %get3A_5 = arith.constant 0 : index
    %get3A_6 = arith.constant 0 : index
    %get3A_7 = vector.load %arg3[%get3A_5, %get3A_6] : memref<5000x1xf32, #tpu.memory_space<vmem>>, vector<5000x1xf32>
    %get3A_8 = arith.constant 0 : index
    %get3A_9 = arith.constant 0 : index
    %get3A_10 = vector.load %arg4[%get3A_8, %get3A_9] : memref<5000x1xf32, #tpu.memory_space<vmem>>, vector<5000x1xf32>
    %add3A_11 = arith.addf %get3A_7, %get3A_10 : vector<5000x1xf32>
    %add3A_12 = arith.constant 1.000000e-16 : f32
    %add3A_13 = vector.broadcast %add3A_12 : f32 to vector<5000x1xf32>
    %add3A_14 = arith.addf %add3A_11, %add3A_13 : vector<5000x1xf32>
    %div3A = arith.divf %add3A, %add3A_14 : vector<5000x1xf32>
    %get3A_15 = arith.constant 0 : index
    %get3A_16 = vector.load %arg5[%get3A_15] : memref<1xf32, #tpu.memory_space<vmem>>, vector<1xf32>
    %broadcast_in_dim3A = vector.shape_cast %get3A_16 : vector<1xf32> to vector<1x1xf32>
    %add3A_17 = vector.broadcast %broadcast_in_dim3A : vector<1x1xf32> to vector<5000x1xf32>
    %add3A_18 = arith.addf %div3A, %add3A_17 : vector<5000x1xf32>
    %swap3A = arith.constant 0 : index
    %swap3A_19 = arith.constant 0 : index
    %swap3A_20 = vector.load %arg6[%swap3A, %swap3A_19] : memref<5000x1xf32, #tpu.memory_space<vmem>>, vector<5000x1xf32>
    tpu.vector_store %arg6[%swap3A, %swap3A_19], %add3A_18 {strides = array<i32>} : memref<5000x1xf32, #tpu.memory_space<vmem>>, vector<5000x1xf32>,
    return
  }
  func.func @transform_0(%arg0: i32) -> (i32, i32) {
    %c0_i32 = arith.constant 0 : i32
    %c0_i32_0 = arith.constant 0 : i32
    return %arg0, %c0_i32 : i32, i32
  }
  func.func @transform_1(%arg0: i32) -> (i32, i32) {
    %c0_i32 = arith.constant 0 : i32
    %c0_i32_0 = arith.constant 0 : i32
    return %arg0, %c0_i32 : i32, i32
  }
  func.func @transform_2(%arg0: i32) -> (i32, i32) {
    %c0_i32 = arith.constant 0 : i32
    %c0_i32_0 = arith.constant 0 : i32
    return %arg0, %c0_i32 : i32, i32
  }
  func.func @transform_3(%arg0: i32) -> (i32, i32) {
    %c0_i32 = arith.constant 0 : i32
    %c0_i32_0 = arith.constant 0 : i32
    return %arg0, %c0_i32 : i32, i32
  }
  func.func @transform_4(%arg0: i32) -> i32 {
    %c0_i32 = arith.constant 0 : i32
    %c0_i32_0 = arith.constant 0 : i32
    return %c0_i32 : i32
  }
  func.func @transform_5(%arg0: i32) -> (i32, i32) {
    %c0_i32 = arith.constant 0 : i32
    %c0_i32_0 = arith.constant 0 : i32
    return %arg0, %c0_i32 : i32, i32
  }
}

</mosaic_0001>

<sc_bundles>
// kernel: kernel.11.cloned.1.call-start
scs
__scs_entry_jumppad:
0x0: {  	(pc) =	sbr.rel $0x88, $3  }
0x1: {  	(tag) =	ssettag $0x0;
	lr =	simm.s32 $0x1  }
0x2: {  	[smem:$0x3F97] =	sst lr;
	_ =	strace $0xD0000000  }
0x3: {  	_ = 	snop  }
0x4: {  	_ = 	snop  }
0x5: {  	_ = 	snop  }
0x6: {  	_ = 	snop  }
0x7: {  	_ = 	snop  }
__scs_overlays_trampoline_lowered:
0x8: {  	[smem:$0x3FA6] =	sst s0  }
0x9: {  	[smem:$0x3FA7] =	sst s1  }
0xa: {  	[smem:$0x3FA8] =	sst s2  }
0xb: {  	[smem:$0x3FA9] =	sst s3  }
0xc: {  	[smem:$0x3FAA] =	sst s4  }
0xd: {  	[smem:$0x3FAB] =	sst s5  }
0xe: {  	[smem:$0x3FAC] =	sst s6  }
0xf: {  	[smem:$0x3FAD] =	sst s7  }
0x10: {  	[smem:$0x3FAE] =	sst s8  }
0x11: {  	[smem:$0x3FAF] =	sst s9;
	s0 =	simm.s32 @!p0 $0x0  }
0x12: {  	s1 =	sld [smem:$0x3F95];
	s0 =	simm.s32 @p0 $0x1  }
0x13: {  	[smem:$0x3FB0] =	sst s0;
	s0 =	simm.s32 @!p1 $0x0  }
0x14: {  	s2 =	sld [smem:$0x3F94];
	s0 =	simm.s32 @p1 $0x1  }
0x15: {  	[smem:$0x3FB1] =	sst s0;
	s0 =	simm.s32 @!p2 $0x0  }
0x16: {  	s3 =	sld [smem:$0x3FDB];
	s0 =	simm.s32 @p2 $0x1  }
0x17: {  	s4 =	simm.s32 $0x1BF5;
	[smem:$0x3FB3] =	sst s0  }
0x18: {  	s0 =	sld [smem:$0x3F96];
	_ =	swait.ge [sflag:s4], $0x0  }
0x19: {  	s7 =	sld [smem:$0x3F97]  }
0x1a: {  	s8 =	sadd.s32 $0xFFFFE003, lr  }
0x1b: {  	s9 =	sadd.s32 $0xFFFFFEF7, lr;
	s5 =	simm.s32 $0xFFFFFFFF;
	p2 =	slt.u32 s8, $0xFFFFF086  }
0x1c: {  	p1 =	slt.u32 s9, $0xF7A;
	s5 =	simm.s32 @!p2 $0x0  }
0x1d: {  	s5 =	simm.s32 @p1 $0x1;
	p0 =	seq.s32 s7, s2  }
0x1e: {  	s7 =	smul.u32 @!p0 $0xF7A, s2;
	p2 =	seq.s32 @!p0 s5, $0x0  }
0x1f: {  	s9 =	smul.u32 $0xF7A, s1;
	s8 =	simm.s32 @!p0 $0x1BF5;
	p2 =	por !p2, p0  }
0x20: {  	[sflag:s8] =	ssyncset.s32 @!p0 $0xFFFFF086;
	s6 =	sadd.s32 @!p0 s3, s7;
	s7 =	simm.s32 @!p0 $0x108  }
0x21: {  	s3 =	sadd.s32 s3, s9;
	s6 =	sadd.s32 @!p0 $0x88, s6;
	s7 =	simm.s32 @p2 $0x1082  }
0x22: {  	[simem:s7], [sflag:s8] =	dma.local @!p0 [hbm:s6], $0xF7A  }
0x23: {  	s9 =	sor.u32 $0xD0000000, s2;
	s6 =	simm.s32 $0x108;
	_ =	swait.ge @!p0 [sflag:s8], $0x0  }
0x24: {  	s3 =	sadd.s32 $0x88, s3;
	s6 =	simm.s32 @!p1 $0x1082;
	[sflag:s4] =	ssyncset.s32 $0xFFFFF086  }
0x25: {  	[simem:s6], [sflag:s4] =	dma.local [hbm:s3], $0xF7A  }
0x26: {  	[smem:$0x3F97] =	sst s1;
	(tag) =	ssettag s2;
	_ =	strace s9  }
0x27: {  	s1 =	sld [smem:$0x3FA7]  }
0x28: {  	s2 =	sld [smem:$0x3FA8]  }
0x29: {  	s4 =	sld [smem:$0x3FAA]  }
0x2a: {  	p0 =	seq.s32 s5, $0x0;
	s5 =	sld [smem:$0x3FAB]  }
0x2b: {  	s6 =	sld [smem:$0x3FAC]  }
0x2c: {  	s7 =	sld [smem:$0x3FAD]  }
0x2d: {  	s3 =	simm.s32 $0x108;
	s8 =	sld [smem:$0x3FAE]  }
0x2e: {  	s3 =	simm.s32 @!p0 $0x1082;
	s9 =	sld [smem:$0x3FAF]  }
0x2f: {  	lr =	sadd.s32 s0, s3;
	s0 =	sld [smem:$0x3FA6]  }
0x30: {  	s3 =	sld [smem:$0x3FA9]  }
0x31: {  	[smem:$0x3FB2] =	sst s10  }
0x32: {  	s10 =	sld [smem:$0x3FB0];
	_ =	sdelay $0x3  }
0x33: {  	p0 =	seq.s32 s10, $0x1;
	s10 =	sld [smem:$0x3FB2];
	_ =	sdelay $0x3  }
0x34: {  	[smem:$0x3FB2] =	sst s10  }
0x35: {  	s10 =	sld [smem:$0x3FB1];
	_ =	sdelay $0x3  }
0x36: {  	p1 =	seq.s32 s10, $0x1;
	s10 =	sld [smem:$0x3FB2];
	_ =	sdelay $0x3  }
0x37: {  	[smem:$0x3FB2] =	sst s10  }
0x38: {  	s10 =	sld [smem:$0x3FB3]  }
0x39: {  	_ = 	snop;
	(pc) =	sbr.ind lr, $3  }
0x3a: {  	_ = 	snop  }
0x3b: {  	_ = 	snop  }
0x3c: {  	p2 =	seq.s32 s10, $0x1;
	s10 =	sld [smem:$0x3FB2]  }
0x3d: {  	_ =	shalt  }
0x3e: {  	_ =	shalt  }
0x3f: {  	_ =	shalt  }
0x40: {  	_ =	shalt  }
0x41: {  	_ =	shalt  }
0x42: {  	_ =	shalt  }
0x43: {  	_ =	shalt  }
0x44: {  	_ =	shalt  }
0x45: {  	_ =	shalt  }
0x46: {  	_ =	shalt  }
0x47: {  	_ =	shalt  }
0x48: {  	_ =	shalt  }
0x49: {  	_ =	shalt  }
0x4a: {  	_ =	shalt  }
0x4b: {  	_ =	shalt  }
0x4c: {  	_ =	shalt  }
0x4d: {  	_ =	shalt  }
0x4e: {  	_ =	shalt  }
0x4f: {  	_ =	shalt  }
0x50: {  	_ =	shalt  }
0x51: {  	_ =	shalt  }
0x52: {  	_ =	shalt  }
0x53: {  	_ =	shalt  }
0x54: {  	_ =	shalt  }
0x55: {  	_ =	shalt  }
0x56: {  	_ =	shalt  }
0x57: {  	_ =	shalt  }
0x58: {  	_ =	shalt  }
0x59: {  	_ =	shalt  }
0x5a: {  	_ =	shalt  }
0x5b: {  	_ =	shalt  }
0x5c: {  	_ =	shalt  }
0x5d: {  	_ =	shalt  }
0x5e: {  	_ =	shalt  }
0x5f: {  	_ =	shalt  }
0x60: {  	_ =	shalt  }
0x61: {  	_ =	shalt  }
0x62: {  	_ =	shalt  }
0x63: {  	_ =	shalt  }
0x64: {  	_ =	shalt  }
0x65: {  	_ =	shalt  }
0x66: {  	_ =	shalt  }
0x67: {  	_ =	shalt  }
0x68: {  	_ =	shalt  }
0x69: {  	_ =	shalt  }
0x6a: {  	_ =	shalt  }
0x6b: {  	_ =	shalt  }
0x6c: {  	_ =	shalt  }
0x6d: {  	_ =	shalt  }
0x6e: {  	_ =	shalt  }
0x6f: {  	_ =	shalt  }
0x70: {  	_ =	shalt  }
0x71: {  	_ =	shalt  }
0x72: {  	_ =	shalt  }
0x73: {  	_ =	shalt  }
0x74: {  	_ =	shalt  }
0x75: {  	_ =	shalt  }
0x76: {  	_ =	shalt  }
0x77: {  	_ =	shalt  }
0x78: {  	_ =	shalt  }
0x79: {  	_ =	shalt  }
0x7a: {  	_ =	shalt  }
0x7b: {  	_ =	shalt  }
0x7c: {  	_ =	shalt  }
0x7d: {  	_ =	shalt  }
0x7e: {  	_ =	shalt  }
0x7f: {  	_ =	shalt  }
0x80: {  	_ =	shalt  }
0x81: {  	_ =	shalt  }
0x82: {  	_ =	shalt  }
0x83: {  	_ =	shalt  }
0x84: {  	_ =	shalt  }
0x85: {  	_ =	shalt  }
0x86: {  	_ =	shalt  }
0x87: {  	_ =	shalt  }
.Lfunc_end0:
.L_simem_size_0:
called_computation.1_lowered:
.L_overlay_start_0:
0x88: {  	s2 =	sld [smem:$0x3FD9]  }
0x89: {  	s3 =	sld [smem:$0x3FFE];
	_ =	sdelay $0x1  }
0x8a: {  	s1 =	srdreg.scid  }
0x8b: {  	s0 =	sand.u32 $0x1, s1  }
0x8c: {  	s16 =	sshll.u32 s0, $0xA;
	s2 =	sadd.s32 s3, s2  }
0x8d: {  	s2 =	sadd.s32 s2, s16  }
0x8e: {  	[smem:$0x3FBE] =	sst s2  }
0x8f: {  	_ = 	snop  }
0x90: {  	(tm) =	ssettm $0x1  }
0x91: {  	s17 =	sld [smem:$0x3FFB];
	_ =	sdelay $0x3  }
0x92: {  	_ =	strace s17  }
0x93: {  	s2 =	sld [smem:$0x3FFC];
	_ =	sdelay $0x3  }
0x94: {  	_ =	strace s2  }
0x95: {  	s2 =	sld [smem:$0x3FFD];
	_ =	sdelay $0x3  }
0x96: {  	_ =	strace s2  }
0x97: {  	_ =	strace $0x8FFFFFFF  }
0x98: {  	s18 =	sld [smem:$0x3FDB];
	_ =	sdelay $0x1  }
0x99: {  	s19 =	simm.s32 $_scs_section_size  }
0x9a: {  	s4 =	simm.s32 $_size__tile_overlayer_lowered;
	s5 =	simm.s32 $_tile_overlayer_lowered  }
0x9b: {  	s22 =	simm.s32 $0x1BFF;
	s21 =	sshll.u32 s5, $0x1;
	s2 =	sadd.s32 s19, s18  }
0x9c: {  	s6 =	simm.s32 $0x0;
	s20 =	sshll.u32 s4, $0x1;
	s4 =	sadd.s32 s21, s2  }
0x9d: {  	[timem:s6], [sflag:s22] =	dma.local [hbm:s4], s20  }
0x9e: {  	_ =	swait.ge [sflag:s22], s20  }
0x9f: {  	s3 =	ssub.s32 $0x0, s20;
	[sflag:s22] =	ssyncset.done $0x0  }
0xa0: {  	[sflag:s22] =	ssyncadd.s32 s3;
	_ =	sdelay $0x1  }
0xa1: {  	s23 =	simm.s32 $0x1B8B  }
0xa2: {  	_ =	swait.ge [sflag:s23], $0x1  }
0xa3: {  	[sflag:s23] =	ssyncset.done $0x0  }
0xa4: {  	s25 =	simm.s32 $0x1B8E;
	s24 =	sld [smem:$0x3FFE];
	[sflag:s23] =	ssyncadd.s32 $0xFFFFFFFF  }
0xa5: {  	s26 =	simm.s32 $execute0_lowered;
	[smem:$0x3FD2] =	sst s25  }
0xa6: {  	s4 =	sshll.u32 s26, $0x1;
	_ =	strace $0x80000049;
	[dreg:$0x1] =	wrdreg $0xFFFFFFFF  }
0xa7: {  	s28 =	simm.s32 $_size_execute0_lowered;
	s2 =	sadd.s32 s2, s4;
	[dreg:$0x0] =	wrdreg $0x0  }
0xa8: {  	s4 =	sshll.u32 s28, $0x1;
	[dreg:$0x2] =	wrdreg s2  }
0xa9: {  	[dreg:$0x3] =	wrdreg s4  }
0xaa: {  	[dreg:$0x4] =	wrdreg $0xC0  }
0xab: {  	_ =	task [dreg:s6], $0x5FFFF  }
0xac: {  	[dreg:$0x1] =	wrdreg $0xFFFFFFFF  }
0xad: {  	[dreg:$0x0] =	wrdreg $0x60  }
0xae: {  	[dreg:$0x2] =	wrdreg s24  }
0xaf: {  	[dreg:$0x3] =	wrdreg $0x0  }
0xb0: {  	[dreg:$0x4] =	wrdreg $0x9  }
0xb1: {  	_ =	task.clear_ibuf [dreg:s6], $0x5FFFF;
	_ =	strace $0x90000049  }
0xb2: {  	s29 =	simm.s32 $0x9;
	_ =	strace $0x8000004B  }
0xb3: {  	_ =	swait.ge [sflag:s29], $0x1  }
0xb4: {  	[sflag:s29] =	ssyncadd.s32 $0xFFFFFFFF  }
0xb5: {  	_ =	strace $0x9000004B  }
0xb6: {  	_ =	sfence  }
0xb7: {  	s30 =	sld [smem:$0x0];
	_ =	sdelay $0x2  }
0xb8: {  	s31 =	sshll.u32 s1, $0xD;
	s1 =	sshrl.u32 s1, $0x2  }
0xb9: {  	s3 =	sand.u32 $0x4000, s31;
	s1 =	sadd.s32 s1, s30  }
0xba: {  	s0 =	sor.u32 s3, s0;
	s1 =	sshll.u32 s1, $0x11  }
0xbb: {  	s0 =	sor.u32 s1, s0  }
0xbc: {  	s0 =	sadd.s32 $0x8F2B, s0  }
0xbd: {  	[sflag:s0] =	ssyncadd.remote.s32 $0x1  }
0xbe: {  	_ =	sfence.sel $0xFFFF  }
0xbf: {  	[dreg:$0x0] =	wrdreg $0xFFFFFFFF;
	(pc) =	sbr.abs _section_cstart, $3  }
0xc0: {  	[dreg:$0x1] =	wrdreg $0xFFFFFFFF  }
0xc1: {  	_ =	task.clear_ibuf [dreg:s6], $0x2FFFF;
	_ =	strace $0x9FFFFFFF  }
0xc2: {  	(tm) =	ssettm $0x7FFFFFFF  }
0xc3: {  	_ =	shalt  }
tec
execute0_lowered:
.L_overlay_start_1:
0x0: {  	(tag) =	ssettag $0x1  }
0x1: {  	s0 =	srdreg.scid;
	s11 =	stileid.u32  }
0x2: {  	s1 =	rddreg [dreg:$0x0];
	s0 =	sand.u32 $0x1, s0;
	s3 =	smul.u32 $0x1870, s11  }
0x3: {  	s2 =	rddreg [dreg:$0x1];
	s4 =	simm.s32 $0x0;
	s5 =	smul.u32 $0x186A0, s0  }
0x4: {  	[smem:$0x7FF] =	sst s4;
	s3 =	smin.u32 s3, $0x16E30  }
0x5: {  	s4 =	sadd.s32 $0x7800, s1;
	s6 =	sadd.s32 $0x6FA00, s1;
	s7 =	sadd.s32 s5, s3  }
0x6: {  	s5 =	sadd.s32 $0x38800, s1;
	s3 =	sshll.u32 s3, $0x4;
	s8 =	sshll.u32 s7, $0x1  }
0x7: {  	s7 =	sadd.s32 $0xA0A00, s1;
	s3 =	sadd.s32 s3, s2;
	s1 =	sadd.s32 s8, s1  }
0x8: {  	_ =	strace $0x8000004A;
	[dreg:$0x12] =	wrdreg s3;
	s9 =	sadd.s32 $0x102600, s1  }
0x9: {  	s14 =	sadd.s32 $0x1028E0, s1;
	[dreg:$0x3] =	wrdreg s9  }
0xa: {  	s10 =	sadd.s32 $0x102BC0, s1;
	[dreg:$0x4] =	wrdreg s14  }
0xb: {  	s16 =	sadd.s32 $0x102EA0, s1;
	[dreg:$0x5] =	wrdreg s10  }
0xc: {  	s12 =	sadd.s32 $0x103180, s1;
	[dreg:$0x6] =	wrdreg s16  }
0xd: {  	s18 =	sadd.s32 $0x103460, s1;
	[dreg:$0x7] =	wrdreg s12  }
0xe: {  	s19 =	sadd.s32 $0x103740, s1;
	[dreg:$0x8] =	wrdreg s18  }
0xf: {  	s20 =	sadd.s32 $0x103A20, s1;
	[dreg:$0x9] =	wrdreg s19  }
0x10: {  	s21 =	sadd.s32 $0x103D00, s1;
	[dreg:$0xa] =	wrdreg s20  }
0x11: {  	s22 =	sadd.s32 $0x103FE0, s1;
	[dreg:$0xb] =	wrdreg s21  }
0x12: {  	s23 =	sadd.s32 $0x1042C0, s1;
	[dreg:$0xc] =	wrdreg s22  }
0x13: {  	s24 =	sadd.s32 $0x1045A0, s1;
	[dreg:$0xe] =	wrdreg s23  }
0x14: {  	s13 =	smul.u32 $0x61C00, s11;
	s25 =	sadd.s32 $0x104880, s1;
	[dreg:$0xf] =	wrdreg s24  }
0x15: {  	s26 =	sadd.s32 $0x104B60, s1;
	[dreg:$0x10] =	wrdreg s25  }
0x16: {  	s8 =	sshrl.u32 s13, $0x2;
	s31 =	sadd.s32 $0x104E40, s1;
	[dreg:$0x11] =	wrdreg s26  }
0x17: {  	s8 =	sadd.s32 s8, s2;
	[dreg:$0x13] =	wrdreg s31  }
0x18: {  	s12 =	sadd.s32 $0x105120, s1;
	[dreg:$0xd] =	wrdreg s8  }
0x19: {  	s15 =	ssub.s32 $0x2, s0;
	s1 =	sadd.s32 $0x105400, s1;
	[dreg:$0x14] =	wrdreg s12  }
0x1a: {  	s17 =	sshrl.u32 s15, $0x1;
	s14 =	sadd.s32 $0x1700, s8;
	[dreg:$0x15] =	wrdreg s1  }
0x1b: {  	s9 =	ssub.s32 s15, s17;
	s15 =	sadd.s32 $0x2E00, s8;
	[dreg:$0x17] =	wrdreg s14  }
0x1c: {  	s16 =	sadd.s32 $0x4500, s8;
	[dreg:$0x18] =	wrdreg s15  }
0x1d: {  	s17 =	sadd.s32 $0x5C00, s8;
	[dreg:$0x19] =	wrdreg s16  }
0x1e: {  	s18 =	sadd.s32 $0x7300, s8;
	[dreg:$0x1a] =	wrdreg s17  }
0x1f: {  	s19 =	sadd.s32 $0x8A00, s8;
	[dreg:$0x1b] =	wrdreg s18  }
0x20: {  	s20 =	sadd.s32 $0xA100, s8;
	[dreg:$0x1c] =	wrdreg s19  }
0x21: {  	s21 =	sadd.s32 $0xB800, s8;
	[dreg:$0x1d] =	wrdreg s20  }
0x22: {  	s22 =	sadd.s32 $0xCF00, s8;
	[dreg:$0x1e] =	wrdreg s21  }
0x23: {  	s23 =	sadd.s32 $0xE600, s8;
	[dreg:$0x1f] =	wrdreg s22  }
0x24: {  	s24 =	sadd.s32 $0xFD00, s8;
	[smem:$0x7E7] =	sst s23  }
0x25: {  	s25 =	sadd.s32 $0x11400, s8;
	[smem:$0x7E8] =	sst s24  }
0x26: {  	s26 =	sadd.s32 $0x12B00, s8;
	[smem:$0x7E9] =	sst s25  }
0x27: {  	s31 =	sadd.s32 $0x14200, s8;
	[smem:$0x7EA] =	sst s26  }
0x28: {  	s10 =	sadd.s32 $0x17000, s8;
	[smem:$0x7EB] =	sst s31  }
0x29: {  	s13 =	smax.u32 s9, $0x1;
	[smem:$0x7ED] =	sst s10  }
0x2a: {  	s9 =	sadd.s32 $0x15900, s8;
	[dreg:$0x16] =	wrdreg s13  }
0x2b: {  	s20 =	smul.u32 $0x18800, s11;
	s11 =	sadd.s32 $0x1700, s3;
	[smem:$0x7EC] =	sst s9  }
0x2c: {  	s12 =	sadd.s32 $0x2E00, s3;
	[smem:$0x7EE] =	sst s11  }
0x2d: {  	s14 =	sadd.s32 $0x5C00, s3;
	[smem:$0x7EF] =	sst s12  }
0x2e: {  	s15 =	sadd.s32 $0x7300, s3;
	[smem:$0x7F1] =	sst s14  }
0x2f: {  	s16 =	sadd.s32 $0x8A00, s3;
	[smem:$0x7F2] =	sst s15  }
0x30: {  	s17 =	sadd.s32 $0xA100, s3;
	[smem:$0x7F3] =	sst s16  }
0x31: {  	s18 =	sadd.s32 $0xB800, s3;
	[smem:$0x7F4] =	sst s17  }
0x32: {  	s19 =	sadd.s32 $0xCF00, s3;
	[smem:$0x7F5] =	sst s18  }
0x33: {  	s21 =	sadd.s32 $0xE600, s3;
	[smem:$0x7F6] =	sst s19  }
0x34: {  	s28 =	simm.s32 $0x1A700;
	s22 =	sadd.s32 $0xFD00, s3;
	[smem:$0x7F7] =	sst s21  }
0x35: {  	s30 =	simm.s32 $0x1AF00;
	s23 =	sadd.s32 $0x11400, s3;
	[smem:$0x7F8] =	sst s22  }
0x36: {  	s29 =	simm.s32 $0x0;
	s24 =	sadd.s32 $0x12B00, s3;
	[smem:$0x7F9] =	sst s23  }
0x37: {  	s25 =	sadd.s32 $0x14200, s3;
	s26 =	sadd.s32 $0x15900, s3;
	[smem:$0x7FA] =	sst s24  }
0x38: {  	s31 =	sadd.s32 $0x17000, s3;
	s1 =	simm.s32 $0x1B700;
	[smem:$0x7FB] =	sst s25  }
0x39: {  	s8 =	simm.s32 $0x1BF00;
	s10 =	simm.s32 $0x1C700;
	[smem:$0x7FC] =	sst s26  }
0x3a: {  	v1 =	vimm.f32 $0.0e+00;
	v2 =	vimm.s32 $0x0;
	v3 =	vimm.s32 $0x1;
	s13 =	sadd.s32 $0x4500, s3;
	[smem:$0x7FD] =	sst s31;
	s14 =	simm.s32 $0x2  }
0x3b: {  	v4 =	vimm.s32 $0x2;
	v5 =	vimm.s32 $0x3;
	v6 =	vimm.s32 $0x4;
	s16 =	simm.s32 $0x18B00;
	s19 =	simm.s32 $0x80;
	s22 =	simm.s32 $0x19700  }
0x3c: {  	v7 =	vimm.s32 $0x5;
	v8 =	vimm.s32 $0x6;
	v9 =	vimm.s32 $0x7;
	s25 =	simm.s32 $0x19F00;
	s12 =	simm.s32 $0x1CF00;
	s18 =	simm.s32 $0x1  }
0x3d: {  	v10 =	vimm.s32 $0x8;
	v11 =	vimm.s32 $0x9;
	v12 =	vimm.s32 $0xA;
	s3 =	simm.s32 $0x18C00;
	s15 =	simm.s32 $0x18C80;
	s17 =	simm.s32 $0x18D00  }
0x3e: {  	v13 =	vimm.s32 $0xB;
	v14 =	vimm.s32 $0xC;
	v15 =	vimm.s32 $0xD;
	s21 =	simm.s32 $0x18D80;
	s24 =	simm.s32 $0x18E00;
	s26 =	simm.s32 $0x18E80  }
0x3f: {  	v16 =	vimm.s32 $0xE;
	v17 =	vimm.s32 $0xF;
	v0 =	vmov s0;
	s9 =	simm.s32 $0x0;
	[smem:$0x7F0] =	sst s13;
	s13 =	simm.s32 $0x1D700  }
.LBB2_1:
0x40: {  	[smem:$0x7E6] =	sst s9;
	s0 =	simm.s32 $0x40;
	s9 =	simm.s32 $0x0  }
.LBB2_2:
0x41: {  	p0 =	sne.s32 s0, $0x5BC0;
	[tilespmem:s9+$0x1D700] =	vst v1;
	s9 =	smov.u32 s0;
	s0 =	sadd.s32 $0x40, s0  }
.Ltmp0:
0x42: {  	(pc) =	sbr.rel @p0 .LBB2_2-.Ltmp0, $2  }
0x43: {  	_ =	sdelay $0x2  }
0x44: {  	s9 =	sshra.s32 s9, $0x2  }
0x45: {  	[tilespmem:s9+$0x1D700] =	vst v1;
	s0 =	rddreg [dreg:$0xd]  }
0x46: {  	[spmem:s0] =	stream.linear.scatter [tilespmem:s13], [sflag:$0x2], $0x1700, $0x38;
	[tilespmem:$0x1EE00] =	vst v63  }
0x47: {  	_ =	swait.ge [sflag:s14], $0x1700  }
0x48: {  	[sflag:s14] =	ssyncset.done $0x0  }
0x49: {  	s23 =	rddreg [dreg:$0x17];
	[sflag:s14] =	ssyncadd.s32 $0xFFFFE900  }
0x4a: {  	[spmem:s23] =	stream.linear.scatter [tilespmem:s13], [sflag:$0x2], $0x1700, $0x38;
	[tilespmem:$0x1EE00] =	vst v63  }
0x4b: {  	_ =	swait.ge [sflag:s14], $0x1700  }
0x4c: {  	[sflag:s14] =	ssyncset.done $0x0  }
0x4d: {  	s9 =	rddreg [dreg:$0x18];
	[sflag:s14] =	ssyncadd.s32 $0xFFFFE900  }
0x4e: {  	[spmem:s9] =	stream.linear.scatter [tilespmem:s13], [sflag:$0x2], $0x1700, $0x38;
	[tilespmem:$0x1EE00] =	vst v63  }
0x4f: {  	_ =	swait.ge [sflag:s14], $0x1700  }
0x50: {  	[sflag:s14] =	ssyncset.done $0x0  }
0x51: {  	s11 =	rddreg [dreg:$0x19];
	[sflag:s14] =	ssyncadd.s32 $0xFFFFE900  }
0x52: {  	[spmem:s11] =	stream.linear.scatter [tilespmem:s13], [sflag:$0x2], $0x1700, $0x38;
	[tilespmem:$0x1EE00] =	vst v63  }
0x53: {  	_ =	swait.ge [sflag:s14], $0x1700  }
0x54: {  	[sflag:s14] =	ssyncset.done $0x0  }
0x55: {  	s23 =	rddreg [dreg:$0x1a];
	[sflag:s14] =	ssyncadd.s32 $0xFFFFE900  }
0x56: {  	[spmem:s23] =	stream.linear.scatter [tilespmem:s13], [sflag:$0x2], $0x1700, $0x38;
	[tilespmem:$0x1EE00] =	vst v63  }
0x57: {  	_ =	swait.ge [sflag:s14], $0x1700  }
0x58: {  	[sflag:s14] =	ssyncset.done $0x0  }
0x59: {  	s9 =	rddreg [dreg:$0x1b];
	[sflag:s14] =	ssyncadd.s32 $0xFFFFE900  }
0x5a: {  	[spmem:s9] =	stream.linear.scatter [tilespmem:s13], [sflag:$0x2], $0x1700, $0x38;
	[tilespmem:$0x1EE00] =	vst v63  }
0x5b: {  	_ =	swait.ge [sflag:s14], $0x1700  }
0x5c: {  	[sflag:s14] =	ssyncset.done $0x0  }
0x5d: {  	s11 =	rddreg [dreg:$0x1c];
	[sflag:s14] =	ssyncadd.s32 $0xFFFFE900  }
0x5e: {  	[spmem:s11] =	stream.linear.scatter [tilespmem:s13], [sflag:$0x2], $0x1700, $0x38;
	[tilespmem:$0x1EE00] =	vst v63  }
0x5f: {  	_ =	swait.ge [sflag:s14], $0x1700  }
0x60: {  	[sflag:s14] =	ssyncset.done $0x0  }
0x61: {  	s23 =	rddreg [dreg:$0x1d];
	[sflag:s14] =	ssyncadd.s32 $0xFFFFE900  }
0x62: {  	[spmem:s23] =	stream.linear.scatter [tilespmem:s13], [sflag:$0x2], $0x1700, $0x38;
	[tilespmem:$0x1EE00] =	vst v63  }
0x63: {  	_ =	swait.ge [sflag:s14], $0x1700  }
0x64: {  	[sflag:s14] =	ssyncset.done $0x0  }
0x65: {  	s9 =	rddreg [dreg:$0x1e];
	[sflag:s14] =	ssyncadd.s32 $0xFFFFE900  }
0x66: {  	[spmem:s9] =	stream.linear.scatter [tilespmem:s13], [sflag:$0x2], $0x1700, $0x38;
	[tilespmem:$0x1EE00] =	vst v63  }
0x67: {  	_ =	swait.ge [sflag:s14], $0x1700  }
0x68: {  	[sflag:s14] =	ssyncset.done $0x0  }
0x69: {  	s11 =	rddreg [dreg:$0x1f];
	[sflag:s14] =	ssyncadd.s32 $0xFFFFE900  }
0x6a: {  	[spmem:s11] =	stream.linear.scatter [tilespmem:s13], [sflag:$0x2], $0x1700, $0x38;
	[tilespmem:$0x1EE00] =	vst v63  }
0x6b: {  	_ =	swait.ge [sflag:s14], $0x1700  }
0x6c: {  	s23 =	sld [smem:$0x7E7]  }
0x6d: {  	[sflag:s14] =	ssyncset.done $0x0  }
0x6e: {  	[sflag:s14] =	ssyncadd.s32 $0xFFFFE900  }
0x6f: {  	[spmem:s23] =	stream.linear.scatter [tilespmem:s13], [sflag:$0x2], $0x1700, $0x38;
	[tilespmem:$0x1EE00] =	vst v63  }
0x70: {  	_ =	swait.ge [sflag:s14], $0x1700  }
0x71: {  	s9 =	sld [smem:$0x7E8]  }
0x72: {  	[sflag:s14] =	ssyncset.done $0x0  }
0x73: {  	[sflag:s14] =	ssyncadd.s32 $0xFFFFE900  }
0x74: {  	[spmem:s9] =	stream.linear.scatter [tilespmem:s13], [sflag:$0x2], $0x1700, $0x38;
	[tilespmem:$0x1EE00] =	vst v63  }
0x75: {  	_ =	swait.ge [sflag:s14], $0x1700  }
0x76: {  	s11 =	sld [smem:$0x7E9]  }
0x77: {  	[sflag:s14] =	ssyncset.done $0x0  }
0x78: {  	[sflag:s14] =	ssyncadd.s32 $0xFFFFE900  }
0x79: {  	[spmem:s11] =	stream.linear.scatter [tilespmem:s13], [sflag:$0x2], $0x1700, $0x38;
	[tilespmem:$0x1EE00] =	vst v63  }
0x7a: {  	_ =	swait.ge [sflag:s14], $0x1700  }
0x7b: {  	s23 =	sld [smem:$0x7EA]  }
0x7c: {  	[sflag:s14] =	ssyncset.done $0x0  }
0x7d: {  	[sflag:s14] =	ssyncadd.s32 $0xFFFFE900  }
0x7e: {  	[spmem:s23] =	stream.linear.scatter [tilespmem:s13], [sflag:$0x2], $0x1700, $0x38;
	[tilespmem:$0x1EE00] =	vst v63  }
0x7f: {  	_ =	swait.ge [sflag:s14], $0x1700  }
0x80: {  	s9 =	sld [smem:$0x7EB]  }
0x81: {  	[sflag:s14] =	ssyncset.done $0x0  }
0x82: {  	[sflag:s14] =	ssyncadd.s32 $0xFFFFE900  }
0x83: {  	[spmem:s9] =	stream.linear.scatter [tilespmem:s13], [sflag:$0x2], $0x1700, $0x38;
	[tilespmem:$0x1EE00] =	vst v63  }
0x84: {  	_ =	swait.ge [sflag:s14], $0x1700  }
0x85: {  	s11 =	sld [smem:$0x7EC]  }
0x86: {  	[sflag:s14] =	ssyncset.done $0x0  }
0x87: {  	[sflag:s14] =	ssyncadd.s32 $0xFFFFE900  }
0x88: {  	[spmem:s11] =	stream.linear.scatter [tilespmem:s13], [sflag:$0x2], $0x1700, $0x38;
	[tilespmem:$0x1EE00] =	vst v63  }
0x89: {  	_ =	swait.ge [sflag:s14], $0x1700  }
0x8a: {  	s23 =	sld [smem:$0x7ED]  }
0x8b: {  	[sflag:s14] =	ssyncset.done $0x0  }
0x8c: {  	[sflag:s14] =	ssyncadd.s32 $0xFFFFE900  }
0x8d: {  	[spmem:s23] =	stream.linear.scatter [tilespmem:s13], [sflag:$0x2], $0x1700, $0x38;
	[tilespmem:$0x1EE00] =	vst v63  }
0x8e: {  	_ =	swait.ge [sflag:s14], $0x1700  }
0x8f: {  	[sflag:s14] =	ssyncset.done $0x0  }
0x90: {  	[sflag:s14] =	ssyncadd.s32 $0xFFFFE900  }
0x91: {  	s31 =	simm.s32 $0x0;
	[bflag:$0x0] =	sbarrier.arrive $0xFFFF  }
.LBB2_4:
0x92: {  	s0 =	sshll.u32 s31, $0xA  }
0x93: {  	s0 =	sadd.s32 s20, s0  }
0x94: {  	s0 =	sshrl.u32 s0, $0x3  }
0x95: {  	s11 =	simm.s32 $0x18700;
	s9 =	sadd.s32 s4, s0  }
0x96: {  	[tilespmem:s11], [sflag:$0x2] =	stream.linear.gather [hbm4b:s9+s29], $0x400, $0x38;
	[tilespmem:$0x1EE00] =	vst v63  }
0x97: {  	_ =	swait.ge [sflag:s14], $0x400  }
0x98: {  	[sflag:s14] =	ssyncset.done $0x0  }
0x99: {  	s11 =	sadd.s32 s5, s0;
	[sflag:s14] =	ssyncadd.s32 $0xFFFFFC00  }
0x9a: {  	[tilespmem:s16], [sflag:$0x2] =	stream.linear.gather [hbm4b:s11+s29], $0x400, $0x38;
	[tilespmem:$0x1EE00] =	vst v63  }
0x9b: {  	_ =	swait.ge [sflag:s14], $0x400  }
0x9c: {  	[sflag:s14] =	ssyncset.done $0x0  }
0x9d: {  	s23 =	simm.s32 $0x19300;
	s0 =	sadd.s32 s6, s0;
	[sflag:s14] =	ssyncadd.s32 $0xFFFFFC00  }
0x9e: {  	[tilespmem:s23], [sflag:$0x2] =	stream.linear.gather [hbm4b:s0+s29], $0x400, $0x38;
	[tilespmem:$0x1EE00] =	vst v63  }
0x9f: {  	_ =	swait.ge [sflag:s14], $0x400  }
0xa0: {  	[sflag:s14] =	ssyncset.done $0x0  }
0xa1: {  	[sflag:s14] =	ssyncadd.s32 $0xFFFFFC00  }
0xa2: {  	v18 =	vld [tilespmem:$0x18700]  }
0xa3: {  	v19 =	vld [tilespmem:$0x18710]  }
0xa4: {  	v20 =	vld [tilespmem:$0x18720]  }
0xa5: {  	v21 =	vld [tilespmem:$0x18730]  }
0xa6: {  	v22 =	vld [tilespmem:$0x18740]  }
0xa7: {  	v23 =	vld [tilespmem:$0x18750];
	v18 =	vshll.u32 v18, $0x1  }
0xa8: {  	v24 =	vld [tilespmem:$0x18760];
	v19 =	vshll.u32 v19, $0x1;
	v18 =	vor.u32 v0, v18  }
0xa9: {  	[tilespmem:$0x18F00] =	vst v18;
	v18 =	vor.u32 v0, v19;
	v19 =	vshll.u32 v20, $0x1;
	v20 =	vld [tilespmem:$0x18770]  }
0xaa: {  	v55 =	vld [tilespmem:$0x18780];
	[tilespmem:$0x18F10] =	vst v18;
	v18 =	vor.u32 v0, v19;
	v19 =	vshll.u32 v21, $0x1  }
0xab: {  	v56 =	vld [tilespmem:$0x18790];
	[tilespmem:$0x18F20] =	vst v18;
	v18 =	vor.u32 v0, v19;
	v19 =	vshll.u32 v22, $0x1  }
0xac: {  	v57 =	vld [tilespmem:$0x187A0];
	[tilespmem:$0x18F30] =	vst v18;
	v18 =	vor.u32 v0, v19;
	v19 =	vshll.u32 v23, $0x1  }
0xad: {  	v58 =	vld [tilespmem:$0x187B0];
	[tilespmem:$0x18F40] =	vst v18;
	v18 =	vor.u32 v0, v19;
	v19 =	vshll.u32 v24, $0x1  }
0xae: {  	[tilespmem:$0x18F50] =	vst v18;
	v18 =	vor.u32 v0, v19;
	v19 =	vshll.u32 v20, $0x1;
	v20 =	vld [tilespmem:$0x187C0]  }
0xaf: {  	v59 =	vld [tilespmem:$0x187D0];
	[tilespmem:$0x18F60] =	vst v18;
	v18 =	vor.u32 v0, v19;
	v19 =	vshll.u32 v55, $0x1  }
0xb0: {  	v60 =	vld [tilespmem:$0x187E0];
	[tilespmem:$0x18F70] =	vst v18;
	v18 =	vor.u32 v0, v19;
	v19 =	vshll.u32 v56, $0x1  }
0xb1: {  	v61 =	vld [tilespmem:$0x187F0];
	[tilespmem:$0x18F80] =	vst v18;
	v18 =	vor.u32 v0, v19;
	v19 =	vshll.u32 v57, $0x1  }
0xb2: {  	v62 =	vld [tilespmem:$0x18800];
	[tilespmem:$0x18F90] =	vst v18;
	v18 =	vor.u32 v0, v19;
	v19 =	vshll.u32 v58, $0x1  }
0xb3: {  	[tilespmem:$0x18FA0] =	vst v18;
	v18 =	vor.u32 v0, v19;
	v19 =	vshll.u32 v20, $0x1;
	v20 =	vld [tilespmem:$0x18810]  }
0xb4: {  	v63 =	vld [tilespmem:$0x18820];
	[tilespmem:$0x18FB0] =	vst v18;
	v18 =	vor.u32 v0, v19;
	v19 =	vshll.u32 v59, $0x1  }
0xb5: {  	v28 =	vld [tilespmem:$0x18830];
	[tilespmem:$0x18FC0] =	vst v18;
	v18 =	vor.u32 v0, v19;
	v19 =	vshll.u32 v60, $0x1  }
0xb6: {  	v29 =	vld [tilespmem:$0x18840];
	[tilespmem:$0x18FD0] =	vst v18;
	v18 =	vor.u32 v0, v19;
	v19 =	vshll.u32 v61, $0x1  }
0xb7: {  	v30 =	vld [tilespmem:$0x18850];
	[tilespmem:$0x18FE0] =	vst v18;
	v18 =	vor.u32 v0, v19;
	v19 =	vshll.u32 v62, $0x1  }
0xb8: {  	[tilespmem:$0x18FF0] =	vst v18;
	v18 =	vor.u32 v0, v19;
	v19 =	vshll.u32 v20, $0x1;
	v20 =	vld [tilespmem:$0x18860]  }
0xb9: {  	v31 =	vld [tilespmem:$0x18870];
	[tilespmem:$0x19000] =	vst v18;
	v18 =	vor.u32 v0, v19;
	v19 =	vshll.u32 v63, $0x1  }
0xba: {  	v32 =	vld [tilespmem:$0x18880];
	[tilespmem:$0x19010] =	vst v18;
	v18 =	vor.u32 v0, v19;
	v19 =	vshll.u32 v28, $0x1  }
0xbb: {  	v33 =	vld [tilespmem:$0x18890];
	[tilespmem:$0x19020] =	vst v18;
	v18 =	vor.u32 v0, v19;
	v19 =	vshll.u32 v29, $0x1  }
0xbc: {  	v34 =	vld [tilespmem:$0x188A0];
	[tilespmem:$0x19030] =	vst v18;
	v18 =	vor.u32 v0, v19;
	v19 =	vshll.u32 v30, $0x1  }
0xbd: {  	[tilespmem:$0x19040] =	vst v18;
	v18 =	vor.u32 v0, v19;
	v19 =	vshll.u32 v20, $0x1;
	v20 =	vld [tilespmem:$0x188B0]  }
0xbe: {  	v35 =	vld [tilespmem:$0x188C0];
	[tilespmem:$0x19050] =	vst v18;
	v18 =	vor.u32 v0, v19;
	v19 =	vshll.u32 v31, $0x1  }
0xbf: {  	v36 =	vld [tilespmem:$0x188D0];
	[tilespmem:$0x19060] =	vst v18;
	v18 =	vor.u32 v0, v19;
	v19 =	vshll.u32 v32, $0x1  }
0xc0: {  	v37 =	vld [tilespmem:$0x188E0];
	[tilespmem:$0x19070] =	vst v18;
	v18 =	vor.u32 v0, v19;
	v19 =	vshll.u32 v33, $0x1  }
0xc1: {  	v38 =	vld [tilespmem:$0x188F0];
	[tilespmem:$0x19080] =	vst v18;
	v18 =	vor.u32 v0, v19;
	v19 =	vshll.u32 v34, $0x1  }
0xc2: {  	[tilespmem:$0x19090] =	vst v18;
	v18 =	vor.u32 v0, v19;
	v19 =	vshll.u32 v20, $0x1;
	v20 =	vld [tilespmem:$0x18900]  }
0xc3: {  	v39 =	vld [tilespmem:$0x18910];
	[tilespmem:$0x190A0] =	vst v18;
	v18 =	vor.u32 v0, v19;
	v19 =	vshll.u32 v35, $0x1  }
0xc4: {  	v40 =	vld [tilespmem:$0x18920];
	[tilespmem:$0x190B0] =	vst v18;
	v18 =	vor.u32 v0, v19;
	v19 =	vshll.u32 v36, $0x1  }
0xc5: {  	v41 =	vld [tilespmem:$0x18930];
	[tilespmem:$0x190C0] =	vst v18;
	v18 =	vor.u32 v0, v19;
	v19 =	vshll.u32 v37, $0x1  }
0xc6: {  	v42 =	vld [tilespmem:$0x18940];
	[tilespmem:$0x190D0] =	vst v18;
	v18 =	vor.u32 v0, v19;
	v19 =	vshll.u32 v38, $0x1  }
0xc7: {  	[tilespmem:$0x190E0] =	vst v18;
	v18 =	vor.u32 v0, v19;
	v19 =	vshll.u32 v20, $0x1;
	v20 =	vld [tilespmem:$0x18950]  }
0xc8: {  	v43 =	vld [tilespmem:$0x18960];
	[tilespmem:$0x190F0] =	vst v18;
	v18 =	vor.u32 v0, v19;
	v19 =	vshll.u32 v39, $0x1  }
0xc9: {  	v44 =	vld [tilespmem:$0x18970];
	[tilespmem:$0x19100] =	vst v18;
	v18 =	vor.u32 v0, v19;
	v19 =	vshll.u32 v40, $0x1  }
0xca: {  	v45 =	vld [tilespmem:$0x18980];
	[tilespmem:$0x19110] =	vst v18;
	v18 =	vor.u32 v0, v19;
	v19 =	vshll.u32 v41, $0x1  }
0xcb: {  	v46 =	vld [tilespmem:$0x18990];
	[tilespmem:$0x19120] =	vst v18;
	v18 =	vor.u32 v0, v19;
	v19 =	vshll.u32 v42, $0x1  }
0xcc: {  	[tilespmem:$0x19130] =	vst v18;
	v18 =	vor.u32 v0, v19;
	v19 =	vshll.u32 v20, $0x1;
	v20 =	vld [tilespmem:$0x189A0]  }
0xcd: {  	v47 =	vld [tilespmem:$0x189B0];
	[tilespmem:$0x19140] =	vst v18;
	v18 =	vor.u32 v0, v19;
	v19 =	vshll.u32 v43, $0x1  }
0xce: {  	v48 =	vld [tilespmem:$0x189C0];
	[tilespmem:$0x19150] =	vst v18;
	v18 =	vor.u32 v0, v19;
	v19 =	vshll.u32 v44, $0x1  }
0xcf: {  	v49 =	vld [tilespmem:$0x189D0];
	[tilespmem:$0x19160] =	vst v18;
	v18 =	vor.u32 v0, v19;
	v19 =	vshll.u32 v45, $0x1  }
0xd0: {  	v50 =	vld [tilespmem:$0x189E0];
	[tilespmem:$0x19170] =	vst v18;
	v18 =	vor.u32 v0, v19;
	v19 =	vshll.u32 v46, $0x1  }
0xd1: {  	[tilespmem:$0x19180] =	vst v18;
	v18 =	vor.u32 v0, v19;
	v19 =	vshll.u32 v20, $0x1;
	v20 =	vld [tilespmem:$0x189F0]  }
0xd2: {  	v51 =	vld [tilespmem:$0x18A00];
	[tilespmem:$0x19190] =	vst v18;
	v18 =	vor.u32 v0, v19;
	v19 =	vshll.u32 v47, $0x1  }
0xd3: {  	v52 =	vld [tilespmem:$0x18A10];
	[tilespmem:$0x191A0] =	vst v18;
	v18 =	vor.u32 v0, v19;
	v19 =	vshll.u32 v48, $0x1  }
0xd4: {  	v53 =	vld [tilespmem:$0x18A20];
	[tilespmem:$0x191B0] =	vst v18;
	v18 =	vor.u32 v0, v19;
	v19 =	vshll.u32 v49, $0x1  }
0xd5: {  	v54 =	vld [tilespmem:$0x18A30];
	[tilespmem:$0x191C0] =	vst v18;
	v18 =	vor.u32 v0, v19;
	v19 =	vshll.u32 v50, $0x1  }
0xd6: {  	[tilespmem:$0x191D0] =	vst v18;
	v18 =	vor.u32 v0, v19;
	v19 =	vshll.u32 v20, $0x1;
	v20 =	vld [tilespmem:$0x18A40]  }
0xd7: {  	v55 =	vld [tilespmem:$0x18A50];
	[tilespmem:$0x191E0] =	vst v18;
	v18 =	vor.u32 v0, v19;
	v19 =	vshll.u32 v51, $0x1  }
0xd8: {  	v56 =	vld [tilespmem:$0x18A60];
	[tilespmem:$0x191F0] =	vst v18;
	v18 =	vor.u32 v0, v19;
	v19 =	vshll.u32 v52, $0x1  }
0xd9: {  	v57 =	vld [tilespmem:$0x18A70];
	[tilespmem:$0x19200] =	vst v18;
	v18 =	vor.u32 v0, v19;
	v19 =	vshll.u32 v53, $0x1  }
0xda: {  	v58 =	vld [tilespmem:$0x18A80];
	[tilespmem:$0x19210] =	vst v18;
	v18 =	vor.u32 v0, v19;
	v19 =	vshll.u32 v54, $0x1  }
0xdb: {  	[tilespmem:$0x19220] =	vst v18;
	v18 =	vor.u32 v0, v19;
	v19 =	vshll.u32 v20, $0x1;
	v20 =	vld [tilespmem:$0x18A90]  }
0xdc: {  	v59 =	vld [tilespmem:$0x18AA0];
	[tilespmem:$0x19230] =	vst v18;
	v18 =	vor.u32 v0, v19;
	v19 =	vshll.u32 v55, $0x1  }
0xdd: {  	v60 =	vld [tilespmem:$0x18AB0];
	[tilespmem:$0x19240] =	vst v18;
	v18 =	vor.u32 v0, v19;
	v19 =	vshll.u32 v56, $0x1  }
0xde: {  	v61 =	vld [tilespmem:$0x18AC0];
	[tilespmem:$0x19250] =	vst v18;
	v18 =	vor.u32 v0, v19;
	v19 =	vshll.u32 v57, $0x1  }
0xdf: {  	v62 =	vld [tilespmem:$0x18AD0];
	[tilespmem:$0x19260] =	vst v18;
	v18 =	vor.u32 v0, v19;
	v19 =	vshll.u32 v58, $0x1  }
0xe0: {  	[tilespmem:$0x19270] =	vst v18;
	v18 =	vor.u32 v0, v19;
	v19 =	vshll.u32 v20, $0x1;
	v20 =	vld [tilespmem:$0x18AE0]  }
0xe1: {  	v63 =	vld [tilespmem:$0x18AF0];
	[tilespmem:$0x19280] =	vst v18;
	v18 =	vor.u32 v0, v19;
	v19 =	vshll.u32 v59, $0x1  }
0xe2: {  	[tilespmem:$0x19290] =	vst v18;
	v18 =	vor.u32 v0, v19;
	v19 =	vshll.u32 v60, $0x1  }
0xe3: {  	[tilespmem:$0x192A0] =	vst v18;
	v18 =	vor.u32 v0, v19;
	v19 =	vshll.u32 v61, $0x1  }
0xe4: {  	[tilespmem:$0x192B0] =	vst v18;
	v18 =	vor.u32 v0, v19;
	v19 =	vshll.u32 v62, $0x1  }
0xe5: {  	[tilespmem:$0x192C0] =	vst v18;
	v18 =	vor.u32 v0, v19;
	v19 =	vshll.u32 v20, $0x1  }
0xe6: {  	[tilespmem:$0x192D0] =	vst v18;
	v18 =	vor.u32 v0, v19;
	v19 =	vshll.u32 v63, $0x1  }
0xe7: {  	[tilespmem:$0x192E0] =	vst v18;
	v18 =	vor.u32 v0, v19  }
0xe8: {  	s11 =	simm.s32 $0x18F00;
	[tilespmem:$0x192F0] =	vst v18  }
0xe9: {  	[tilespmem:s22], [sflag:$0x1] =	stream.indirect.gather [hbm4b:s7+s19], $0x10, s11, s19, $0xb8;
	[tilespmem:$0x1EE00] =	vst v63  }
0xea: {  	s23 =	simm.s32 $0x18F80  }
0xeb: {  	[tilespmem:s25], [sflag:$0x1] =	stream.indirect.gather [hbm4b:s7+s19], $0x10, s23, s19, $0xb8;
	[tilespmem:$0x1EE00] =	vst v63  }
0xec: {  	s9 =	simm.s32 $0x19000  }
0xed: {  	[tilespmem:s28], [sflag:$0x1] =	stream.indirect.gather [hbm4b:s7+s19], $0x10, s9, s19, $0xb8;
	[tilespmem:$0x1EE00] =	vst v63  }
0xee: {  	s11 =	simm.s32 $0x19080  }
0xef: {  	[tilespmem:s30], [sflag:$0x1] =	stream.indirect.gather [hbm4b:s7+s19], $0x10, s11, s19, $0xb8;
	[tilespmem:$0x1EE00] =	vst v63  }
0xf0: {  	s23 =	simm.s32 $0x19100  }
0xf1: {  	[tilespmem:s1], [sflag:$0x1] =	stream.indirect.gather [hbm4b:s7+s19], $0x10, s23, s19, $0xb8;
	[tilespmem:$0x1EE00] =	vst v63  }
0xf2: {  	s9 =	simm.s32 $0x19180  }
0xf3: {  	[tilespmem:s8], [sflag:$0x1] =	stream.indirect.gather [hbm4b:s7+s19], $0x10, s9, s19, $0xb8;
	[tilespmem:$0x1EE00] =	vst v63  }
0xf4: {  	s11 =	simm.s32 $0x19200  }
0xf5: {  	[tilespmem:s10], [sflag:$0x1] =	stream.indirect.gather [hbm4b:s7+s19], $0x10, s11, s19, $0xb8;
	[tilespmem:$0x1EE00] =	vst v63  }
0xf6: {  	s23 =	simm.s32 $0x19280  }
0xf7: {  	[tilespmem:s12], [sflag:$0x1] =	stream.indirect.gather [hbm4b:s7+s19], $0x10, s23, s19, $0xb8;
	[tilespmem:$0x1EE00] =	vst v63  }
0xf8: {  	_ =	swait.ge [sflag:s18], $0x800  }
0xf9: {  	[sflag:s18] =	ssyncset.done $0x0  }
0xfa: {  	[sflag:s18] =	ssyncadd.s32 $0xFFFFF800  }
0xfb: {  	_ =	swait.ge [sflag:s18], $0x800  }
0xfc: {  	[sflag:s18] =	ssyncset.done $0x0  }
0xfd: {  	[sflag:s18] =	ssyncadd.s32 $0xFFFFF800  }
0xfe: {  	_ =	swait.ge [sflag:s18], $0x800  }
0xff: {  	[sflag:s18] =	ssyncset.done $0x0  }
0x100: {  	[sflag:s18] =	ssyncadd.s32 $0xFFFFF800  }
0x101: {  	_ =	swait.ge [sflag:s18], $0x800  }
0x102: {  	[sflag:s18] =	ssyncset.done $0x0  }
0x103: {  	[sflag:s18] =	ssyncadd.s32 $0xFFFFF800  }
0x104: {  	_ =	swait.ge [sflag:s18], $0x800  }
0x105: {  	[sflag:s18] =	ssyncset.done $0x0  }
0x106: {  	[sflag:s18] =	ssyncadd.s32 $0xFFFFF800  }
0x107: {  	_ =	swait.ge [sflag:s18], $0x800  }
0x108: {  	[sflag:s18] =	ssyncset.done $0x0  }
0x109: {  	[sflag:s18] =	ssyncadd.s32 $0xFFFFF800  }
0x10a: {  	_ =	swait.ge [sflag:s18], $0x800  }
0x10b: {  	[sflag:s18] =	ssyncset.done $0x0  }
0x10c: {  	[sflag:s18] =	ssyncadd.s32 $0xFFFFF800  }
0x10d: {  	_ =	swait.ge [sflag:s18], $0x800  }
0x10e: {  	[sflag:s18] =	ssyncset.done $0x0  }
0x10f: {  	s0 =	simm.s32 $0x19780;
	[sflag:s18] =	ssyncadd.s32 $0xFFFFF800  }
0x110: {  	s9 =	simm.s32 $0x19780;
	s11 =	simm.s32 $0x40;
	s23 =	simm.s32 $0x0;
	v18 =	vld [tilespmem:s0+$0xFFFFFFB0]  }
.LBB2_5:
0x111: {  	p0 =	sne.s32 s11, $0xFC0;
	v19 =	vld [tilespmem:s23+$0x19300]  }
0x112: {  	v20 =	vld [tilespmem:s0+$0xFFFFFF90]  }
0x113: {  	v21 =	vld [tilespmem:s0+$0xFFFFFF80]  }
0x114: {  	v22 =	vld [tilespmem:s0+$0xFFFFFFA0]  }
0x115: {  	v23 =	vld [tilespmem:s0+$0xFFFFFFF0]  }
0x116: {  	v24 =	vperm.xlane v19, v2;
	v25 =	vperm.xlane v19, v3;
	v26 =	vld [tilespmem:s0+$0xFFFFFFD0]  }
0x117: {  	v27 =	vperm.xlane v19, v4;
	v28 =	vperm.xlane v19, v5;
	v29 =	vld [tilespmem:s0+$0xFFFFFFC0]  }
0x118: {  	v21 =	vmul.f32 v24, v21;
	v20 =	vmul.f32 v25, v20;
	v24 =	vld [tilespmem:s0+$0xFFFFFFE0]  }
0x119: {  	v18 =	vmul.f32 v28, v18;
	v22 =	vmul.f32 v27, v22;
	v25 =	vld [tilespmem:s0+$0x30]  }
0x11a: {  	v27 =	vperm.xlane v19, v7;
	[tilespmem:s0+$0xFFFFFF80] =	vst v21;
	v21 =	vperm.xlane v19, v6;
	v28 =	vld [tilespmem:s0+$0x10]  }
0x11b: {  	v30 =	vperm.xlane v19, v9;
	[tilespmem:s0+$0xFFFFFF90] =	vst v20;
	v20 =	vperm.xlane v19, v8;
	v31 =	vld [tilespmem:s0+$0x0]  }
0x11c: {  	[tilespmem:s0+$0xFFFFFFA0] =	vst v22;
	v21 =	vmul.f32 v21, v29;
	v22 =	vmul.f32 v27, v26;
	v26 =	vld [tilespmem:s0+$0x20]  }
0x11d: {  	[tilespmem:s0+$0xFFFFFFB0] =	vst v18;
	v18 =	vmul.f32 v20, v24;
	v20 =	vmul.f32 v30, v23;
	v23 =	vld [tilespmem:s0+$0x70]  }
0x11e: {  	v24 =	vperm.xlane v19, v11;
	[tilespmem:s0+$0xFFFFFFC0] =	vst v21;
	v21 =	vperm.xlane v19, v10;
	v27 =	vld [tilespmem:s0+$0x50]  }
0x11f: {  	v29 =	vperm.xlane v19, v13;
	[tilespmem:s0+$0xFFFFFFD0] =	vst v22;
	v22 =	vperm.xlane v19, v12;
	v30 =	vld [tilespmem:s0+$0x40]  }
0x120: {  	[tilespmem:s0+$0xFFFFFFE0] =	vst v18;
	v18 =	vmul.f32 v21, v31;
	v21 =	vmul.f32 v24, v28;
	v24 =	vld [tilespmem:s0+$0x60]  }
0x121: {  	[tilespmem:s0+$0xFFFFFFF0] =	vst v20;
	v20 =	vmul.f32 v22, v26;
	v22 =	vmul.f32 v29, v25  }
0x122: {  	v25 =	vperm.xlane v19, v15;
	[tilespmem:s0+$0x0] =	vst v18;
	v18 =	vperm.xlane v19, v14  }
0x123: {  	[tilespmem:s0+$0x10] =	vst v21;
	v21 =	vperm.xlane v19, v16;
	v19 =	vperm.xlane v19, v17  }
0x124: {  	[tilespmem:s0+$0x20] =	vst v20;
	v18 =	vmul.f32 v18, v30;
	v20 =	vmul.f32 v25, v27  }
.Ltmp1:
0x125: {  	[tilespmem:s0+$0x30] =	vst v22;
	v21 =	vmul.f32 v21, v24;
	v19 =	vmul.f32 v19, v23;
	(pc) =	sbr.rel @p0 .LBB2_5-.Ltmp1, $4  }
0x126: {  	[tilespmem:s0+$0x40] =	vst v18  }
0x127: {  	[tilespmem:s0+$0x50] =	vst v20  }
0x128: {  	s0 =	sadd.s32 $0x100, s0;
	[tilespmem:s9+$0x60] =	vst v21  }
0x129: {  	s23 =	sshra.s32 s11, $0x2;
	s11 =	sadd.s32 $0x40, s11;
	v18 =	vld [tilespmem:s0+$0xFFFFFFB0];
	[tilespmem:s9+$0x70] =	vst v19;
	s9 =	smov.u32 s0  }
0x12a: {  	v19 =	vld [tilespmem:s23+$0x19300];
	_ =	sdelay $0x1  }
0x12b: {  	v20 =	vld [tilespmem:s0+$0xFFFFFF80]  }
0x12c: {  	v21 =	vld [tilespmem:s0+$0xFFFFFF90]  }
0x12d: {  	v22 =	vld [tilespmem:s0+$0xFFFFFFA0]  }
0x12e: {  	v23 =	vperm.xlane v19, v2  }
0x12f: {  	v26 =	vld [tilespmem:s0+$0xFFFFFFD0];
	v24 =	vperm.xlane v19, v3;
	v27 =	vperm.xlane v19, v4  }
0x130: {  	v45 =	vld [tilespmem:s0+$0xFFFFFFE0];
	v44 =	vperm.xlane v19, v5;
	v20 =	vmul.f32 v23, v20  }
0x131: {  	v49 =	vld [tilespmem:s0+$0x10];
	v46 =	vperm.xlane v19, v6;
	v21 =	vmul.f32 v24, v21  }
0x132: {  	v25 =	vld [tilespmem:s0+$0xFFFFFFC0];
	v47 =	vperm.xlane v19, v7;
	v22 =	vmul.f32 v27, v22;
	[tilespmem:s0+$0xFFFFFF80] =	vst v20  }
0x133: {  	v28 =	vld [tilespmem:s0+$0xFFFFFFF0];
	v29 =	vperm.xlane v19, v8;
	v18 =	vmul.f32 v44, v18;
	[tilespmem:s0+$0xFFFFFF90] =	vst v21  }
0x134: {  	v51 =	vld [tilespmem:s0+$0x20];
	v53 =	vperm.xlane v19, v11;
	v23 =	vmul.f32 v47, v26;
	[tilespmem:s0+$0xFFFFFFA0] =	vst v22  }
0x135: {  	v48 =	vld [tilespmem:s0+$0x0];
	v50 =	vperm.xlane v19, v9;
	v24 =	vmul.f32 v29, v45;
	[tilespmem:s0+$0xFFFFFFB0] =	vst v18  }
0x136: {  	v55 =	vld [tilespmem:s0+$0x50];
	v52 =	vperm.xlane v19, v10;
	v58 =	vmul.f32 v53, v49;
	[tilespmem:s0+$0xFFFFFFD0] =	vst v23  }
0x137: {  	v54 =	vld [tilespmem:s0+$0x40];
	v56 =	vperm.xlane v19, v12;
	v20 =	vmul.f32 v46, v25;
	[tilespmem:s0+$0xFFFFFFE0] =	vst v24  }
0x138: {  	v57 =	vperm.xlane v19, v13;
	v18 =	vld [tilespmem:s0+$0x30];
	v22 =	vmul.f32 v50, v28;
	[tilespmem:s0+$0x10] =	vst v58  }
0x139: {  	v60 =	vld [tilespmem:s0+$0x70];
	v62 =	vperm.xlane v19, v15;
	v25 =	vmul.f32 v56, v51;
	[tilespmem:s0+$0xFFFFFFC0] =	vst v20  }
0x13a: {  	v59 =	vld [tilespmem:s0+$0x60];
	v61 =	vperm.xlane v19, v14;
	v20 =	vmul.f32 v52, v48;
	[tilespmem:s0+$0xFFFFFFF0] =	vst v22  }
0x13b: {  	v63 =	vperm.xlane v19, v16;
	v21 =	vmul.f32 v62, v55;
	[tilespmem:s0+$0x20] =	vst v25  }
0x13c: {  	v19 =	vperm.xlane v19, v17;
	[tilespmem:s0+$0x0] =	vst v20;
	v20 =	vmul.f32 v61, v54  }
0x13d: {  	[tilespmem:s0+$0x50] =	vst v21;
	v18 =	vmul.f32 v57, v18  }
0x13e: {  	v19 =	vmul.f32 v19, v60;
	[tilespmem:s0+$0x40] =	vst v20  }
0x13f: {  	[tilespmem:s0+$0x30] =	vst v18;
	v18 =	vmul.f32 v63, v59  }
0x140: {  	[tilespmem:s9+$0x70] =	vst v19  }
0x141: {  	[tilespmem:s9+$0x60] =	vst v18  }
0x142: {  	[spmem:s2] =	stream.indirect.scatter.add.f32 [tilespmem:s22], [sflag:$0x2], $0x10, s16, s19, $0xb8;
	[tilespmem:$0x1EE00] =	vst v63  }
0x143: {  	_ =	swait.ge [sflag:s14], $0x800  }
0x144: {  	[sflag:s14] =	ssyncset.done $0x0  }
0x145: {  	s23 =	simm.s32 $0x18B80;
	[sflag:s14] =	ssyncadd.s32 $0xFFFFF800  }
0x146: {  	[spmem:s2] =	stream.indirect.scatter.add.f32 [tilespmem:s25], [sflag:$0x2], $0x10, s23, s19, $0xb8;
	[tilespmem:$0x1EE00] =	vst v63  }
0x147: {  	_ =	swait.ge [sflag:s14], $0x800  }
0x148: {  	[sflag:s14] =	ssyncset.done $0x0  }
0x149: {  	[sflag:s14] =	ssyncadd.s32 $0xFFFFF800  }
0x14a: {  	[spmem:s2] =	stream.indirect.scatter.add.f32 [tilespmem:s28], [sflag:$0x2], $0x10, s3, s19, $0xb8;
	[tilespmem:$0x1EE00] =	vst v63  }
0x14b: {  	_ =	swait.ge [sflag:s14], $0x800  }
0x14c: {  	[sflag:s14] =	ssyncset.done $0x0  }
0x14d: {  	[sflag:s14] =	ssyncadd.s32 $0xFFFFF800  }
0x14e: {  	[spmem:s2] =	stream.indirect.scatter.add.f32 [tilespmem:s30], [sflag:$0x2], $0x10, s15, s19, $0xb8;
	[tilespmem:$0x1EE00] =	vst v63  }
0x14f: {  	_ =	swait.ge [sflag:s14], $0x800  }
0x150: {  	[sflag:s14] =	ssyncset.done $0x0  }
0x151: {  	[sflag:s14] =	ssyncadd.s32 $0xFFFFF800  }
0x152: {  	[spmem:s2] =	stream.indirect.scatter.add.f32 [tilespmem:s1], [sflag:$0x2], $0x10, s17, s19, $0xb8;
	[tilespmem:$0x1EE00] =	vst v63  }
0x153: {  	_ =	swait.ge [sflag:s14], $0x800  }
0x154: {  	[sflag:s14] =	ssyncset.done $0x0  }
0x155: {  	[sflag:s14] =	ssyncadd.s32 $0xFFFFF800  }
0x156: {  	[spmem:s2] =	stream.indirect.scatter.add.f32 [tilespmem:s8], [sflag:$0x2], $0x10, s21, s19, $0xb8;
	[tilespmem:$0x1EE00] =	vst v63  }
0x157: {  	_ =	swait.ge [sflag:s14], $0x800  }
0x158: {  	[sflag:s14] =	ssyncset.done $0x0  }
0x159: {  	[sflag:s14] =	ssyncadd.s32 $0xFFFFF800  }
0x15a: {  	[spmem:s2] =	stream.indirect.scatter.add.f32 [tilespmem:s10], [sflag:$0x2], $0x10, s24, s19, $0xb8;
	[tilespmem:$0x1EE00] =	vst v63  }
0x15b: {  	s31 =	sadd.s32 $0x1, s31;
	_ =	swait.ge [sflag:s14], $0x800  }
0x15c: {  	p0 =	sne.s32 s31, $0x62;
	[sflag:s14] =	ssyncset.done $0x0  }
.Ltmp2:
0x15d: {  	[sflag:s14] =	ssyncadd.s32 $0xFFFFF800;
	(pc) =	sbr.rel @p0 .LBB2_4-.Ltmp2, $4  }
0x15e: {  	[spmem:s2] =	stream.indirect.scatter.add.f32 [tilespmem:s12], [sflag:$0x2], $0x10, s26, s19, $0xb8;
	[tilespmem:$0x1EE00] =	vst v63  }
0x15f: {  	_ =	swait.ge [sflag:s14], $0x800  }
0x160: {  	[sflag:s14] =	ssyncset.done $0x0  }
0x161: {  	[sflag:s14] =	ssyncadd.s32 $0xFFFFF800  }
0x162: {  	[bflag:$0x0] =	sbarrier.arrive $0xFFFF  }
0x163: {  	s0 =	rddreg [dreg:$0x12]  }
0x164: {  	[tilespmem:s13], [sflag:$0x2] =	stream.linear.gather [spmem:s0], $0x1700, $0x38;
	[tilespmem:$0x1EE00] =	vst v63  }
0x165: {  	_ =	swait.ge [sflag:s14], $0x1700  }
0x166: {  	[sflag:s14] =	ssyncset.done $0x0  }
0x167: {  	s0 =	simm.s32 $0x0;
	s9 =	rddreg [dreg:$0x3];
	[sflag:s14] =	ssyncadd.s32 $0xFFFFE900  }
0x168: {  	[hbm4b:s9+s0] =	stream.linear.scatter [tilespmem:s13], [sflag:$0x2], $0x1700, $0x38;
	[tilespmem:$0x1EE00] =	vst v63  }
0x169: {  	_ =	swait.ge [sflag:s14], $0x1700  }
0x16a: {  	s31 =	sld [smem:$0x7EE]  }
0x16b: {  	[sflag:s14] =	ssyncset.done $0x0  }
0x16c: {  	[sflag:s14] =	ssyncadd.s32 $0xFFFFE900  }
0x16d: {  	[tilespmem:s13], [sflag:$0x2] =	stream.linear.gather [spmem:s31], $0x1700, $0x38;
	[tilespmem:$0x1EE00] =	vst v63  }
0x16e: {  	_ =	swait.ge [sflag:s14], $0x1700  }
0x16f: {  	[sflag:s14] =	ssyncset.done $0x0  }
0x170: {  	s11 =	rddreg [dreg:$0x4];
	[sflag:s14] =	ssyncadd.s32 $0xFFFFE900  }
0x171: {  	[hbm4b:s11+s0] =	stream.linear.scatter [tilespmem:s13], [sflag:$0x2], $0x1700, $0x38;
	[tilespmem:$0x1EE00] =	vst v63  }
0x172: {  	_ =	swait.ge [sflag:s14], $0x1700  }
0x173: {  	s23 =	sld [smem:$0x7EF]  }
0x174: {  	[sflag:s14] =	ssyncset.done $0x0  }
0x175: {  	[sflag:s14] =	ssyncadd.s32 $0xFFFFE900  }
0x176: {  	[tilespmem:s13], [sflag:$0x2] =	stream.linear.gather [spmem:s23], $0x1700, $0x38;
	[tilespmem:$0x1EE00] =	vst v63  }
0x177: {  	_ =	swait.ge [sflag:s14], $0x1700  }
0x178: {  	[sflag:s14] =	ssyncset.done $0x0  }
0x179: {  	s31 =	rddreg [dreg:$0x5];
	[sflag:s14] =	ssyncadd.s32 $0xFFFFE900  }
0x17a: {  	[hbm4b:s31+s0] =	stream.linear.scatter [tilespmem:s13], [sflag:$0x2], $0x1700, $0x38;
	[tilespmem:$0x1EE00] =	vst v63  }
0x17b: {  	_ =	swait.ge [sflag:s14], $0x1700  }
0x17c: {  	s11 =	sld [smem:$0x7F0]  }
0x17d: {  	[sflag:s14] =	ssyncset.done $0x0  }
0x17e: {  	[sflag:s14] =	ssyncadd.s32 $0xFFFFE900  }
0x17f: {  	[tilespmem:s13], [sflag:$0x2] =	stream.linear.gather [spmem:s11], $0x1700, $0x38;
	[tilespmem:$0x1EE00] =	vst v63  }
0x180: {  	_ =	swait.ge [sflag:s14], $0x1700  }
0x181: {  	[sflag:s14] =	ssyncset.done $0x0  }
0x182: {  	s23 =	rddreg [dreg:$0x6];
	[sflag:s14] =	ssyncadd.s32 $0xFFFFE900  }
0x183: {  	[hbm4b:s23+s0] =	stream.linear.scatter [tilespmem:s13], [sflag:$0x2], $0x1700, $0x38;
	[tilespmem:$0x1EE00] =	vst v63  }
0x184: {  	_ =	swait.ge [sflag:s14], $0x1700  }
0x185: {  	s31 =	sld [smem:$0x7F1]  }
0x186: {  	[sflag:s14] =	ssyncset.done $0x0  }
0x187: {  	[sflag:s14] =	ssyncadd.s32 $0xFFFFE900  }
0x188: {  	[tilespmem:s13], [sflag:$0x2] =	stream.linear.gather [spmem:s31], $0x1700, $0x38;
	[tilespmem:$0x1EE00] =	vst v63  }
0x189: {  	_ =	swait.ge [sflag:s14], $0x1700  }
0x18a: {  	[sflag:s14] =	ssyncset.done $0x0  }
0x18b: {  	s11 =	rddreg [dreg:$0x7];
	[sflag:s14] =	ssyncadd.s32 $0xFFFFE900  }
0x18c: {  	[hbm4b:s11+s0] =	stream.linear.scatter [tilespmem:s13], [sflag:$0x2], $0x1700, $0x38;
	[tilespmem:$0x1EE00] =	vst v63  }
0x18d: {  	_ =	swait.ge [sflag:s14], $0x1700  }
0x18e: {  	s23 =	sld [smem:$0x7F2]  }
0x18f: {  	[sflag:s14] =	ssyncset.done $0x0  }
0x190: {  	[sflag:s14] =	ssyncadd.s32 $0xFFFFE900  }
0x191: {  	[tilespmem:s13], [sflag:$0x2] =	stream.linear.gather [spmem:s23], $0x1700, $0x38;
	[tilespmem:$0x1EE00] =	vst v63  }
0x192: {  	_ =	swait.ge [sflag:s14], $0x1700  }
0x193: {  	[sflag:s14] =	ssyncset.done $0x0  }
0x194: {  	s31 =	rddreg [dreg:$0x8];
	[sflag:s14] =	ssyncadd.s32 $0xFFFFE900  }
0x195: {  	[hbm4b:s31+s0] =	stream.linear.scatter [tilespmem:s13], [sflag:$0x2], $0x1700, $0x38;
	[tilespmem:$0x1EE00] =	vst v63  }
0x196: {  	_ =	swait.ge [sflag:s14], $0x1700  }
0x197: {  	s11 =	sld [smem:$0x7F3]  }
0x198: {  	[sflag:s14] =	ssyncset.done $0x0  }
0x199: {  	[sflag:s14] =	ssyncadd.s32 $0xFFFFE900  }
0x19a: {  	[tilespmem:s13], [sflag:$0x2] =	stream.linear.gather [spmem:s11], $0x1700, $0x38;
	[tilespmem:$0x1EE00] =	vst v63  }
0x19b: {  	_ =	swait.ge [sflag:s14], $0x1700  }
0x19c: {  	[sflag:s14] =	ssyncset.done $0x0  }
0x19d: {  	s23 =	rddreg [dreg:$0x9];
	[sflag:s14] =	ssyncadd.s32 $0xFFFFE900  }
0x19e: {  	[hbm4b:s23+s0] =	stream.linear.scatter [tilespmem:s13], [sflag:$0x2], $0x1700, $0x38;
	[tilespmem:$0x1EE00] =	vst v63  }
0x19f: {  	_ =	swait.ge [sflag:s14], $0x1700  }
0x1a0: {  	s31 =	sld [smem:$0x7F4]  }
0x1a1: {  	[sflag:s14] =	ssyncset.done $0x0  }
0x1a2: {  	[sflag:s14] =	ssyncadd.s32 $0xFFFFE900  }
0x1a3: {  	[tilespmem:s13], [sflag:$0x2] =	stream.linear.gather [spmem:s31], $0x1700, $0x38;
	[tilespmem:$0x1EE00] =	vst v63  }
0x1a4: {  	_ =	swait.ge [sflag:s14], $0x1700  }
0x1a5: {  	[sflag:s14] =	ssyncset.done $0x0  }
0x1a6: {  	s11 =	rddreg [dreg:$0xa];
	[sflag:s14] =	ssyncadd.s32 $0xFFFFE900  }
0x1a7: {  	[hbm4b:s11+s0] =	stream.linear.scatter [tilespmem:s13], [sflag:$0x2], $0x1700, $0x38;
	[tilespmem:$0x1EE00] =	vst v63  }
0x1a8: {  	_ =	swait.ge [sflag:s14], $0x1700  }
0x1a9: {  	s23 =	sld [smem:$0x7F5]  }
0x1aa: {  	[sflag:s14] =	ssyncset.done $0x0  }
0x1ab: {  	[sflag:s14] =	ssyncadd.s32 $0xFFFFE900  }
0x1ac: {  	[tilespmem:s13], [sflag:$0x2] =	stream.linear.gather [spmem:s23], $0x1700, $0x38;
	[tilespmem:$0x1EE00] =	vst v63  }
0x1ad: {  	_ =	swait.ge [sflag:s14], $0x1700  }
0x1ae: {  	[sflag:s14] =	ssyncset.done $0x0  }
0x1af: {  	s31 =	rddreg [dreg:$0xb];
	[sflag:s14] =	ssyncadd.s32 $0xFFFFE900  }
0x1b0: {  	[hbm4b:s31+s0] =	stream.linear.scatter [tilespmem:s13], [sflag:$0x2], $0x1700, $0x38;
	[tilespmem:$0x1EE00] =	vst v63  }
0x1b1: {  	_ =	swait.ge [sflag:s14], $0x1700  }
0x1b2: {  	s11 =	sld [smem:$0x7F6]  }
0x1b3: {  	[sflag:s14] =	ssyncset.done $0x0  }
0x1b4: {  	[sflag:s14] =	ssyncadd.s32 $0xFFFFE900  }
0x1b5: {  	[tilespmem:s13], [sflag:$0x2] =	stream.linear.gather [spmem:s11], $0x1700, $0x38;
	[tilespmem:$0x1EE00] =	vst v63  }
0x1b6: {  	_ =	swait.ge [sflag:s14], $0x1700  }
0x1b7: {  	[sflag:s14] =	ssyncset.done $0x0  }
0x1b8: {  	s23 =	rddreg [dreg:$0xc];
	[sflag:s14] =	ssyncadd.s32 $0xFFFFE900  }
0x1b9: {  	[hbm4b:s23+s0] =	stream.linear.scatter [tilespmem:s13], [sflag:$0x2], $0x1700, $0x38;
	[tilespmem:$0x1EE00] =	vst v63  }
0x1ba: {  	_ =	swait.ge [sflag:s14], $0x1700  }
0x1bb: {  	s31 =	sld [smem:$0x7F7]  }
0x1bc: {  	[sflag:s14] =	ssyncset.done $0x0  }
0x1bd: {  	[sflag:s14] =	ssyncadd.s32 $0xFFFFE900  }
0x1be: {  	[tilespmem:s13], [sflag:$0x2] =	stream.linear.gather [spmem:s31], $0x1700, $0x38;
	[tilespmem:$0x1EE00] =	vst v63  }
0x1bf: {  	_ =	swait.ge [sflag:s14], $0x1700  }
0x1c0: {  	[sflag:s14] =	ssyncset.done $0x0  }
0x1c1: {  	s11 =	rddreg [dreg:$0xe];
	[sflag:s14] =	ssyncadd.s32 $0xFFFFE900  }
0x1c2: {  	[hbm4b:s11+s0] =	stream.linear.scatter [tilespmem:s13], [sflag:$0x2], $0x1700, $0x38;
	[tilespmem:$0x1EE00] =	vst v63  }
0x1c3: {  	_ =	swait.ge [sflag:s14], $0x1700  }
0x1c4: {  	s23 =	sld [smem:$0x7F8]  }
0x1c5: {  	[sflag:s14] =	ssyncset.done $0x0  }
0x1c6: {  	[sflag:s14] =	ssyncadd.s32 $0xFFFFE900  }
0x1c7: {  	[tilespmem:s13], [sflag:$0x2] =	stream.linear.gather [spmem:s23], $0x1700, $0x38;
	[tilespmem:$0x1EE00] =	vst v63  }
0x1c8: {  	_ =	swait.ge [sflag:s14], $0x1700  }
0x1c9: {  	[sflag:s14] =	ssyncset.done $0x0  }
0x1ca: {  	s31 =	rddreg [dreg:$0xf];
	[sflag:s14] =	ssyncadd.s32 $0xFFFFE900  }
0x1cb: {  	[hbm4b:s31+s0] =	stream.linear.scatter [tilespmem:s13], [sflag:$0x2], $0x1700, $0x38;
	[tilespmem:$0x1EE00] =	vst v63  }
0x1cc: {  	_ =	swait.ge [sflag:s14], $0x1700  }
0x1cd: {  	s11 =	sld [smem:$0x7F9]  }
0x1ce: {  	[sflag:s14] =	ssyncset.done $0x0  }
0x1cf: {  	[sflag:s14] =	ssyncadd.s32 $0xFFFFE900  }
0x1d0: {  	[tilespmem:s13], [sflag:$0x2] =	stream.linear.gather [spmem:s11], $0x1700, $0x38;
	[tilespmem:$0x1EE00] =	vst v63  }
0x1d1: {  	_ =	swait.ge [sflag:s14], $0x1700  }
0x1d2: {  	[sflag:s14] =	ssyncset.done $0x0  }
0x1d3: {  	s23 =	rddreg [dreg:$0x10];
	[sflag:s14] =	ssyncadd.s32 $0xFFFFE900  }
0x1d4: {  	[hbm4b:s23+s0] =	stream.linear.scatter [tilespmem:s13], [sflag:$0x2], $0x1700, $0x38;
	[tilespmem:$0x1EE00] =	vst v63  }
0x1d5: {  	_ =	swait.ge [sflag:s14], $0x1700  }
0x1d6: {  	s31 =	sld [smem:$0x7FA]  }
0x1d7: {  	[sflag:s14] =	ssyncset.done $0x0  }
0x1d8: {  	[sflag:s14] =	ssyncadd.s32 $0xFFFFE900  }
0x1d9: {  	[tilespmem:s13], [sflag:$0x2] =	stream.linear.gather [spmem:s31], $0x1700, $0x38;
	[tilespmem:$0x1EE00] =	vst v63  }
0x1da: {  	_ =	swait.ge [sflag:s14], $0x1700  }
0x1db: {  	[sflag:s14] =	ssyncset.done $0x0  }
0x1dc: {  	s11 =	rddreg [dreg:$0x11];
	[sflag:s14] =	ssyncadd.s32 $0xFFFFE900  }
0x1dd: {  	[hbm4b:s11+s0] =	stream.linear.scatter [tilespmem:s13], [sflag:$0x2], $0x1700, $0x38;
	[tilespmem:$0x1EE00] =	vst v63  }
0x1de: {  	_ =	swait.ge [sflag:s14], $0x1700  }
0x1df: {  	s23 =	sld [smem:$0x7FB]  }
0x1e0: {  	[sflag:s14] =	ssyncset.done $0x0  }
0x1e1: {  	[sflag:s14] =	ssyncadd.s32 $0xFFFFE900  }
0x1e2: {  	[tilespmem:s13], [sflag:$0x2] =	stream.linear.gather [spmem:s23], $0x1700, $0x38;
	[tilespmem:$0x1EE00] =	vst v63  }
0x1e3: {  	_ =	swait.ge [sflag:s14], $0x1700  }
0x1e4: {  	[sflag:s14] =	ssyncset.done $0x0  }
0x1e5: {  	s31 =	rddreg [dreg:$0x13];
	[sflag:s14] =	ssyncadd.s32 $0xFFFFE900  }
0x1e6: {  	[hbm4b:s31+s0] =	stream.linear.scatter [tilespmem:s13], [sflag:$0x2], $0x1700, $0x38;
	[tilespmem:$0x1EE00] =	vst v63  }
0x1e7: {  	_ =	swait.ge [sflag:s14], $0x1700  }
0x1e8: {  	s11 =	sld [smem:$0x7FC]  }
0x1e9: {  	[sflag:s14] =	ssyncset.done $0x0  }
0x1ea: {  	[sflag:s14] =	ssyncadd.s32 $0xFFFFE900  }
0x1eb: {  	[tilespmem:s13], [sflag:$0x2] =	stream.linear.gather [spmem:s11], $0x1700, $0x38;
	[tilespmem:$0x1EE00] =	vst v63  }
0x1ec: {  	_ =	swait.ge [sflag:s14], $0x1700  }
0x1ed: {  	[sflag:s14] =	ssyncset.done $0x0  }
0x1ee: {  	s23 =	rddreg [dreg:$0x14];
	[sflag:s14] =	ssyncadd.s32 $0xFFFFE900  }
0x1ef: {  	[hbm4b:s23+s0] =	stream.linear.scatter [tilespmem:s13], [sflag:$0x2], $0x1700, $0x38;
	[tilespmem:$0x1EE00] =	vst v63  }
0x1f0: {  	_ =	swait.ge [sflag:s14], $0x1700  }
0x1f1: {  	s31 =	sld [smem:$0x7FD]  }
0x1f2: {  	[sflag:s14] =	ssyncset.done $0x0  }
0x1f3: {  	[sflag:s14] =	ssyncadd.s32 $0xFFFFE900  }
0x1f4: {  	[tilespmem:s13], [sflag:$0x2] =	stream.linear.gather [spmem:s31], $0x1700, $0x38;
	[tilespmem:$0x1EE00] =	vst v63  }
0x1f5: {  	_ =	swait.ge [sflag:s14], $0x1700  }
0x1f6: {  	[sflag:s14] =	ssyncset.done $0x0  }
0x1f7: {  	s11 =	rddreg [dreg:$0x15];
	[sflag:s14] =	ssyncadd.s32 $0xFFFFE900  }
0x1f8: {  	[hbm4b:s11+s0] =	stream.linear.scatter [tilespmem:s13], [sflag:$0x2], $0x1700, $0x38;
	[tilespmem:$0x1EE00] =	vst v63  }
0x1f9: {  	_ =	swait.ge [sflag:s14], $0x1700  }
0x1fa: {  	s23 =	sld [smem:$0x7E6];
	_ =	sdelay $0x2  }
0x1fb: {  	s31 =	rddreg [dreg:$0x16];
	s9 =	sadd.s32 $0x1, s23  }
0x1fc: {  	p0 =	sne.s32 s9, s31  }
.Ltmp3:
0x1fd: {  	_ = 	snop;
	(pc) =	sbr.rel @p0 .LBB2_1-.Ltmp3, $3  }
0x1fe: {  	_ =	sdelay $0x1  }
0x1ff: {  	[sflag:s14] =	ssyncset.done $0x0  }
0x200: {  	[sflag:s14] =	ssyncadd.s32 $0xFFFFE900  }
0x201: {  	_ =	sfence.sel $0x180000  }
0x202: {  	[bflag:$0x0] =	sbarrier.arrive $0xFFFF  }
0x203: {  	_ =	strace $0x9000004A  }
0x204: {  	s0 =	stileid.u32;
	[bflag:$0x2] =	sbarrier.arrive $0xFFFF  }
0x205: {  	p0 =	sne.s32 s0, $0x0;
	s0 =	rddreg [dreg:$0x2]  }
0x206: {  	s0 =	sadd.s32 @!p0 $0x100000, s0  }
0x207: {  	[sflag:s0] =	ssyncadd.tile.s32 @!p0 $0x1;
	_ =	shalt  }
.Lfunc_end2:
_tile_overlayer_lowered:
.L_overlay_start_2:
0x208: {  	(tag) =	ssettag $0x2  }
0x209: {  	s0 =	rddreg [dreg:$0x0];
	s2 =	stileid.u32  }
0x20a: {  	s1 =	rddreg [dreg:$0x1];
	p0 =	sne.s32 s2, $0x0  }
0x20b: {  	s3 =	rddreg [dreg:$0x2];
	[bflag:$0x3] =	sbarrier.arrive $0xFFFF;
	s2 =	simm.s32 @!p0 $0x1C02  }
0x20c: {  	[timem:s3], [sflag:s2] =	dma.local @!p0 [hbm:s0], s1  }
0x20d: {  	s0 =	simm.s32 @!p0 $0x2  }
0x20e: {  	_ =	swait.ge @!p0 [sflag:s0], s1  }
0x20f: {  	s1 =	ssub.s32 @!p0 $0x0, s1;
	[sflag:s0] =	ssyncset.done @!p0 $0x0  }
0x210: {  	[sflag:s0] =	ssyncadd.s32 @!p0 s1  }
0x211: {  	[bflag:$0x3] =	sbarrier.arrive $0xFFFF  }
0x212: {  	_ =	shalt  }

// kernel: kernel.14.cloned.1.call-start
scs
__scs_entry_jumppad:
0x0: {  	(pc) =	sbr.rel $0x88, $3  }
0x1: {  	(tag) =	ssettag $0x0;
	lr =	simm.s32 $0x1  }
0x2: {  	[smem:$0x3F97] =	sst lr;
	_ =	strace $0xD0000000  }
0x3: {  	_ = 	snop  }
0x4: {  	_ = 	snop  }
0x5: {  	_ = 	snop  }
0x6: {  	_ = 	snop  }
0x7: {  	_ = 	snop  }
__scs_overlays_trampoline_lowered:
0x8: {  	[smem:$0x3FA6] =	sst s0  }
0x9: {  	[smem:$0x3FA7] =	sst s1  }
0xa: {  	[smem:$0x3FA8] =	sst s2  }
0xb: {  	[smem:$0x3FA9] =	sst s3  }
0xc: {  	[smem:$0x3FAA] =	sst s4  }
0xd: {  	[smem:$0x3FAB] =	sst s5  }
0xe: {  	[smem:$0x3FAC] =	sst s6  }
0xf: {  	[smem:$0x3FAD] =	sst s7  }
0x10: {  	[smem:$0x3FAE] =	sst s8  }
0x11: {  	[smem:$0x3FAF] =	sst s9;
	s0 =	simm.s32 @!p0 $0x0  }
0x12: {  	s1 =	sld [smem:$0x3F95];
	s0 =	simm.s32 @p0 $0x1  }
0x13: {  	[smem:$0x3FB0] =	sst s0;
	s0 =	simm.s32 @!p1 $0x0  }
0x14: {  	s2 =	sld [smem:$0x3F94];
	s0 =	simm.s32 @p1 $0x1  }
0x15: {  	[smem:$0x3FB1] =	sst s0;
	s0 =	simm.s32 @!p2 $0x0  }
0x16: {  	s3 =	sld [smem:$0x3FDB];
	s0 =	simm.s32 @p2 $0x1  }
0x17: {  	s4 =	simm.s32 $0x1BF5;
	[smem:$0x3FB3] =	sst s0  }
0x18: {  	s0 =	sld [smem:$0x3F96];
	_ =	swait.ge [sflag:s4], $0x0  }
0x19: {  	s7 =	sld [smem:$0x3F97]  }
0x1a: {  	s8 =	sadd.s32 $0xFFFFE003, lr  }
0x1b: {  	s9 =	sadd.s32 $0xFFFFFEF7, lr;
	s5 =	simm.s32 $0xFFFFFFFF;
	p2 =	slt.u32 s8, $0xFFFFF086  }
0x1c: {  	p1 =	slt.u32 s9, $0xF7A;
	s5 =	simm.s32 @!p2 $0x0  }
0x1d: {  	s5 =	simm.s32 @p1 $0x1;
	p0 =	seq.s32 s7, s2  }
0x1e: {  	s7 =	smul.u32 @!p0 $0xF7A, s2;
	p2 =	seq.s32 @!p0 s5, $0x0  }
0x1f: {  	s9 =	smul.u32 $0xF7A, s1;
	s8 =	simm.s32 @!p0 $0x1BF5;
	p2 =	por !p2, p0  }
0x20: {  	[sflag:s8] =	ssyncset.s32 @!p0 $0xFFFFF086;
	s6 =	sadd.s32 @!p0 s3, s7;
	s7 =	simm.s32 @!p0 $0x108  }
0x21: {  	s3 =	sadd.s32 s3, s9;
	s6 =	sadd.s32 @!p0 $0x88, s6;
	s7 =	simm.s32 @p2 $0x1082  }
0x22: {  	[simem:s7], [sflag:s8] =	dma.local @!p0 [hbm:s6], $0xF7A  }
0x23: {  	s9 =	sor.u32 $0xD0000000, s2;
	s6 =	simm.s32 $0x108;
	_ =	swait.ge @!p0 [sflag:s8], $0x0  }
0x24: {  	s3 =	sadd.s32 $0x88, s3;
	s6 =	simm.s32 @!p1 $0x1082;
	[sflag:s4] =	ssyncset.s32 $0xFFFFF086  }
0x25: {  	[simem:s6], [sflag:s4] =	dma.local [hbm:s3], $0xF7A  }
0x26: {  	[smem:$0x3F97] =	sst s1;
	(tag) =	ssettag s2;
	_ =	strace s9  }
0x27: {  	s1 =	sld [smem:$0x3FA7]  }
0x28: {  	s2 =	sld [smem:$0x3FA8]  }
0x29: {  	s4 =	sld [smem:$0x3FAA]  }
0x2a: {  	p0 =	seq.s32 s5, $0x0;
	s5 =	sld [smem:$0x3FAB]  }
0x2b: {  	s6 =	sld [smem:$0x3FAC]  }
0x2c: {  	s7 =	sld [smem:$0x3FAD]  }
0x2d: {  	s3 =	simm.s32 $0x108;
	s8 =	sld [smem:$0x3FAE]  }
0x2e: {  	s3 =	simm.s32 @!p0 $0x1082;
	s9 =	sld [smem:$0x3FAF]  }
0x2f: {  	lr =	sadd.s32 s0, s3;
	s0 =	sld [smem:$0x3FA6]  }
0x30: {  	s3 =	sld [smem:$0x3FA9]  }
0x31: {  	[smem:$0x3FB2] =	sst s10  }
0x32: {  	s10 =	sld [smem:$0x3FB0];
	_ =	sdelay $0x3  }
0x33: {  	p0 =	seq.s32 s10, $0x1;
	s10 =	sld [smem:$0x3FB2];
	_ =	sdelay $0x3  }
0x34: {  	[smem:$0x3FB2] =	sst s10  }
0x35: {  	s10 =	sld [smem:$0x3FB1];
	_ =	sdelay $0x3  }
0x36: {  	p1 =	seq.s32 s10, $0x1;
	s10 =	sld [smem:$0x3FB2];
	_ =	sdelay $0x3  }
0x37: {  	[smem:$0x3FB2] =	sst s10  }
0x38: {  	s10 =	sld [smem:$0x3FB3]  }
0x39: {  	_ = 	snop;
	(pc) =	sbr.ind lr, $3  }
0x3a: {  	_ = 	snop  }
0x3b: {  	_ = 	snop  }
0x3c: {  	p2 =	seq.s32 s10, $0x1;
	s10 =	sld [smem:$0x3FB2]  }
0x3d: {  	_ =	shalt  }
0x3e: {  	_ =	shalt  }
0x3f: {  	_ =	shalt  }
0x40: {  	_ =	shalt  }
0x41: {  	_ =	shalt  }
0x42: {  	_ =	shalt  }
0x43: {  	_ =	shalt  }
0x44: {  	_ =	shalt  }
0x45: {  	_ =	shalt  }
0x46: {  	_ =	shalt  }
0x47: {  	_ =	shalt  }
0x48: {  	_ =	shalt  }
0x49: {  	_ =	shalt  }
0x4a: {  	_ =	shalt  }
0x4b: {  	_ =	shalt  }
0x4c: {  	_ =	shalt  }
0x4d: {  	_ =	shalt  }
0x4e: {  	_ =	shalt  }
0x4f: {  	_ =	shalt  }
0x50: {  	_ =	shalt  }
0x51: {  	_ =	shalt  }
0x52: {  	_ =	shalt  }
0x53: {  	_ =	shalt  }
0x54: {  	_ =	shalt  }
0x55: {  	_ =	shalt  }
0x56: {  	_ =	shalt  }
0x57: {  	_ =	shalt  }
0x58: {  	_ =	shalt  }
0x59: {  	_ =	shalt  }
0x5a: {  	_ =	shalt  }
0x5b: {  	_ =	shalt  }
0x5c: {  	_ =	shalt  }
0x5d: {  	_ =	shalt  }
0x5e: {  	_ =	shalt  }
0x5f: {  	_ =	shalt  }
0x60: {  	_ =	shalt  }
0x61: {  	_ =	shalt  }
0x62: {  	_ =	shalt  }
0x63: {  	_ =	shalt  }
0x64: {  	_ =	shalt  }
0x65: {  	_ =	shalt  }
0x66: {  	_ =	shalt  }
0x67: {  	_ =	shalt  }
0x68: {  	_ =	shalt  }
0x69: {  	_ =	shalt  }
0x6a: {  	_ =	shalt  }
0x6b: {  	_ =	shalt  }
0x6c: {  	_ =	shalt  }
0x6d: {  	_ =	shalt  }
0x6e: {  	_ =	shalt  }
0x6f: {  	_ =	shalt  }
0x70: {  	_ =	shalt  }
0x71: {  	_ =	shalt  }
0x72: {  	_ =	shalt  }
0x73: {  	_ =	shalt  }
0x74: {  	_ =	shalt  }
0x75: {  	_ =	shalt  }
0x76: {  	_ =	shalt  }
0x77: {  	_ =	shalt  }
0x78: {  	_ =	shalt  }
0x79: {  	_ =	shalt  }
0x7a: {  	_ =	shalt  }
0x7b: {  	_ =	shalt  }
0x7c: {  	_ =	shalt  }
0x7d: {  	_ =	shalt  }
0x7e: {  	_ =	shalt  }
0x7f: {  	_ =	shalt  }
0x80: {  	_ =	shalt  }
0x81: {  	_ =	shalt  }
0x82: {  	_ =	shalt  }
0x83: {  	_ =	shalt  }
0x84: {  	_ =	shalt  }
0x85: {  	_ =	shalt  }
0x86: {  	_ =	shalt  }
0x87: {  	_ =	shalt  }
.Lfunc_end0:
.L_simem_size_0:
called_computation.2_lowered:
.L_overlay_start_0:
0x88: {  	s2 =	sld [smem:$0x3FD9]  }
0x89: {  	s3 =	sld [smem:$0x3FFE];
	_ =	sdelay $0x1  }
0x8a: {  	s1 =	srdreg.scid  }
0x8b: {  	s0 =	sand.u32 $0x1, s1  }
0x8c: {  	s16 =	sshll.u32 s0, $0xA;
	s2 =	sadd.s32 s3, s2  }
0x8d: {  	s2 =	sadd.s32 s2, s16  }
0x8e: {  	[smem:$0x3FBE] =	sst s2  }
0x8f: {  	_ = 	snop  }
0x90: {  	(tm) =	ssettm $0x1  }
0x91: {  	s17 =	sld [smem:$0x3FFB];
	_ =	sdelay $0x3  }
0x92: {  	_ =	strace s17  }
0x93: {  	s2 =	sld [smem:$0x3FFC];
	_ =	sdelay $0x3  }
0x94: {  	_ =	strace s2  }
0x95: {  	s2 =	sld [smem:$0x3FFD];
	_ =	sdelay $0x3  }
0x96: {  	_ =	strace s2  }
0x97: {  	_ =	strace $0x8FFFFFFF  }
0x98: {  	s18 =	sld [smem:$0x3FDB];
	_ =	sdelay $0x1  }
0x99: {  	s19 =	simm.s32 $_scs_section_size  }
0x9a: {  	s4 =	simm.s32 $_size__tile_overlayer_lowered;
	s5 =	simm.s32 $_tile_overlayer_lowered  }
0x9b: {  	s22 =	simm.s32 $0x1BFF;
	s21 =	sshll.u32 s5, $0x1;
	s2 =	sadd.s32 s19, s18  }
0x9c: {  	s6 =	simm.s32 $0x0;
	s20 =	sshll.u32 s4, $0x1;
	s4 =	sadd.s32 s21, s2  }
0x9d: {  	[timem:s6], [sflag:s22] =	dma.local [hbm:s4], s20  }
0x9e: {  	_ =	swait.ge [sflag:s22], s20  }
0x9f: {  	s3 =	ssub.s32 $0x0, s20;
	[sflag:s22] =	ssyncset.done $0x0  }
0xa0: {  	[sflag:s22] =	ssyncadd.s32 s3;
	_ =	sdelay $0x1  }
0xa1: {  	s23 =	simm.s32 $0x1B8B  }
0xa2: {  	_ =	swait.ge [sflag:s23], $0x1  }
0xa3: {  	[sflag:s23] =	ssyncset.done $0x0  }
0xa4: {  	s25 =	simm.s32 $0x1B8E;
	s24 =	sld [smem:$0x3FFE];
	[sflag:s23] =	ssyncadd.s32 $0xFFFFFFFF  }
0xa5: {  	s26 =	simm.s32 $execute0_lowered;
	[smem:$0x3FD2] =	sst s25  }
0xa6: {  	s4 =	sshll.u32 s26, $0x1;
	_ =	strace $0x8000004C;
	[dreg:$0x1] =	wrdreg $0xFFFFFFFF  }
0xa7: {  	s28 =	simm.s32 $_size_execute0_lowered;
	s2 =	sadd.s32 s2, s4;
	[dreg:$0x0] =	wrdreg $0x0  }
0xa8: {  	s4 =	sshll.u32 s28, $0x1;
	[dreg:$0x2] =	wrdreg s2  }
0xa9: {  	[dreg:$0x3] =	wrdreg s4  }
0xaa: {  	[dreg:$0x4] =	wrdreg $0xC0  }
0xab: {  	_ =	task [dreg:s6], $0x5FFFF  }
0xac: {  	[dreg:$0x1] =	wrdreg $0xFFFFFFFF  }
0xad: {  	[dreg:$0x0] =	wrdreg $0x60  }
0xae: {  	[dreg:$0x2] =	wrdreg s24  }
0xaf: {  	[dreg:$0x3] =	wrdreg $0x18700  }
0xb0: {  	[dreg:$0x4] =	wrdreg $0x30E00  }
0xb1: {  	[dreg:$0x5] =	wrdreg $0x0  }
0xb2: {  	[dreg:$0x6] =	wrdreg $0x9  }
0xb3: {  	_ =	task.clear_ibuf [dreg:s6], $0x7FFFF;
	_ =	strace $0x9000004C  }
0xb4: {  	s29 =	simm.s32 $0x9;
	_ =	strace $0x8000004E  }
0xb5: {  	_ =	swait.ge [sflag:s29], $0x1  }
0xb6: {  	[sflag:s29] =	ssyncadd.s32 $0xFFFFFFFF  }
0xb7: {  	_ =	strace $0x9000004E  }
0xb8: {  	_ =	sfence  }
0xb9: {  	s30 =	sld [smem:$0x0];
	_ =	sdelay $0x2  }
0xba: {  	s31 =	sshll.u32 s1, $0xD;
	s1 =	sshrl.u32 s1, $0x2  }
0xbb: {  	s3 =	sand.u32 $0x4000, s31;
	s1 =	sadd.s32 s1, s30  }
0xbc: {  	s0 =	sor.u32 s3, s0;
	s1 =	sshll.u32 s1, $0x11  }
0xbd: {  	s0 =	sor.u32 s1, s0  }
0xbe: {  	s0 =	sadd.s32 $0x8F2B, s0  }
0xbf: {  	[sflag:s0] =	ssyncadd.remote.s32 $0x1  }
0xc0: {  	_ =	sfence.sel $0xFFFF  }
0xc1: {  	[dreg:$0x0] =	wrdreg $0xFFFFFFFF;
	(pc) =	sbr.abs _section_cstart, $3  }
0xc2: {  	[dreg:$0x1] =	wrdreg $0xFFFFFFFF  }
0xc3: {  	_ =	task.clear_ibuf [dreg:s6], $0x2FFFF;
	_ =	strace $0x9FFFFFFF  }
0xc4: {  	(tm) =	ssettm $0x7FFFFFFF  }
0xc5: {  	_ =	shalt  }
tec
execute0_lowered:
.L_overlay_start_1:
0x0: {  	(tag) =	ssettag $0x1  }
0x1: {  	s0 =	rddreg [dreg:$0x0]  }
0x2: {  	s1 =	rddreg [dreg:$0x1]  }
0x3: {  	s2 =	rddreg [dreg:$0x2]  }
0x4: {  	s4 =	stileid.u32;
	s3 =	rddreg [dreg:$0x3]  }
0x5: {  	s17 =	simm.s32 $0x0;
	s5 =	srdreg.scid;
	s28 =	simm.s32 $0x80  }
0x6: {  	s29 =	simm.s32 $0x4ED0;
	s31 =	simm.s32 $0x4F50;
	s7 =	smul.u32 $0x1870, s4  }
0x7: {  	[smem:$0x7FF] =	sst s17;
	s9 =	sand.u32 $0x1, s5;
	s5 =	sadd.s32 $0x7800, s0  }
0x8: {  	s6 =	sadd.s32 $0x38800, s0;
	s12 =	sadd.s32 $0x1400, s0;
	s13 =	sadd.s32 $0x4800, s0  }
0x9: {  	s19 =	sshll.u32 s4, $0x1;
	s23 =	sadd.s32 $0x186A0, s3;
	p0 =	sne.s32 s4, $0x0  }
0xa: {  	s4 =	simm.s32 $0x4E50;
	_ =	strace $0x8000004D;
	[dreg:$0x5] =	wrdreg s12  }
0xb: {  	s11 =	smul.u32 $0x186A0, s9;
	s15 =	ssub.s32 $0x2, s9;
	[dreg:$0x6] =	wrdreg s13  }
0xc: {  	s9 =	sor.u32 s9, s19;
	[dreg:$0xb] =	wrdreg s23;
	s19 =	simm.s32 $0x79E0  }
0xd: {  	s23 =	simm.s32 $0x4FD0;
	s12 =	simm.s32 $0x5CD0;
	s13 =	simm.s32 $0x60D0  }
0xe: {  	s8 =	smin.u32 s7, $0x16E30;
	s16 =	sshrl.u32 s15, $0x1;
	s20 =	sadd.s32 s7, s1  }
0xf: {  	s7 =	sadd.s32 s7, s2;
	s14 =	smul.u32 $0xC400, s9;
	s9 =	simm.s32 $0x50D0  }
0x10: {  	s10 =	sshrl.u32 s8, $0x3;
	s11 =	sadd.s32 s11, s8;
	[dreg:$0x7] =	wrdreg s20  }
0x11: {  	s18 =	ssub.s32 s15, s16;
	[dreg:$0x8] =	wrdreg s7;
	s22 =	sadd.s32 s8, s3  }
0x12: {  	s24 =	sadd.s32 s8, s1;
	s26 =	sadd.s32 s8, s2;
	s16 =	simm.s32 $0x1  }
0x13: {  	s7 =	simm.s32 $0x5050;
	s8 =	simm.s32 $0x5FD0;
	[dreg:$0xa] =	wrdreg s22  }
0x14: {  	s15 =	simm.s32 $0x0;
	s20 =	simm.s32 $0x0;
	[dreg:$0xc] =	wrdreg s24  }
0x15: {  	s10 =	sadd.s32 s10, s0;
	s11 =	sshrl.u32 s11, $0x3;
	[dreg:$0xe] =	wrdreg s26  }
0x16: {  	s30 =	smax.u32 s18, $0x1;
	s26 =	simm.s32 $0x4D50;
	s18 =	simm.s32 $0x4DD0  }
0x17: {  	s0 =	sadd.s32 s11, s0;
	s21 =	sadd.s32 $0x1600, s10;
	[dreg:$0x10] =	wrdreg s30  }
0x18: {  	s10 =	simm.s32 $0x5C50;
	[dreg:$0x9] =	wrdreg s21;
	s25 =	sadd.s32 $0x69800, s0  }
0x19: {  	s11 =	simm.s32 $0x6050;
	s0 =	sadd.s32 $0x6FA00, s0;
	[dreg:$0xd] =	wrdreg s25  }
0x1a: {  	v0 =	vimm.f32 $0.0e+00;
	s21 =	simm.s32 $0x2;
	[dreg:$0xf] =	wrdreg s0;
	s25 =	simm.s32 $0x4950  }
.LBB2_1:
0x1b: {  	[dreg:$0x11] =	wrdreg s15;
	s0 =	simm.s32 $0x40;
	s15 =	simm.s32 $0x0  }
.LBB2_2:
0x1c: {  	p1 =	sne.s32 s0, $0x6180;
	[tilespmem:s15+$0x6170] =	vst v0;
	s15 =	smov.u32 s0;
	s0 =	sadd.s32 $0x40, s0  }
.Ltmp0:
0x1d: {  	(pc) =	sbr.rel @p1 .LBB2_2-.Ltmp0, $2  }
0x1e: {  	_ =	sdelay $0x2  }
0x1f: {  	s15 =	sshra.s32 s15, $0x2  }
0x20: {  	[tilespmem:s15+$0x6170] =	vst v0;
	s0 =	rddreg [dreg:$0x7];
	s24 =	simm.s32 $0x6170  }
0x21: {  	[spmem:s0] =	stream.linear.scatter [tilespmem:s24], [sflag:$0x2], $0x1870, $0x38;
	[tilespmem:$0x9250] =	vst v63  }
0x22: {  	_ =	swait.ge [sflag:s21], $0x1870  }
0x23: {  	[sflag:s21] =	ssyncset.done $0x0  }
0x24: {  	s30 =	rddreg [dreg:$0x8];
	[sflag:s21] =	ssyncadd.s32 $0xFFFFE790  }
0x25: {  	[spmem:s30] =	stream.linear.scatter [tilespmem:s24], [sflag:$0x2], $0x1870, $0x38;
	[tilespmem:$0x9250] =	vst v63  }
0x26: {  	_ =	swait.ge [sflag:s21], $0x1870  }
0x27: {  	[sflag:s21] =	ssyncset.done $0x0  }
0x28: {  	s15 =	rddreg [dreg:$0x9];
	[sflag:s21] =	ssyncadd.s32 $0xFFFFE790  }
0x29: {  	[tilespmem:s19], [sflag:$0x2] =	stream.linear.gather [hbm4b:s15+s17], $0x1870, $0x38;
	[tilespmem:$0x9250] =	vst v63  }
0x2a: {  	_ =	swait.ge [sflag:s21], $0x1870  }
0x2b: {  	[sflag:s21] =	ssyncset.done $0x0  }
0x2c: {  	s17 =	rddreg [dreg:$0xa];
	[sflag:s21] =	ssyncadd.s32 $0xFFFFE790  }
0x2d: {  	[spmem:s17] =	stream.linear.scatter [tilespmem:s19], [sflag:$0x2], $0x1870, $0x38;
	[tilespmem:$0x9250] =	vst v63  }
0x2e: {  	_ =	swait.ge [sflag:s21], $0x1870  }
0x2f: {  	[sflag:s21] =	ssyncset.done $0x0  }
0x30: {  	s0 =	simm.s32 @!p0 $0x6170;
	s15 =	rddreg [dreg:$0xb];
	[sflag:s21] =	ssyncadd.s32 $0xFFFFE790  }
0x31: {  	[spmem:s15] =	stream.linear.scatter @!p0 [tilespmem:s0], [sflag:$0x2], $0x60, $0x38;
	[tilespmem:$0x9250] =	vst v63  }
0x32: {  	s0 =	simm.s32 @!p0 $0x2  }
0x33: {  	_ =	swait.ge @!p0 [sflag:s0], $0x60  }
0x34: {  	[sflag:s0] =	ssyncset.done @!p0 $0x0  }
0x35: {  	s22 =	simm.s32 $0x6150;
	s19 =	rddreg [dreg:$0x5];
	[sflag:s0] =	ssyncadd.s32 @!p0 $0xFFFFFFA0  }
0x36: {  	[tilespmem:s22], [sflag:$0x2] =	stream.linear.gather [hbm4b:s19+s20], $0x10, $0x38;
	[tilespmem:$0x9250] =	vst v63  }
0x37: {  	_ =	swait.ge [sflag:s21], $0x10  }
0x38: {  	[sflag:s21] =	ssyncset.done $0x0  }
0x39: {  	s30 =	simm.s32 $0x6160;
	s24 =	rddreg [dreg:$0x6];
	[sflag:s21] =	ssyncadd.s32 $0xFFFFFFF0  }
0x3a: {  	[tilespmem:s30], [sflag:$0x2] =	stream.linear.gather [hbm4b:s24+s20], $0x10, $0x38;
	[tilespmem:$0x9250] =	vst v63  }
0x3b: {  	_ =	swait.ge [sflag:s21], $0x10  }
0x3c: {  	[sflag:s21] =	ssyncset.done $0x0  }
0x3d: {  	[sflag:s21] =	ssyncadd.s32 $0xFFFFFFF0  }
0x3e: {  	[bflag:$0x0] =	sbarrier.arrive $0xFFFF  }
0x3f: {  	v1 =	vld [tilespmem:$0x6150]  }
0x40: {  	v2 =	vld [tilespmem:$0x6160];
	_ =	sdelay $0x2  }
0x41: {  	s15 =	simm.s32 $0x0  }
.LBB2_4:
0x42: {  	s0 =	sshll.u32 s15, $0xA  }
0x43: {  	s0 =	sadd.s32 s14, s0  }
0x44: {  	s0 =	sshrl.u32 s0, $0x3  }
0x45: {  	s17 =	sadd.s32 s5, s0  }
0x46: {  	[tilespmem:s25], [sflag:$0x2] =	stream.linear.gather [hbm4b:s17+s20], $0x400, $0x38;
	[tilespmem:$0x9250] =	vst v63  }
0x47: {  	_ =	swait.ge [sflag:s21], $0x400  }
0x48: {  	[sflag:s21] =	ssyncset.done $0x0  }
0x49: {  	s0 =	sadd.s32 s6, s0;
	[sflag:s21] =	ssyncadd.s32 $0xFFFFFC00  }
0x4a: {  	[tilespmem:s26], [sflag:$0x2] =	stream.linear.gather [hbm4b:s0+s20], $0x400, $0x38;
	[tilespmem:$0x9250] =	vst v63  }
0x4b: {  	_ =	swait.ge [sflag:s21], $0x400  }
0x4c: {  	[sflag:s21] =	ssyncset.done $0x0  }
0x4d: {  	s19 =	simm.s32 $0x5150;
	[sflag:s21] =	ssyncadd.s32 $0xFFFFFC00  }
0x4e: {  	[tilespmem:s19], [sflag:$0x1] =	stream.indirect.gather [spmem:s3], $0x1, s25, s28, $0xb8;
	[tilespmem:$0x9250] =	vst v63  }
0x4f: {  	s22 =	simm.s32 $0x49D0;
	s24 =	simm.s32 $0x51D0  }
0x50: {  	[tilespmem:s24], [sflag:$0x1] =	stream.indirect.gather [spmem:s3], $0x1, s22, s28, $0xb8;
	[tilespmem:$0x9250] =	vst v63  }
0x51: {  	s17 =	simm.s32 $0x4A50;
	s19 =	simm.s32 $0x5250  }
0x52: {  	[tilespmem:s19], [sflag:$0x1] =	stream.indirect.gather [spmem:s3], $0x1, s17, s28, $0xb8;
	[tilespmem:$0x9250] =	vst v63  }
0x53: {  	s22 =	simm.s32 $0x4AD0;
	s24 =	simm.s32 $0x52D0  }
0x54: {  	[tilespmem:s24], [sflag:$0x1] =	stream.indirect.gather [spmem:s3], $0x1, s22, s28, $0xb8;
	[tilespmem:$0x9250] =	vst v63  }
0x55: {  	s17 =	simm.s32 $0x4B50;
	s19 =	simm.s32 $0x5350  }
0x56: {  	[tilespmem:s19], [sflag:$0x1] =	stream.indirect.gather [spmem:s3], $0x1, s17, s28, $0xb8;
	[tilespmem:$0x9250] =	vst v63  }
0x57: {  	s22 =	simm.s32 $0x4BD0;
	s24 =	simm.s32 $0x53D0  }
0x58: {  	[tilespmem:s24], [sflag:$0x1] =	stream.indirect.gather [spmem:s3], $0x1, s22, s28, $0xb8;
	[tilespmem:$0x9250] =	vst v63  }
0x59: {  	s17 =	simm.s32 $0x4C50;
	s19 =	simm.s32 $0x5450  }
0x5a: {  	[tilespmem:s19], [sflag:$0x1] =	stream.indirect.gather [spmem:s3], $0x1, s17, s28, $0xb8;
	[tilespmem:$0x9250] =	vst v63  }
0x5b: {  	s22 =	simm.s32 $0x4CD0;
	s24 =	simm.s32 $0x54D0  }
0x5c: {  	[tilespmem:s24], [sflag:$0x1] =	stream.indirect.gather [spmem:s3], $0x1, s22, s28, $0xb8;
	[tilespmem:$0x9250] =	vst v63  }
0x5d: {  	_ =	swait.ge [sflag:s16], $0x80  }
0x5e: {  	[sflag:s16] =	ssyncset.done $0x0  }
0x5f: {  	[sflag:s16] =	ssyncadd.s32 $0xFFFFFF80  }
0x60: {  	_ =	swait.ge [sflag:s16], $0x80  }
0x61: {  	[sflag:s16] =	ssyncset.done $0x0  }
0x62: {  	[sflag:s16] =	ssyncadd.s32 $0xFFFFFF80  }
0x63: {  	_ =	swait.ge [sflag:s16], $0x80  }
0x64: {  	[sflag:s16] =	ssyncset.done $0x0  }
0x65: {  	[sflag:s16] =	ssyncadd.s32 $0xFFFFFF80  }
0x66: {  	_ =	swait.ge [sflag:s16], $0x80  }
0x67: {  	[sflag:s16] =	ssyncset.done $0x0  }
0x68: {  	[sflag:s16] =	ssyncadd.s32 $0xFFFFFF80  }
0x69: {  	_ =	swait.ge [sflag:s16], $0x80  }
0x6a: {  	[sflag:s16] =	ssyncset.done $0x0  }
0x6b: {  	[sflag:s16] =	ssyncadd.s32 $0xFFFFFF80  }
0x6c: {  	_ =	swait.ge [sflag:s16], $0x80  }
0x6d: {  	[sflag:s16] =	ssyncset.done $0x0  }
0x6e: {  	[sflag:s16] =	ssyncadd.s32 $0xFFFFFF80  }
0x6f: {  	_ =	swait.ge [sflag:s16], $0x80  }
0x70: {  	[sflag:s16] =	ssyncset.done $0x0  }
0x71: {  	[sflag:s16] =	ssyncadd.s32 $0xFFFFFF80  }
0x72: {  	_ =	swait.ge [sflag:s16], $0x80  }
0x73: {  	[sflag:s16] =	ssyncset.done $0x0  }
0x74: {  	s17 =	simm.s32 $0x5550;
	[sflag:s16] =	ssyncadd.s32 $0xFFFFFF80  }
0x75: {  	[tilespmem:s17], [sflag:$0x1] =	stream.indirect.gather [spmem:s3], $0x1, s26, s28, $0xb8;
	[tilespmem:$0x9250] =	vst v63  }
0x76: {  	s19 =	simm.s32 $0x55D0  }
0x77: {  	[tilespmem:s19], [sflag:$0x1] =	stream.indirect.gather [spmem:s3], $0x1, s18, s28, $0xb8;
	[tilespmem:$0x9250] =	vst v63  }
0x78: {  	s22 =	simm.s32 $0x5650  }
0x79: {  	[tilespmem:s22], [sflag:$0x1] =	stream.indirect.gather [spmem:s3], $0x1, s4, s28, $0xb8;
	[tilespmem:$0x9250] =	vst v63  }
0x7a: {  	s24 =	simm.s32 $0x56D0  }
0x7b: {  	[tilespmem:s24], [sflag:$0x1] =	stream.indirect.gather [spmem:s3], $0x1, s29, s28, $0xb8;
	[tilespmem:$0x9250] =	vst v63  }
0x7c: {  	s17 =	simm.s32 $0x5750  }
0x7d: {  	[tilespmem:s17], [sflag:$0x1] =	stream.indirect.gather [spmem:s3], $0x1, s31, s28, $0xb8;
	[tilespmem:$0x9250] =	vst v63  }
0x7e: {  	s19 =	simm.s32 $0x57D0  }
0x7f: {  	[tilespmem:s19], [sflag:$0x1] =	stream.indirect.gather [spmem:s3], $0x1, s23, s28, $0xb8;
	[tilespmem:$0x9250] =	vst v63  }
0x80: {  	s22 =	simm.s32 $0x5850  }
0x81: {  	[tilespmem:s22], [sflag:$0x1] =	stream.indirect.gather [spmem:s3], $0x1, s7, s28, $0xb8;
	[tilespmem:$0x9250] =	vst v63  }
0x82: {  	s24 =	simm.s32 $0x58D0  }
0x83: {  	[tilespmem:s24], [sflag:$0x1] =	stream.indirect.gather [spmem:s3], $0x1, s9, s28, $0xb8;
	[tilespmem:$0x9250] =	vst v63  }
0x84: {  	_ =	swait.ge [sflag:s16], $0x80  }
0x85: {  	[sflag:s16] =	ssyncset.done $0x0  }
0x86: {  	[sflag:s16] =	ssyncadd.s32 $0xFFFFFF80  }
0x87: {  	_ =	swait.ge [sflag:s16], $0x80  }
0x88: {  	[sflag:s16] =	ssyncset.done $0x0  }
0x89: {  	[sflag:s16] =	ssyncadd.s32 $0xFFFFFF80  }
0x8a: {  	_ =	swait.ge [sflag:s16], $0x80  }
0x8b: {  	[sflag:s16] =	ssyncset.done $0x0  }
0x8c: {  	[sflag:s16] =	ssyncadd.s32 $0xFFFFFF80  }
0x8d: {  	_ =	swait.ge [sflag:s16], $0x80  }
0x8e: {  	[sflag:s16] =	ssyncset.done $0x0  }
0x8f: {  	[sflag:s16] =	ssyncadd.s32 $0xFFFFFF80  }
0x90: {  	_ =	swait.ge [sflag:s16], $0x80  }
0x91: {  	[sflag:s16] =	ssyncset.done $0x0  }
0x92: {  	[sflag:s16] =	ssyncadd.s32 $0xFFFFFF80  }
0x93: {  	_ =	swait.ge [sflag:s16], $0x80  }
0x94: {  	[sflag:s16] =	ssyncset.done $0x0  }
0x95: {  	[sflag:s16] =	ssyncadd.s32 $0xFFFFFF80  }
0x96: {  	_ =	swait.ge [sflag:s16], $0x80  }
0x97: {  	[sflag:s16] =	ssyncset.done $0x0  }
0x98: {  	[sflag:s16] =	ssyncadd.s32 $0xFFFFFF80  }
0x99: {  	_ =	swait.ge [sflag:s16], $0x80  }
0x9a: {  	[sflag:s16] =	ssyncset.done $0x0  }
0x9b: {  	s19 =	simm.s32 $0x0;
	[sflag:s16] =	ssyncadd.s32 $0xFFFFFF80  }
0x9c: {  	v4 =	vld [tilespmem:s19+$0x5150]  }
0x9d: {  	v5 =	vld [tilespmem:s19+$0x5550];
	_ =	sdelay $0x1  }
0x9e: {  	s17 =	simm.s32 $0x10  }
0x9f: {  	v6 =	vld [tilespmem:s17+$0x5550]  }
0xa0: {  	v3 =	vld [tilespmem:s17+$0x5150]  }
0xa1: {  	v7 =	vmul.f32 v4, v1;
	v8 =	vmul.f32 v5, v2;
	_ =	sdelay $0x1  }
0xa2: {  	v7 =	vadd.f32 v8, v7  }
0xa3: {  	v6 =	vmul.f32 v6, v2  }
0xa4: {  	v8 =	vmul.f32 v3, v1;
	v10 =	vmul.f32 $2.000000030e-01, v7  }
0xa5: {  	s22 =	simm.s32 $0x20;
	vm0 =	vlt.f32 v7, $0.0e+00  }
0xa6: {  	v9 =	vld [tilespmem:s22+$0x5550];
	v6 =	vadd.f32 v6, v8;
	v7 =	vsel vm0, v10, v7  }
0xa7: {  	v5 =	vld [tilespmem:s22+$0x5150];
	v11 =	vmul.f32 $1.442695020e+00, v7  }
0xa8: {  	v8 =	vmul.f32 $2.000000030e-01, v6  }
0xa9: {  	vm15 =	vlt.f32 v6, $0.0e+00;
	(erf) = vpow2.f32 v11  }
0xaa: {  	v6 =	vsel vm15, v8, v6  }
0xab: {  	s30 =	simm.s32 $0x30;
	v12 =	vmul.f32 $1.442695020e+00, v6  }
0xac: {  	v9 =	vmul.f32 v9, v2;
	v10 =	vmul.f32 v5, v1;
	v6 =	vld [tilespmem:s30+$0x5150]  }
0xad: {  	v8 =	vld [tilespmem:s30+$0x5550];
	(erf) = vpow2.f32 v12  }
0xae: {  	v7 =	vadd.f32 v9, v10;
	_ =	sdelay $0x1  }
0xaf: {  	s0 =	simm.s32 $0x100;
	v9 =	vmul.f32 $2.000000030e-01, v7  }
.LBB2_5:
0xb0: {  	s24 =	sshra.s32 s0, $0x2;
	vm0 =	vlt.f32 v7, $0.0e+00;
	v10 =	vmov v6;
	p1 =	sne.s32 s0, $0xFC0  }
.Ltmp1:
0xb1: {  	s0 =	sadd.s32 $0x40, s0;
	v6 =	vld [tilespmem:s24+$0x5150];
	v11 =	vmul.f32 v10, v1;
	v12 =	vmul.f32 v8, v2;
	v7 =	vsel vm0, v9, v7;
	v9 =	vpop (erf);
	(pc) =	sbr.rel @p1 .LBB2_5-.Ltmp1, $4  }
0xb2: {  	v8 =	vld [tilespmem:s24+$0x5550];
	v13 =	vmul.f32 $1.442695020e+00, v7;
	[tilespmem:s19+$0x5950] =	vst v9;
	v9 =	vmul.f32 v9, v4;
	v4 =	vmovc v3;
	v3 =	vmovc v5;
	v5 =	vmov v10  }
0xb3: {  	v7 =	vadd.f32 v12, v11  }
0xb4: {  	(erf) = vpow2.f32 v13;
	[tilespmem:s19+$0x5D50] =	vst v9;
	s19 =	smov.u32 s17;
	s17 =	smov.u32 s22;
	s22 =	smov.u32 s30  }
0xb5: {  	s30 =	smov.u32 s24;
	v9 =	vmul.f32 $2.000000030e-01, v7  }
0xb6: {  	_ = 	snop  }
0xb7: {  	v10 =	vmul.f32 v6, v1;
	v8 =	vmul.f32 v8, v2;
	_ =	sdelay $0x1  }
0xb8: {  	v8 =	vadd.f32 v8, v10  }
0xb9: {  	vm0 =	vlt.f32 v7, $0.0e+00  }
0xba: {  	v7 =	vsel vm0, v9, v7;
	v58 =	vmul.f32 $2.000000030e-01, v8  }
0xbb: {  	v7 =	vmul.f32 $1.442695020e+00, v7;
	vm15 =	vlt.f32 v8, $0.0e+00  }
0xbc: {  	v8 =	vsel vm15, v58, v8  }
0xbd: {  	(erf) = vpow2.f32 v7;
	v59 =	vmul.f32 $1.442695020e+00, v8;
	_ =	sdelay $0x1  }
0xbe: {  	(erf) = vpow2.f32 v59;
	_ =	sdelay $0x2  }
0xbf: {  	v60 =	vpop (erf)  }
0xc0: {  	v4 =	vmul.f32 v60, v4  }
0xc1: {  	[tilespmem:s19+$0x5950] =	vst v60;
	v61 =	vpop (erf)  }
0xc2: {  	[tilespmem:s19+$0x5D50] =	vst v4;
	v3 =	vmul.f32 v61, v3  }
0xc3: {  	[tilespmem:s17+$0x5950] =	vst v61;
	v62 =	vpop (erf)  }
0xc4: {  	[tilespmem:s17+$0x5D50] =	vst v3;
	v3 =	vmul.f32 v62, v5  }
0xc5: {  	[tilespmem:s22+$0x5950] =	vst v62;
	v63 =	vpop (erf)  }
0xc6: {  	[tilespmem:s22+$0x5D50] =	vst v3;
	v3 =	vmul.f32 v63, v6  }
0xc7: {  	[tilespmem:s30+$0x5950] =	vst v63  }
0xc8: {  	s0 =	simm.s32 $0x5950;
	[tilespmem:s30+$0x5D50] =	vst v3  }
0xc9: {  	[spmem:s2] =	stream.indirect.scatter.add.f32 [tilespmem:s0], [sflag:$0x2], $0x1, s26, s28, $0xb8;
	[tilespmem:$0x9250] =	vst v63  }
0xca: {  	_ =	swait.ge [sflag:s21], $0x80  }
0xcb: {  	[sflag:s21] =	ssyncset.done $0x0  }
0xcc: {  	s17 =	simm.s32 $0x5D50;
	[sflag:s21] =	ssyncadd.s32 $0xFFFFFF80  }
0xcd: {  	[spmem:s1] =	stream.indirect.scatter.add.f32 [tilespmem:s17], [sflag:$0x2], $0x1, s26, s28, $0xb8;
	[tilespmem:$0x9250] =	vst v63  }
0xce: {  	_ =	swait.ge [sflag:s21], $0x80  }
0xcf: {  	[sflag:s21] =	ssyncset.done $0x0  }
0xd0: {  	s19 =	simm.s32 $0x59D0;
	[sflag:s21] =	ssyncadd.s32 $0xFFFFFF80  }
0xd1: {  	[spmem:s2] =	stream.indirect.scatter.add.f32 [tilespmem:s19], [sflag:$0x2], $0x1, s18, s28, $0xb8;
	[tilespmem:$0x9250] =	vst v63  }
0xd2: {  	_ =	swait.ge [sflag:s21], $0x80  }
0xd3: {  	[sflag:s21] =	ssyncset.done $0x0  }
0xd4: {  	s22 =	simm.s32 $0x5DD0;
	[sflag:s21] =	ssyncadd.s32 $0xFFFFFF80  }
0xd5: {  	[spmem:s1] =	stream.indirect.scatter.add.f32 [tilespmem:s22], [sflag:$0x2], $0x1, s18, s28, $0xb8;
	[tilespmem:$0x9250] =	vst v63  }
0xd6: {  	_ =	swait.ge [sflag:s21], $0x80  }
0xd7: {  	[sflag:s21] =	ssyncset.done $0x0  }
0xd8: {  	s24 =	simm.s32 $0x5A50;
	[sflag:s21] =	ssyncadd.s32 $0xFFFFFF80  }
0xd9: {  	[spmem:s2] =	stream.indirect.scatter.add.f32 [tilespmem:s24], [sflag:$0x2], $0x1, s4, s28, $0xb8;
	[tilespmem:$0x9250] =	vst v63  }
0xda: {  	_ =	swait.ge [sflag:s21], $0x80  }
0xdb: {  	[sflag:s21] =	ssyncset.done $0x0  }
0xdc: {  	s30 =	simm.s32 $0x5E50;
	[sflag:s21] =	ssyncadd.s32 $0xFFFFFF80  }
0xdd: {  	[spmem:s1] =	stream.indirect.scatter.add.f32 [tilespmem:s30], [sflag:$0x2], $0x1, s4, s28, $0xb8;
	[tilespmem:$0x9250] =	vst v63  }
0xde: {  	_ =	swait.ge [sflag:s21], $0x80  }
0xdf: {  	[sflag:s21] =	ssyncset.done $0x0  }
0xe0: {  	s17 =	simm.s32 $0x5AD0;
	[sflag:s21] =	ssyncadd.s32 $0xFFFFFF80  }
0xe1: {  	[spmem:s2] =	stream.indirect.scatter.add.f32 [tilespmem:s17], [sflag:$0x2], $0x1, s29, s28, $0xb8;
	[tilespmem:$0x9250] =	vst v63  }
0xe2: {  	_ =	swait.ge [sflag:s21], $0x80  }
0xe3: {  	[sflag:s21] =	ssyncset.done $0x0  }
0xe4: {  	s19 =	simm.s32 $0x5ED0;
	[sflag:s21] =	ssyncadd.s32 $0xFFFFFF80  }
0xe5: {  	[spmem:s1] =	stream.indirect.scatter.add.f32 [tilespmem:s19], [sflag:$0x2], $0x1, s29, s28, $0xb8;
	[tilespmem:$0x9250] =	vst v63  }
0xe6: {  	_ =	swait.ge [sflag:s21], $0x80  }
0xe7: {  	[sflag:s21] =	ssyncset.done $0x0  }
0xe8: {  	s22 =	simm.s32 $0x5B50;
	[sflag:s21] =	ssyncadd.s32 $0xFFFFFF80  }
0xe9: {  	[spmem:s2] =	stream.indirect.scatter.add.f32 [tilespmem:s22], [sflag:$0x2], $0x1, s31, s28, $0xb8;
	[tilespmem:$0x9250] =	vst v63  }
0xea: {  	_ =	swait.ge [sflag:s21], $0x80  }
0xeb: {  	[sflag:s21] =	ssyncset.done $0x0  }
0xec: {  	s24 =	simm.s32 $0x5F50;
	[sflag:s21] =	ssyncadd.s32 $0xFFFFFF80  }
0xed: {  	[spmem:s1] =	stream.indirect.scatter.add.f32 [tilespmem:s24], [sflag:$0x2], $0x1, s31, s28, $0xb8;
	[tilespmem:$0x9250] =	vst v63  }
0xee: {  	_ =	swait.ge [sflag:s21], $0x80  }
0xef: {  	[sflag:s21] =	ssyncset.done $0x0  }
0xf0: {  	s30 =	simm.s32 $0x5BD0;
	[sflag:s21] =	ssyncadd.s32 $0xFFFFFF80  }
0xf1: {  	[spmem:s2] =	stream.indirect.scatter.add.f32 [tilespmem:s30], [sflag:$0x2], $0x1, s23, s28, $0xb8;
	[tilespmem:$0x9250] =	vst v63  }
0xf2: {  	_ =	swait.ge [sflag:s21], $0x80  }
0xf3: {  	[sflag:s21] =	ssyncset.done $0x0  }
0xf4: {  	[sflag:s21] =	ssyncadd.s32 $0xFFFFFF80  }
0xf5: {  	[spmem:s1] =	stream.indirect.scatter.add.f32 [tilespmem:s8], [sflag:$0x2], $0x1, s23, s28, $0xb8;
	[tilespmem:$0x9250] =	vst v63  }
0xf6: {  	_ =	swait.ge [sflag:s21], $0x80  }
0xf7: {  	[sflag:s21] =	ssyncset.done $0x0  }
0xf8: {  	[sflag:s21] =	ssyncadd.s32 $0xFFFFFF80  }
0xf9: {  	[spmem:s2] =	stream.indirect.scatter.add.f32 [tilespmem:s10], [sflag:$0x2], $0x1, s7, s28, $0xb8;
	[tilespmem:$0x9250] =	vst v63  }
0xfa: {  	_ =	swait.ge [sflag:s21], $0x80  }
0xfb: {  	[sflag:s21] =	ssyncset.done $0x0  }
0xfc: {  	[sflag:s21] =	ssyncadd.s32 $0xFFFFFF80  }
0xfd: {  	[spmem:s1] =	stream.indirect.scatter.add.f32 [tilespmem:s11], [sflag:$0x2], $0x1, s7, s28, $0xb8;
	[tilespmem:$0x9250] =	vst v63  }
0xfe: {  	_ =	swait.ge [sflag:s21], $0x80  }
0xff: {  	[sflag:s21] =	ssyncset.done $0x0  }
0x100: {  	[sflag:s21] =	ssyncadd.s32 $0xFFFFFF80  }
0x101: {  	[spmem:s2] =	stream.indirect.scatter.add.f32 [tilespmem:s12], [sflag:$0x2], $0x1, s9, s28, $0xb8;
	[tilespmem:$0x9250] =	vst v63  }
0x102: {  	s15 =	sadd.s32 $0x1, s15;
	_ =	swait.ge [sflag:s21], $0x80  }
0x103: {  	p1 =	sne.s32 s15, $0x31;
	[sflag:s21] =	ssyncset.done $0x0  }
.Ltmp2:
0x104: {  	[sflag:s21] =	ssyncadd.s32 $0xFFFFFF80;
	(pc) =	sbr.rel @p1 .LBB2_4-.Ltmp2, $4  }
0x105: {  	[spmem:s1] =	stream.indirect.scatter.add.f32 [tilespmem:s13], [sflag:$0x2], $0x1, s9, s28, $0xb8;
	[tilespmem:$0x9250] =	vst v63  }
0x106: {  	_ =	swait.ge [sflag:s21], $0x80  }
0x107: {  	[sflag:s21] =	ssyncset.done $0x0  }
0x108: {  	[sflag:s21] =	ssyncadd.s32 $0xFFFFFF80  }
0x109: {  	[bflag:$0x0] =	sbarrier.arrive $0xFFFF  }
0x10a: {  	s19 =	simm.s32 $0x79E0;
	s0 =	rddreg [dreg:$0xc]  }
0x10b: {  	[tilespmem:s19], [sflag:$0x2] =	stream.linear.gather [spmem:s0], $0x1870, $0x38;
	[tilespmem:$0x9250] =	vst v63  }
0x10c: {  	_ =	swait.ge [sflag:s21], $0x1870  }
0x10d: {  	[sflag:s21] =	ssyncset.done $0x0  }
0x10e: {  	s17 =	simm.s32 $0x0;
	s15 =	rddreg [dreg:$0xd];
	[sflag:s21] =	ssyncadd.s32 $0xFFFFE790  }
0x10f: {  	[hbm4b:s15+s17] =	stream.linear.scatter [tilespmem:s19], [sflag:$0x2], $0x1870, $0x38;
	[tilespmem:$0x9250] =	vst v63  }
0x110: {  	_ =	swait.ge [sflag:s21], $0x1870  }
0x111: {  	[sflag:s21] =	ssyncset.done $0x0  }
0x112: {  	s22 =	rddreg [dreg:$0xe];
	[sflag:s21] =	ssyncadd.s32 $0xFFFFE790  }
0x113: {  	[tilespmem:s19], [sflag:$0x2] =	stream.linear.gather [spmem:s22], $0x1870, $0x38;
	[tilespmem:$0x9250] =	vst v63  }
0x114: {  	_ =	swait.ge [sflag:s21], $0x1870  }
0x115: {  	[sflag:s21] =	ssyncset.done $0x0  }
0x116: {  	s24 =	rddreg [dreg:$0xf];
	[sflag:s21] =	ssyncadd.s32 $0xFFFFE790  }
0x117: {  	[hbm4b:s24+s17] =	stream.linear.scatter [tilespmem:s19], [sflag:$0x2], $0x1870, $0x38;
	[tilespmem:$0x9250] =	vst v63  }
0x118: {  	_ =	swait.ge [sflag:s21], $0x1870  }
0x119: {  	s15 =	rddreg [dreg:$0x11]  }
0x11a: {  	s30 =	rddreg [dreg:$0x10];
	s15 =	sadd.s32 $0x1, s15  }
0x11b: {  	p1 =	sne.s32 s15, s30  }
.Ltmp3:
0x11c: {  	_ = 	snop;
	(pc) =	sbr.rel @p1 .LBB2_1-.Ltmp3, $3  }
0x11d: {  	_ =	sdelay $0x1  }
0x11e: {  	[sflag:s21] =	ssyncset.done $0x0  }
0x11f: {  	[sflag:s21] =	ssyncadd.s32 $0xFFFFE790  }
0x120: {  	_ =	sfence.sel $0x180000  }
0x121: {  	[bflag:$0x0] =	sbarrier.arrive $0xFFFF  }
0x122: {  	_ =	strace $0x9000004D  }
0x123: {  	[bflag:$0x2] =	sbarrier.arrive $0xFFFF  }
0x124: {  	s0 =	rddreg [dreg:$0x4]  }
0x125: {  	s0 =	sadd.s32 @!p0 $0x100000, s0  }
0x126: {  	[sflag:s0] =	ssyncadd.tile.s32 @!p0 $0x1;
	_ =	shalt  }
.Lfunc_end2:
_tile_overlayer_lowered:
.L_overlay_start_2:
0x127: {  	(tag) =	ssettag $0x2  }
0x128: {  	s0 =	rddreg [dreg:$0x0];
	s2 =	stileid.u32  }
0x129: {  	s1 =	rddreg [dreg:$0x1];
	p0 =	sne.s32 s2, $0x0  }
0x12a: {  	s3 =	rddreg [dreg:$0x2];
	[bflag:$0x3] =	sbarrier.arrive $0xFFFF;
	s2 =	simm.s32 @!p0 $0x1C02  }
0x12b: {  	[timem:s3], [sflag:s2] =	dma.local @!p0 [hbm:s0], s1  }
0x12c: {  	s0 =	simm.s32 @!p0 $0x2  }
0x12d: {  	_ =	swait.ge @!p0 [sflag:s0], s1  }
0x12e: {  	s1 =	ssub.s32 @!p0 $0x0, s1;
	[sflag:s0] =	ssyncset.done @!p0 $0x0  }
0x12f: {  	[sflag:s0] =	ssyncadd.s32 @!p0 s1  }
0x130: {  	[bflag:$0x3] =	sbarrier.arrive $0xFFFF  }
0x131: {  	_ =	shalt  }

// kernel: kernel.8.cloned.1.call-start
scs
__scs_entry_jumppad:
0x0: {  	(pc) =	sbr.rel $0x88, $3  }
0x1: {  	(tag) =	ssettag $0x0;
	lr =	simm.s32 $0x1  }
0x2: {  	[smem:$0x3F97] =	sst lr;
	_ =	strace $0xD0000000  }
0x3: {  	_ = 	snop  }
0x4: {  	_ = 	snop  }
0x5: {  	_ = 	snop  }
0x6: {  	_ = 	snop  }
0x7: {  	_ = 	snop  }
__scs_overlays_trampoline_lowered:
0x8: {  	[smem:$0x3FA6] =	sst s0  }
0x9: {  	[smem:$0x3FA7] =	sst s1  }
0xa: {  	[smem:$0x3FA8] =	sst s2  }
0xb: {  	[smem:$0x3FA9] =	sst s3  }
0xc: {  	[smem:$0x3FAA] =	sst s4  }
0xd: {  	[smem:$0x3FAB] =	sst s5  }
0xe: {  	[smem:$0x3FAC] =	sst s6  }
0xf: {  	[smem:$0x3FAD] =	sst s7  }
0x10: {  	[smem:$0x3FAE] =	sst s8  }
0x11: {  	[smem:$0x3FAF] =	sst s9;
	s0 =	simm.s32 @!p0 $0x0  }
0x12: {  	s1 =	sld [smem:$0x3F95];
	s0 =	simm.s32 @p0 $0x1  }
0x13: {  	[smem:$0x3FB0] =	sst s0;
	s0 =	simm.s32 @!p1 $0x0  }
0x14: {  	s2 =	sld [smem:$0x3F94];
	s0 =	simm.s32 @p1 $0x1  }
0x15: {  	[smem:$0x3FB1] =	sst s0;
	s0 =	simm.s32 @!p2 $0x0  }
0x16: {  	s3 =	sld [smem:$0x3FDB];
	s0 =	simm.s32 @p2 $0x1  }
0x17: {  	s4 =	simm.s32 $0x1BF5;
	[smem:$0x3FB3] =	sst s0  }
0x18: {  	s0 =	sld [smem:$0x3F96];
	_ =	swait.ge [sflag:s4], $0x0  }
0x19: {  	s7 =	sld [smem:$0x3F97]  }
0x1a: {  	s8 =	sadd.s32 $0xFFFFE003, lr  }
0x1b: {  	s9 =	sadd.s32 $0xFFFFFEF7, lr;
	s5 =	simm.s32 $0xFFFFFFFF;
	p2 =	slt.u32 s8, $0xFFFFF086  }
0x1c: {  	p1 =	slt.u32 s9, $0xF7A;
	s5 =	simm.s32 @!p2 $0x0  }
0x1d: {  	s5 =	simm.s32 @p1 $0x1;
	p0 =	seq.s32 s7, s2  }
0x1e: {  	s7 =	smul.u32 @!p0 $0xF7A, s2;
	p2 =	seq.s32 @!p0 s5, $0x0  }
0x1f: {  	s9 =	smul.u32 $0xF7A, s1;
	s8 =	simm.s32 @!p0 $0x1BF5;
	p2 =	por !p2, p0  }
0x20: {  	[sflag:s8] =	ssyncset.s32 @!p0 $0xFFFFF086;
	s6 =	sadd.s32 @!p0 s3, s7;
	s7 =	simm.s32 @!p0 $0x108  }
0x21: {  	s3 =	sadd.s32 s3, s9;
	s6 =	sadd.s32 @!p0 $0x88, s6;
	s7 =	simm.s32 @p2 $0x1082  }
0x22: {  	[simem:s7], [sflag:s8] =	dma.local @!p0 [hbm:s6], $0xF7A  }
0x23: {  	s9 =	sor.u32 $0xD0000000, s2;
	s6 =	simm.s32 $0x108;
	_ =	swait.ge @!p0 [sflag:s8], $0x0  }
0x24: {  	s3 =	sadd.s32 $0x88, s3;
	s6 =	simm.s32 @!p1 $0x1082;
	[sflag:s4] =	ssyncset.s32 $0xFFFFF086  }
0x25: {  	[simem:s6], [sflag:s4] =	dma.local [hbm:s3], $0xF7A  }
0x26: {  	[smem:$0x3F97] =	sst s1;
	(tag) =	ssettag s2;
	_ =	strace s9  }
0x27: {  	s1 =	sld [smem:$0x3FA7]  }
0x28: {  	s2 =	sld [smem:$0x3FA8]  }
0x29: {  	s4 =	sld [smem:$0x3FAA]  }
0x2a: {  	p0 =	seq.s32 s5, $0x0;
	s5 =	sld [smem:$0x3FAB]  }
0x2b: {  	s6 =	sld [smem:$0x3FAC]  }
0x2c: {  	s7 =	sld [smem:$0x3FAD]  }
0x2d: {  	s3 =	simm.s32 $0x108;
	s8 =	sld [smem:$0x3FAE]  }
0x2e: {  	s3 =	simm.s32 @!p0 $0x1082;
	s9 =	sld [smem:$0x3FAF]  }
0x2f: {  	lr =	sadd.s32 s0, s3;
	s0 =	sld [smem:$0x3FA6]  }
0x30: {  	s3 =	sld [smem:$0x3FA9]  }
0x31: {  	[smem:$0x3FB2] =	sst s10  }
0x32: {  	s10 =	sld [smem:$0x3FB0];
	_ =	sdelay $0x3  }
0x33: {  	p0 =	seq.s32 s10, $0x1;
	s10 =	sld [smem:$0x3FB2];
	_ =	sdelay $0x3  }
0x34: {  	[smem:$0x3FB2] =	sst s10  }
0x35: {  	s10 =	sld [smem:$0x3FB1];
	_ =	sdelay $0x3  }
0x36: {  	p1 =	seq.s32 s10, $0x1;
	s10 =	sld [smem:$0x3FB2];
	_ =	sdelay $0x3  }
0x37: {  	[smem:$0x3FB2] =	sst s10  }
0x38: {  	s10 =	sld [smem:$0x3FB3]  }
0x39: {  	_ = 	snop;
	(pc) =	sbr.ind lr, $3  }
0x3a: {  	_ = 	snop  }
0x3b: {  	_ = 	snop  }
0x3c: {  	p2 =	seq.s32 s10, $0x1;
	s10 =	sld [smem:$0x3FB2]  }
0x3d: {  	_ =	shalt  }
0x3e: {  	_ =	shalt  }
0x3f: {  	_ =	shalt  }
0x40: {  	_ =	shalt  }
0x41: {  	_ =	shalt  }
0x42: {  	_ =	shalt  }
0x43: {  	_ =	shalt  }
0x44: {  	_ =	shalt  }
0x45: {  	_ =	shalt  }
0x46: {  	_ =	shalt  }
0x47: {  	_ =	shalt  }
0x48: {  	_ =	shalt  }
0x49: {  	_ =	shalt  }
0x4a: {  	_ =	shalt  }
0x4b: {  	_ =	shalt  }
0x4c: {  	_ =	shalt  }
0x4d: {  	_ =	shalt  }
0x4e: {  	_ =	shalt  }
0x4f: {  	_ =	shalt  }
0x50: {  	_ =	shalt  }
0x51: {  	_ =	shalt  }
0x52: {  	_ =	shalt  }
0x53: {  	_ =	shalt  }
0x54: {  	_ =	shalt  }
0x55: {  	_ =	shalt  }
0x56: {  	_ =	shalt  }
0x57: {  	_ =	shalt  }
0x58: {  	_ =	shalt  }
0x59: {  	_ =	shalt  }
0x5a: {  	_ =	shalt  }
0x5b: {  	_ =	shalt  }
0x5c: {  	_ =	shalt  }
0x5d: {  	_ =	shalt  }
0x5e: {  	_ =	shalt  }
0x5f: {  	_ =	shalt  }
0x60: {  	_ =	shalt  }
0x61: {  	_ =	shalt  }
0x62: {  	_ =	shalt  }
0x63: {  	_ =	shalt  }
0x64: {  	_ =	shalt  }
0x65: {  	_ =	shalt  }
0x66: {  	_ =	shalt  }
0x67: {  	_ =	shalt  }
0x68: {  	_ =	shalt  }
0x69: {  	_ =	shalt  }
0x6a: {  	_ =	shalt  }
0x6b: {  	_ =	shalt  }
0x6c: {  	_ =	shalt  }
0x6d: {  	_ =	shalt  }
0x6e: {  	_ =	shalt  }
0x6f: {  	_ =	shalt  }
0x70: {  	_ =	shalt  }
0x71: {  	_ =	shalt  }
0x72: {  	_ =	shalt  }
0x73: {  	_ =	shalt  }
0x74: {  	_ =	shalt  }
0x75: {  	_ =	shalt  }
0x76: {  	_ =	shalt  }
0x77: {  	_ =	shalt  }
0x78: {  	_ =	shalt  }
0x79: {  	_ =	shalt  }
0x7a: {  	_ =	shalt  }
0x7b: {  	_ =	shalt  }
0x7c: {  	_ =	shalt  }
0x7d: {  	_ =	shalt  }
0x7e: {  	_ =	shalt  }
0x7f: {  	_ =	shalt  }
0x80: {  	_ =	shalt  }
0x81: {  	_ =	shalt  }
0x82: {  	_ =	shalt  }
0x83: {  	_ =	shalt  }
0x84: {  	_ =	shalt  }
0x85: {  	_ =	shalt  }
0x86: {  	_ =	shalt  }
0x87: {  	_ =	shalt  }
.Lfunc_end0:
.L_simem_size_0:
called_computation_lowered:
.L_overlay_start_0:
0x88: {  	s2 =	sld [smem:$0x3FD9]  }
0x89: {  	s3 =	sld [smem:$0x3FFE];
	_ =	sdelay $0x1  }
0x8a: {  	s1 =	srdreg.scid  }
0x8b: {  	s0 =	sand.u32 $0x1, s1  }
0x8c: {  	s16 =	sshll.u32 s0, $0xA;
	s2 =	sadd.s32 s3, s2  }
0x8d: {  	s2 =	sadd.s32 s2, s16  }
0x8e: {  	[smem:$0x3FBE] =	sst s2  }
0x8f: {  	_ = 	snop  }
0x90: {  	(tm) =	ssettm $0x1  }
0x91: {  	s17 =	sld [smem:$0x3FFB];
	_ =	sdelay $0x3  }
0x92: {  	_ =	strace s17  }
0x93: {  	s2 =	sld [smem:$0x3FFC];
	_ =	sdelay $0x3  }
0x94: {  	_ =	strace s2  }
0x95: {  	s2 =	sld [smem:$0x3FFD];
	_ =	sdelay $0x3  }
0x96: {  	_ =	strace s2  }
0x97: {  	_ =	strace $0x8FFFFFFF  }
0x98: {  	s18 =	sld [smem:$0x3FDB];
	_ =	sdelay $0x1  }
0x99: {  	s19 =	simm.s32 $_scs_section_size  }
0x9a: {  	s4 =	simm.s32 $_size__tile_overlayer_lowered;
	s5 =	simm.s32 $_tile_overlayer_lowered  }
0x9b: {  	s22 =	simm.s32 $0x1BFF;
	s21 =	sshll.u32 s5, $0x1;
	s2 =	sadd.s32 s19, s18  }
0x9c: {  	s6 =	simm.s32 $0x0;
	s20 =	sshll.u32 s4, $0x1;
	s4 =	sadd.s32 s21, s2  }
0x9d: {  	[timem:s6], [sflag:s22] =	dma.local [hbm:s4], s20  }
0x9e: {  	_ =	swait.ge [sflag:s22], s20  }
0x9f: {  	s3 =	ssub.s32 $0x0, s20;
	[sflag:s22] =	ssyncset.done $0x0  }
0xa0: {  	[sflag:s22] =	ssyncadd.s32 s3;
	_ =	sdelay $0x1  }
0xa1: {  	s23 =	simm.s32 $0x1B8B  }
0xa2: {  	_ =	swait.ge [sflag:s23], $0x1  }
0xa3: {  	[sflag:s23] =	ssyncset.done $0x0  }
0xa4: {  	s25 =	simm.s32 $0x1B8E;
	s24 =	sld [smem:$0x3FFE];
	[sflag:s23] =	ssyncadd.s32 $0xFFFFFFFF  }
0xa5: {  	s26 =	simm.s32 $execute0_lowered;
	[smem:$0x3FD2] =	sst s25  }
0xa6: {  	s4 =	sshll.u32 s26, $0x1;
	_ =	strace $0x80000046;
	[dreg:$0x1] =	wrdreg $0xFFFFFFFF  }
0xa7: {  	s28 =	simm.s32 $_size_execute0_lowered;
	s2 =	sadd.s32 s2, s4;
	[dreg:$0x0] =	wrdreg $0x0  }
0xa8: {  	s4 =	sshll.u32 s28, $0x1;
	[dreg:$0x2] =	wrdreg s2  }
0xa9: {  	[dreg:$0x3] =	wrdreg s4  }
0xaa: {  	[dreg:$0x4] =	wrdreg $0xC0  }
0xab: {  	_ =	task [dreg:s6], $0x5FFFF  }
0xac: {  	[dreg:$0x1] =	wrdreg $0xFFFFFFFF  }
0xad: {  	[dreg:$0x0] =	wrdreg $0x60  }
0xae: {  	[dreg:$0x2] =	wrdreg s24  }
0xaf: {  	[dreg:$0x3] =	wrdreg $0x0  }
0xb0: {  	[dreg:$0x4] =	wrdreg $0x18700  }
0xb1: {  	[dreg:$0x5] =	wrdreg $0x30E00  }
0xb2: {  	[dreg:$0x6] =	wrdreg $0x9  }
0xb3: {  	_ =	task.clear_ibuf [dreg:s6], $0x7FFFF;
	_ =	strace $0x90000046  }
0xb4: {  	s29 =	simm.s32 $0x9;
	_ =	strace $0x80000048  }
0xb5: {  	_ =	swait.ge [sflag:s29], $0x1  }
0xb6: {  	[sflag:s29] =	ssyncadd.s32 $0xFFFFFFFF  }
0xb7: {  	_ =	strace $0x90000048  }
0xb8: {  	_ =	sfence  }
0xb9: {  	s30 =	sld [smem:$0x0];
	_ =	sdelay $0x2  }
0xba: {  	s31 =	sshll.u32 s1, $0xD;
	s1 =	sshrl.u32 s1, $0x2  }
0xbb: {  	s3 =	sand.u32 $0x4000, s31;
	s1 =	sadd.s32 s1, s30  }
0xbc: {  	s0 =	sor.u32 s3, s0;
	s1 =	sshll.u32 s1, $0x11  }
0xbd: {  	s0 =	sor.u32 s1, s0  }
0xbe: {  	s0 =	sadd.s32 $0x8F2B, s0  }
0xbf: {  	[sflag:s0] =	ssyncadd.remote.s32 $0x1  }
0xc0: {  	_ =	sfence.sel $0xFFFF  }
0xc1: {  	[dreg:$0x0] =	wrdreg $0xFFFFFFFF;
	(pc) =	sbr.abs _section_cstart, $3  }
0xc2: {  	[dreg:$0x1] =	wrdreg $0xFFFFFFFF  }
0xc3: {  	_ =	task.clear_ibuf [dreg:s6], $0x2FFFF;
	_ =	strace $0x9FFFFFFF  }
0xc4: {  	(tm) =	ssettm $0x7FFFFFFF  }
0xc5: {  	_ =	shalt  }
tec
execute0_lowered:
.L_overlay_start_1:
0x0: {  	(tag) =	ssettag $0x1  }
0x1: {  	s1 =	rddreg [dreg:$0x0]  }
0x2: {  	s0 =	rddreg [dreg:$0x1]  }
0x3: {  	s2 =	rddreg [dreg:$0x2]  }
0x4: {  	s3 =	rddreg [dreg:$0x3]  }
0x5: {  	s4 =	stileid.u32;
	s5 =	srdreg.scid  }
0x6: {  	s6 =	simm.s32 $0x0;
	s16 =	simm.s32 $0x1;
	s29 =	simm.s32 $0x4F50  }
0x7: {  	s31 =	simm.s32 $0x4FD0;
	s28 =	simm.s32 $0x5CD0;
	s30 =	simm.s32 $0x0  }
0x8: {  	s8 =	smul.u32 $0x1870, s4;
	s9 =	sand.u32 $0x1, s5;
	[smem:$0x7FF] =	sst s6  }
0x9: {  	s5 =	sadd.s32 $0x7800, s1;
	s6 =	sadd.s32 $0x38800, s1;
	s14 =	sshll.u32 s4, $0x1  }
0xa: {  	s23 =	sadd.s32 $0x186A0, s2;
	s24 =	sadd.s32 $0x186A0, s3;
	p0 =	sne.s32 s4, $0x0  }
0xb: {  	s4 =	simm.s32 $0x4E50;
	s7 =	smul.u32 $0x186A0, s9;
	_ =	strace $0x80000047  }
0xc: {  	s13 =	ssub.s32 $0x2, s9;
	s9 =	sor.u32 s9, s14;
	[dreg:$0xa] =	wrdreg s23  }
0xd: {  	[dreg:$0xb] =	wrdreg s24;
	s23 =	simm.s32 $0x4D50;
	s24 =	simm.s32 $0x80  }
0xe: {  	s10 =	smin.u32 s8, $0x16E30;
	s18 =	sshrl.u32 s13, $0x1;
	s8 =	sadd.s32 s8, s0  }
0xf: {  	s15 =	smul.u32 $0xC400, s9;
	s9 =	simm.s32 $0x50D0;
	s11 =	sshrl.u32 s10, $0x3  }
0x10: {  	s12 =	sadd.s32 s7, s10;
	s7 =	sadd.s32 $0x6FA00, s1;
	[dreg:$0x5] =	wrdreg s8  }
0x11: {  	s20 =	sadd.s32 s10, s2;
	s22 =	sadd.s32 s10, s3;
	s25 =	sadd.s32 s10, s0  }
0x12: {  	s10 =	simm.s32 $0x75C0;
	s8 =	simm.s32 $0x0;
	[dreg:$0x7] =	wrdreg s20  }
0x13: {  	s11 =	sadd.s32 s11, s1;
	s12 =	sshrl.u32 s12, $0x3;
	[dreg:$0x9] =	wrdreg s22  }
0x14: {  	[dreg:$0xc] =	wrdreg s25;
	s20 =	simm.s32 $0x2;
	s22 =	simm.s32 $0x4950  }
0x15: {  	s25 =	simm.s32 $0x0;
	s1 =	sadd.s32 s12, s1;
	s19 =	sadd.s32 $0x1400, s11  }
0x16: {  	s12 =	ssub.s32 s13, s18;
	s21 =	sadd.s32 $0x4600, s11;
	[dreg:$0x6] =	wrdreg s19  }
0x17: {  	s18 =	simm.s32 $0x4DD0;
	[dreg:$0x8] =	wrdreg s21;
	s1 =	sadd.s32 $0x69800, s1  }
0x18: {  	s11 =	simm.s32 $0x5950;
	s26 =	smax.u32 s12, $0x1;
	[dreg:$0xd] =	wrdreg s1  }
0x19: {  	v0 =	vimm.f32 $0.0e+00;
	s19 =	simm.s32 $0x5050;
	[dreg:$0xe] =	wrdreg s26;
	s26 =	simm.s32 $0x4ED0  }
.LBB2_1:
0x1a: {  	[dreg:$0xf] =	wrdreg s8;
	s1 =	simm.s32 $0x40;
	s8 =	simm.s32 $0x0  }
.LBB2_2:
0x1b: {  	p1 =	sne.s32 s1, $0x6180;
	[tilespmem:s8+$0x5D50] =	vst v0;
	s8 =	smov.u32 s1;
	s1 =	sadd.s32 $0x40, s1  }
.Ltmp0:
0x1c: {  	(pc) =	sbr.rel @p1 .LBB2_2-.Ltmp0, $2  }
0x1d: {  	_ =	sdelay $0x2  }
0x1e: {  	s8 =	sshra.s32 s8, $0x2  }
0x1f: {  	[tilespmem:s8+$0x5D50] =	vst v0;
	s1 =	rddreg [dreg:$0x5];
	s21 =	simm.s32 $0x5D50  }
0x20: {  	[spmem:s1] =	stream.linear.scatter [tilespmem:s21], [sflag:$0x2], $0x1870, $0x38;
	[tilespmem:$0x8E30] =	vst v63  }
0x21: {  	_ =	swait.ge [sflag:s20], $0x1870  }
0x22: {  	[sflag:s20] =	ssyncset.done $0x0  }
0x23: {  	s12 =	simm.s32 $0x0;
	s13 =	rddreg [dreg:$0x6];
	[sflag:s20] =	ssyncadd.s32 $0xFFFFE790  }
0x24: {  	[tilespmem:s10], [sflag:$0x2] =	stream.linear.gather [hbm4b:s13+s12], $0x1870, $0x38;
	[tilespmem:$0x8E30] =	vst v63  }
0x25: {  	_ =	swait.ge [sflag:s20], $0x1870  }
0x26: {  	[sflag:s20] =	ssyncset.done $0x0  }
0x27: {  	s14 =	rddreg [dreg:$0x7];
	[sflag:s20] =	ssyncadd.s32 $0xFFFFE790  }
0x28: {  	[spmem:s14] =	stream.linear.scatter [tilespmem:s10], [sflag:$0x2], $0x1870, $0x38;
	[tilespmem:$0x8E30] =	vst v63  }
0x29: {  	_ =	swait.ge [sflag:s20], $0x1870  }
0x2a: {  	[sflag:s20] =	ssyncset.done $0x0  }
0x2b: {  	s17 =	rddreg [dreg:$0x8];
	[sflag:s20] =	ssyncadd.s32 $0xFFFFE790  }
0x2c: {  	[tilespmem:s10], [sflag:$0x2] =	stream.linear.gather [hbm4b:s17+s12], $0x1870, $0x38;
	[tilespmem:$0x8E30] =	vst v63  }
0x2d: {  	_ =	swait.ge [sflag:s20], $0x1870  }
0x2e: {  	[sflag:s20] =	ssyncset.done $0x0  }
0x2f: {  	s21 =	rddreg [dreg:$0x9];
	[sflag:s20] =	ssyncadd.s32 $0xFFFFE790  }
0x30: {  	[spmem:s21] =	stream.linear.scatter [tilespmem:s10], [sflag:$0x2], $0x1870, $0x38;
	[tilespmem:$0x8E30] =	vst v63  }
0x31: {  	_ =	swait.ge [sflag:s20], $0x1870  }
0x32: {  	[sflag:s20] =	ssyncset.done $0x0  }
0x33: {  	s1 =	simm.s32 @!p0 $0x5D50;
	s8 =	rddreg [dreg:$0xa];
	[sflag:s20] =	ssyncadd.s32 $0xFFFFE790  }
0x34: {  	[spmem:s8] =	stream.linear.scatter @!p0 [tilespmem:s1], [sflag:$0x2], $0x60, $0x38;
	[tilespmem:$0x8E30] =	vst v63  }
0x35: {  	s8 =	simm.s32 @!p0 $0x2  }
0x36: {  	_ =	swait.ge @!p0 [sflag:s8], $0x60  }
0x37: {  	[sflag:s8] =	ssyncset.done @!p0 $0x0  }
0x38: {  	s10 =	rddreg [dreg:$0xb];
	[sflag:s8] =	ssyncadd.s32 @!p0 $0xFFFFFFA0  }
0x39: {  	[spmem:s10] =	stream.linear.scatter @!p0 [tilespmem:s1], [sflag:$0x2], $0x60, $0x38;
	[tilespmem:$0x8E30] =	vst v63  }
0x3a: {  	_ =	swait.ge @!p0 [sflag:s8], $0x60  }
0x3b: {  	[sflag:s8] =	ssyncset.done @!p0 $0x0  }
0x3c: {  	[sflag:s8] =	ssyncadd.s32 @!p0 $0xFFFFFFA0  }
0x3d: {  	s1 =	simm.s32 $0x0;
	[bflag:$0x0] =	sbarrier.arrive $0xFFFF  }
.LBB2_4:
0x3e: {  	s8 =	sshll.u32 s1, $0xA  }
0x3f: {  	s8 =	sadd.s32 s15, s8  }
0x40: {  	s8 =	sshrl.u32 s8, $0x3  }
0x41: {  	s10 =	sadd.s32 s5, s8  }
0x42: {  	[tilespmem:s22], [sflag:$0x2] =	stream.linear.gather [hbm4b:s10+s30], $0x400, $0x38;
	[tilespmem:$0x8E30] =	vst v63  }
0x43: {  	_ =	swait.ge [sflag:s20], $0x400  }
0x44: {  	[sflag:s20] =	ssyncset.done $0x0  }
0x45: {  	s12 =	sadd.s32 s6, s8;
	[sflag:s20] =	ssyncadd.s32 $0xFFFFFC00  }
0x46: {  	[tilespmem:s23], [sflag:$0x2] =	stream.linear.gather [hbm4b:s12+s30], $0x400, $0x38;
	[tilespmem:$0x8E30] =	vst v63  }
0x47: {  	_ =	swait.ge [sflag:s20], $0x400  }
0x48: {  	[sflag:s20] =	ssyncset.done $0x0  }
0x49: {  	s13 =	simm.s32 $0x5150;
	[sflag:s20] =	ssyncadd.s32 $0xFFFFFC00  }
0x4a: {  	[tilespmem:s13], [sflag:$0x1] =	stream.indirect.gather [spmem:s2], $0x1, s22, s24, $0xb8;
	[tilespmem:$0x8E30] =	vst v63  }
0x4b: {  	s14 =	simm.s32 $0x49D0;
	s12 =	simm.s32 $0x51D0  }
0x4c: {  	[tilespmem:s12], [sflag:$0x1] =	stream.indirect.gather [spmem:s2], $0x1, s14, s24, $0xb8;
	[tilespmem:$0x8E30] =	vst v63  }
0x4d: {  	s17 =	simm.s32 $0x4A50;
	s21 =	simm.s32 $0x5250  }
0x4e: {  	[tilespmem:s21], [sflag:$0x1] =	stream.indirect.gather [spmem:s2], $0x1, s17, s24, $0xb8;
	[tilespmem:$0x8E30] =	vst v63  }
0x4f: {  	s13 =	simm.s32 $0x4AD0;
	s14 =	simm.s32 $0x52D0  }
0x50: {  	[tilespmem:s14], [sflag:$0x1] =	stream.indirect.gather [spmem:s2], $0x1, s13, s24, $0xb8;
	[tilespmem:$0x8E30] =	vst v63  }
0x51: {  	s17 =	simm.s32 $0x4B50;
	s21 =	simm.s32 $0x5350  }
0x52: {  	[tilespmem:s21], [sflag:$0x1] =	stream.indirect.gather [spmem:s2], $0x1, s17, s24, $0xb8;
	[tilespmem:$0x8E30] =	vst v63  }
0x53: {  	s13 =	simm.s32 $0x4BD0;
	s14 =	simm.s32 $0x53D0  }
0x54: {  	[tilespmem:s14], [sflag:$0x1] =	stream.indirect.gather [spmem:s2], $0x1, s13, s24, $0xb8;
	[tilespmem:$0x8E30] =	vst v63  }
0x55: {  	s17 =	simm.s32 $0x4C50;
	s21 =	simm.s32 $0x5450  }
0x56: {  	[tilespmem:s21], [sflag:$0x1] =	stream.indirect.gather [spmem:s2], $0x1, s17, s24, $0xb8;
	[tilespmem:$0x8E30] =	vst v63  }
0x57: {  	s12 =	simm.s32 $0x4CD0;
	s13 =	simm.s32 $0x54D0  }
0x58: {  	[tilespmem:s13], [sflag:$0x1] =	stream.indirect.gather [spmem:s2], $0x1, s12, s24, $0xb8;
	[tilespmem:$0x8E30] =	vst v63  }
0x59: {  	_ =	swait.ge [sflag:s16], $0x80  }
0x5a: {  	[sflag:s16] =	ssyncset.done $0x0  }
0x5b: {  	[sflag:s16] =	ssyncadd.s32 $0xFFFFFF80  }
0x5c: {  	_ =	swait.ge [sflag:s16], $0x80  }
0x5d: {  	[sflag:s16] =	ssyncset.done $0x0  }
0x5e: {  	[sflag:s16] =	ssyncadd.s32 $0xFFFFFF80  }
0x5f: {  	_ =	swait.ge [sflag:s16], $0x80  }
0x60: {  	[sflag:s16] =	ssyncset.done $0x0  }
0x61: {  	[sflag:s16] =	ssyncadd.s32 $0xFFFFFF80  }
0x62: {  	_ =	swait.ge [sflag:s16], $0x80  }
0x63: {  	[sflag:s16] =	ssyncset.done $0x0  }
0x64: {  	[sflag:s16] =	ssyncadd.s32 $0xFFFFFF80  }
0x65: {  	_ =	swait.ge [sflag:s16], $0x80  }
0x66: {  	[sflag:s16] =	ssyncset.done $0x0  }
0x67: {  	[sflag:s16] =	ssyncadd.s32 $0xFFFFFF80  }
0x68: {  	_ =	swait.ge [sflag:s16], $0x80  }
0x69: {  	[sflag:s16] =	ssyncset.done $0x0  }
0x6a: {  	[sflag:s16] =	ssyncadd.s32 $0xFFFFFF80  }
0x6b: {  	_ =	swait.ge [sflag:s16], $0x80  }
0x6c: {  	[sflag:s16] =	ssyncset.done $0x0  }
0x6d: {  	[sflag:s16] =	ssyncadd.s32 $0xFFFFFF80  }
0x6e: {  	_ =	swait.ge [sflag:s16], $0x80  }
0x6f: {  	[sflag:s16] =	ssyncset.done $0x0  }
0x70: {  	s14 =	simm.s32 $0x5550;
	[sflag:s16] =	ssyncadd.s32 $0xFFFFFF80  }
0x71: {  	[tilespmem:s14], [sflag:$0x1] =	stream.indirect.gather [spmem:s3], $0x1, s23, s24, $0xb8;
	[tilespmem:$0x8E30] =	vst v63  }
0x72: {  	s17 =	simm.s32 $0x55D0  }
0x73: {  	[tilespmem:s17], [sflag:$0x1] =	stream.indirect.gather [spmem:s3], $0x1, s18, s24, $0xb8;
	[tilespmem:$0x8E30] =	vst v63  }
0x74: {  	s21 =	simm.s32 $0x5650  }
0x75: {  	[tilespmem:s21], [sflag:$0x1] =	stream.indirect.gather [spmem:s3], $0x1, s4, s24, $0xb8;
	[tilespmem:$0x8E30] =	vst v63  }
0x76: {  	s12 =	simm.s32 $0x56D0  }
0x77: {  	[tilespmem:s12], [sflag:$0x1] =	stream.indirect.gather [spmem:s3], $0x1, s26, s24, $0xb8;
	[tilespmem:$0x8E30] =	vst v63  }
0x78: {  	s13 =	simm.s32 $0x5750  }
0x79: {  	[tilespmem:s13], [sflag:$0x1] =	stream.indirect.gather [spmem:s3], $0x1, s29, s24, $0xb8;
	[tilespmem:$0x8E30] =	vst v63  }
0x7a: {  	s14 =	simm.s32 $0x57D0  }
0x7b: {  	[tilespmem:s14], [sflag:$0x1] =	stream.indirect.gather [spmem:s3], $0x1, s31, s24, $0xb8;
	[tilespmem:$0x8E30] =	vst v63  }
0x7c: {  	s17 =	simm.s32 $0x5850  }
0x7d: {  	[tilespmem:s17], [sflag:$0x1] =	stream.indirect.gather [spmem:s3], $0x1, s19, s24, $0xb8;
	[tilespmem:$0x8E30] =	vst v63  }
0x7e: {  	s21 =	simm.s32 $0x58D0  }
0x7f: {  	[tilespmem:s21], [sflag:$0x1] =	stream.indirect.gather [spmem:s3], $0x1, s9, s24, $0xb8;
	[tilespmem:$0x8E30] =	vst v63  }
0x80: {  	_ =	swait.ge [sflag:s16], $0x80  }
0x81: {  	[sflag:s16] =	ssyncset.done $0x0  }
0x82: {  	[sflag:s16] =	ssyncadd.s32 $0xFFFFFF80  }
0x83: {  	_ =	swait.ge [sflag:s16], $0x80  }
0x84: {  	[sflag:s16] =	ssyncset.done $0x0  }
0x85: {  	[sflag:s16] =	ssyncadd.s32 $0xFFFFFF80  }
0x86: {  	_ =	swait.ge [sflag:s16], $0x80  }
0x87: {  	[sflag:s16] =	ssyncset.done $0x0  }
0x88: {  	[sflag:s16] =	ssyncadd.s32 $0xFFFFFF80  }
0x89: {  	_ =	swait.ge [sflag:s16], $0x80  }
0x8a: {  	[sflag:s16] =	ssyncset.done $0x0  }
0x8b: {  	[sflag:s16] =	ssyncadd.s32 $0xFFFFFF80  }
0x8c: {  	_ =	swait.ge [sflag:s16], $0x80  }
0x8d: {  	[sflag:s16] =	ssyncset.done $0x0  }
0x8e: {  	[sflag:s16] =	ssyncadd.s32 $0xFFFFFF80  }
0x8f: {  	_ =	swait.ge [sflag:s16], $0x80  }
0x90: {  	[sflag:s16] =	ssyncset.done $0x0  }
0x91: {  	[sflag:s16] =	ssyncadd.s32 $0xFFFFFF80  }
0x92: {  	_ =	swait.ge [sflag:s16], $0x80  }
0x93: {  	[sflag:s16] =	ssyncset.done $0x0  }
0x94: {  	[sflag:s16] =	ssyncadd.s32 $0xFFFFFF80  }
0x95: {  	_ =	swait.ge [sflag:s16], $0x80  }
0x96: {  	[sflag:s16] =	ssyncset.done $0x0  }
0x97: {  	s10 =	simm.s32 $0x0;
	[sflag:s16] =	ssyncadd.s32 $0xFFFFFF80  }
0x98: {  	v1 =	vld [tilespmem:s10+$0x5150]  }
0x99: {  	v2 =	vld [tilespmem:s10+$0x5550];
	_ =	sdelay $0x4  }
0x9a: {  	v1 =	vadd.f32 v2, v1;
	_ =	sdelay $0x1  }
0x9b: {  	s12 =	simm.s32 $0x10;
	v2 =	vmul.f32 $2.000000030e-01, v1  }
0x9c: {  	v3 =	vld [tilespmem:s12+$0x5150];
	vm0 =	vlt.f32 v1, $0.0e+00  }
0x9d: {  	v4 =	vld [tilespmem:s12+$0x5550];
	v1 =	vsel vm0, v2, v1  }
0x9e: {  	s13 =	simm.s32 $0x20;
	v1 =	vmul.f32 $1.442695020e+00, v1  }
0x9f: {  	v2 =	vld [tilespmem:s13+$0x5150]  }
0xa0: {  	(erf) = vpow2.f32 v1;
	v1 =	vld [tilespmem:s13+$0x5550];
	_ =	sdelay $0x1  }
0xa1: {  	v3 =	vadd.f32 v4, v3;
	_ =	sdelay $0x1  }
0xa2: {  	v4 =	vmul.f32 $2.000000030e-01, v3  }
0xa3: {  	vm14 =	vlt.f32 v3, $0.0e+00;
	v5 =	vadd.f32 v1, v2  }
0xa4: {  	v1 =	vsel vm14, v4, v3  }
0xa5: {  	s14 =	simm.s32 $0x30;
	v2 =	vmul.f32 $1.442695020e+00, v1;
	v3 =	vmul.f32 $2.000000030e-01, v5  }
0xa6: {  	v1 =	vld [tilespmem:s14+$0x5150]  }
0xa7: {  	(erf) = vpow2.f32 v2;
	v2 =	vld [tilespmem:s14+$0x5550]  }
0xa8: {  	vm15 =	vlt.f32 v5, $0.0e+00  }
0xa9: {  	s17 =	simm.s32 $0x100;
	v4 =	vsel vm15, v3, v5;
	v3 =	vpop (erf)  }
.LBB2_5:
0xaa: {  	s21 =	sshra.s32 s17, $0x2  }
0xab: {  	v4 =	vmul.f32 $1.442695020e+00, v4;
	[tilespmem:s10+$0x5950] =	vst v3;
	s10 =	smov.u32 s12;
	s12 =	smov.u32 s13;
	p1 =	sne.s32 s17, $0xFC0  }
.Ltmp1:
0xac: {  	s17 =	sadd.s32 $0x40, s17;
	v3 =	vadd.f32 v2, v1;
	v1 =	vld [tilespmem:s21+$0x5150];
	(pc) =	sbr.rel @p1 .LBB2_5-.Ltmp1, $4  }
0xad: {  	s13 =	smov.u32 s14;
	s14 =	smov.u32 s21;
	v2 =	vld [tilespmem:s21+$0x5550];
	(erf) = vpow2.f32 v4  }
0xae: {  	v4 =	vmul.f32 $2.000000030e-01, v3  }
0xaf: {  	vm0 =	vlt.f32 v3, $0.0e+00  }
0xb0: {  	v4 =	vsel vm0, v4, v3;
	v3 =	vpop (erf)  }
0xb1: {  	_ = 	snop  }
0xb2: {  	v1 =	vadd.f32 v2, v1;
	_ =	sdelay $0x1  }
0xb3: {  	v2 =	vmul.f32 $2.000000030e-01, v1  }
0xb4: {  	vm0 =	vlt.f32 v1, $0.0e+00  }
0xb5: {  	v1 =	vsel vm0, v2, v1;
	v2 =	vmul.f32 $1.442695020e+00, v4  }
0xb6: {  	v1 =	vmul.f32 $1.442695020e+00, v1  }
0xb7: {  	(erf) = vpow2.f32 v2  }
0xb8: {  	(erf) = vpow2.f32 v1;
	_ =	sdelay $0x6  }
0xb9: {  	[tilespmem:s10+$0x5950] =	vst v3;
	v1 =	vpop (erf)  }
0xba: {  	[tilespmem:s12+$0x5950] =	vst v1;
	v1 =	vpop (erf)  }
0xbb: {  	[tilespmem:s13+$0x5950] =	vst v1;
	v1 =	vpop (erf)  }
0xbc: {  	s8 =	sadd.s32 s7, s8;
	[tilespmem:s14+$0x5950] =	vst v1  }
0xbd: {  	[hbm4b:s8+s25] =	stream.linear.scatter [tilespmem:s11], [sflag:$0x2], $0x400, $0x38;
	[tilespmem:$0x8E30] =	vst v63  }
0xbe: {  	_ =	swait.ge [sflag:s20], $0x400  }
0xbf: {  	[sflag:s20] =	ssyncset.done $0x0  }
0xc0: {  	[sflag:s20] =	ssyncadd.s32 $0xFFFFFC00  }
0xc1: {  	[spmem:s0] =	stream.indirect.scatter.add.f32 [tilespmem:s11], [sflag:$0x2], $0x1, s23, s24, $0xb8;
	[tilespmem:$0x8E30] =	vst v63  }
0xc2: {  	_ =	swait.ge [sflag:s20], $0x80  }
0xc3: {  	[sflag:s20] =	ssyncset.done $0x0  }
0xc4: {  	s10 =	simm.s32 $0x59D0;
	[sflag:s20] =	ssyncadd.s32 $0xFFFFFF80  }
0xc5: {  	[spmem:s0] =	stream.indirect.scatter.add.f32 [tilespmem:s10], [sflag:$0x2], $0x1, s18, s24, $0xb8;
	[tilespmem:$0x8E30] =	vst v63  }
0xc6: {  	_ =	swait.ge [sflag:s20], $0x80  }
0xc7: {  	[sflag:s20] =	ssyncset.done $0x0  }
0xc8: {  	s12 =	simm.s32 $0x5A50;
	[sflag:s20] =	ssyncadd.s32 $0xFFFFFF80  }
0xc9: {  	[spmem:s0] =	stream.indirect.scatter.add.f32 [tilespmem:s12], [sflag:$0x2], $0x1, s4, s24, $0xb8;
	[tilespmem:$0x8E30] =	vst v63  }
0xca: {  	_ =	swait.ge [sflag:s20], $0x80  }
0xcb: {  	[sflag:s20] =	ssyncset.done $0x0  }
0xcc: {  	s13 =	simm.s32 $0x5AD0;
	[sflag:s20] =	ssyncadd.s32 $0xFFFFFF80  }
0xcd: {  	[spmem:s0] =	stream.indirect.scatter.add.f32 [tilespmem:s13], [sflag:$0x2], $0x1, s26, s24, $0xb8;
	[tilespmem:$0x8E30] =	vst v63  }
0xce: {  	_ =	swait.ge [sflag:s20], $0x80  }
0xcf: {  	[sflag:s20] =	ssyncset.done $0x0  }
0xd0: {  	s14 =	simm.s32 $0x5B50;
	[sflag:s20] =	ssyncadd.s32 $0xFFFFFF80  }
0xd1: {  	[spmem:s0] =	stream.indirect.scatter.add.f32 [tilespmem:s14], [sflag:$0x2], $0x1, s29, s24, $0xb8;
	[tilespmem:$0x8E30] =	vst v63  }
0xd2: {  	_ =	swait.ge [sflag:s20], $0x80  }
0xd3: {  	[sflag:s20] =	ssyncset.done $0x0  }
0xd4: {  	s17 =	simm.s32 $0x5BD0;
	[sflag:s20] =	ssyncadd.s32 $0xFFFFFF80  }
0xd5: {  	[spmem:s0] =	stream.indirect.scatter.add.f32 [tilespmem:s17], [sflag:$0x2], $0x1, s31, s24, $0xb8;
	[tilespmem:$0x8E30] =	vst v63  }
0xd6: {  	_ =	swait.ge [sflag:s20], $0x80  }
0xd7: {  	[sflag:s20] =	ssyncset.done $0x0  }
0xd8: {  	s21 =	simm.s32 $0x5C50;
	[sflag:s20] =	ssyncadd.s32 $0xFFFFFF80  }
0xd9: {  	[spmem:s0] =	stream.indirect.scatter.add.f32 [tilespmem:s21], [sflag:$0x2], $0x1, s19, s24, $0xb8;
	[tilespmem:$0x8E30] =	vst v63  }
0xda: {  	s1 =	sadd.s32 $0x1, s1;
	_ =	swait.ge [sflag:s20], $0x80  }
0xdb: {  	p1 =	sne.s32 s1, $0x31;
	[sflag:s20] =	ssyncset.done $0x0  }
.Ltmp2:
0xdc: {  	[sflag:s20] =	ssyncadd.s32 $0xFFFFFF80;
	(pc) =	sbr.rel @p1 .LBB2_4-.Ltmp2, $4  }
0xdd: {  	[spmem:s0] =	stream.indirect.scatter.add.f32 [tilespmem:s28], [sflag:$0x2], $0x1, s9, s24, $0xb8;
	[tilespmem:$0x8E30] =	vst v63  }
0xde: {  	_ =	swait.ge [sflag:s20], $0x80  }
0xdf: {  	[sflag:s20] =	ssyncset.done $0x0  }
0xe0: {  	[sflag:s20] =	ssyncadd.s32 $0xFFFFFF80  }
0xe1: {  	[bflag:$0x0] =	sbarrier.arrive $0xFFFF  }
0xe2: {  	s10 =	simm.s32 $0x75C0;
	s1 =	rddreg [dreg:$0xc]  }
0xe3: {  	[tilespmem:s10], [sflag:$0x2] =	stream.linear.gather [spmem:s1], $0x1870, $0x38;
	[tilespmem:$0x8E30] =	vst v63  }
0xe4: {  	_ =	swait.ge [sflag:s20], $0x1870  }
0xe5: {  	[sflag:s20] =	ssyncset.done $0x0  }
0xe6: {  	s17 =	rddreg [dreg:$0xd];
	[sflag:s20] =	ssyncadd.s32 $0xFFFFE790  }
0xe7: {  	[hbm4b:s17+s25] =	stream.linear.scatter [tilespmem:s10], [sflag:$0x2], $0x1870, $0x38;
	[tilespmem:$0x8E30] =	vst v63  }
0xe8: {  	_ =	swait.ge [sflag:s20], $0x1870  }
0xe9: {  	s8 =	rddreg [dreg:$0xf]  }
0xea: {  	s21 =	rddreg [dreg:$0xe];
	s8 =	sadd.s32 $0x1, s8  }
0xeb: {  	p1 =	sne.s32 s8, s21  }
.Ltmp3:
0xec: {  	_ = 	snop;
	(pc) =	sbr.rel @p1 .LBB2_1-.Ltmp3, $3  }
0xed: {  	_ =	sdelay $0x1  }
0xee: {  	[sflag:s20] =	ssyncset.done $0x0  }
0xef: {  	[sflag:s20] =	ssyncadd.s32 $0xFFFFE790  }
0xf0: {  	_ =	sfence.sel $0x180000  }
0xf1: {  	[bflag:$0x0] =	sbarrier.arrive $0xFFFF  }
0xf2: {  	_ =	strace $0x90000047  }
0xf3: {  	[bflag:$0x2] =	sbarrier.arrive $0xFFFF  }
0xf4: {  	s0 =	rddreg [dreg:$0x4]  }
0xf5: {  	s0 =	sadd.s32 @!p0 $0x100000, s0  }
0xf6: {  	[sflag:s0] =	ssyncadd.tile.s32 @!p0 $0x1;
	_ =	shalt  }
.Lfunc_end2:
_tile_overlayer_lowered:
.L_overlay_start_2:
0xf7: {  	(tag) =	ssettag $0x2  }
0xf8: {  	s0 =	rddreg [dreg:$0x0];
	s2 =	stileid.u32  }
0xf9: {  	s1 =	rddreg [dreg:$0x1];
	p0 =	sne.s32 s2, $0x0  }
0xfa: {  	s3 =	rddreg [dreg:$0x2];
	[bflag:$0x3] =	sbarrier.arrive $0xFFFF;
	s2 =	simm.s32 @!p0 $0x1C02  }
0xfb: {  	[timem:s3], [sflag:s2] =	dma.local @!p0 [hbm:s0], s1  }
0xfc: {  	s0 =	simm.s32 @!p0 $0x2  }
0xfd: {  	_ =	swait.ge @!p0 [sflag:s0], s1  }
0xfe: {  	s1 =	ssub.s32 @!p0 $0x0, s1;
	[sflag:s0] =	ssyncset.done @!p0 $0x0  }
0xff: {  	[sflag:s0] =	ssyncadd.s32 @!p0 s1  }
0x100: {  	[bflag:$0x3] =	sbarrier.arrive $0xFFFF  }
0x101: {  	_ =	shalt  }

</sc_bundles>
